<compile_context>
chip_gen: v7x
topology: tpu7x:2x2x1
jax: 0.10.2.dev20260603
libtpu: 0.0.44.dev20260713+nightly
codegen_flags: <defaults>
</compile_context>

<pallas_src>
import functools

import jax
import jax.numpy as jnp
from jax import lax
import jax.experimental.pallas as pl
from jax.experimental.pallas import tpu as pltpu
from jax.experimental.pallas import tpu_sc as plsc

N = 10000
E = 320000
D = 128
H = 2 * D
VOCAB = 21
VPAD = 32

NC = 2
NS = 16
NW = NC * NS

N_PAD = 10240
CHUNK = 128
NCHUNK = 80
E_PAD = NW * NCHUNK * CHUNK
EPW = NCHUNK * CHUNK
ROWS_PER_TILE = N_PAD // NS


NBUF = 2
IBUF = 4
NCH_MAIN = NCHUNK - IBUF


@functools.cache
def _make_sc_segment_sum():
    @functools.partial(
        pl.kernel,
        out_type=jax.ShapeDtypeStruct((NC, N_PAD, D), jnp.float32),
        mesh=plsc.VectorSubcoreMesh(
            core_axis_name="c", subcore_axis_name="s", num_cores=NC,
            num_subcores=NS),
        scratch_types=[
            pltpu.VMEM((NCHUNK, CHUNK), jnp.int32),
            pltpu.VMEM((IBUF, CHUNK), jnp.int32),
            pltpu.VMEM((NBUF, CHUNK, D), jnp.float32),
            pltpu.VMEM_SHARED((N_PAD, D), jnp.float32),
            [pltpu.SemaphoreType.DMA] * NBUF,
            [pltpu.SemaphoreType.DMA] * IBUF,
        ],
    )
    def _sc_segment_sum(r_hbm, src_hbm, dst_hbm, zeros_hbm, out_hbm,
                        src_v, dst_v, rows_v, agg_s, gsems, isems):
        cid = lax.axis_index("c")
        sid = lax.axis_index("s")
        wid = cid * NS + sid

        def fire_gather(j, b):
            pltpu.async_copy(r_hbm.at[src_v.at[j]], rows_v.at[b], gsems[b])

        def wait_gather(b):
            pltpu.make_async_copy(
                r_hbm.at[src_v.at[0]], rows_v.at[b], gsems[b]).wait()

        def fire_dst(j, ib):
            pltpu.async_copy(dst_hbm.at[wid].at[j], dst_v.at[ib], isems[ib])

        def wait_dst(ib):
            pltpu.make_async_copy(
                dst_hbm.at[wid].at[0], dst_v.at[ib], isems[ib]).wait()

        pltpu.sync_copy(src_hbm.at[wid], src_v)

        stripe = pl.ds(sid * ROWS_PER_TILE, ROWS_PER_TILE)
        pltpu.sync_copy(zeros_hbm.at[stripe], agg_s.at[stripe])

        for ib in range(IBUF):
            fire_dst(ib, ib)
        for b in range(NBUF):
            fire_gather(b, b)
        plsc.subcore_barrier()

        @pl.loop(0, NCH_MAIN, step=IBUF)
        def _chunks(j0):
            for u in range(IBUF):
                j = j0 + u
                b = u % NBUF
                wait_gather(b)
                wait_dst(u)
                pltpu.sync_copy(rows_v.at[b], agg_s.at[dst_v.at[u]], add=True)
                fire_dst(j + IBUF, u)
                fire_gather(j + NBUF, b)

        for u in range(IBUF):
            j = NCH_MAIN + u
            b = u % NBUF
            wait_gather(b)
            wait_dst(u)
            pltpu.sync_copy(rows_v.at[b], agg_s.at[dst_v.at[u]], add=True)
            if j + NBUF < NCHUNK:
                fire_gather(j + NBUF, b)

        plsc.subcore_barrier()
        pltpu.sync_copy(agg_s.at[stripe], out_hbm.at[cid].at[stripe])

    return _sc_segment_sum


def _embed_body(x_ref, emb_ref, out_ref, r_ref):
    xcol = x_ref[...]
    iota = lax.broadcasted_iota(jnp.int32, (N, VPAD), 1)
    oh = (xcol == iota).astype(jnp.float32)
    emb = emb_ref[...]
    out = jnp.dot(oh, emb, preferred_element_type=jnp.float32,
                  precision=lax.Precision.HIGHEST)
    out_ref[...] = out
    r_ref[...] = jnp.maximum(out, 0.0)


def _embed(x2, embp):
    return pl.pallas_call(
        _embed_body,
        out_shape=(
            jax.ShapeDtypeStruct((N, D), jnp.float32),
            jax.ShapeDtypeStruct((N, D), jnp.float32),
        ),
    )(x2, embp)


def _mlp_body(out_ref, agg0_ref, agg1_ref, epsb_ref, W1_ref, b1_ref, g1_ref,
              be1_ref, W2_ref, b2_ref, gbn_ref, bbn_ref, o_ref, *, last):
    h = out_ref[...] * epsb_ref[...]
    h = h + agg0_ref[pl.ds(0, N), :] + agg1_ref[pl.ds(0, N), :]
    h1 = jnp.dot(h, W1_ref[...], preferred_element_type=jnp.float32)
    h1 = h1 + b1_ref[...]
    mu = jnp.mean(h1, axis=0, keepdims=True)
    d = h1 - mu
    var = jnp.mean(d * d, axis=0, keepdims=True)
    h1 = d / jnp.sqrt(var + 1e-5) * g1_ref[...] + be1_ref[...]
    h1 = jnp.maximum(h1, 0.0)
    h2 = jnp.dot(h1, W2_ref[...], preferred_element_type=jnp.float32)
    h2 = h2 + b2_ref[...]
    mu2 = jnp.mean(h2, axis=0, keepdims=True)
    d2 = h2 - mu2
    var2 = jnp.mean(d2 * d2, axis=0, keepdims=True)
    h2 = d2 / jnp.sqrt(var2 + 1e-5) * gbn_ref[...] + bbn_ref[...]
    if not last:
        h2 = jnp.maximum(h2, 0.0)
    o_ref[...] = h2


def _mlp(out, agg, epsb, W1l, b1l, g1l, be1l, W2l, b2l, gbnl, bbnl, last):
    return pl.pallas_call(
        functools.partial(_mlp_body, last=last),
        out_shape=jax.ShapeDtypeStruct((N, D), jnp.float32),
    )(out, agg[0], agg[1], epsb, W1l, b1l, g1l, be1l, W2l, b2l, gbnl, bbnl)


def kernel(x, edge_index, emb, W1, b1, g1, be1, W2, b2, eps, gbn, bbn):
    x2 = x.astype(jnp.int32).reshape(N, 1)
    embp = jnp.zeros((VPAD, D), jnp.float32).at[:VOCAB].set(emb)

    src = edge_index[0].astype(jnp.int32)
    dst = edge_index[1].astype(jnp.int32)
    pad = E_PAD - E
    srcp = jnp.concatenate([src, jnp.zeros((pad,), jnp.int32)])
    dstp = jnp.concatenate([dst, jnp.full((pad,), N_PAD - 8, jnp.int32)])
    srcp = srcp.reshape(NW, NCHUNK, CHUNK)
    dstp = dstp.reshape(NW, NCHUNK, CHUNK)
    zeros = jnp.zeros((N_PAD, D), jnp.float32)

    out, r = _embed(x2, embp)

    for l in range(3):
        agg = _make_sc_segment_sum()(r, srcp, dstp, zeros)
        epsb = jnp.full((1, D), 1.0 + eps[l], jnp.float32)
        out = _mlp(out, agg, epsb,
                   W1[l], b1[l].reshape(1, H), g1[l].reshape(1, H),
                   be1[l].reshape(1, H), W2[l], b2[l].reshape(1, D),
                   gbn[l], bbn[l].reshape(1, D), last=(l == 2))
        r = out
    return out

# --- scband reference (transcript-rebuilt; emitter-appended) ---
"""Pipeline reference for scband-gnn-6090263626011 (READ-ONLY COPY).

The authoritative reference and input builder live on the scoring server;
editing this copy changes nothing except your own understanding.
"""

import jax, jax.numpy as jnp
import numpy as np

N = 10000
E = 320000
D = 128
H = 2 * D
L = 3
V = 21  # NUM_PROTEINS_MASK = 20 + 1


def setup_inputs(seed: int = 0) -> dict:
    key = jax.random.key(seed)
    ks = jax.random.split(key, 8)
    x = jax.random.randint(ks[0], (N,), 0, V)
    edge_index = jax.random.randint(ks[1], (2, E), 0, N)
    emb = jax.random.normal(ks[2], (V, D), dtype=jnp.float32) * 0.02
    W1 = jax.random.normal(ks[3], (L, D, H), dtype=jnp.float32) * 0.05
    b1 = jnp.zeros((L, H), dtype=jnp.float32)
    g1 = jnp.ones((L, H), dtype=jnp.float32)
    be1 = jnp.zeros((L, H), dtype=jnp.float32)
    W2 = jax.random.normal(ks[4], (L, H, D), dtype=jnp.float32) * 0.05
    b2 = jnp.zeros((L, D), dtype=jnp.float32)
    eps = jnp.zeros((L,), dtype=jnp.float32)  # GINConv eps init to 0
    gbn = jnp.ones((L, D), dtype=jnp.float32)
    bbn = jnp.zeros((L, D), dtype=jnp.float32)
    return {"x": x, "edge_index": edge_index, "emb": emb, "W1": W1, "b1": b1,
            "g1": g1, "be1": be1, "W2": W2, "b2": b2, "eps": eps,
            "gbn": gbn, "bbn": bbn}


def _batchnorm(h, gamma, beta):
    # BatchNorm1d in training mode: batch statistics
    mu = jnp.mean(h, axis=0)
    var = jnp.var(h, axis=0)
    return (h - mu) / jnp.sqrt(var + 1e-5) * gamma + beta


def reference(x, edge_index, emb, W1, b1, g1, be1, W2, b2, eps, gbn, bbn):
    # GNN forward with gnn_type='gin', use_edge_attr=False, pe=None, dropout=0
    out = jnp.take(emb, x, axis=0)  # x_embedding lookup
    src = edge_index[0]
    dst = edge_index[1]
    for l in range(L):
        # GINConv: propagate with message = relu(x_j) (edge_attr is None), aggr='add'
        msg = jax.nn.relu(jnp.take(out, src, axis=0))
        agg = jax.ops.segment_sum(msg, dst, num_segments=N)
        h = (1.0 + eps[l]) * out + agg
        # mlp: Linear(D, 2D) -> BatchNorm1d(2D) -> ReLU -> Linear(2D, D)
        h = h @ W1[l] + b1[l]
        h = _batchnorm(h, g1[l], be1[l])
        h = jax.nn.relu(h)
        h = h @ W2[l] + b2[l]
        # outer BatchNorm1d(D)
        h = _batchnorm(h, gbn[l], bbn[l])
        if l < L - 1:
            h = jax.nn.relu(h)  # dropout(p=0) is identity
        out = h
    return out


if False:  # reference __main__ guard neutralized (emitter)
    inp = setup_inputs()
    o = reference(**inp)
    print(o.shape, o.dtype)

if __name__ == "__main__":
    import jax
    _d = setup_inputs()
    print(jax.jit(kernel)(*tuple(_d.values())))

</pallas_src>

<mosaic_0001>
#map = affine_map<(d0, d1) -> (0, 0)>
#map1 = affine_map<(d0, d1) -> (0, 0, 0)>
module attributes {stable_mosaic.version = 14 : i64} {
  func.func @_sc_segment_sum(%arg0: i32, %arg1: i32, %arg2: memref<10000x128xf32, #tpu.memory_space<hbm>>, %arg3: memref<32x80x128xi32, #tpu.memory_space<hbm>>, %arg4: memref<32x80x128xi32, #tpu.memory_space<hbm>>, %arg5: memref<10240x128xf32, #tpu.memory_space<hbm>>, %arg6: memref<2x10240x128xf32, #tpu.memory_space<hbm>>, %arg7: memref<80x128xi32, #tpu.memory_space<vmem>>, %arg8: memref<4x128xi32, #tpu.memory_space<vmem>>, %arg9: memref<2x128x128xf32, #tpu.memory_space<vmem>>, %arg10: memref<10240x128xf32, #tpu.memory_space<vmem_shared>>, %arg11: memref<!tpu.dma_semaphore, #tpu.memory_space<semaphore_mem>>, %arg12: memref<!tpu.dma_semaphore, #tpu.memory_space<semaphore_mem>>, %arg13: memref<!tpu.dma_semaphore, #tpu.memory_space<semaphore_mem>>, %arg14: memref<!tpu.dma_semaphore, #tpu.memory_space<semaphore_mem>>, %arg15: memref<!tpu.dma_semaphore, #tpu.memory_space<semaphore_mem>>, %arg16: memref<!tpu.dma_semaphore, #tpu.memory_space<semaphore_mem>>) attributes {dimension_semantics = [#tpu.dimension_semantics<core_parallel>, #tpu.dimension_semantics<subcore_parallel>], iteration_bounds = array<i64: 2, 16>, scalar_prefetch = 0 : i64, scratch_operands = 10 : i64, tpu.core_type = #tpu.core_type<sc_vector_subcore>, window_params = [{transform_indices = #map}, {transform_indices = #map1}, {transform_indices = #map1}, {transform_indices = #map}, {transform_indices = #map1}]} {
    %mul3A = arith.constant 16 : i32
    %mul3A_0 = arith.muli %arg0, %mul3A : i32
    %add3A = arith.addi %mul3A_0, %arg1 : i32
    "tpu.region"() ({
      %run_scoped3A_285 = tpu.sem_alloc : memref<!tpu.dma_semaphore, #tpu.memory_space<semaphore_mem>>
      %dma_start3A_286 = arith.constant 0 : i32
      %dma_start3A_287 = arith.constant 0 : i32
      %dma_start3A_288 = tpu.memref_slice %arg3[%add3A, %dma_start3A_286, %dma_start3A_287] : memref<32x80x128xi32, #tpu.memory_space<hbm>> -> memref<1x80x128xi32, #tpu.memory_space<hbm>>
      %dma_start3A_289 = tpu.memref_squeeze %dma_start3A_288 : memref<1x80x128xi32, #tpu.memory_space<hbm>> -> memref<80x128xi32, #tpu.memory_space<hbm>>
      %dma_start3A_290 = arith.constant 0 : i32
      %dma_start3A_291 = arith.constant 0 : i32
      %dma_start3A_292 = tpu.memref_slice %arg3[%add3A, %dma_start3A_290, %dma_start3A_291] : memref<32x80x128xi32, #tpu.memory_space<hbm>> -> memref<1x80x128xi32, #tpu.memory_space<hbm>>
      %dma_start3A_293 = tpu.memref_squeeze %dma_start3A_292 : memref<1x80x128xi32, #tpu.memory_space<hbm>> -> memref<80x128xi32, #tpu.memory_space<hbm>>
      tpu.enqueue_dma source(%dma_start3A_293 : memref<80x128xi32, #tpu.memory_space<hbm>>) target(%arg7 : memref<80x128xi32, #tpu.memory_space<vmem>>) target_semaphore(%run_scoped3A_285 : memref<!tpu.dma_semaphore, #tpu.memory_space<semaphore_mem>>)
      %dma_wait3A_294 = arith.constant 0 : i32
      %dma_wait3A_295 = arith.constant 0 : i32
      %dma_wait3A_296 = tpu.memref_slice %arg3[%add3A, %dma_wait3A_294, %dma_wait3A_295] : memref<32x80x128xi32, #tpu.memory_space<hbm>> -> memref<1x80x128xi32, #tpu.memory_space<hbm>>
      %dma_wait3A_297 = tpu.memref_squeeze %dma_wait3A_296 : memref<1x80x128xi32, #tpu.memory_space<hbm>> -> memref<80x128xi32, #tpu.memory_space<hbm>>
      %dma_wait3A_298 = arith.constant 0 : i32
      %dma_wait3A_299 = arith.constant 0 : i32
      %dma_wait3A_300 = tpu.memref_slice %arg3[%add3A, %dma_wait3A_298, %dma_wait3A_299] : memref<32x80x128xi32, #tpu.memory_space<hbm>> -> memref<1x80x128xi32, #tpu.memory_space<hbm>>
      %dma_wait3A_301 = tpu.memref_squeeze %dma_wait3A_300 : memref<1x80x128xi32, #tpu.memory_space<hbm>> -> memref<80x128xi32, #tpu.memory_space<hbm>>
      tpu.wait_dma2 semaphore(%run_scoped3A_285 : memref<!tpu.dma_semaphore, #tpu.memory_space<semaphore_mem>>) src(%dma_wait3A_301 : memref<80x128xi32, #tpu.memory_space<hbm>>) dst(%arg7 : memref<80x128xi32, #tpu.memory_space<vmem>>)
      tpu.yield
    }) : () -> ()
    %mul3A_1 = arith.constant 640 : i32
    %mul3A_2 = arith.muli %arg1, %mul3A_1 : i32
    "tpu.region"() ({
      %run_scoped3A_285 = tpu.sem_alloc : memref<!tpu.dma_semaphore, #tpu.memory_space<semaphore_mem>>
      %dma_start3A_286 = arith.constant 0 : i32
      %dma_start3A_287 = tpu.memref_slice %arg10[%mul3A_2, %dma_start3A_286] : memref<10240x128xf32, #tpu.memory_space<vmem_shared>> -> memref<640x128xf32, #tpu.memory_space<vmem_shared>>
      %dma_start3A_288 = arith.constant 0 : i32
      %dma_start3A_289 = tpu.memref_slice %arg5[%mul3A_2, %dma_start3A_288] : memref<10240x128xf32, #tpu.memory_space<hbm>> -> memref<640x128xf32, #tpu.memory_space<hbm>>
      tpu.enqueue_dma source(%dma_start3A_289 : memref<640x128xf32, #tpu.memory_space<hbm>>) target(%dma_start3A_287 : memref<640x128xf32, #tpu.memory_space<vmem_shared>>) target_semaphore(%run_scoped3A_285 : memref<!tpu.dma_semaphore, #tpu.memory_space<semaphore_mem>>)
      %dma_wait3A_290 = arith.constant 0 : i32
      %dma_wait3A_291 = tpu.memref_slice %arg10[%mul3A_2, %dma_wait3A_290] : memref<10240x128xf32, #tpu.memory_space<vmem_shared>> -> memref<640x128xf32, #tpu.memory_space<vmem_shared>>
      %dma_wait3A_292 = arith.constant 0 : i32
      %dma_wait3A_293 = tpu.memref_slice %arg5[%mul3A_2, %dma_wait3A_292] : memref<10240x128xf32, #tpu.memory_space<hbm>> -> memref<640x128xf32, #tpu.memory_space<hbm>>
      tpu.wait_dma2 semaphore(%run_scoped3A_285 : memref<!tpu.dma_semaphore, #tpu.memory_space<semaphore_mem>>) src(%dma_wait3A_293 : memref<640x128xf32, #tpu.memory_space<hbm>>) dst(%dma_wait3A_291 : memref<640x128xf32, #tpu.memory_space<vmem_shared>>)
      tpu.yield
    }) : () -> ()
    %dma_start3A = arith.constant 0 : i32
    %dma_start3A_3 = arith.constant 0 : i32
    %dma_start3A_4 = arith.constant 0 : i32
    %dma_start3A_5 = tpu.memref_slice %arg8[%dma_start3A_3, %dma_start3A_4] : memref<4x128xi32, #tpu.memory_space<vmem>> -> memref<1x128xi32, #tpu.memory_space<vmem>>
    %dma_start3A_6 = tpu.memref_squeeze %dma_start3A_5 : memref<1x128xi32, #tpu.memory_space<vmem>> -> memref<128xi32, #tpu.memory_space<vmem>>
    %dma_start3A_7 = arith.constant 0 : i32
    %dma_start3A_8 = arith.constant 0 : i32
    %dma_start3A_9 = tpu.memref_slice %arg4[%add3A, %dma_start3A_7, %dma_start3A_8] : memref<32x80x128xi32, #tpu.memory_space<hbm>> -> memref<1x80x128xi32, #tpu.memory_space<hbm>>
    %dma_start3A_10 = tpu.memref_squeeze %dma_start3A_9 : memref<1x80x128xi32, #tpu.memory_space<hbm>> -> memref<80x128xi32, #tpu.memory_space<hbm>>
    %dma_start3A_11 = arith.constant 0 : i32
    %dma_start3A_12 = tpu.memref_slice %dma_start3A_10[%dma_start3A, %dma_start3A_11] : memref<80x128xi32, #tpu.memory_space<hbm>> -> memref<1x128xi32, #tpu.memory_space<hbm>>
    %dma_start3A_13 = tpu.memref_squeeze %dma_start3A_12 : memref<1x128xi32, #tpu.memory_space<hbm>> -> memref<128xi32, #tpu.memory_space<hbm>>
    %dma_start3A_14 = arith.constant 0 : i32
    %dma_start3A_15 = tpu.memref_slice %arg8[%dma_start3A_3, %dma_start3A_14] : memref<4x128xi32, #tpu.memory_space<vmem>> -> memref<1x128xi32, #tpu.memory_space<vmem>>
    %dma_start3A_16 = tpu.memref_squeeze %dma_start3A_15 : memref<1x128xi32, #tpu.memory_space<vmem>> -> memref<128xi32, #tpu.memory_space<vmem>>
    %dma_start3A_17 = arith.constant 0 : i32
    %dma_start3A_18 = arith.constant 0 : i32
    %dma_start3A_19 = tpu.memref_slice %arg4[%add3A, %dma_start3A_17, %dma_start3A_18] : memref<32x80x128xi32, #tpu.memory_space<hbm>> -> memref<1x80x128xi32, #tpu.memory_space<hbm>>
    %dma_start3A_20 = tpu.memref_squeeze %dma_start3A_19 : memref<1x80x128xi32, #tpu.memory_space<hbm>> -> memref<80x128xi32, #tpu.memory_space<hbm>>
    %dma_start3A_21 = arith.constant 0 : i32
    %dma_start3A_22 = tpu.memref_slice %dma_start3A_20[%dma_start3A, %dma_start3A_21] : memref<80x128xi32, #tpu.memory_space<hbm>> -> memref<1x128xi32, #tpu.memory_space<hbm>>
    %dma_start3A_23 = tpu.memref_squeeze %dma_start3A_22 : memref<1x128xi32, #tpu.memory_space<hbm>> -> memref<128xi32, #tpu.memory_space<hbm>>
    tpu.enqueue_dma source(%dma_start3A_23 : memref<128xi32, #tpu.memory_space<hbm>>) target(%dma_start3A_16 : memref<128xi32, #tpu.memory_space<vmem>>) target_semaphore(%arg13 : memref<!tpu.dma_semaphore, #tpu.memory_space<semaphore_mem>>)
    %dma_start3A_24 = arith.constant 1 : i32
    %dma_start3A_25 = arith.constant 1 : i32
    %dma_start3A_26 = arith.constant 0 : i32
    %dma_start3A_27 = tpu.memref_slice %arg8[%dma_start3A_25, %dma_start3A_26] : memref<4x128xi32, #tpu.memory_space<vmem>> -> memref<1x128xi32, #tpu.memory_space<vmem>>
    %dma_start3A_28 = tpu.memref_squeeze %dma_start3A_27 : memref<1x128xi32, #tpu.memory_space<vmem>> -> memref<128xi32, #tpu.memory_space<vmem>>
    %dma_start3A_29 = arith.constant 0 : i32
    %dma_start3A_30 = arith.constant 0 : i32
    %dma_start3A_31 = tpu.memref_slice %arg4[%add3A, %dma_start3A_29, %dma_start3A_30] : memref<32x80x128xi32, #tpu.memory_space<hbm>> -> memref<1x80x128xi32, #tpu.memory_space<hbm>>
    %dma_start3A_32 = tpu.memref_squeeze %dma_start3A_31 : memref<1x80x128xi32, #tpu.memory_space<hbm>> -> memref<80x128xi32, #tpu.memory_space<hbm>>
    %dma_start3A_33 = arith.constant 0 : i32
    %dma_start3A_34 = tpu.memref_slice %dma_start3A_32[%dma_start3A_24, %dma_start3A_33] : memref<80x128xi32, #tpu.memory_space<hbm>> -> memref<1x128xi32, #tpu.memory_space<hbm>>
    %dma_start3A_35 = tpu.memref_squeeze %dma_start3A_34 : memref<1x128xi32, #tpu.memory_space<hbm>> -> memref<128xi32, #tpu.memory_space<hbm>>
    %dma_start3A_36 = arith.constant 0 : i32
    %dma_start3A_37 = tpu.memref_slice %arg8[%dma_start3A_25, %dma_start3A_36] : memref<4x128xi32, #tpu.memory_space<vmem>> -> memref<1x128xi32, #tpu.memory_space<vmem>>
    %dma_start3A_38 = tpu.memref_squeeze %dma_start3A_37 : memref<1x128xi32, #tpu.memory_space<vmem>> -> memref<128xi32, #tpu.memory_space<vmem>>
    %dma_start3A_39 = arith.constant 0 : i32
    %dma_start3A_40 = arith.constant 0 : i32
    %dma_start3A_41 = tpu.memref_slice %arg4[%add3A, %dma_start3A_39, %dma_start3A_40] : memref<32x80x128xi32, #tpu.memory_space<hbm>> -> memref<1x80x128xi32, #tpu.memory_space<hbm>>
    %dma_start3A_42 = tpu.memref_squeeze %dma_start3A_41 : memref<1x80x128xi32, #tpu.memory_space<hbm>> -> memref<80x128xi32, #tpu.memory_space<hbm>>
    %dma_start3A_43 = arith.constant 0 : i32
    %dma_start3A_44 = tpu.memref_slice %dma_start3A_42[%dma_start3A_24, %dma_start3A_43] : memref<80x128xi32, #tpu.memory_space<hbm>> -> memref<1x128xi32, #tpu.memory_space<hbm>>
    %dma_start3A_45 = tpu.memref_squeeze %dma_start3A_44 : memref<1x128xi32, #tpu.memory_space<hbm>> -> memref<128xi32, #tpu.memory_space<hbm>>
    tpu.enqueue_dma source(%dma_start3A_45 : memref<128xi32, #tpu.memory_space<hbm>>) target(%dma_start3A_38 : memref<128xi32, #tpu.memory_space<vmem>>) target_semaphore(%arg14 : memref<!tpu.dma_semaphore, #tpu.memory_space<semaphore_mem>>)
    %dma_start3A_46 = arith.constant 2 : i32
    %dma_start3A_47 = arith.constant 2 : i32
    %dma_start3A_48 = arith.constant 0 : i32
    %dma_start3A_49 = tpu.memref_slice %arg8[%dma_start3A_47, %dma_start3A_48] : memref<4x128xi32, #tpu.memory_space<vmem>> -> memref<1x128xi32, #tpu.memory_space<vmem>>
    %dma_start3A_50 = tpu.memref_squeeze %dma_start3A_49 : memref<1x128xi32, #tpu.memory_space<vmem>> -> memref<128xi32, #tpu.memory_space<vmem>>
    %dma_start3A_51 = arith.constant 0 : i32
    %dma_start3A_52 = arith.constant 0 : i32
    %dma_start3A_53 = tpu.memref_slice %arg4[%add3A, %dma_start3A_51, %dma_start3A_52] : memref<32x80x128xi32, #tpu.memory_space<hbm>> -> memref<1x80x128xi32, #tpu.memory_space<hbm>>
    %dma_start3A_54 = tpu.memref_squeeze %dma_start3A_53 : memref<1x80x128xi32, #tpu.memory_space<hbm>> -> memref<80x128xi32, #tpu.memory_space<hbm>>
    %dma_start3A_55 = arith.constant 0 : i32
    %dma_start3A_56 = tpu.memref_slice %dma_start3A_54[%dma_start3A_46, %dma_start3A_55] : memref<80x128xi32, #tpu.memory_space<hbm>> -> memref<1x128xi32, #tpu.memory_space<hbm>>
    %dma_start3A_57 = tpu.memref_squeeze %dma_start3A_56 : memref<1x128xi32, #tpu.memory_space<hbm>> -> memref<128xi32, #tpu.memory_space<hbm>>
    %dma_start3A_58 = arith.constant 0 : i32
    %dma_start3A_59 = tpu.memref_slice %arg8[%dma_start3A_47, %dma_start3A_58] : memref<4x128xi32, #tpu.memory_space<vmem>> -> memref<1x128xi32, #tpu.memory_space<vmem>>
    %dma_start3A_60 = tpu.memref_squeeze %dma_start3A_59 : memref<1x128xi32, #tpu.memory_space<vmem>> -> memref<128xi32, #tpu.memory_space<vmem>>
    %dma_start3A_61 = arith.constant 0 : i32
    %dma_start3A_62 = arith.constant 0 : i32
    %dma_start3A_63 = tpu.memref_slice %arg4[%add3A, %dma_start3A_61, %dma_start3A_62] : memref<32x80x128xi32, #tpu.memory_space<hbm>> -> memref<1x80x128xi32, #tpu.memory_space<hbm>>
    %dma_start3A_64 = tpu.memref_squeeze %dma_start3A_63 : memref<1x80x128xi32, #tpu.memory_space<hbm>> -> memref<80x128xi32, #tpu.memory_space<hbm>>
    %dma_start3A_65 = arith.constant 0 : i32
    %dma_start3A_66 = tpu.memref_slice %dma_start3A_64[%dma_start3A_46, %dma_start3A_65] : memref<80x128xi32, #tpu.memory_space<hbm>> -> memref<1x128xi32, #tpu.memory_space<hbm>>
    %dma_start3A_67 = tpu.memref_squeeze %dma_start3A_66 : memref<1x128xi32, #tpu.memory_space<hbm>> -> memref<128xi32, #tpu.memory_space<hbm>>
    tpu.enqueue_dma source(%dma_start3A_67 : memref<128xi32, #tpu.memory_space<hbm>>) target(%dma_start3A_60 : memref<128xi32, #tpu.memory_space<vmem>>) target_semaphore(%arg15 : memref<!tpu.dma_semaphore, #tpu.memory_space<semaphore_mem>>)
    %dma_start3A_68 = arith.constant 3 : i32
    %dma_start3A_69 = arith.constant 3 : i32
    %dma_start3A_70 = arith.constant 0 : i32
    %dma_start3A_71 = tpu.memref_slice %arg8[%dma_start3A_69, %dma_start3A_70] : memref<4x128xi32, #tpu.memory_space<vmem>> -> memref<1x128xi32, #tpu.memory_space<vmem>>
    %dma_start3A_72 = tpu.memref_squeeze %dma_start3A_71 : memref<1x128xi32, #tpu.memory_space<vmem>> -> memref<128xi32, #tpu.memory_space<vmem>>
    %dma_start3A_73 = arith.constant 0 : i32
    %dma_start3A_74 = arith.constant 0 : i32
    %dma_start3A_75 = tpu.memref_slice %arg4[%add3A, %dma_start3A_73, %dma_start3A_74] : memref<32x80x128xi32, #tpu.memory_space<hbm>> -> memref<1x80x128xi32, #tpu.memory_space<hbm>>
    %dma_start3A_76 = tpu.memref_squeeze %dma_start3A_75 : memref<1x80x128xi32, #tpu.memory_space<hbm>> -> memref<80x128xi32, #tpu.memory_space<hbm>>
    %dma_start3A_77 = arith.constant 0 : i32
    %dma_start3A_78 = tpu.memref_slice %dma_start3A_76[%dma_start3A_68, %dma_start3A_77] : memref<80x128xi32, #tpu.memory_space<hbm>> -> memref<1x128xi32, #tpu.memory_space<hbm>>
    %dma_start3A_79 = tpu.memref_squeeze %dma_start3A_78 : memref<1x128xi32, #tpu.memory_space<hbm>> -> memref<128xi32, #tpu.memory_space<hbm>>
    %dma_start3A_80 = arith.constant 0 : i32
    %dma_start3A_81 = tpu.memref_slice %arg8[%dma_start3A_69, %dma_start3A_80] : memref<4x128xi32, #tpu.memory_space<vmem>> -> memref<1x128xi32, #tpu.memory_space<vmem>>
    %dma_start3A_82 = tpu.memref_squeeze %dma_start3A_81 : memref<1x128xi32, #tpu.memory_space<vmem>> -> memref<128xi32, #tpu.memory_space<vmem>>
    %dma_start3A_83 = arith.constant 0 : i32
    %dma_start3A_84 = arith.constant 0 : i32
    %dma_start3A_85 = tpu.memref_slice %arg4[%add3A, %dma_start3A_83, %dma_start3A_84] : memref<32x80x128xi32, #tpu.memory_space<hbm>> -> memref<1x80x128xi32, #tpu.memory_space<hbm>>
    %dma_start3A_86 = tpu.memref_squeeze %dma_start3A_85 : memref<1x80x128xi32, #tpu.memory_space<hbm>> -> memref<80x128xi32, #tpu.memory_space<hbm>>
    %dma_start3A_87 = arith.constant 0 : i32
    %dma_start3A_88 = tpu.memref_slice %dma_start3A_86[%dma_start3A_68, %dma_start3A_87] : memref<80x128xi32, #tpu.memory_space<hbm>> -> memref<1x128xi32, #tpu.memory_space<hbm>>
    %dma_start3A_89 = tpu.memref_squeeze %dma_start3A_88 : memref<1x128xi32, #tpu.memory_space<hbm>> -> memref<128xi32, #tpu.memory_space<hbm>>
    tpu.enqueue_dma source(%dma_start3A_89 : memref<128xi32, #tpu.memory_space<hbm>>) target(%dma_start3A_82 : memref<128xi32, #tpu.memory_space<vmem>>) target_semaphore(%arg16 : memref<!tpu.dma_semaphore, #tpu.memory_space<semaphore_mem>>)
    %dma_start3A_90 = arith.constant 0 : i32
    %dma_start3A_91 = arith.constant 0 : i32
    %dma_start3A_92 = arith.constant 0 : i32
    %dma_start3A_93 = arith.constant 0 : i32
    %dma_start3A_94 = tpu.memref_slice %arg9[%dma_start3A_91, %dma_start3A_92, %dma_start3A_93] : memref<2x128x128xf32, #tpu.memory_space<vmem>> -> memref<1x128x128xf32, #tpu.memory_space<vmem>>
    %dma_start3A_95 = tpu.memref_squeeze %dma_start3A_94 : memref<1x128x128xf32, #tpu.memory_space<vmem>> -> memref<128x128xf32, #tpu.memory_space<vmem>>
    %dma_start3A_96 = arith.constant 0 : i32
    %dma_start3A_97 = tpu.memref_slice %arg7[%dma_start3A_90, %dma_start3A_96] : memref<80x128xi32, #tpu.memory_space<vmem>> -> memref<1x128xi32, #tpu.memory_space<vmem>>
    %dma_start3A_98 = tpu.memref_squeeze %dma_start3A_97 : memref<1x128xi32, #tpu.memory_space<vmem>> -> memref<128xi32, #tpu.memory_space<vmem>>
    %dma_start3A_99 = arith.constant 0 : i32
    %dma_start3A_100 = arith.constant 0 : i32
    %dma_start3A_101 = tpu.memref_slice %arg2[%dma_start3A_99, %dma_start3A_100] : memref<10000x128xf32, #tpu.memory_space<hbm>> -> memref<10000x128xf32, #tpu.memory_space<hbm>>
    tpu.enqueue_indirect_dma source(%dma_start3A_101 : memref<10000x128xf32, #tpu.memory_space<hbm>>) target(%dma_start3A_95 : memref<128x128xf32, #tpu.memory_space<vmem>>) offsets(%dma_start3A_98 : memref<128xi32, #tpu.memory_space<vmem>>) semaphore(%arg11 : memref<!tpu.dma_semaphore, #tpu.memory_space<semaphore_mem>>)
    %dma_start3A_102 = arith.constant 1 : i32
    %dma_start3A_103 = arith.constant 1 : i32
    %dma_start3A_104 = arith.constant 0 : i32
    %dma_start3A_105 = arith.constant 0 : i32
    %dma_start3A_106 = tpu.memref_slice %arg9[%dma_start3A_103, %dma_start3A_104, %dma_start3A_105] : memref<2x128x128xf32, #tpu.memory_space<vmem>> -> memref<1x128x128xf32, #tpu.memory_space<vmem>>
    %dma_start3A_107 = tpu.memref_squeeze %dma_start3A_106 : memref<1x128x128xf32, #tpu.memory_space<vmem>> -> memref<128x128xf32, #tpu.memory_space<vmem>>
    %dma_start3A_108 = arith.constant 0 : i32
    %dma_start3A_109 = tpu.memref_slice %arg7[%dma_start3A_102, %dma_start3A_108] : memref<80x128xi32, #tpu.memory_space<vmem>> -> memref<1x128xi32, #tpu.memory_space<vmem>>
    %dma_start3A_110 = tpu.memref_squeeze %dma_start3A_109 : memref<1x128xi32, #tpu.memory_space<vmem>> -> memref<128xi32, #tpu.memory_space<vmem>>
    %dma_start3A_111 = arith.constant 0 : i32
    %dma_start3A_112 = arith.constant 0 : i32
    %dma_start3A_113 = tpu.memref_slice %arg2[%dma_start3A_111, %dma_start3A_112] : memref<10000x128xf32, #tpu.memory_space<hbm>> -> memref<10000x128xf32, #tpu.memory_space<hbm>>
    tpu.enqueue_indirect_dma source(%dma_start3A_113 : memref<10000x128xf32, #tpu.memory_space<hbm>>) target(%dma_start3A_107 : memref<128x128xf32, #tpu.memory_space<vmem>>) offsets(%dma_start3A_110 : memref<128xi32, #tpu.memory_space<vmem>>) semaphore(%arg12 : memref<!tpu.dma_semaphore, #tpu.memory_space<semaphore_mem>>)
    %barrier3A = arith.constant 0 : index
    tpu.barrier barrier_id(%barrier3A)
    %scan3A = arith.constant 0 : i32
    %scan3A_114 = arith.constant 19 : i32
    %scan3A_115 = arith.addi %scan3A, %scan3A_114 : i32
    %scan3A_116 = arith.constant 1 : i32
    scf.for %scan3A_285 = %scan3A to %scan3A_115 step %scan3A_116  : i32 {
      %mul3A_286 = arith.constant 4 : i32
      %mul3A_287 = arith.muli %scan3A_285, %mul3A_286 : i32
      %add3A_288 = arith.constant 0 : i32
      %add3A_289 = arith.addi %add3A_288, %mul3A_287 : i32
      %add3A_290 = arith.constant 0 : i32
      %add3A_291 = arith.addi %add3A_289, %add3A_290 : i32
      %dma_wait3A_292 = arith.constant 0 : i32
      %dma_wait3A_293 = arith.constant 0 : i32
      %dma_wait3A_294 = arith.constant 0 : i32
      %dma_wait3A_295 = arith.constant 0 : i32
      %dma_wait3A_296 = tpu.memref_slice %arg9[%dma_wait3A_293, %dma_wait3A_294, %dma_wait3A_295] : memref<2x128x128xf32, #tpu.memory_space<vmem>> -> memref<1x128x128xf32, #tpu.memory_space<vmem>>
      %dma_wait3A_297 = tpu.memref_squeeze %dma_wait3A_296 : memref<1x128x128xf32, #tpu.memory_space<vmem>> -> memref<128x128xf32, #tpu.memory_space<vmem>>
      %dma_wait3A_298 = arith.constant 0 : i32
      %dma_wait3A_299 = tpu.memref_slice %arg7[%dma_wait3A_292, %dma_wait3A_298] : memref<80x128xi32, #tpu.memory_space<vmem>> -> memref<1x128xi32, #tpu.memory_space<vmem>>
      %dma_wait3A_300 = tpu.memref_squeeze %dma_wait3A_299 : memref<1x128xi32, #tpu.memory_space<vmem>> -> memref<128xi32, #tpu.memory_space<vmem>>
      %dma_wait3A_301 = arith.constant 0 : i32
      %dma_wait3A_302 = arith.constant 0 : i32
      %dma_wait3A_303 = tpu.memref_slice %arg2[%dma_wait3A_301, %dma_wait3A_302] : memref<10000x128xf32, #tpu.memory_space<hbm>> -> memref<10000x128xf32, #tpu.memory_space<hbm>>
      tpu.wait_indirect_dma semaphore(%arg11 : memref<!tpu.dma_semaphore, #tpu.memory_space<semaphore_mem>>) src(%dma_wait3A_303 : memref<10000x128xf32, #tpu.memory_space<hbm>>) dst(%dma_wait3A_297 : memref<128x128xf32, #tpu.memory_space<vmem>>)
      %dma_wait3A_304 = arith.constant 0 : i32
      %dma_wait3A_305 = arith.constant 0 : i32
      %dma_wait3A_306 = arith.constant 0 : i32
      %dma_wait3A_307 = tpu.memref_slice %arg8[%dma_wait3A_305, %dma_wait3A_306] : memref<4x128xi32, #tpu.memory_space<vmem>> -> memref<1x128xi32, #tpu.memory_space<vmem>>
      %dma_wait3A_308 = tpu.memref_squeeze %dma_wait3A_307 : memref<1x128xi32, #tpu.memory_space<vmem>> -> memref<128xi32, #tpu.memory_space<vmem>>
      %dma_wait3A_309 = arith.constant 0 : i32
      %dma_wait3A_310 = arith.constant 0 : i32
      %dma_wait3A_311 = tpu.memref_slice %arg4[%add3A, %dma_wait3A_309, %dma_wait3A_310] : memref<32x80x128xi32, #tpu.memory_space<hbm>> -> memref<1x80x128xi32, #tpu.memory_space<hbm>>
      %dma_wait3A_312 = tpu.memref_squeeze %dma_wait3A_311 : memref<1x80x128xi32, #tpu.memory_space<hbm>> -> memref<80x128xi32, #tpu.memory_space<hbm>>
      %dma_wait3A_313 = arith.constant 0 : i32
      %dma_wait3A_314 = tpu.memref_slice %dma_wait3A_312[%dma_wait3A_304, %dma_wait3A_313] : memref<80x128xi32, #tpu.memory_space<hbm>> -> memref<1x128xi32, #tpu.memory_space<hbm>>
      %dma_wait3A_315 = tpu.memref_squeeze %dma_wait3A_314 : memref<1x128xi32, #tpu.memory_space<hbm>> -> memref<128xi32, #tpu.memory_space<hbm>>
      %dma_wait3A_316 = arith.constant 0 : i32
      %dma_wait3A_317 = tpu.memref_slice %arg8[%dma_wait3A_305, %dma_wait3A_316] : memref<4x128xi32, #tpu.memory_space<vmem>> -> memref<1x128xi32, #tpu.memory_space<vmem>>
      %dma_wait3A_318 = tpu.memref_squeeze %dma_wait3A_317 : memref<1x128xi32, #tpu.memory_space<vmem>> -> memref<128xi32, #tpu.memory_space<vmem>>
      %dma_wait3A_319 = arith.constant 0 : i32
      %dma_wait3A_320 = arith.constant 0 : i32
      %dma_wait3A_321 = tpu.memref_slice %arg4[%add3A, %dma_wait3A_319, %dma_wait3A_320] : memref<32x80x128xi32, #tpu.memory_space<hbm>> -> memref<1x80x128xi32, #tpu.memory_space<hbm>>
      %dma_wait3A_322 = tpu.memref_squeeze %dma_wait3A_321 : memref<1x80x128xi32, #tpu.memory_space<hbm>> -> memref<80x128xi32, #tpu.memory_space<hbm>>
      %dma_wait3A_323 = arith.constant 0 : i32
      %dma_wait3A_324 = tpu.memref_slice %dma_wait3A_322[%dma_wait3A_304, %dma_wait3A_323] : memref<80x128xi32, #tpu.memory_space<hbm>> -> memref<1x128xi32, #tpu.memory_space<hbm>>
      %dma_wait3A_325 = tpu.memref_squeeze %dma_wait3A_324 : memref<1x128xi32, #tpu.memory_space<hbm>> -> memref<128xi32, #tpu.memory_space<hbm>>
      tpu.wait_dma2 semaphore(%arg13 : memref<!tpu.dma_semaphore, #tpu.memory_space<semaphore_mem>>) src(%dma_wait3A_325 : memref<128xi32, #tpu.memory_space<hbm>>) dst(%dma_wait3A_318 : memref<128xi32, #tpu.memory_space<vmem>>)
      %run_scoped3A_326 = arith.constant 0 : i32
      %run_scoped3A_327 = arith.constant 0 : i32
      "tpu.region"() ({
        %run_scoped3A_586 = tpu.sem_alloc : memref<!tpu.dma_semaphore, #tpu.memory_space<semaphore_mem>>
        %dma_start3A_587 = arith.constant 0 : i32
        %dma_start3A_588 = arith.constant 0 : i32
        %dma_start3A_589 = tpu.memref_slice %arg9[%run_scoped3A_326, %dma_start3A_587, %dma_start3A_588] : memref<2x128x128xf32, #tpu.memory_space<vmem>> -> memref<1x128x128xf32, #tpu.memory_space<vmem>>
        %dma_start3A_590 = tpu.memref_squeeze %dma_start3A_589 : memref<1x128x128xf32, #tpu.memory_space<vmem>> -> memref<128x128xf32, #tpu.memory_space<vmem>>
        %dma_start3A_591 = arith.constant 0 : i32
        %dma_start3A_592 = tpu.memref_slice %arg8[%run_scoped3A_327, %dma_start3A_591] : memref<4x128xi32, #tpu.memory_space<vmem>> -> memref<1x128xi32, #tpu.memory_space<vmem>>
        %dma_start3A_593 = tpu.memref_squeeze %dma_start3A_592 : memref<1x128xi32, #tpu.memory_space<vmem>> -> memref<128xi32, #tpu.memory_space<vmem>>
        %dma_start3A_594 = arith.constant 0 : i32
        %dma_start3A_595 = arith.constant 0 : i32
        %dma_start3A_596 = tpu.memref_slice %arg10[%dma_start3A_594, %dma_start3A_595] : memref<10240x128xf32, #tpu.memory_space<vmem_shared>> -> memref<10240x128xf32, #tpu.memory_space<vmem_shared>>
        tpu.enqueue_indirect_dma source(%dma_start3A_590 : memref<128x128xf32, #tpu.memory_space<vmem>>) target(%dma_start3A_596 : memref<10240x128xf32, #tpu.memory_space<vmem_shared>>) offsets(%dma_start3A_593 : memref<128xi32, #tpu.memory_space<vmem>>) semaphore(%run_scoped3A_586 : memref<!tpu.dma_semaphore, #tpu.memory_space<semaphore_mem>>) {add = true}
        %dma_wait3A_597 = arith.constant 0 : i32
        %dma_wait3A_598 = arith.constant 0 : i32
        %dma_wait3A_599 = tpu.memref_slice %arg9[%run_scoped3A_326, %dma_wait3A_597, %dma_wait3A_598] : memref<2x128x128xf32, #tpu.memory_space<vmem>> -> memref<1x128x128xf32, #tpu.memory_space<vmem>>
        %dma_wait3A_600 = tpu.memref_squeeze %dma_wait3A_599 : memref<1x128x128xf32, #tpu.memory_space<vmem>> -> memref<128x128xf32, #tpu.memory_space<vmem>>
        %dma_wait3A_601 = arith.constant 0 : i32
        %dma_wait3A_602 = tpu.memref_slice %arg8[%run_scoped3A_327, %dma_wait3A_601] : memref<4x128xi32, #tpu.memory_space<vmem>> -> memref<1x128xi32, #tpu.memory_space<vmem>>
        %dma_wait3A_603 = tpu.memref_squeeze %dma_wait3A_602 : memref<1x128xi32, #tpu.memory_space<vmem>> -> memref<128xi32, #tpu.memory_space<vmem>>
        %dma_wait3A_604 = arith.constant 0 : i32
        %dma_wait3A_605 = arith.constant 0 : i32
        %dma_wait3A_606 = tpu.memref_slice %arg10[%dma_wait3A_604, %dma_wait3A_605] : memref<10240x128xf32, #tpu.memory_space<vmem_shared>> -> memref<10240x128xf32, #tpu.memory_space<vmem_shared>>
        tpu.wait_indirect_dma semaphore(%run_scoped3A_586 : memref<!tpu.dma_semaphore, #tpu.memory_space<semaphore_mem>>) src(%dma_wait3A_600 : memref<128x128xf32, #tpu.memory_space<vmem>>) dst(%dma_wait3A_606 : memref<10240x128xf32, #tpu.memory_space<vmem_shared>>)
        tpu.yield
      }) : () -> ()
      %add3A_328 = arith.constant 4 : i32
      %add3A_329 = arith.addi %add3A_291, %add3A_328 : i32
      %dma_start3A_330 = arith.constant 0 : i32
      %dma_start3A_331 = arith.constant 0 : i32
      %dma_start3A_332 = tpu.memref_slice %arg8[%dma_start3A_330, %dma_start3A_331] : memref<4x128xi32, #tpu.memory_space<vmem>> -> memref<1x128xi32, #tpu.memory_space<vmem>>
      %dma_start3A_333 = tpu.memref_squeeze %dma_start3A_332 : memref<1x128xi32, #tpu.memory_space<vmem>> -> memref<128xi32, #tpu.memory_space<vmem>>
      %dma_start3A_334 = arith.constant 0 : i32
      %dma_start3A_335 = arith.constant 0 : i32
      %dma_start3A_336 = tpu.memref_slice %arg4[%add3A, %dma_start3A_334, %dma_start3A_335] : memref<32x80x128xi32, #tpu.memory_space<hbm>> -> memref<1x80x128xi32, #tpu.memory_space<hbm>>
      %dma_start3A_337 = tpu.memref_squeeze %dma_start3A_336 : memref<1x80x128xi32, #tpu.memory_space<hbm>> -> memref<80x128xi32, #tpu.memory_space<hbm>>
      %dma_start3A_338 = arith.constant 0 : i32
      %dma_start3A_339 = tpu.memref_slice %dma_start3A_337[%add3A_329, %dma_start3A_338] : memref<80x128xi32, #tpu.memory_space<hbm>> -> memref<1x128xi32, #tpu.memory_space<hbm>>
      %dma_start3A_340 = tpu.memref_squeeze %dma_start3A_339 : memref<1x128xi32, #tpu.memory_space<hbm>> -> memref<128xi32, #tpu.memory_space<hbm>>
      %dma_start3A_341 = arith.constant 0 : i32
      %dma_start3A_342 = tpu.memref_slice %arg8[%dma_start3A_330, %dma_start3A_341] : memref<4x128xi32, #tpu.memory_space<vmem>> -> memref<1x128xi32, #tpu.memory_space<vmem>>
      %dma_start3A_343 = tpu.memref_squeeze %dma_start3A_342 : memref<1x128xi32, #tpu.memory_space<vmem>> -> memref<128xi32, #tpu.memory_space<vmem>>
      %dma_start3A_344 = arith.constant 0 : i32
      %dma_start3A_345 = arith.constant 0 : i32
      %dma_start3A_346 = tpu.memref_slice %arg4[%add3A, %dma_start3A_344, %dma_start3A_345] : memref<32x80x128xi32, #tpu.memory_space<hbm>> -> memref<1x80x128xi32, #tpu.memory_space<hbm>>
      %dma_start3A_347 = tpu.memref_squeeze %dma_start3A_346 : memref<1x80x128xi32, #tpu.memory_space<hbm>> -> memref<80x128xi32, #tpu.memory_space<hbm>>
      %dma_start3A_348 = arith.constant 0 : i32
      %dma_start3A_349 = tpu.memref_slice %dma_start3A_347[%add3A_329, %dma_start3A_348] : memref<80x128xi32, #tpu.memory_space<hbm>> -> memref<1x128xi32, #tpu.memory_space<hbm>>
      %dma_start3A_350 = tpu.memref_squeeze %dma_start3A_349 : memref<1x128xi32, #tpu.memory_space<hbm>> -> memref<128xi32, #tpu.memory_space<hbm>>
      tpu.enqueue_dma source(%dma_start3A_350 : memref<128xi32, #tpu.memory_space<hbm>>) target(%dma_start3A_343 : memref<128xi32, #tpu.memory_space<vmem>>) target_semaphore(%arg13 : memref<!tpu.dma_semaphore, #tpu.memory_space<semaphore_mem>>)
      %add3A_351 = arith.constant 2 : i32
      %add3A_352 = arith.addi %add3A_291, %add3A_351 : i32
      %dma_start3A_353 = arith.constant 0 : i32
      %dma_start3A_354 = arith.constant 0 : i32
      %dma_start3A_355 = arith.constant 0 : i32
      %dma_start3A_356 = tpu.memref_slice %arg9[%dma_start3A_353, %dma_start3A_354, %dma_start3A_355] : memref<2x128x128xf32, #tpu.memory_space<vmem>> -> memref<1x128x128xf32, #tpu.memory_space<vmem>>
      %dma_start3A_357 = tpu.memref_squeeze %dma_start3A_356 : memref<1x128x128xf32, #tpu.memory_space<vmem>> -> memref<128x128xf32, #tpu.memory_space<vmem>>
      %dma_start3A_358 = arith.constant 0 : i32
      %dma_start3A_359 = tpu.memref_slice %arg7[%add3A_352, %dma_start3A_358] : memref<80x128xi32, #tpu.memory_space<vmem>> -> memref<1x128xi32, #tpu.memory_space<vmem>>
      %dma_start3A_360 = tpu.memref_squeeze %dma_start3A_359 : memref<1x128xi32, #tpu.memory_space<vmem>> -> memref<128xi32, #tpu.memory_space<vmem>>
      %dma_start3A_361 = arith.constant 0 : i32
      %dma_start3A_362 = arith.constant 0 : i32
      %dma_start3A_363 = tpu.memref_slice %arg2[%dma_start3A_361, %dma_start3A_362] : memref<10000x128xf32, #tpu.memory_space<hbm>> -> memref<10000x128xf32, #tpu.memory_space<hbm>>
      tpu.enqueue_indirect_dma source(%dma_start3A_363 : memref<10000x128xf32, #tpu.memory_space<hbm>>) target(%dma_start3A_357 : memref<128x128xf32, #tpu.memory_space<vmem>>) offsets(%dma_start3A_360 : memref<128xi32, #tpu.memory_space<vmem>>) semaphore(%arg11 : memref<!tpu.dma_semaphore, #tpu.memory_space<semaphore_mem>>)
      %add3A_364 = arith.constant 1 : i32
      %add3A_365 = arith.addi %add3A_289, %add3A_364 : i32
      %dma_wait3A_366 = arith.constant 0 : i32
      %dma_wait3A_367 = arith.constant 1 : i32
      %dma_wait3A_368 = arith.constant 0 : i32
      %dma_wait3A_369 = arith.constant 0 : i32
      %dma_wait3A_370 = tpu.memref_slice %arg9[%dma_wait3A_367, %dma_wait3A_368, %dma_wait3A_369] : memref<2x128x128xf32, #tpu.memory_space<vmem>> -> memref<1x128x128xf32, #tpu.memory_space<vmem>>
      %dma_wait3A_371 = tpu.memref_squeeze %dma_wait3A_370 : memref<1x128x128xf32, #tpu.memory_space<vmem>> -> memref<128x128xf32, #tpu.memory_space<vmem>>
      %dma_wait3A_372 = arith.constant 0 : i32
      %dma_wait3A_373 = tpu.memref_slice %arg7[%dma_wait3A_366, %dma_wait3A_372] : memref<80x128xi32, #tpu.memory_space<vmem>> -> memref<1x128xi32, #tpu.memory_space<vmem>>
      %dma_wait3A_374 = tpu.memref_squeeze %dma_wait3A_373 : memref<1x128xi32, #tpu.memory_space<vmem>> -> memref<128xi32, #tpu.memory_space<vmem>>
      %dma_wait3A_375 = arith.constant 0 : i32
      %dma_wait3A_376 = arith.constant 0 : i32
      %dma_wait3A_377 = tpu.memref_slice %arg2[%dma_wait3A_375, %dma_wait3A_376] : memref<10000x128xf32, #tpu.memory_space<hbm>> -> memref<10000x128xf32, #tpu.memory_space<hbm>>
      tpu.wait_indirect_dma semaphore(%arg12 : memref<!tpu.dma_semaphore, #tpu.memory_space<semaphore_mem>>) src(%dma_wait3A_377 : memref<10000x128xf32, #tpu.memory_space<hbm>>) dst(%dma_wait3A_371 : memref<128x128xf32, #tpu.memory_space<vmem>>)
      %dma_wait3A_378 = arith.constant 0 : i32
      %dma_wait3A_379 = arith.constant 1 : i32
      %dma_wait3A_380 = arith.constant 0 : i32
      %dma_wait3A_381 = tpu.memref_slice %arg8[%dma_wait3A_379, %dma_wait3A_380] : memref<4x128xi32, #tpu.memory_space<vmem>> -> memref<1x128xi32, #tpu.memory_space<vmem>>
      %dma_wait3A_382 = tpu.memref_squeeze %dma_wait3A_381 : memref<1x128xi32, #tpu.memory_space<vmem>> -> memref<128xi32, #tpu.memory_space<vmem>>
      %dma_wait3A_383 = arith.constant 0 : i32
      %dma_wait3A_384 = arith.constant 0 : i32
      %dma_wait3A_385 = tpu.memref_slice %arg4[%add3A, %dma_wait3A_383, %dma_wait3A_384] : memref<32x80x128xi32, #tpu.memory_space<hbm>> -> memref<1x80x128xi32, #tpu.memory_space<hbm>>
      %dma_wait3A_386 = tpu.memref_squeeze %dma_wait3A_385 : memref<1x80x128xi32, #tpu.memory_space<hbm>> -> memref<80x128xi32, #tpu.memory_space<hbm>>
      %dma_wait3A_387 = arith.constant 0 : i32
      %dma_wait3A_388 = tpu.memref_slice %dma_wait3A_386[%dma_wait3A_378, %dma_wait3A_387] : memref<80x128xi32, #tpu.memory_space<hbm>> -> memref<1x128xi32, #tpu.memory_space<hbm>>
      %dma_wait3A_389 = tpu.memref_squeeze %dma_wait3A_388 : memref<1x128xi32, #tpu.memory_space<hbm>> -> memref<128xi32, #tpu.memory_space<hbm>>
      %dma_wait3A_390 = arith.constant 0 : i32
      %dma_wait3A_391 = tpu.memref_slice %arg8[%dma_wait3A_379, %dma_wait3A_390] : memref<4x128xi32, #tpu.memory_space<vmem>> -> memref<1x128xi32, #tpu.memory_space<vmem>>
      %dma_wait3A_392 = tpu.memref_squeeze %dma_wait3A_391 : memref<1x128xi32, #tpu.memory_space<vmem>> -> memref<128xi32, #tpu.memory_space<vmem>>
      %dma_wait3A_393 = arith.constant 0 : i32
      %dma_wait3A_394 = arith.constant 0 : i32
      %dma_wait3A_395 = tpu.memref_slice %arg4[%add3A, %dma_wait3A_393, %dma_wait3A_394] : memref<32x80x128xi32, #tpu.memory_space<hbm>> -> memref<1x80x128xi32, #tpu.memory_space<hbm>>
      %dma_wait3A_396 = tpu.memref_squeeze %dma_wait3A_395 : memref<1x80x128xi32, #tpu.memory_space<hbm>> -> memref<80x128xi32, #tpu.memory_space<hbm>>
      %dma_wait3A_397 = arith.constant 0 : i32
      %dma_wait3A_398 = tpu.memref_slice %dma_wait3A_396[%dma_wait3A_378, %dma_wait3A_397] : memref<80x128xi32, #tpu.memory_space<hbm>> -> memref<1x128xi32, #tpu.memory_space<hbm>>
      %dma_wait3A_399 = tpu.memref_squeeze %dma_wait3A_398 : memref<1x128xi32, #tpu.memory_space<hbm>> -> memref<128xi32, #tpu.memory_space<hbm>>
      tpu.wait_dma2 semaphore(%arg14 : memref<!tpu.dma_semaphore, #tpu.memory_space<semaphore_mem>>) src(%dma_wait3A_399 : memref<128xi32, #tpu.memory_space<hbm>>) dst(%dma_wait3A_392 : memref<128xi32, #tpu.memory_space<vmem>>)
      %run_scoped3A_400 = arith.constant 1 : i32
      %run_scoped3A_401 = arith.constant 1 : i32
      "tpu.region"() ({
        %run_scoped3A_586 = tpu.sem_alloc : memref<!tpu.dma_semaphore, #tpu.memory_space<semaphore_mem>>
        %dma_start3A_587 = arith.constant 0 : i32
        %dma_start3A_588 = arith.constant 0 : i32
        %dma_start3A_589 = tpu.memref_slice %arg9[%run_scoped3A_400, %dma_start3A_587, %dma_start3A_588] : memref<2x128x128xf32, #tpu.memory_space<vmem>> -> memref<1x128x128xf32, #tpu.memory_space<vmem>>
        %dma_start3A_590 = tpu.memref_squeeze %dma_start3A_589 : memref<1x128x128xf32, #tpu.memory_space<vmem>> -> memref<128x128xf32, #tpu.memory_space<vmem>>
        %dma_start3A_591 = arith.constant 0 : i32
        %dma_start3A_592 = tpu.memref_slice %arg8[%run_scoped3A_401, %dma_start3A_591] : memref<4x128xi32, #tpu.memory_space<vmem>> -> memref<1x128xi32, #tpu.memory_space<vmem>>
        %dma_start3A_593 = tpu.memref_squeeze %dma_start3A_592 : memref<1x128xi32, #tpu.memory_space<vmem>> -> memref<128xi32, #tpu.memory_space<vmem>>
        %dma_start3A_594 = arith.constant 0 : i32
        %dma_start3A_595 = arith.constant 0 : i32
        %dma_start3A_596 = tpu.memref_slice %arg10[%dma_start3A_594, %dma_start3A_595] : memref<10240x128xf32, #tpu.memory_space<vmem_shared>> -> memref<10240x128xf32, #tpu.memory_space<vmem_shared>>
        tpu.enqueue_indirect_dma source(%dma_start3A_590 : memref<128x128xf32, #tpu.memory_space<vmem>>) target(%dma_start3A_596 : memref<10240x128xf32, #tpu.memory_space<vmem_shared>>) offsets(%dma_start3A_593 : memref<128xi32, #tpu.memory_space<vmem>>) semaphore(%run_scoped3A_586 : memref<!tpu.dma_semaphore, #tpu.memory_space<semaphore_mem>>) {add = true}
        %dma_wait3A_597 = arith.constant 0 : i32
        %dma_wait3A_598 = arith.constant 0 : i32
        %dma_wait3A_599 = tpu.memref_slice %arg9[%run_scoped3A_400, %dma_wait3A_597, %dma_wait3A_598] : memref<2x128x128xf32, #tpu.memory_space<vmem>> -> memref<1x128x128xf32, #tpu.memory_space<vmem>>
        %dma_wait3A_600 = tpu.memref_squeeze %dma_wait3A_599 : memref<1x128x128xf32, #tpu.memory_space<vmem>> -> memref<128x128xf32, #tpu.memory_space<vmem>>
        %dma_wait3A_601 = arith.constant 0 : i32
        %dma_wait3A_602 = tpu.memref_slice %arg8[%run_scoped3A_401, %dma_wait3A_601] : memref<4x128xi32, #tpu.memory_space<vmem>> -> memref<1x128xi32, #tpu.memory_space<vmem>>
        %dma_wait3A_603 = tpu.memref_squeeze %dma_wait3A_602 : memref<1x128xi32, #tpu.memory_space<vmem>> -> memref<128xi32, #tpu.memory_space<vmem>>
        %dma_wait3A_604 = arith.constant 0 : i32
        %dma_wait3A_605 = arith.constant 0 : i32
        %dma_wait3A_606 = tpu.memref_slice %arg10[%dma_wait3A_604, %dma_wait3A_605] : memref<10240x128xf32, #tpu.memory_space<vmem_shared>> -> memref<10240x128xf32, #tpu.memory_space<vmem_shared>>
        tpu.wait_indirect_dma semaphore(%run_scoped3A_586 : memref<!tpu.dma_semaphore, #tpu.memory_space<semaphore_mem>>) src(%dma_wait3A_600 : memref<128x128xf32, #tpu.memory_space<vmem>>) dst(%dma_wait3A_606 : memref<10240x128xf32, #tpu.memory_space<vmem_shared>>)
        tpu.yield
      }) : () -> ()
      %add3A_402 = arith.constant 4 : i32
      %add3A_403 = arith.addi %add3A_365, %add3A_402 : i32
      %dma_start3A_404 = arith.constant 1 : i32
      %dma_start3A_405 = arith.constant 0 : i32
      %dma_start3A_406 = tpu.memref_slice %arg8[%dma_start3A_404, %dma_start3A_405] : memref<4x128xi32, #tpu.memory_space<vmem>> -> memref<1x128xi32, #tpu.memory_space<vmem>>
      %dma_start3A_407 = tpu.memref_squeeze %dma_start3A_406 : memref<1x128xi32, #tpu.memory_space<vmem>> -> memref<128xi32, #tpu.memory_space<vmem>>
      %dma_start3A_408 = arith.constant 0 : i32
      %dma_start3A_409 = arith.constant 0 : i32
      %dma_start3A_410 = tpu.memref_slice %arg4[%add3A, %dma_start3A_408, %dma_start3A_409] : memref<32x80x128xi32, #tpu.memory_space<hbm>> -> memref<1x80x128xi32, #tpu.memory_space<hbm>>
      %dma_start3A_411 = tpu.memref_squeeze %dma_start3A_410 : memref<1x80x128xi32, #tpu.memory_space<hbm>> -> memref<80x128xi32, #tpu.memory_space<hbm>>
      %dma_start3A_412 = arith.constant 0 : i32
      %dma_start3A_413 = tpu.memref_slice %dma_start3A_411[%add3A_403, %dma_start3A_412] : memref<80x128xi32, #tpu.memory_space<hbm>> -> memref<1x128xi32, #tpu.memory_space<hbm>>
      %dma_start3A_414 = tpu.memref_squeeze %dma_start3A_413 : memref<1x128xi32, #tpu.memory_space<hbm>> -> memref<128xi32, #tpu.memory_space<hbm>>
      %dma_start3A_415 = arith.constant 0 : i32
      %dma_start3A_416 = tpu.memref_slice %arg8[%dma_start3A_404, %dma_start3A_415] : memref<4x128xi32, #tpu.memory_space<vmem>> -> memref<1x128xi32, #tpu.memory_space<vmem>>
      %dma_start3A_417 = tpu.memref_squeeze %dma_start3A_416 : memref<1x128xi32, #tpu.memory_space<vmem>> -> memref<128xi32, #tpu.memory_space<vmem>>
      %dma_start3A_418 = arith.constant 0 : i32
      %dma_start3A_419 = arith.constant 0 : i32
      %dma_start3A_420 = tpu.memref_slice %arg4[%add3A, %dma_start3A_418, %dma_start3A_419] : memref<32x80x128xi32, #tpu.memory_space<hbm>> -> memref<1x80x128xi32, #tpu.memory_space<hbm>>
      %dma_start3A_421 = tpu.memref_squeeze %dma_start3A_420 : memref<1x80x128xi32, #tpu.memory_space<hbm>> -> memref<80x128xi32, #tpu.memory_space<hbm>>
      %dma_start3A_422 = arith.constant 0 : i32
      %dma_start3A_423 = tpu.memref_slice %dma_start3A_421[%add3A_403, %dma_start3A_422] : memref<80x128xi32, #tpu.memory_space<hbm>> -> memref<1x128xi32, #tpu.memory_space<hbm>>
      %dma_start3A_424 = tpu.memref_squeeze %dma_start3A_423 : memref<1x128xi32, #tpu.memory_space<hbm>> -> memref<128xi32, #tpu.memory_space<hbm>>
      tpu.enqueue_dma source(%dma_start3A_424 : memref<128xi32, #tpu.memory_space<hbm>>) target(%dma_start3A_417 : memref<128xi32, #tpu.memory_space<vmem>>) target_semaphore(%arg14 : memref<!tpu.dma_semaphore, #tpu.memory_space<semaphore_mem>>)
      %add3A_425 = arith.constant 2 : i32
      %add3A_426 = arith.addi %add3A_365, %add3A_425 : i32
      %dma_start3A_427 = arith.constant 1 : i32
      %dma_start3A_428 = arith.constant 0 : i32
      %dma_start3A_429 = arith.constant 0 : i32
      %dma_start3A_430 = tpu.memref_slice %arg9[%dma_start3A_427, %dma_start3A_428, %dma_start3A_429] : memref<2x128x128xf32, #tpu.memory_space<vmem>> -> memref<1x128x128xf32, #tpu.memory_space<vmem>>
      %dma_start3A_431 = tpu.memref_squeeze %dma_start3A_430 : memref<1x128x128xf32, #tpu.memory_space<vmem>> -> memref<128x128xf32, #tpu.memory_space<vmem>>
      %dma_start3A_432 = arith.constant 0 : i32
      %dma_start3A_433 = tpu.memref_slice %arg7[%add3A_426, %dma_start3A_432] : memref<80x128xi32, #tpu.memory_space<vmem>> -> memref<1x128xi32, #tpu.memory_space<vmem>>
      %dma_start3A_434 = tpu.memref_squeeze %dma_start3A_433 : memref<1x128xi32, #tpu.memory_space<vmem>> -> memref<128xi32, #tpu.memory_space<vmem>>
      %dma_start3A_435 = arith.constant 0 : i32
      %dma_start3A_436 = arith.constant 0 : i32
      %dma_start3A_437 = tpu.memref_slice %arg2[%dma_start3A_435, %dma_start3A_436] : memref<10000x128xf32, #tpu.memory_space<hbm>> -> memref<10000x128xf32, #tpu.memory_space<hbm>>
      tpu.enqueue_indirect_dma source(%dma_start3A_437 : memref<10000x128xf32, #tpu.memory_space<hbm>>) target(%dma_start3A_431 : memref<128x128xf32, #tpu.memory_space<vmem>>) offsets(%dma_start3A_434 : memref<128xi32, #tpu.memory_space<vmem>>) semaphore(%arg12 : memref<!tpu.dma_semaphore, #tpu.memory_space<semaphore_mem>>)
      %add3A_438 = arith.constant 2 : i32
      %add3A_439 = arith.addi %add3A_289, %add3A_438 : i32
      %dma_wait3A_440 = arith.constant 0 : i32
      %dma_wait3A_441 = arith.constant 0 : i32
      %dma_wait3A_442 = arith.constant 0 : i32
      %dma_wait3A_443 = arith.constant 0 : i32
      %dma_wait3A_444 = tpu.memref_slice %arg9[%dma_wait3A_441, %dma_wait3A_442, %dma_wait3A_443] : memref<2x128x128xf32, #tpu.memory_space<vmem>> -> memref<1x128x128xf32, #tpu.memory_space<vmem>>
      %dma_wait3A_445 = tpu.memref_squeeze %dma_wait3A_444 : memref<1x128x128xf32, #tpu.memory_space<vmem>> -> memref<128x128xf32, #tpu.memory_space<vmem>>
      %dma_wait3A_446 = arith.constant 0 : i32
      %dma_wait3A_447 = tpu.memref_slice %arg7[%dma_wait3A_440, %dma_wait3A_446] : memref<80x128xi32, #tpu.memory_space<vmem>> -> memref<1x128xi32, #tpu.memory_space<vmem>>
      %dma_wait3A_448 = tpu.memref_squeeze %dma_wait3A_447 : memref<1x128xi32, #tpu.memory_space<vmem>> -> memref<128xi32, #tpu.memory_space<vmem>>
      %dma_wait3A_449 = arith.constant 0 : i32
      %dma_wait3A_450 = arith.constant 0 : i32
      %dma_wait3A_451 = tpu.memref_slice %arg2[%dma_wait3A_449, %dma_wait3A_450] : memref<10000x128xf32, #tpu.memory_space<hbm>> -> memref<10000x128xf32, #tpu.memory_space<hbm>>
      tpu.wait_indirect_dma semaphore(%arg11 : memref<!tpu.dma_semaphore, #tpu.memory_space<semaphore_mem>>) src(%dma_wait3A_451 : memref<10000x128xf32, #tpu.memory_space<hbm>>) dst(%dma_wait3A_445 : memref<128x128xf32, #tpu.memory_space<vmem>>)
      %dma_wait3A_452 = arith.constant 0 : i32
      %dma_wait3A_453 = arith.constant 2 : i32
      %dma_wait3A_454 = arith.constant 0 : i32
      %dma_wait3A_455 = tpu.memref_slice %arg8[%dma_wait3A_453, %dma_wait3A_454] : memref<4x128xi32, #tpu.memory_space<vmem>> -> memref<1x128xi32, #tpu.memory_space<vmem>>
      %dma_wait3A_456 = tpu.memref_squeeze %dma_wait3A_455 : memref<1x128xi32, #tpu.memory_space<vmem>> -> memref<128xi32, #tpu.memory_space<vmem>>
      %dma_wait3A_457 = arith.constant 0 : i32
      %dma_wait3A_458 = arith.constant 0 : i32
      %dma_wait3A_459 = tpu.memref_slice %arg4[%add3A, %dma_wait3A_457, %dma_wait3A_458] : memref<32x80x128xi32, #tpu.memory_space<hbm>> -> memref<1x80x128xi32, #tpu.memory_space<hbm>>
      %dma_wait3A_460 = tpu.memref_squeeze %dma_wait3A_459 : memref<1x80x128xi32, #tpu.memory_space<hbm>> -> memref<80x128xi32, #tpu.memory_space<hbm>>
      %dma_wait3A_461 = arith.constant 0 : i32
      %dma_wait3A_462 = tpu.memref_slice %dma_wait3A_460[%dma_wait3A_452, %dma_wait3A_461] : memref<80x128xi32, #tpu.memory_space<hbm>> -> memref<1x128xi32, #tpu.memory_space<hbm>>
      %dma_wait3A_463 = tpu.memref_squeeze %dma_wait3A_462 : memref<1x128xi32, #tpu.memory_space<hbm>> -> memref<128xi32, #tpu.memory_space<hbm>>
      %dma_wait3A_464 = arith.constant 0 : i32
      %dma_wait3A_465 = tpu.memref_slice %arg8[%dma_wait3A_453, %dma_wait3A_464] : memref<4x128xi32, #tpu.memory_space<vmem>> -> memref<1x128xi32, #tpu.memory_space<vmem>>
      %dma_wait3A_466 = tpu.memref_squeeze %dma_wait3A_465 : memref<1x128xi32, #tpu.memory_space<vmem>> -> memref<128xi32, #tpu.memory_space<vmem>>
      %dma_wait3A_467 = arith.constant 0 : i32
      %dma_wait3A_468 = arith.constant 0 : i32
      %dma_wait3A_469 = tpu.memref_slice %arg4[%add3A, %dma_wait3A_467, %dma_wait3A_468] : memref<32x80x128xi32, #tpu.memory_space<hbm>> -> memref<1x80x128xi32, #tpu.memory_space<hbm>>
      %dma_wait3A_470 = tpu.memref_squeeze %dma_wait3A_469 : memref<1x80x128xi32, #tpu.memory_space<hbm>> -> memref<80x128xi32, #tpu.memory_space<hbm>>
      %dma_wait3A_471 = arith.constant 0 : i32
      %dma_wait3A_472 = tpu.memref_slice %dma_wait3A_470[%dma_wait3A_452, %dma_wait3A_471] : memref<80x128xi32, #tpu.memory_space<hbm>> -> memref<1x128xi32, #tpu.memory_space<hbm>>
      %dma_wait3A_473 = tpu.memref_squeeze %dma_wait3A_472 : memref<1x128xi32, #tpu.memory_space<hbm>> -> memref<128xi32, #tpu.memory_space<hbm>>
      tpu.wait_dma2 semaphore(%arg15 : memref<!tpu.dma_semaphore, #tpu.memory_space<semaphore_mem>>) src(%dma_wait3A_473 : memref<128xi32, #tpu.memory_space<hbm>>) dst(%dma_wait3A_466 : memref<128xi32, #tpu.memory_space<vmem>>)
      %run_scoped3A_474 = arith.constant 0 : i32
      %run_scoped3A_475 = arith.constant 2 : i32
      "tpu.region"() ({
        %run_scoped3A_586 = tpu.sem_alloc : memref<!tpu.dma_semaphore, #tpu.memory_space<semaphore_mem>>
        %dma_start3A_587 = arith.constant 0 : i32
        %dma_start3A_588 = arith.constant 0 : i32
        %dma_start3A_589 = tpu.memref_slice %arg9[%run_scoped3A_474, %dma_start3A_587, %dma_start3A_588] : memref<2x128x128xf32, #tpu.memory_space<vmem>> -> memref<1x128x128xf32, #tpu.memory_space<vmem>>
        %dma_start3A_590 = tpu.memref_squeeze %dma_start3A_589 : memref<1x128x128xf32, #tpu.memory_space<vmem>> -> memref<128x128xf32, #tpu.memory_space<vmem>>
        %dma_start3A_591 = arith.constant 0 : i32
        %dma_start3A_592 = tpu.memref_slice %arg8[%run_scoped3A_475, %dma_start3A_591] : memref<4x128xi32, #tpu.memory_space<vmem>> -> memref<1x128xi32, #tpu.memory_space<vmem>>
        %dma_start3A_593 = tpu.memref_squeeze %dma_start3A_592 : memref<1x128xi32, #tpu.memory_space<vmem>> -> memref<128xi32, #tpu.memory_space<vmem>>
        %dma_start3A_594 = arith.constant 0 : i32
        %dma_start3A_595 = arith.constant 0 : i32
        %dma_start3A_596 = tpu.memref_slice %arg10[%dma_start3A_594, %dma_start3A_595] : memref<10240x128xf32, #tpu.memory_space<vmem_shared>> -> memref<10240x128xf32, #tpu.memory_space<vmem_shared>>
        tpu.enqueue_indirect_dma source(%dma_start3A_590 : memref<128x128xf32, #tpu.memory_space<vmem>>) target(%dma_start3A_596 : memref<10240x128xf32, #tpu.memory_space<vmem_shared>>) offsets(%dma_start3A_593 : memref<128xi32, #tpu.memory_space<vmem>>) semaphore(%run_scoped3A_586 : memref<!tpu.dma_semaphore, #tpu.memory_space<semaphore_mem>>) {add = true}
        %dma_wait3A_597 = arith.constant 0 : i32
        %dma_wait3A_598 = arith.constant 0 : i32
        %dma_wait3A_599 = tpu.memref_slice %arg9[%run_scoped3A_474, %dma_wait3A_597, %dma_wait3A_598] : memref<2x128x128xf32, #tpu.memory_space<vmem>> -> memref<1x128x128xf32, #tpu.memory_space<vmem>>
        %dma_wait3A_600 = tpu.memref_squeeze %dma_wait3A_599 : memref<1x128x128xf32, #tpu.memory_space<vmem>> -> memref<128x128xf32, #tpu.memory_space<vmem>>
        %dma_wait3A_601 = arith.constant 0 : i32
        %dma_wait3A_602 = tpu.memref_slice %arg8[%run_scoped3A_475, %dma_wait3A_601] : memref<4x128xi32, #tpu.memory_space<vmem>> -> memref<1x128xi32, #tpu.memory_space<vmem>>
        %dma_wait3A_603 = tpu.memref_squeeze %dma_wait3A_602 : memref<1x128xi32, #tpu.memory_space<vmem>> -> memref<128xi32, #tpu.memory_space<vmem>>
        %dma_wait3A_604 = arith.constant 0 : i32
        %dma_wait3A_605 = arith.constant 0 : i32
        %dma_wait3A_606 = tpu.memref_slice %arg10[%dma_wait3A_604, %dma_wait3A_605] : memref<10240x128xf32, #tpu.memory_space<vmem_shared>> -> memref<10240x128xf32, #tpu.memory_space<vmem_shared>>
        tpu.wait_indirect_dma semaphore(%run_scoped3A_586 : memref<!tpu.dma_semaphore, #tpu.memory_space<semaphore_mem>>) src(%dma_wait3A_600 : memref<128x128xf32, #tpu.memory_space<vmem>>) dst(%dma_wait3A_606 : memref<10240x128xf32, #tpu.memory_space<vmem_shared>>)
        tpu.yield
      }) : () -> ()
      %add3A_476 = arith.constant 4 : i32
      %add3A_477 = arith.addi %add3A_439, %add3A_476 : i32
      %dma_start3A_478 = arith.constant 2 : i32
      %dma_start3A_479 = arith.constant 0 : i32
      %dma_start3A_480 = tpu.memref_slice %arg8[%dma_start3A_478, %dma_start3A_479] : memref<4x128xi32, #tpu.memory_space<vmem>> -> memref<1x128xi32, #tpu.memory_space<vmem>>
      %dma_start3A_481 = tpu.memref_squeeze %dma_start3A_480 : memref<1x128xi32, #tpu.memory_space<vmem>> -> memref<128xi32, #tpu.memory_space<vmem>>
      %dma_start3A_482 = arith.constant 0 : i32
      %dma_start3A_483 = arith.constant 0 : i32
      %dma_start3A_484 = tpu.memref_slice %arg4[%add3A, %dma_start3A_482, %dma_start3A_483] : memref<32x80x128xi32, #tpu.memory_space<hbm>> -> memref<1x80x128xi32, #tpu.memory_space<hbm>>
      %dma_start3A_485 = tpu.memref_squeeze %dma_start3A_484 : memref<1x80x128xi32, #tpu.memory_space<hbm>> -> memref<80x128xi32, #tpu.memory_space<hbm>>
      %dma_start3A_486 = arith.constant 0 : i32
      %dma_start3A_487 = tpu.memref_slice %dma_start3A_485[%add3A_477, %dma_start3A_486] : memref<80x128xi32, #tpu.memory_space<hbm>> -> memref<1x128xi32, #tpu.memory_space<hbm>>
      %dma_start3A_488 = tpu.memref_squeeze %dma_start3A_487 : memref<1x128xi32, #tpu.memory_space<hbm>> -> memref<128xi32, #tpu.memory_space<hbm>>
      %dma_start3A_489 = arith.constant 0 : i32
      %dma_start3A_490 = tpu.memref_slice %arg8[%dma_start3A_478, %dma_start3A_489] : memref<4x128xi32, #tpu.memory_space<vmem>> -> memref<1x128xi32, #tpu.memory_space<vmem>>
      %dma_start3A_491 = tpu.memref_squeeze %dma_start3A_490 : memref<1x128xi32, #tpu.memory_space<vmem>> -> memref<128xi32, #tpu.memory_space<vmem>>
      %dma_start3A_492 = arith.constant 0 : i32
      %dma_start3A_493 = arith.constant 0 : i32
      %dma_start3A_494 = tpu.memref_slice %arg4[%add3A, %dma_start3A_492, %dma_start3A_493] : memref<32x80x128xi32, #tpu.memory_space<hbm>> -> memref<1x80x128xi32, #tpu.memory_space<hbm>>
      %dma_start3A_495 = tpu.memref_squeeze %dma_start3A_494 : memref<1x80x128xi32, #tpu.memory_space<hbm>> -> memref<80x128xi32, #tpu.memory_space<hbm>>
      %dma_start3A_496 = arith.constant 0 : i32
      %dma_start3A_497 = tpu.memref_slice %dma_start3A_495[%add3A_477, %dma_start3A_496] : memref<80x128xi32, #tpu.memory_space<hbm>> -> memref<1x128xi32, #tpu.memory_space<hbm>>
      %dma_start3A_498 = tpu.memref_squeeze %dma_start3A_497 : memref<1x128xi32, #tpu.memory_space<hbm>> -> memref<128xi32, #tpu.memory_space<hbm>>
      tpu.enqueue_dma source(%dma_start3A_498 : memref<128xi32, #tpu.memory_space<hbm>>) target(%dma_start3A_491 : memref<128xi32, #tpu.memory_space<vmem>>) target_semaphore(%arg15 : memref<!tpu.dma_semaphore, #tpu.memory_space<semaphore_mem>>)
      %add3A_499 = arith.constant 2 : i32
      %add3A_500 = arith.addi %add3A_439, %add3A_499 : i32
      %dma_start3A_501 = arith.constant 0 : i32
      %dma_start3A_502 = arith.constant 0 : i32
      %dma_start3A_503 = arith.constant 0 : i32
      %dma_start3A_504 = tpu.memref_slice %arg9[%dma_start3A_501, %dma_start3A_502, %dma_start3A_503] : memref<2x128x128xf32, #tpu.memory_space<vmem>> -> memref<1x128x128xf32, #tpu.memory_space<vmem>>
      %dma_start3A_505 = tpu.memref_squeeze %dma_start3A_504 : memref<1x128x128xf32, #tpu.memory_space<vmem>> -> memref<128x128xf32, #tpu.memory_space<vmem>>
      %dma_start3A_506 = arith.constant 0 : i32
      %dma_start3A_507 = tpu.memref_slice %arg7[%add3A_500, %dma_start3A_506] : memref<80x128xi32, #tpu.memory_space<vmem>> -> memref<1x128xi32, #tpu.memory_space<vmem>>
      %dma_start3A_508 = tpu.memref_squeeze %dma_start3A_507 : memref<1x128xi32, #tpu.memory_space<vmem>> -> memref<128xi32, #tpu.memory_space<vmem>>
      %dma_start3A_509 = arith.constant 0 : i32
      %dma_start3A_510 = arith.constant 0 : i32
      %dma_start3A_511 = tpu.memref_slice %arg2[%dma_start3A_509, %dma_start3A_510] : memref<10000x128xf32, #tpu.memory_space<hbm>> -> memref<10000x128xf32, #tpu.memory_space<hbm>>
      tpu.enqueue_indirect_dma source(%dma_start3A_511 : memref<10000x128xf32, #tpu.memory_space<hbm>>) target(%dma_start3A_505 : memref<128x128xf32, #tpu.memory_space<vmem>>) offsets(%dma_start3A_508 : memref<128xi32, #tpu.memory_space<vmem>>) semaphore(%arg11 : memref<!tpu.dma_semaphore, #tpu.memory_space<semaphore_mem>>)
      %add3A_512 = arith.constant 3 : i32
      %add3A_513 = arith.addi %add3A_289, %add3A_512 : i32
      %dma_wait3A_514 = arith.constant 0 : i32
      %dma_wait3A_515 = arith.constant 1 : i32
      %dma_wait3A_516 = arith.constant 0 : i32
      %dma_wait3A_517 = arith.constant 0 : i32
      %dma_wait3A_518 = tpu.memref_slice %arg9[%dma_wait3A_515, %dma_wait3A_516, %dma_wait3A_517] : memref<2x128x128xf32, #tpu.memory_space<vmem>> -> memref<1x128x128xf32, #tpu.memory_space<vmem>>
      %dma_wait3A_519 = tpu.memref_squeeze %dma_wait3A_518 : memref<1x128x128xf32, #tpu.memory_space<vmem>> -> memref<128x128xf32, #tpu.memory_space<vmem>>
      %dma_wait3A_520 = arith.constant 0 : i32
      %dma_wait3A_521 = tpu.memref_slice %arg7[%dma_wait3A_514, %dma_wait3A_520] : memref<80x128xi32, #tpu.memory_space<vmem>> -> memref<1x128xi32, #tpu.memory_space<vmem>>
      %dma_wait3A_522 = tpu.memref_squeeze %dma_wait3A_521 : memref<1x128xi32, #tpu.memory_space<vmem>> -> memref<128xi32, #tpu.memory_space<vmem>>
      %dma_wait3A_523 = arith.constant 0 : i32
      %dma_wait3A_524 = arith.constant 0 : i32
      %dma_wait3A_525 = tpu.memref_slice %arg2[%dma_wait3A_523, %dma_wait3A_524] : memref<10000x128xf32, #tpu.memory_space<hbm>> -> memref<10000x128xf32, #tpu.memory_space<hbm>>
      tpu.wait_indirect_dma semaphore(%arg12 : memref<!tpu.dma_semaphore, #tpu.memory_space<semaphore_mem>>) src(%dma_wait3A_525 : memref<10000x128xf32, #tpu.memory_space<hbm>>) dst(%dma_wait3A_519 : memref<128x128xf32, #tpu.memory_space<vmem>>)
      %dma_wait3A_526 = arith.constant 0 : i32
      %dma_wait3A_527 = arith.constant 3 : i32
      %dma_wait3A_528 = arith.constant 0 : i32
      %dma_wait3A_529 = tpu.memref_slice %arg8[%dma_wait3A_527, %dma_wait3A_528] : memref<4x128xi32, #tpu.memory_space<vmem>> -> memref<1x128xi32, #tpu.memory_space<vmem>>
      %dma_wait3A_530 = tpu.memref_squeeze %dma_wait3A_529 : memref<1x128xi32, #tpu.memory_space<vmem>> -> memref<128xi32, #tpu.memory_space<vmem>>
      %dma_wait3A_531 = arith.constant 0 : i32
      %dma_wait3A_532 = arith.constant 0 : i32
      %dma_wait3A_533 = tpu.memref_slice %arg4[%add3A, %dma_wait3A_531, %dma_wait3A_532] : memref<32x80x128xi32, #tpu.memory_space<hbm>> -> memref<1x80x128xi32, #tpu.memory_space<hbm>>
      %dma_wait3A_534 = tpu.memref_squeeze %dma_wait3A_533 : memref<1x80x128xi32, #tpu.memory_space<hbm>> -> memref<80x128xi32, #tpu.memory_space<hbm>>
      %dma_wait3A_535 = arith.constant 0 : i32
      %dma_wait3A_536 = tpu.memref_slice %dma_wait3A_534[%dma_wait3A_526, %dma_wait3A_535] : memref<80x128xi32, #tpu.memory_space<hbm>> -> memref<1x128xi32, #tpu.memory_space<hbm>>
      %dma_wait3A_537 = tpu.memref_squeeze %dma_wait3A_536 : memref<1x128xi32, #tpu.memory_space<hbm>> -> memref<128xi32, #tpu.memory_space<hbm>>
      %dma_wait3A_538 = arith.constant 0 : i32
      %dma_wait3A_539 = tpu.memref_slice %arg8[%dma_wait3A_527, %dma_wait3A_538] : memref<4x128xi32, #tpu.memory_space<vmem>> -> memref<1x128xi32, #tpu.memory_space<vmem>>
      %dma_wait3A_540 = tpu.memref_squeeze %dma_wait3A_539 : memref<1x128xi32, #tpu.memory_space<vmem>> -> memref<128xi32, #tpu.memory_space<vmem>>
      %dma_wait3A_541 = arith.constant 0 : i32
      %dma_wait3A_542 = arith.constant 0 : i32
      %dma_wait3A_543 = tpu.memref_slice %arg4[%add3A, %dma_wait3A_541, %dma_wait3A_542] : memref<32x80x128xi32, #tpu.memory_space<hbm>> -> memref<1x80x128xi32, #tpu.memory_space<hbm>>
      %dma_wait3A_544 = tpu.memref_squeeze %dma_wait3A_543 : memref<1x80x128xi32, #tpu.memory_space<hbm>> -> memref<80x128xi32, #tpu.memory_space<hbm>>
      %dma_wait3A_545 = arith.constant 0 : i32
      %dma_wait3A_546 = tpu.memref_slice %dma_wait3A_544[%dma_wait3A_526, %dma_wait3A_545] : memref<80x128xi32, #tpu.memory_space<hbm>> -> memref<1x128xi32, #tpu.memory_space<hbm>>
      %dma_wait3A_547 = tpu.memref_squeeze %dma_wait3A_546 : memref<1x128xi32, #tpu.memory_space<hbm>> -> memref<128xi32, #tpu.memory_space<hbm>>
      tpu.wait_dma2 semaphore(%arg16 : memref<!tpu.dma_semaphore, #tpu.memory_space<semaphore_mem>>) src(%dma_wait3A_547 : memref<128xi32, #tpu.memory_space<hbm>>) dst(%dma_wait3A_540 : memref<128xi32, #tpu.memory_space<vmem>>)
      %run_scoped3A_548 = arith.constant 1 : i32
      %run_scoped3A_549 = arith.constant 3 : i32
      "tpu.region"() ({
        %run_scoped3A_586 = tpu.sem_alloc : memref<!tpu.dma_semaphore, #tpu.memory_space<semaphore_mem>>
        %dma_start3A_587 = arith.constant 0 : i32
        %dma_start3A_588 = arith.constant 0 : i32
        %dma_start3A_589 = tpu.memref_slice %arg9[%run_scoped3A_548, %dma_start3A_587, %dma_start3A_588] : memref<2x128x128xf32, #tpu.memory_space<vmem>> -> memref<1x128x128xf32, #tpu.memory_space<vmem>>
        %dma_start3A_590 = tpu.memref_squeeze %dma_start3A_589 : memref<1x128x128xf32, #tpu.memory_space<vmem>> -> memref<128x128xf32, #tpu.memory_space<vmem>>
        %dma_start3A_591 = arith.constant 0 : i32
        %dma_start3A_592 = tpu.memref_slice %arg8[%run_scoped3A_549, %dma_start3A_591] : memref<4x128xi32, #tpu.memory_space<vmem>> -> memref<1x128xi32, #tpu.memory_space<vmem>>
        %dma_start3A_593 = tpu.memref_squeeze %dma_start3A_592 : memref<1x128xi32, #tpu.memory_space<vmem>> -> memref<128xi32, #tpu.memory_space<vmem>>
        %dma_start3A_594 = arith.constant 0 : i32
        %dma_start3A_595 = arith.constant 0 : i32
        %dma_start3A_596 = tpu.memref_slice %arg10[%dma_start3A_594, %dma_start3A_595] : memref<10240x128xf32, #tpu.memory_space<vmem_shared>> -> memref<10240x128xf32, #tpu.memory_space<vmem_shared>>
        tpu.enqueue_indirect_dma source(%dma_start3A_590 : memref<128x128xf32, #tpu.memory_space<vmem>>) target(%dma_start3A_596 : memref<10240x128xf32, #tpu.memory_space<vmem_shared>>) offsets(%dma_start3A_593 : memref<128xi32, #tpu.memory_space<vmem>>) semaphore(%run_scoped3A_586 : memref<!tpu.dma_semaphore, #tpu.memory_space<semaphore_mem>>) {add = true}
        %dma_wait3A_597 = arith.constant 0 : i32
        %dma_wait3A_598 = arith.constant 0 : i32
        %dma_wait3A_599 = tpu.memref_slice %arg9[%run_scoped3A_548, %dma_wait3A_597, %dma_wait3A_598] : memref<2x128x128xf32, #tpu.memory_space<vmem>> -> memref<1x128x128xf32, #tpu.memory_space<vmem>>
        %dma_wait3A_600 = tpu.memref_squeeze %dma_wait3A_599 : memref<1x128x128xf32, #tpu.memory_space<vmem>> -> memref<128x128xf32, #tpu.memory_space<vmem>>
        %dma_wait3A_601 = arith.constant 0 : i32
        %dma_wait3A_602 = tpu.memref_slice %arg8[%run_scoped3A_549, %dma_wait3A_601] : memref<4x128xi32, #tpu.memory_space<vmem>> -> memref<1x128xi32, #tpu.memory_space<vmem>>
        %dma_wait3A_603 = tpu.memref_squeeze %dma_wait3A_602 : memref<1x128xi32, #tpu.memory_space<vmem>> -> memref<128xi32, #tpu.memory_space<vmem>>
        %dma_wait3A_604 = arith.constant 0 : i32
        %dma_wait3A_605 = arith.constant 0 : i32
        %dma_wait3A_606 = tpu.memref_slice %arg10[%dma_wait3A_604, %dma_wait3A_605] : memref<10240x128xf32, #tpu.memory_space<vmem_shared>> -> memref<10240x128xf32, #tpu.memory_space<vmem_shared>>
        tpu.wait_indirect_dma semaphore(%run_scoped3A_586 : memref<!tpu.dma_semaphore, #tpu.memory_space<semaphore_mem>>) src(%dma_wait3A_600 : memref<128x128xf32, #tpu.memory_space<vmem>>) dst(%dma_wait3A_606 : memref<10240x128xf32, #tpu.memory_space<vmem_shared>>)
        tpu.yield
      }) : () -> ()
      %add3A_550 = arith.constant 4 : i32
      %add3A_551 = arith.addi %add3A_513, %add3A_550 : i32
      %dma_start3A_552 = arith.constant 3 : i32
      %dma_start3A_553 = arith.constant 0 : i32
      %dma_start3A_554 = tpu.memref_slice %arg8[%dma_start3A_552, %dma_start3A_553] : memref<4x128xi32, #tpu.memory_space<vmem>> -> memref<1x128xi32, #tpu.memory_space<vmem>>
      %dma_start3A_555 = tpu.memref_squeeze %dma_start3A_554 : memref<1x128xi32, #tpu.memory_space<vmem>> -> memref<128xi32, #tpu.memory_space<vmem>>
      %dma_start3A_556 = arith.constant 0 : i32
      %dma_start3A_557 = arith.constant 0 : i32
      %dma_start3A_558 = tpu.memref_slice %arg4[%add3A, %dma_start3A_556, %dma_start3A_557] : memref<32x80x128xi32, #tpu.memory_space<hbm>> -> memref<1x80x128xi32, #tpu.memory_space<hbm>>
      %dma_start3A_559 = tpu.memref_squeeze %dma_start3A_558 : memref<1x80x128xi32, #tpu.memory_space<hbm>> -> memref<80x128xi32, #tpu.memory_space<hbm>>
      %dma_start3A_560 = arith.constant 0 : i32
      %dma_start3A_561 = tpu.memref_slice %dma_start3A_559[%add3A_551, %dma_start3A_560] : memref<80x128xi32, #tpu.memory_space<hbm>> -> memref<1x128xi32, #tpu.memory_space<hbm>>
      %dma_start3A_562 = tpu.memref_squeeze %dma_start3A_561 : memref<1x128xi32, #tpu.memory_space<hbm>> -> memref<128xi32, #tpu.memory_space<hbm>>
      %dma_start3A_563 = arith.constant 0 : i32
      %dma_start3A_564 = tpu.memref_slice %arg8[%dma_start3A_552, %dma_start3A_563] : memref<4x128xi32, #tpu.memory_space<vmem>> -> memref<1x128xi32, #tpu.memory_space<vmem>>
      %dma_start3A_565 = tpu.memref_squeeze %dma_start3A_564 : memref<1x128xi32, #tpu.memory_space<vmem>> -> memref<128xi32, #tpu.memory_space<vmem>>
      %dma_start3A_566 = arith.constant 0 : i32
      %dma_start3A_567 = arith.constant 0 : i32
      %dma_start3A_568 = tpu.memref_slice %arg4[%add3A, %dma_start3A_566, %dma_start3A_567] : memref<32x80x128xi32, #tpu.memory_space<hbm>> -> memref<1x80x128xi32, #tpu.memory_space<hbm>>
      %dma_start3A_569 = tpu.memref_squeeze %dma_start3A_568 : memref<1x80x128xi32, #tpu.memory_space<hbm>> -> memref<80x128xi32, #tpu.memory_space<hbm>>
      %dma_start3A_570 = arith.constant 0 : i32
      %dma_start3A_571 = tpu.memref_slice %dma_start3A_569[%add3A_551, %dma_start3A_570] : memref<80x128xi32, #tpu.memory_space<hbm>> -> memref<1x128xi32, #tpu.memory_space<hbm>>
      %dma_start3A_572 = tpu.memref_squeeze %dma_start3A_571 : memref<1x128xi32, #tpu.memory_space<hbm>> -> memref<128xi32, #tpu.memory_space<hbm>>
      tpu.enqueue_dma source(%dma_start3A_572 : memref<128xi32, #tpu.memory_space<hbm>>) target(%dma_start3A_565 : memref<128xi32, #tpu.memory_space<vmem>>) target_semaphore(%arg16 : memref<!tpu.dma_semaphore, #tpu.memory_space<semaphore_mem>>)
      %add3A_573 = arith.constant 2 : i32
      %add3A_574 = arith.addi %add3A_513, %add3A_573 : i32
      %dma_start3A_575 = arith.constant 1 : i32
      %dma_start3A_576 = arith.constant 0 : i32
      %dma_start3A_577 = arith.constant 0 : i32
      %dma_start3A_578 = tpu.memref_slice %arg9[%dma_start3A_575, %dma_start3A_576, %dma_start3A_577] : memref<2x128x128xf32, #tpu.memory_space<vmem>> -> memref<1x128x128xf32, #tpu.memory_space<vmem>>
      %dma_start3A_579 = tpu.memref_squeeze %dma_start3A_578 : memref<1x128x128xf32, #tpu.memory_space<vmem>> -> memref<128x128xf32, #tpu.memory_space<vmem>>
      %dma_start3A_580 = arith.constant 0 : i32
      %dma_start3A_581 = tpu.memref_slice %arg7[%add3A_574, %dma_start3A_580] : memref<80x128xi32, #tpu.memory_space<vmem>> -> memref<1x128xi32, #tpu.memory_space<vmem>>
      %dma_start3A_582 = tpu.memref_squeeze %dma_start3A_581 : memref<1x128xi32, #tpu.memory_space<vmem>> -> memref<128xi32, #tpu.memory_space<vmem>>
      %dma_start3A_583 = arith.constant 0 : i32
      %dma_start3A_584 = arith.constant 0 : i32
      %dma_start3A_585 = tpu.memref_slice %arg2[%dma_start3A_583, %dma_start3A_584] : memref<10000x128xf32, #tpu.memory_space<hbm>> -> memref<10000x128xf32, #tpu.memory_space<hbm>>
      tpu.enqueue_indirect_dma source(%dma_start3A_585 : memref<10000x128xf32, #tpu.memory_space<hbm>>) target(%dma_start3A_579 : memref<128x128xf32, #tpu.memory_space<vmem>>) offsets(%dma_start3A_582 : memref<128xi32, #tpu.memory_space<vmem>>) semaphore(%arg12 : memref<!tpu.dma_semaphore, #tpu.memory_space<semaphore_mem>>)
    }
    %scan3A_117 = arith.constant 19 : i32
    %dma_wait3A = arith.constant 0 : i32
    %dma_wait3A_118 = arith.constant 0 : i32
    %dma_wait3A_119 = arith.constant 0 : i32
    %dma_wait3A_120 = arith.constant 0 : i32
    %dma_wait3A_121 = tpu.memref_slice %arg9[%dma_wait3A_118, %dma_wait3A_119, %dma_wait3A_120] : memref<2x128x128xf32, #tpu.memory_space<vmem>> -> memref<1x128x128xf32, #tpu.memory_space<vmem>>
    %dma_wait3A_122 = tpu.memref_squeeze %dma_wait3A_121 : memref<1x128x128xf32, #tpu.memory_space<vmem>> -> memref<128x128xf32, #tpu.memory_space<vmem>>
    %dma_wait3A_123 = arith.constant 0 : i32
    %dma_wait3A_124 = tpu.memref_slice %arg7[%dma_wait3A, %dma_wait3A_123] : memref<80x128xi32, #tpu.memory_space<vmem>> -> memref<1x128xi32, #tpu.memory_space<vmem>>
    %dma_wait3A_125 = tpu.memref_squeeze %dma_wait3A_124 : memref<1x128xi32, #tpu.memory_space<vmem>> -> memref<128xi32, #tpu.memory_space<vmem>>
    %dma_wait3A_126 = arith.constant 0 : i32
    %dma_wait3A_127 = arith.constant 0 : i32
    %dma_wait3A_128 = tpu.memref_slice %arg2[%dma_wait3A_126, %dma_wait3A_127] : memref<10000x128xf32, #tpu.memory_space<hbm>> -> memref<10000x128xf32, #tpu.memory_space<hbm>>
    tpu.wait_indirect_dma semaphore(%arg11 : memref<!tpu.dma_semaphore, #tpu.memory_space<semaphore_mem>>) src(%dma_wait3A_128 : memref<10000x128xf32, #tpu.memory_space<hbm>>) dst(%dma_wait3A_122 : memref<128x128xf32, #tpu.memory_space<vmem>>)
    %dma_wait3A_129 = arith.constant 0 : i32
    %dma_wait3A_130 = arith.constant 0 : i32
    %dma_wait3A_131 = arith.constant 0 : i32
    %dma_wait3A_132 = tpu.memref_slice %arg8[%dma_wait3A_130, %dma_wait3A_131] : memref<4x128xi32, #tpu.memory_space<vmem>> -> memref<1x128xi32, #tpu.memory_space<vmem>>
    %dma_wait3A_133 = tpu.memref_squeeze %dma_wait3A_132 : memref<1x128xi32, #tpu.memory_space<vmem>> -> memref<128xi32, #tpu.memory_space<vmem>>
    %dma_wait3A_134 = arith.constant 0 : i32
    %dma_wait3A_135 = arith.constant 0 : i32
    %dma_wait3A_136 = tpu.memref_slice %arg4[%add3A, %dma_wait3A_134, %dma_wait3A_135] : memref<32x80x128xi32, #tpu.memory_space<hbm>> -> memref<1x80x128xi32, #tpu.memory_space<hbm>>
    %dma_wait3A_137 = tpu.memref_squeeze %dma_wait3A_136 : memref<1x80x128xi32, #tpu.memory_space<hbm>> -> memref<80x128xi32, #tpu.memory_space<hbm>>
    %dma_wait3A_138 = arith.constant 0 : i32
    %dma_wait3A_139 = tpu.memref_slice %dma_wait3A_137[%dma_wait3A_129, %dma_wait3A_138] : memref<80x128xi32, #tpu.memory_space<hbm>> -> memref<1x128xi32, #tpu.memory_space<hbm>>
    %dma_wait3A_140 = tpu.memref_squeeze %dma_wait3A_139 : memref<1x128xi32, #tpu.memory_space<hbm>> -> memref<128xi32, #tpu.memory_space<hbm>>
    %dma_wait3A_141 = arith.constant 0 : i32
    %dma_wait3A_142 = tpu.memref_slice %arg8[%dma_wait3A_130, %dma_wait3A_141] : memref<4x128xi32, #tpu.memory_space<vmem>> -> memref<1x128xi32, #tpu.memory_space<vmem>>
    %dma_wait3A_143 = tpu.memref_squeeze %dma_wait3A_142 : memref<1x128xi32, #tpu.memory_space<vmem>> -> memref<128xi32, #tpu.memory_space<vmem>>
    %dma_wait3A_144 = arith.constant 0 : i32
    %dma_wait3A_145 = arith.constant 0 : i32
    %dma_wait3A_146 = tpu.memref_slice %arg4[%add3A, %dma_wait3A_144, %dma_wait3A_145] : memref<32x80x128xi32, #tpu.memory_space<hbm>> -> memref<1x80x128xi32, #tpu.memory_space<hbm>>
    %dma_wait3A_147 = tpu.memref_squeeze %dma_wait3A_146 : memref<1x80x128xi32, #tpu.memory_space<hbm>> -> memref<80x128xi32, #tpu.memory_space<hbm>>
    %dma_wait3A_148 = arith.constant 0 : i32
    %dma_wait3A_149 = tpu.memref_slice %dma_wait3A_147[%dma_wait3A_129, %dma_wait3A_148] : memref<80x128xi32, #tpu.memory_space<hbm>> -> memref<1x128xi32, #tpu.memory_space<hbm>>
    %dma_wait3A_150 = tpu.memref_squeeze %dma_wait3A_149 : memref<1x128xi32, #tpu.memory_space<hbm>> -> memref<128xi32, #tpu.memory_space<hbm>>
    tpu.wait_dma2 semaphore(%arg13 : memref<!tpu.dma_semaphore, #tpu.memory_space<semaphore_mem>>) src(%dma_wait3A_150 : memref<128xi32, #tpu.memory_space<hbm>>) dst(%dma_wait3A_143 : memref<128xi32, #tpu.memory_space<vmem>>)
    %run_scoped3A = arith.constant 0 : i32
    %run_scoped3A_151 = arith.constant 0 : i32
    "tpu.region"() ({
      %run_scoped3A_285 = tpu.sem_alloc : memref<!tpu.dma_semaphore, #tpu.memory_space<semaphore_mem>>
      %dma_start3A_286 = arith.constant 0 : i32
      %dma_start3A_287 = arith.constant 0 : i32
      %dma_start3A_288 = tpu.memref_slice %arg9[%run_scoped3A, %dma_start3A_286, %dma_start3A_287] : memref<2x128x128xf32, #tpu.memory_space<vmem>> -> memref<1x128x128xf32, #tpu.memory_space<vmem>>
      %dma_start3A_289 = tpu.memref_squeeze %dma_start3A_288 : memref<1x128x128xf32, #tpu.memory_space<vmem>> -> memref<128x128xf32, #tpu.memory_space<vmem>>
      %dma_start3A_290 = arith.constant 0 : i32
      %dma_start3A_291 = tpu.memref_slice %arg8[%run_scoped3A_151, %dma_start3A_290] : memref<4x128xi32, #tpu.memory_space<vmem>> -> memref<1x128xi32, #tpu.memory_space<vmem>>
      %dma_start3A_292 = tpu.memref_squeeze %dma_start3A_291 : memref<1x128xi32, #tpu.memory_space<vmem>> -> memref<128xi32, #tpu.memory_space<vmem>>
      %dma_start3A_293 = arith.constant 0 : i32
      %dma_start3A_294 = arith.constant 0 : i32
      %dma_start3A_295 = tpu.memref_slice %arg10[%dma_start3A_293, %dma_start3A_294] : memref<10240x128xf32, #tpu.memory_space<vmem_shared>> -> memref<10240x128xf32, #tpu.memory_space<vmem_shared>>
      tpu.enqueue_indirect_dma source(%dma_start3A_289 : memref<128x128xf32, #tpu.memory_space<vmem>>) target(%dma_start3A_295 : memref<10240x128xf32, #tpu.memory_space<vmem_shared>>) offsets(%dma_start3A_292 : memref<128xi32, #tpu.memory_space<vmem>>) semaphore(%run_scoped3A_285 : memref<!tpu.dma_semaphore, #tpu.memory_space<semaphore_mem>>) {add = true}
      %dma_wait3A_296 = arith.constant 0 : i32
      %dma_wait3A_297 = arith.constant 0 : i32
      %dma_wait3A_298 = tpu.memref_slice %arg9[%run_scoped3A, %dma_wait3A_296, %dma_wait3A_297] : memref<2x128x128xf32, #tpu.memory_space<vmem>> -> memref<1x128x128xf32, #tpu.memory_space<vmem>>
      %dma_wait3A_299 = tpu.memref_squeeze %dma_wait3A_298 : memref<1x128x128xf32, #tpu.memory_space<vmem>> -> memref<128x128xf32, #tpu.memory_space<vmem>>
      %dma_wait3A_300 = arith.constant 0 : i32
      %dma_wait3A_301 = tpu.memref_slice %arg8[%run_scoped3A_151, %dma_wait3A_300] : memref<4x128xi32, #tpu.memory_space<vmem>> -> memref<1x128xi32, #tpu.memory_space<vmem>>
      %dma_wait3A_302 = tpu.memref_squeeze %dma_wait3A_301 : memref<1x128xi32, #tpu.memory_space<vmem>> -> memref<128xi32, #tpu.memory_space<vmem>>
      %dma_wait3A_303 = arith.constant 0 : i32
      %dma_wait3A_304 = arith.constant 0 : i32
      %dma_wait3A_305 = tpu.memref_slice %arg10[%dma_wait3A_303, %dma_wait3A_304] : memref<10240x128xf32, #tpu.memory_space<vmem_shared>> -> memref<10240x128xf32, #tpu.memory_space<vmem_shared>>
      tpu.wait_indirect_dma semaphore(%run_scoped3A_285 : memref<!tpu.dma_semaphore, #tpu.memory_space<semaphore_mem>>) src(%dma_wait3A_299 : memref<128x128xf32, #tpu.memory_space<vmem>>) dst(%dma_wait3A_305 : memref<10240x128xf32, #tpu.memory_space<vmem_shared>>)
      tpu.yield
    }) : () -> ()
    %dma_start3A_152 = arith.constant 78 : i32
    %dma_start3A_153 = arith.constant 0 : i32
    %dma_start3A_154 = arith.constant 0 : i32
    %dma_start3A_155 = arith.constant 0 : i32
    %dma_start3A_156 = tpu.memref_slice %arg9[%dma_start3A_153, %dma_start3A_154, %dma_start3A_155] : memref<2x128x128xf32, #tpu.memory_space<vmem>> -> memref<1x128x128xf32, #tpu.memory_space<vmem>>
    %dma_start3A_157 = tpu.memref_squeeze %dma_start3A_156 : memref<1x128x128xf32, #tpu.memory_space<vmem>> -> memref<128x128xf32, #tpu.memory_space<vmem>>
    %dma_start3A_158 = arith.constant 0 : i32
    %dma_start3A_159 = tpu.memref_slice %arg7[%dma_start3A_152, %dma_start3A_158] : memref<80x128xi32, #tpu.memory_space<vmem>> -> memref<1x128xi32, #tpu.memory_space<vmem>>
    %dma_start3A_160 = tpu.memref_squeeze %dma_start3A_159 : memref<1x128xi32, #tpu.memory_space<vmem>> -> memref<128xi32, #tpu.memory_space<vmem>>
    %dma_start3A_161 = arith.constant 0 : i32
    %dma_start3A_162 = arith.constant 0 : i32
    %dma_start3A_163 = tpu.memref_slice %arg2[%dma_start3A_161, %dma_start3A_162] : memref<10000x128xf32, #tpu.memory_space<hbm>> -> memref<10000x128xf32, #tpu.memory_space<hbm>>
    tpu.enqueue_indirect_dma source(%dma_start3A_163 : memref<10000x128xf32, #tpu.memory_space<hbm>>) target(%dma_start3A_157 : memref<128x128xf32, #tpu.memory_space<vmem>>) offsets(%dma_start3A_160 : memref<128xi32, #tpu.memory_space<vmem>>) semaphore(%arg11 : memref<!tpu.dma_semaphore, #tpu.memory_space<semaphore_mem>>)
    %dma_wait3A_164 = arith.constant 0 : i32
    %dma_wait3A_165 = arith.constant 1 : i32
    %dma_wait3A_166 = arith.constant 0 : i32
    %dma_wait3A_167 = arith.constant 0 : i32
    %dma_wait3A_168 = tpu.memref_slice %arg9[%dma_wait3A_165, %dma_wait3A_166, %dma_wait3A_167] : memref<2x128x128xf32, #tpu.memory_space<vmem>> -> memref<1x128x128xf32, #tpu.memory_space<vmem>>
    %dma_wait3A_169 = tpu.memref_squeeze %dma_wait3A_168 : memref<1x128x128xf32, #tpu.memory_space<vmem>> -> memref<128x128xf32, #tpu.memory_space<vmem>>
    %dma_wait3A_170 = arith.constant 0 : i32
    %dma_wait3A_171 = tpu.memref_slice %arg7[%dma_wait3A_164, %dma_wait3A_170] : memref<80x128xi32, #tpu.memory_space<vmem>> -> memref<1x128xi32, #tpu.memory_space<vmem>>
    %dma_wait3A_172 = tpu.memref_squeeze %dma_wait3A_171 : memref<1x128xi32, #tpu.memory_space<vmem>> -> memref<128xi32, #tpu.memory_space<vmem>>
    %dma_wait3A_173 = arith.constant 0 : i32
    %dma_wait3A_174 = arith.constant 0 : i32
    %dma_wait3A_175 = tpu.memref_slice %arg2[%dma_wait3A_173, %dma_wait3A_174] : memref<10000x128xf32, #tpu.memory_space<hbm>> -> memref<10000x128xf32, #tpu.memory_space<hbm>>
    tpu.wait_indirect_dma semaphore(%arg12 : memref<!tpu.dma_semaphore, #tpu.memory_space<semaphore_mem>>) src(%dma_wait3A_175 : memref<10000x128xf32, #tpu.memory_space<hbm>>) dst(%dma_wait3A_169 : memref<128x128xf32, #tpu.memory_space<vmem>>)
    %dma_wait3A_176 = arith.constant 0 : i32
    %dma_wait3A_177 = arith.constant 1 : i32
    %dma_wait3A_178 = arith.constant 0 : i32
    %dma_wait3A_179 = tpu.memref_slice %arg8[%dma_wait3A_177, %dma_wait3A_178] : memref<4x128xi32, #tpu.memory_space<vmem>> -> memref<1x128xi32, #tpu.memory_space<vmem>>
    %dma_wait3A_180 = tpu.memref_squeeze %dma_wait3A_179 : memref<1x128xi32, #tpu.memory_space<vmem>> -> memref<128xi32, #tpu.memory_space<vmem>>
    %dma_wait3A_181 = arith.constant 0 : i32
    %dma_wait3A_182 = arith.constant 0 : i32
    %dma_wait3A_183 = tpu.memref_slice %arg4[%add3A, %dma_wait3A_181, %dma_wait3A_182] : memref<32x80x128xi32, #tpu.memory_space<hbm>> -> memref<1x80x128xi32, #tpu.memory_space<hbm>>
    %dma_wait3A_184 = tpu.memref_squeeze %dma_wait3A_183 : memref<1x80x128xi32, #tpu.memory_space<hbm>> -> memref<80x128xi32, #tpu.memory_space<hbm>>
    %dma_wait3A_185 = arith.constant 0 : i32
    %dma_wait3A_186 = tpu.memref_slice %dma_wait3A_184[%dma_wait3A_176, %dma_wait3A_185] : memref<80x128xi32, #tpu.memory_space<hbm>> -> memref<1x128xi32, #tpu.memory_space<hbm>>
    %dma_wait3A_187 = tpu.memref_squeeze %dma_wait3A_186 : memref<1x128xi32, #tpu.memory_space<hbm>> -> memref<128xi32, #tpu.memory_space<hbm>>
    %dma_wait3A_188 = arith.constant 0 : i32
    %dma_wait3A_189 = tpu.memref_slice %arg8[%dma_wait3A_177, %dma_wait3A_188] : memref<4x128xi32, #tpu.memory_space<vmem>> -> memref<1x128xi32, #tpu.memory_space<vmem>>
    %dma_wait3A_190 = tpu.memref_squeeze %dma_wait3A_189 : memref<1x128xi32, #tpu.memory_space<vmem>> -> memref<128xi32, #tpu.memory_space<vmem>>
    %dma_wait3A_191 = arith.constant 0 : i32
    %dma_wait3A_192 = arith.constant 0 : i32
    %dma_wait3A_193 = tpu.memref_slice %arg4[%add3A, %dma_wait3A_191, %dma_wait3A_192] : memref<32x80x128xi32, #tpu.memory_space<hbm>> -> memref<1x80x128xi32, #tpu.memory_space<hbm>>
    %dma_wait3A_194 = tpu.memref_squeeze %dma_wait3A_193 : memref<1x80x128xi32, #tpu.memory_space<hbm>> -> memref<80x128xi32, #tpu.memory_space<hbm>>
    %dma_wait3A_195 = arith.constant 0 : i32
    %dma_wait3A_196 = tpu.memref_slice %dma_wait3A_194[%dma_wait3A_176, %dma_wait3A_195] : memref<80x128xi32, #tpu.memory_space<hbm>> -> memref<1x128xi32, #tpu.memory_space<hbm>>
    %dma_wait3A_197 = tpu.memref_squeeze %dma_wait3A_196 : memref<1x128xi32, #tpu.memory_space<hbm>> -> memref<128xi32, #tpu.memory_space<hbm>>
    tpu.wait_dma2 semaphore(%arg14 : memref<!tpu.dma_semaphore, #tpu.memory_space<semaphore_mem>>) src(%dma_wait3A_197 : memref<128xi32, #tpu.memory_space<hbm>>) dst(%dma_wait3A_190 : memref<128xi32, #tpu.memory_space<vmem>>)
    %run_scoped3A_198 = arith.constant 1 : i32
    %run_scoped3A_199 = arith.constant 1 : i32
    "tpu.region"() ({
      %run_scoped3A_285 = tpu.sem_alloc : memref<!tpu.dma_semaphore, #tpu.memory_space<semaphore_mem>>
      %dma_start3A_286 = arith.constant 0 : i32
      %dma_start3A_287 = arith.constant 0 : i32
      %dma_start3A_288 = tpu.memref_slice %arg9[%run_scoped3A_198, %dma_start3A_286, %dma_start3A_287] : memref<2x128x128xf32, #tpu.memory_space<vmem>> -> memref<1x128x128xf32, #tpu.memory_space<vmem>>
      %dma_start3A_289 = tpu.memref_squeeze %dma_start3A_288 : memref<1x128x128xf32, #tpu.memory_space<vmem>> -> memref<128x128xf32, #tpu.memory_space<vmem>>
      %dma_start3A_290 = arith.constant 0 : i32
      %dma_start3A_291 = tpu.memref_slice %arg8[%run_scoped3A_199, %dma_start3A_290] : memref<4x128xi32, #tpu.memory_space<vmem>> -> memref<1x128xi32, #tpu.memory_space<vmem>>
      %dma_start3A_292 = tpu.memref_squeeze %dma_start3A_291 : memref<1x128xi32, #tpu.memory_space<vmem>> -> memref<128xi32, #tpu.memory_space<vmem>>
      %dma_start3A_293 = arith.constant 0 : i32
      %dma_start3A_294 = arith.constant 0 : i32
      %dma_start3A_295 = tpu.memref_slice %arg10[%dma_start3A_293, %dma_start3A_294] : memref<10240x128xf32, #tpu.memory_space<vmem_shared>> -> memref<10240x128xf32, #tpu.memory_space<vmem_shared>>
      tpu.enqueue_indirect_dma source(%dma_start3A_289 : memref<128x128xf32, #tpu.memory_space<vmem>>) target(%dma_start3A_295 : memref<10240x128xf32, #tpu.memory_space<vmem_shared>>) offsets(%dma_start3A_292 : memref<128xi32, #tpu.memory_space<vmem>>) semaphore(%run_scoped3A_285 : memref<!tpu.dma_semaphore, #tpu.memory_space<semaphore_mem>>) {add = true}
      %dma_wait3A_296 = arith.constant 0 : i32
      %dma_wait3A_297 = arith.constant 0 : i32
      %dma_wait3A_298 = tpu.memref_slice %arg9[%run_scoped3A_198, %dma_wait3A_296, %dma_wait3A_297] : memref<2x128x128xf32, #tpu.memory_space<vmem>> -> memref<1x128x128xf32, #tpu.memory_space<vmem>>
      %dma_wait3A_299 = tpu.memref_squeeze %dma_wait3A_298 : memref<1x128x128xf32, #tpu.memory_space<vmem>> -> memref<128x128xf32, #tpu.memory_space<vmem>>
      %dma_wait3A_300 = arith.constant 0 : i32
      %dma_wait3A_301 = tpu.memref_slice %arg8[%run_scoped3A_199, %dma_wait3A_300] : memref<4x128xi32, #tpu.memory_space<vmem>> -> memref<1x128xi32, #tpu.memory_space<vmem>>
      %dma_wait3A_302 = tpu.memref_squeeze %dma_wait3A_301 : memref<1x128xi32, #tpu.memory_space<vmem>> -> memref<128xi32, #tpu.memory_space<vmem>>
      %dma_wait3A_303 = arith.constant 0 : i32
      %dma_wait3A_304 = arith.constant 0 : i32
      %dma_wait3A_305 = tpu.memref_slice %arg10[%dma_wait3A_303, %dma_wait3A_304] : memref<10240x128xf32, #tpu.memory_space<vmem_shared>> -> memref<10240x128xf32, #tpu.memory_space<vmem_shared>>
      tpu.wait_indirect_dma semaphore(%run_scoped3A_285 : memref<!tpu.dma_semaphore, #tpu.memory_space<semaphore_mem>>) src(%dma_wait3A_299 : memref<128x128xf32, #tpu.memory_space<vmem>>) dst(%dma_wait3A_305 : memref<10240x128xf32, #tpu.memory_space<vmem_shared>>)
      tpu.yield
    }) : () -> ()
    %dma_start3A_200 = arith.constant 79 : i32
    %dma_start3A_201 = arith.constant 1 : i32
    %dma_start3A_202 = arith.constant 0 : i32
    %dma_start3A_203 = arith.constant 0 : i32
    %dma_start3A_204 = tpu.memref_slice %arg9[%dma_start3A_201, %dma_start3A_202, %dma_start3A_203] : memref<2x128x128xf32, #tpu.memory_space<vmem>> -> memref<1x128x128xf32, #tpu.memory_space<vmem>>
    %dma_start3A_205 = tpu.memref_squeeze %dma_start3A_204 : memref<1x128x128xf32, #tpu.memory_space<vmem>> -> memref<128x128xf32, #tpu.memory_space<vmem>>
    %dma_start3A_206 = arith.constant 0 : i32
    %dma_start3A_207 = tpu.memref_slice %arg7[%dma_start3A_200, %dma_start3A_206] : memref<80x128xi32, #tpu.memory_space<vmem>> -> memref<1x128xi32, #tpu.memory_space<vmem>>
    %dma_start3A_208 = tpu.memref_squeeze %dma_start3A_207 : memref<1x128xi32, #tpu.memory_space<vmem>> -> memref<128xi32, #tpu.memory_space<vmem>>
    %dma_start3A_209 = arith.constant 0 : i32
    %dma_start3A_210 = arith.constant 0 : i32
    %dma_start3A_211 = tpu.memref_slice %arg2[%dma_start3A_209, %dma_start3A_210] : memref<10000x128xf32, #tpu.memory_space<hbm>> -> memref<10000x128xf32, #tpu.memory_space<hbm>>
    tpu.enqueue_indirect_dma source(%dma_start3A_211 : memref<10000x128xf32, #tpu.memory_space<hbm>>) target(%dma_start3A_205 : memref<128x128xf32, #tpu.memory_space<vmem>>) offsets(%dma_start3A_208 : memref<128xi32, #tpu.memory_space<vmem>>) semaphore(%arg12 : memref<!tpu.dma_semaphore, #tpu.memory_space<semaphore_mem>>)
    %dma_wait3A_212 = arith.constant 0 : i32
    %dma_wait3A_213 = arith.constant 0 : i32
    %dma_wait3A_214 = arith.constant 0 : i32
    %dma_wait3A_215 = arith.constant 0 : i32
    %dma_wait3A_216 = tpu.memref_slice %arg9[%dma_wait3A_213, %dma_wait3A_214, %dma_wait3A_215] : memref<2x128x128xf32, #tpu.memory_space<vmem>> -> memref<1x128x128xf32, #tpu.memory_space<vmem>>
    %dma_wait3A_217 = tpu.memref_squeeze %dma_wait3A_216 : memref<1x128x128xf32, #tpu.memory_space<vmem>> -> memref<128x128xf32, #tpu.memory_space<vmem>>
    %dma_wait3A_218 = arith.constant 0 : i32
    %dma_wait3A_219 = tpu.memref_slice %arg7[%dma_wait3A_212, %dma_wait3A_218] : memref<80x128xi32, #tpu.memory_space<vmem>> -> memref<1x128xi32, #tpu.memory_space<vmem>>
    %dma_wait3A_220 = tpu.memref_squeeze %dma_wait3A_219 : memref<1x128xi32, #tpu.memory_space<vmem>> -> memref<128xi32, #tpu.memory_space<vmem>>
    %dma_wait3A_221 = arith.constant 0 : i32
    %dma_wait3A_222 = arith.constant 0 : i32
    %dma_wait3A_223 = tpu.memref_slice %arg2[%dma_wait3A_221, %dma_wait3A_222] : memref<10000x128xf32, #tpu.memory_space<hbm>> -> memref<10000x128xf32, #tpu.memory_space<hbm>>
    tpu.wait_indirect_dma semaphore(%arg11 : memref<!tpu.dma_semaphore, #tpu.memory_space<semaphore_mem>>) src(%dma_wait3A_223 : memref<10000x128xf32, #tpu.memory_space<hbm>>) dst(%dma_wait3A_217 : memref<128x128xf32, #tpu.memory_space<vmem>>)
    %dma_wait3A_224 = arith.constant 0 : i32
    %dma_wait3A_225 = arith.constant 2 : i32
    %dma_wait3A_226 = arith.constant 0 : i32
    %dma_wait3A_227 = tpu.memref_slice %arg8[%dma_wait3A_225, %dma_wait3A_226] : memref<4x128xi32, #tpu.memory_space<vmem>> -> memref<1x128xi32, #tpu.memory_space<vmem>>
    %dma_wait3A_228 = tpu.memref_squeeze %dma_wait3A_227 : memref<1x128xi32, #tpu.memory_space<vmem>> -> memref<128xi32, #tpu.memory_space<vmem>>
    %dma_wait3A_229 = arith.constant 0 : i32
    %dma_wait3A_230 = arith.constant 0 : i32
    %dma_wait3A_231 = tpu.memref_slice %arg4[%add3A, %dma_wait3A_229, %dma_wait3A_230] : memref<32x80x128xi32, #tpu.memory_space<hbm>> -> memref<1x80x128xi32, #tpu.memory_space<hbm>>
    %dma_wait3A_232 = tpu.memref_squeeze %dma_wait3A_231 : memref<1x80x128xi32, #tpu.memory_space<hbm>> -> memref<80x128xi32, #tpu.memory_space<hbm>>
    %dma_wait3A_233 = arith.constant 0 : i32
    %dma_wait3A_234 = tpu.memref_slice %dma_wait3A_232[%dma_wait3A_224, %dma_wait3A_233] : memref<80x128xi32, #tpu.memory_space<hbm>> -> memref<1x128xi32, #tpu.memory_space<hbm>>
    %dma_wait3A_235 = tpu.memref_squeeze %dma_wait3A_234 : memref<1x128xi32, #tpu.memory_space<hbm>> -> memref<128xi32, #tpu.memory_space<hbm>>
    %dma_wait3A_236 = arith.constant 0 : i32
    %dma_wait3A_237 = tpu.memref_slice %arg8[%dma_wait3A_225, %dma_wait3A_236] : memref<4x128xi32, #tpu.memory_space<vmem>> -> memref<1x128xi32, #tpu.memory_space<vmem>>
    %dma_wait3A_238 = tpu.memref_squeeze %dma_wait3A_237 : memref<1x128xi32, #tpu.memory_space<vmem>> -> memref<128xi32, #tpu.memory_space<vmem>>
    %dma_wait3A_239 = arith.constant 0 : i32
    %dma_wait3A_240 = arith.constant 0 : i32
    %dma_wait3A_241 = tpu.memref_slice %arg4[%add3A, %dma_wait3A_239, %dma_wait3A_240] : memref<32x80x128xi32, #tpu.memory_space<hbm>> -> memref<1x80x128xi32, #tpu.memory_space<hbm>>
    %dma_wait3A_242 = tpu.memref_squeeze %dma_wait3A_241 : memref<1x80x128xi32, #tpu.memory_space<hbm>> -> memref<80x128xi32, #tpu.memory_space<hbm>>
    %dma_wait3A_243 = arith.constant 0 : i32
    %dma_wait3A_244 = tpu.memref_slice %dma_wait3A_242[%dma_wait3A_224, %dma_wait3A_243] : memref<80x128xi32, #tpu.memory_space<hbm>> -> memref<1x128xi32, #tpu.memory_space<hbm>>
    %dma_wait3A_245 = tpu.memref_squeeze %dma_wait3A_244 : memref<1x128xi32, #tpu.memory_space<hbm>> -> memref<128xi32, #tpu.memory_space<hbm>>
    tpu.wait_dma2 semaphore(%arg15 : memref<!tpu.dma_semaphore, #tpu.memory_space<semaphore_mem>>) src(%dma_wait3A_245 : memref<128xi32, #tpu.memory_space<hbm>>) dst(%dma_wait3A_238 : memref<128xi32, #tpu.memory_space<vmem>>)
    %run_scoped3A_246 = arith.constant 0 : i32
    %run_scoped3A_247 = arith.constant 2 : i32
    "tpu.region"() ({
      %run_scoped3A_285 = tpu.sem_alloc : memref<!tpu.dma_semaphore, #tpu.memory_space<semaphore_mem>>
      %dma_start3A_286 = arith.constant 0 : i32
      %dma_start3A_287 = arith.constant 0 : i32
      %dma_start3A_288 = tpu.memref_slice %arg9[%run_scoped3A_246, %dma_start3A_286, %dma_start3A_287] : memref<2x128x128xf32, #tpu.memory_space<vmem>> -> memref<1x128x128xf32, #tpu.memory_space<vmem>>
      %dma_start3A_289 = tpu.memref_squeeze %dma_start3A_288 : memref<1x128x128xf32, #tpu.memory_space<vmem>> -> memref<128x128xf32, #tpu.memory_space<vmem>>
      %dma_start3A_290 = arith.constant 0 : i32
      %dma_start3A_291 = tpu.memref_slice %arg8[%run_scoped3A_247, %dma_start3A_290] : memref<4x128xi32, #tpu.memory_space<vmem>> -> memref<1x128xi32, #tpu.memory_space<vmem>>
      %dma_start3A_292 = tpu.memref_squeeze %dma_start3A_291 : memref<1x128xi32, #tpu.memory_space<vmem>> -> memref<128xi32, #tpu.memory_space<vmem>>
      %dma_start3A_293 = arith.constant 0 : i32
      %dma_start3A_294 = arith.constant 0 : i32
      %dma_start3A_295 = tpu.memref_slice %arg10[%dma_start3A_293, %dma_start3A_294] : memref<10240x128xf32, #tpu.memory_space<vmem_shared>> -> memref<10240x128xf32, #tpu.memory_space<vmem_shared>>
      tpu.enqueue_indirect_dma source(%dma_start3A_289 : memref<128x128xf32, #tpu.memory_space<vmem>>) target(%dma_start3A_295 : memref<10240x128xf32, #tpu.memory_space<vmem_shared>>) offsets(%dma_start3A_292 : memref<128xi32, #tpu.memory_space<vmem>>) semaphore(%run_scoped3A_285 : memref<!tpu.dma_semaphore, #tpu.memory_space<semaphore_mem>>) {add = true}
      %dma_wait3A_296 = arith.constant 0 : i32
      %dma_wait3A_297 = arith.constant 0 : i32
      %dma_wait3A_298 = tpu.memref_slice %arg9[%run_scoped3A_246, %dma_wait3A_296, %dma_wait3A_297] : memref<2x128x128xf32, #tpu.memory_space<vmem>> -> memref<1x128x128xf32, #tpu.memory_space<vmem>>
      %dma_wait3A_299 = tpu.memref_squeeze %dma_wait3A_298 : memref<1x128x128xf32, #tpu.memory_space<vmem>> -> memref<128x128xf32, #tpu.memory_space<vmem>>
      %dma_wait3A_300 = arith.constant 0 : i32
      %dma_wait3A_301 = tpu.memref_slice %arg8[%run_scoped3A_247, %dma_wait3A_300] : memref<4x128xi32, #tpu.memory_space<vmem>> -> memref<1x128xi32, #tpu.memory_space<vmem>>
      %dma_wait3A_302 = tpu.memref_squeeze %dma_wait3A_301 : memref<1x128xi32, #tpu.memory_space<vmem>> -> memref<128xi32, #tpu.memory_space<vmem>>
      %dma_wait3A_303 = arith.constant 0 : i32
      %dma_wait3A_304 = arith.constant 0 : i32
      %dma_wait3A_305 = tpu.memref_slice %arg10[%dma_wait3A_303, %dma_wait3A_304] : memref<10240x128xf32, #tpu.memory_space<vmem_shared>> -> memref<10240x128xf32, #tpu.memory_space<vmem_shared>>
      tpu.wait_indirect_dma semaphore(%run_scoped3A_285 : memref<!tpu.dma_semaphore, #tpu.memory_space<semaphore_mem>>) src(%dma_wait3A_299 : memref<128x128xf32, #tpu.memory_space<vmem>>) dst(%dma_wait3A_305 : memref<10240x128xf32, #tpu.memory_space<vmem_shared>>)
      tpu.yield
    }) : () -> ()
    %dma_wait3A_248 = arith.constant 0 : i32
    %dma_wait3A_249 = arith.constant 1 : i32
    %dma_wait3A_250 = arith.constant 0 : i32
    %dma_wait3A_251 = arith.constant 0 : i32
    %dma_wait3A_252 = tpu.memref_slice %arg9[%dma_wait3A_249, %dma_wait3A_250, %dma_wait3A_251] : memref<2x128x128xf32, #tpu.memory_space<vmem>> -> memref<1x128x128xf32, #tpu.memory_space<vmem>>
    %dma_wait3A_253 = tpu.memref_squeeze %dma_wait3A_252 : memref<1x128x128xf32, #tpu.memory_space<vmem>> -> memref<128x128xf32, #tpu.memory_space<vmem>>
    %dma_wait3A_254 = arith.constant 0 : i32
    %dma_wait3A_255 = tpu.memref_slice %arg7[%dma_wait3A_248, %dma_wait3A_254] : memref<80x128xi32, #tpu.memory_space<vmem>> -> memref<1x128xi32, #tpu.memory_space<vmem>>
    %dma_wait3A_256 = tpu.memref_squeeze %dma_wait3A_255 : memref<1x128xi32, #tpu.memory_space<vmem>> -> memref<128xi32, #tpu.memory_space<vmem>>
    %dma_wait3A_257 = arith.constant 0 : i32
    %dma_wait3A_258 = arith.constant 0 : i32
    %dma_wait3A_259 = tpu.memref_slice %arg2[%dma_wait3A_257, %dma_wait3A_258] : memref<10000x128xf32, #tpu.memory_space<hbm>> -> memref<10000x128xf32, #tpu.memory_space<hbm>>
    tpu.wait_indirect_dma semaphore(%arg12 : memref<!tpu.dma_semaphore, #tpu.memory_space<semaphore_mem>>) src(%dma_wait3A_259 : memref<10000x128xf32, #tpu.memory_space<hbm>>) dst(%dma_wait3A_253 : memref<128x128xf32, #tpu.memory_space<vmem>>)
    %dma_wait3A_260 = arith.constant 0 : i32
    %dma_wait3A_261 = arith.constant 3 : i32
    %dma_wait3A_262 = arith.constant 0 : i32
    %dma_wait3A_263 = tpu.memref_slice %arg8[%dma_wait3A_261, %dma_wait3A_262] : memref<4x128xi32, #tpu.memory_space<vmem>> -> memref<1x128xi32, #tpu.memory_space<vmem>>
    %dma_wait3A_264 = tpu.memref_squeeze %dma_wait3A_263 : memref<1x128xi32, #tpu.memory_space<vmem>> -> memref<128xi32, #tpu.memory_space<vmem>>
    %dma_wait3A_265 = arith.constant 0 : i32
    %dma_wait3A_266 = arith.constant 0 : i32
    %dma_wait3A_267 = tpu.memref_slice %arg4[%add3A, %dma_wait3A_265, %dma_wait3A_266] : memref<32x80x128xi32, #tpu.memory_space<hbm>> -> memref<1x80x128xi32, #tpu.memory_space<hbm>>
    %dma_wait3A_268 = tpu.memref_squeeze %dma_wait3A_267 : memref<1x80x128xi32, #tpu.memory_space<hbm>> -> memref<80x128xi32, #tpu.memory_space<hbm>>
    %dma_wait3A_269 = arith.constant 0 : i32
    %dma_wait3A_270 = tpu.memref_slice %dma_wait3A_268[%dma_wait3A_260, %dma_wait3A_269] : memref<80x128xi32, #tpu.memory_space<hbm>> -> memref<1x128xi32, #tpu.memory_space<hbm>>
    %dma_wait3A_271 = tpu.memref_squeeze %dma_wait3A_270 : memref<1x128xi32, #tpu.memory_space<hbm>> -> memref<128xi32, #tpu.memory_space<hbm>>
    %dma_wait3A_272 = arith.constant 0 : i32
    %dma_wait3A_273 = tpu.memref_slice %arg8[%dma_wait3A_261, %dma_wait3A_272] : memref<4x128xi32, #tpu.memory_space<vmem>> -> memref<1x128xi32, #tpu.memory_space<vmem>>
    %dma_wait3A_274 = tpu.memref_squeeze %dma_wait3A_273 : memref<1x128xi32, #tpu.memory_space<vmem>> -> memref<128xi32, #tpu.memory_space<vmem>>
    %dma_wait3A_275 = arith.constant 0 : i32
    %dma_wait3A_276 = arith.constant 0 : i32
    %dma_wait3A_277 = tpu.memref_slice %arg4[%add3A, %dma_wait3A_275, %dma_wait3A_276] : memref<32x80x128xi32, #tpu.memory_space<hbm>> -> memref<1x80x128xi32, #tpu.memory_space<hbm>>
    %dma_wait3A_278 = tpu.memref_squeeze %dma_wait3A_277 : memref<1x80x128xi32, #tpu.memory_space<hbm>> -> memref<80x128xi32, #tpu.memory_space<hbm>>
    %dma_wait3A_279 = arith.constant 0 : i32
    %dma_wait3A_280 = tpu.memref_slice %dma_wait3A_278[%dma_wait3A_260, %dma_wait3A_279] : memref<80x128xi32, #tpu.memory_space<hbm>> -> memref<1x128xi32, #tpu.memory_space<hbm>>
    %dma_wait3A_281 = tpu.memref_squeeze %dma_wait3A_280 : memref<1x128xi32, #tpu.memory_space<hbm>> -> memref<128xi32, #tpu.memory_space<hbm>>
    tpu.wait_dma2 semaphore(%arg16 : memref<!tpu.dma_semaphore, #tpu.memory_space<semaphore_mem>>) src(%dma_wait3A_281 : memref<128xi32, #tpu.memory_space<hbm>>) dst(%dma_wait3A_274 : memref<128xi32, #tpu.memory_space<vmem>>)
    %run_scoped3A_282 = arith.constant 1 : i32
    %run_scoped3A_283 = arith.constant 3 : i32
    "tpu.region"() ({
      %run_scoped3A_285 = tpu.sem_alloc : memref<!tpu.dma_semaphore, #tpu.memory_space<semaphore_mem>>
      %dma_start3A_286 = arith.constant 0 : i32
      %dma_start3A_287 = arith.constant 0 : i32
      %dma_start3A_288 = tpu.memref_slice %arg9[%run_scoped3A_282, %dma_start3A_286, %dma_start3A_287] : memref<2x128x128xf32, #tpu.memory_space<vmem>> -> memref<1x128x128xf32, #tpu.memory_space<vmem>>
      %dma_start3A_289 = tpu.memref_squeeze %dma_start3A_288 : memref<1x128x128xf32, #tpu.memory_space<vmem>> -> memref<128x128xf32, #tpu.memory_space<vmem>>
      %dma_start3A_290 = arith.constant 0 : i32
      %dma_start3A_291 = tpu.memref_slice %arg8[%run_scoped3A_283, %dma_start3A_290] : memref<4x128xi32, #tpu.memory_space<vmem>> -> memref<1x128xi32, #tpu.memory_space<vmem>>
      %dma_start3A_292 = tpu.memref_squeeze %dma_start3A_291 : memref<1x128xi32, #tpu.memory_space<vmem>> -> memref<128xi32, #tpu.memory_space<vmem>>
      %dma_start3A_293 = arith.constant 0 : i32
      %dma_start3A_294 = arith.constant 0 : i32
      %dma_start3A_295 = tpu.memref_slice %arg10[%dma_start3A_293, %dma_start3A_294] : memref<10240x128xf32, #tpu.memory_space<vmem_shared>> -> memref<10240x128xf32, #tpu.memory_space<vmem_shared>>
      tpu.enqueue_indirect_dma source(%dma_start3A_289 : memref<128x128xf32, #tpu.memory_space<vmem>>) target(%dma_start3A_295 : memref<10240x128xf32, #tpu.memory_space<vmem_shared>>) offsets(%dma_start3A_292 : memref<128xi32, #tpu.memory_space<vmem>>) semaphore(%run_scoped3A_285 : memref<!tpu.dma_semaphore, #tpu.memory_space<semaphore_mem>>) {add = true}
      %dma_wait3A_296 = arith.constant 0 : i32
      %dma_wait3A_297 = arith.constant 0 : i32
      %dma_wait3A_298 = tpu.memref_slice %arg9[%run_scoped3A_282, %dma_wait3A_296, %dma_wait3A_297] : memref<2x128x128xf32, #tpu.memory_space<vmem>> -> memref<1x128x128xf32, #tpu.memory_space<vmem>>
      %dma_wait3A_299 = tpu.memref_squeeze %dma_wait3A_298 : memref<1x128x128xf32, #tpu.memory_space<vmem>> -> memref<128x128xf32, #tpu.memory_space<vmem>>
      %dma_wait3A_300 = arith.constant 0 : i32
      %dma_wait3A_301 = tpu.memref_slice %arg8[%run_scoped3A_283, %dma_wait3A_300] : memref<4x128xi32, #tpu.memory_space<vmem>> -> memref<1x128xi32, #tpu.memory_space<vmem>>
      %dma_wait3A_302 = tpu.memref_squeeze %dma_wait3A_301 : memref<1x128xi32, #tpu.memory_space<vmem>> -> memref<128xi32, #tpu.memory_space<vmem>>
      %dma_wait3A_303 = arith.constant 0 : i32
      %dma_wait3A_304 = arith.constant 0 : i32
      %dma_wait3A_305 = tpu.memref_slice %arg10[%dma_wait3A_303, %dma_wait3A_304] : memref<10240x128xf32, #tpu.memory_space<vmem_shared>> -> memref<10240x128xf32, #tpu.memory_space<vmem_shared>>
      tpu.wait_indirect_dma semaphore(%run_scoped3A_285 : memref<!tpu.dma_semaphore, #tpu.memory_space<semaphore_mem>>) src(%dma_wait3A_299 : memref<128x128xf32, #tpu.memory_space<vmem>>) dst(%dma_wait3A_305 : memref<10240x128xf32, #tpu.memory_space<vmem_shared>>)
      tpu.yield
    }) : () -> ()
    %barrier3A_284 = arith.constant 0 : index
    tpu.barrier barrier_id(%barrier3A_284)
    "tpu.region"() ({
      %run_scoped3A_285 = tpu.sem_alloc : memref<!tpu.dma_semaphore, #tpu.memory_space<semaphore_mem>>
      %dma_start3A_286 = arith.constant 0 : i32
      %dma_start3A_287 = arith.constant 0 : i32
      %dma_start3A_288 = tpu.memref_slice %arg6[%arg0, %dma_start3A_286, %dma_start3A_287] : memref<2x10240x128xf32, #tpu.memory_space<hbm>> -> memref<1x10240x128xf32, #tpu.memory_space<hbm>>
      %dma_start3A_289 = tpu.memref_squeeze %dma_start3A_288 : memref<1x10240x128xf32, #tpu.memory_space<hbm>> -> memref<10240x128xf32, #tpu.memory_space<hbm>>
      %dma_start3A_290 = arith.constant 0 : i32
      %dma_start3A_291 = tpu.memref_slice %dma_start3A_289[%mul3A_2, %dma_start3A_290] : memref<10240x128xf32, #tpu.memory_space<hbm>> -> memref<640x128xf32, #tpu.memory_space<hbm>>
      %dma_start3A_292 = arith.constant 0 : i32
      %dma_start3A_293 = tpu.memref_slice %arg10[%mul3A_2, %dma_start3A_292] : memref<10240x128xf32, #tpu.memory_space<vmem_shared>> -> memref<640x128xf32, #tpu.memory_space<vmem_shared>>
      tpu.enqueue_dma source(%dma_start3A_293 : memref<640x128xf32, #tpu.memory_space<vmem_shared>>) target(%dma_start3A_291 : memref<640x128xf32, #tpu.memory_space<hbm>>) target_semaphore(%run_scoped3A_285 : memref<!tpu.dma_semaphore, #tpu.memory_space<semaphore_mem>>)
      %dma_wait3A_294 = arith.constant 0 : i32
      %dma_wait3A_295 = arith.constant 0 : i32
      %dma_wait3A_296 = tpu.memref_slice %arg6[%arg0, %dma_wait3A_294, %dma_wait3A_295] : memref<2x10240x128xf32, #tpu.memory_space<hbm>> -> memref<1x10240x128xf32, #tpu.memory_space<hbm>>
      %dma_wait3A_297 = tpu.memref_squeeze %dma_wait3A_296 : memref<1x10240x128xf32, #tpu.memory_space<hbm>> -> memref<10240x128xf32, #tpu.memory_space<hbm>>
      %dma_wait3A_298 = arith.constant 0 : i32
      %dma_wait3A_299 = tpu.memref_slice %dma_wait3A_297[%mul3A_2, %dma_wait3A_298] : memref<10240x128xf32, #tpu.memory_space<hbm>> -> memref<640x128xf32, #tpu.memory_space<hbm>>
      %dma_wait3A_300 = arith.constant 0 : i32
      %dma_wait3A_301 = tpu.memref_slice %arg10[%mul3A_2, %dma_wait3A_300] : memref<10240x128xf32, #tpu.memory_space<vmem_shared>> -> memref<640x128xf32, #tpu.memory_space<vmem_shared>>
      tpu.wait_dma2 semaphore(%run_scoped3A_285 : memref<!tpu.dma_semaphore, #tpu.memory_space<semaphore_mem>>) src(%dma_wait3A_301 : memref<640x128xf32, #tpu.memory_space<vmem_shared>>) dst(%dma_wait3A_299 : memref<640x128xf32, #tpu.memory_space<hbm>>)
      tpu.yield
    }) : () -> ()
    return
  }
}

#map = affine_map<(d0, d1) -> (0, 0)>
#map1 = affine_map<(d0, d1) -> (0, 0, 0)>
module attributes {stable_mosaic.version = 14 : i64} {
  func.func @_sc_segment_sum(%arg0: i32, %arg1: i32, %arg2: memref<10000x128xf32, #tpu.memory_space<hbm>>, %arg3: memref<32x80x128xi32, #tpu.memory_space<hbm>>, %arg4: memref<32x80x128xi32, #tpu.memory_space<hbm>>, %arg5: memref<10240x128xf32, #tpu.memory_space<hbm>>, %arg6: memref<2x10240x128xf32, #tpu.memory_space<hbm>>, %arg7: memref<80x128xi32, #tpu.memory_space<vmem>>, %arg8: memref<4x128xi32, #tpu.memory_space<vmem>>, %arg9: memref<2x128x128xf32, #tpu.memory_space<vmem>>, %arg10: memref<10240x128xf32, #tpu.memory_space<vmem_shared>>, %arg11: memref<!tpu.dma_semaphore, #tpu.memory_space<semaphore_mem>>, %arg12: memref<!tpu.dma_semaphore, #tpu.memory_space<semaphore_mem>>, %arg13: memref<!tpu.dma_semaphore, #tpu.memory_space<semaphore_mem>>, %arg14: memref<!tpu.dma_semaphore, #tpu.memory_space<semaphore_mem>>, %arg15: memref<!tpu.dma_semaphore, #tpu.memory_space<semaphore_mem>>, %arg16: memref<!tpu.dma_semaphore, #tpu.memory_space<semaphore_mem>>) attributes {dimension_semantics = [#tpu.dimension_semantics<core_parallel>, #tpu.dimension_semantics<subcore_parallel>], iteration_bounds = array<i64: 2, 16>, scalar_prefetch = 0 : i64, scratch_operands = 10 : i64, tpu.core_type = #tpu.core_type<sc_vector_subcore>, window_params = [{transform_indices = #map}, {transform_indices = #map1}, {transform_indices = #map1}, {transform_indices = #map}, {transform_indices = #map1}]} {
    %mul3A = arith.constant 16 : i32
    %mul3A_0 = arith.muli %arg0, %mul3A : i32
    %add3A = arith.addi %mul3A_0, %arg1 : i32
    "tpu.region"() ({
      %run_scoped3A_285 = tpu.sem_alloc : memref<!tpu.dma_semaphore, #tpu.memory_space<semaphore_mem>>
      %dma_start3A_286 = arith.constant 0 : i32
      %dma_start3A_287 = arith.constant 0 : i32
      %dma_start3A_288 = tpu.memref_slice %arg3[%add3A, %dma_start3A_286, %dma_start3A_287] : memref<32x80x128xi32, #tpu.memory_space<hbm>> -> memref<1x80x128xi32, #tpu.memory_space<hbm>>
      %dma_start3A_289 = tpu.memref_squeeze %dma_start3A_288 : memref<1x80x128xi32, #tpu.memory_space<hbm>> -> memref<80x128xi32, #tpu.memory_space<hbm>>
      %dma_start3A_290 = arith.constant 0 : i32
      %dma_start3A_291 = arith.constant 0 : i32
      %dma_start3A_292 = tpu.memref_slice %arg3[%add3A, %dma_start3A_290, %dma_start3A_291] : memref<32x80x128xi32, #tpu.memory_space<hbm>> -> memref<1x80x128xi32, #tpu.memory_space<hbm>>
      %dma_start3A_293 = tpu.memref_squeeze %dma_start3A_292 : memref<1x80x128xi32, #tpu.memory_space<hbm>> -> memref<80x128xi32, #tpu.memory_space<hbm>>
      tpu.enqueue_dma source(%dma_start3A_293 : memref<80x128xi32, #tpu.memory_space<hbm>>) target(%arg7 : memref<80x128xi32, #tpu.memory_space<vmem>>) target_semaphore(%run_scoped3A_285 : memref<!tpu.dma_semaphore, #tpu.memory_space<semaphore_mem>>)
      %dma_wait3A_294 = arith.constant 0 : i32
      %dma_wait3A_295 = arith.constant 0 : i32
      %dma_wait3A_296 = tpu.memref_slice %arg3[%add3A, %dma_wait3A_294, %dma_wait3A_295] : memref<32x80x128xi32, #tpu.memory_space<hbm>> -> memref<1x80x128xi32, #tpu.memory_space<hbm>>
      %dma_wait3A_297 = tpu.memref_squeeze %dma_wait3A_296 : memref<1x80x128xi32, #tpu.memory_space<hbm>> -> memref<80x128xi32, #tpu.memory_space<hbm>>
      %dma_wait3A_298 = arith.constant 0 : i32
      %dma_wait3A_299 = arith.constant 0 : i32
      %dma_wait3A_300 = tpu.memref_slice %arg3[%add3A, %dma_wait3A_298, %dma_wait3A_299] : memref<32x80x128xi32, #tpu.memory_space<hbm>> -> memref<1x80x128xi32, #tpu.memory_space<hbm>>
      %dma_wait3A_301 = tpu.memref_squeeze %dma_wait3A_300 : memref<1x80x128xi32, #tpu.memory_space<hbm>> -> memref<80x128xi32, #tpu.memory_space<hbm>>
      tpu.wait_dma2 semaphore(%run_scoped3A_285 : memref<!tpu.dma_semaphore, #tpu.memory_space<semaphore_mem>>) src(%dma_wait3A_301 : memref<80x128xi32, #tpu.memory_space<hbm>>) dst(%arg7 : memref<80x128xi32, #tpu.memory_space<vmem>>)
      tpu.yield
    }) : () -> ()
    %mul3A_1 = arith.constant 640 : i32
    %mul3A_2 = arith.muli %arg1, %mul3A_1 : i32
    "tpu.region"() ({
      %run_scoped3A_285 = tpu.sem_alloc : memref<!tpu.dma_semaphore, #tpu.memory_space<semaphore_mem>>
      %dma_start3A_286 = arith.constant 0 : i32
      %dma_start3A_287 = tpu.memref_slice %arg10[%mul3A_2, %dma_start3A_286] : memref<10240x128xf32, #tpu.memory_space<vmem_shared>> -> memref<640x128xf32, #tpu.memory_space<vmem_shared>>
      %dma_start3A_288 = arith.constant 0 : i32
      %dma_start3A_289 = tpu.memref_slice %arg5[%mul3A_2, %dma_start3A_288] : memref<10240x128xf32, #tpu.memory_space<hbm>> -> memref<640x128xf32, #tpu.memory_space<hbm>>
      tpu.enqueue_dma source(%dma_start3A_289 : memref<640x128xf32, #tpu.memory_space<hbm>>) target(%dma_start3A_287 : memref<640x128xf32, #tpu.memory_space<vmem_shared>>) target_semaphore(%run_scoped3A_285 : memref<!tpu.dma_semaphore, #tpu.memory_space<semaphore_mem>>)
      %dma_wait3A_290 = arith.constant 0 : i32
      %dma_wait3A_291 = tpu.memref_slice %arg10[%mul3A_2, %dma_wait3A_290] : memref<10240x128xf32, #tpu.memory_space<vmem_shared>> -> memref<640x128xf32, #tpu.memory_space<vmem_shared>>
      %dma_wait3A_292 = arith.constant 0 : i32
      %dma_wait3A_293 = tpu.memref_slice %arg5[%mul3A_2, %dma_wait3A_292] : memref<10240x128xf32, #tpu.memory_space<hbm>> -> memref<640x128xf32, #tpu.memory_space<hbm>>
      tpu.wait_dma2 semaphore(%run_scoped3A_285 : memref<!tpu.dma_semaphore, #tpu.memory_space<semaphore_mem>>) src(%dma_wait3A_293 : memref<640x128xf32, #tpu.memory_space<hbm>>) dst(%dma_wait3A_291 : memref<640x128xf32, #tpu.memory_space<vmem_shared>>)
      tpu.yield
    }) : () -> ()
    %dma_start3A = arith.constant 0 : i32
    %dma_start3A_3 = arith.constant 0 : i32
    %dma_start3A_4 = arith.constant 0 : i32
    %dma_start3A_5 = tpu.memref_slice %arg8[%dma_start3A_3, %dma_start3A_4] : memref<4x128xi32, #tpu.memory_space<vmem>> -> memref<1x128xi32, #tpu.memory_space<vmem>>
    %dma_start3A_6 = tpu.memref_squeeze %dma_start3A_5 : memref<1x128xi32, #tpu.memory_space<vmem>> -> memref<128xi32, #tpu.memory_space<vmem>>
    %dma_start3A_7 = arith.constant 0 : i32
    %dma_start3A_8 = arith.constant 0 : i32
    %dma_start3A_9 = tpu.memref_slice %arg4[%add3A, %dma_start3A_7, %dma_start3A_8] : memref<32x80x128xi32, #tpu.memory_space<hbm>> -> memref<1x80x128xi32, #tpu.memory_space<hbm>>
    %dma_start3A_10 = tpu.memref_squeeze %dma_start3A_9 : memref<1x80x128xi32, #tpu.memory_space<hbm>> -> memref<80x128xi32, #tpu.memory_space<hbm>>
    %dma_start3A_11 = arith.constant 0 : i32
    %dma_start3A_12 = tpu.memref_slice %dma_start3A_10[%dma_start3A, %dma_start3A_11] : memref<80x128xi32, #tpu.memory_space<hbm>> -> memref<1x128xi32, #tpu.memory_space<hbm>>
    %dma_start3A_13 = tpu.memref_squeeze %dma_start3A_12 : memref<1x128xi32, #tpu.memory_space<hbm>> -> memref<128xi32, #tpu.memory_space<hbm>>
    %dma_start3A_14 = arith.constant 0 : i32
    %dma_start3A_15 = tpu.memref_slice %arg8[%dma_start3A_3, %dma_start3A_14] : memref<4x128xi32, #tpu.memory_space<vmem>> -> memref<1x128xi32, #tpu.memory_space<vmem>>
    %dma_start3A_16 = tpu.memref_squeeze %dma_start3A_15 : memref<1x128xi32, #tpu.memory_space<vmem>> -> memref<128xi32, #tpu.memory_space<vmem>>
    %dma_start3A_17 = arith.constant 0 : i32
    %dma_start3A_18 = arith.constant 0 : i32
    %dma_start3A_19 = tpu.memref_slice %arg4[%add3A, %dma_start3A_17, %dma_start3A_18] : memref<32x80x128xi32, #tpu.memory_space<hbm>> -> memref<1x80x128xi32, #tpu.memory_space<hbm>>
    %dma_start3A_20 = tpu.memref_squeeze %dma_start3A_19 : memref<1x80x128xi32, #tpu.memory_space<hbm>> -> memref<80x128xi32, #tpu.memory_space<hbm>>
    %dma_start3A_21 = arith.constant 0 : i32
    %dma_start3A_22 = tpu.memref_slice %dma_start3A_20[%dma_start3A, %dma_start3A_21] : memref<80x128xi32, #tpu.memory_space<hbm>> -> memref<1x128xi32, #tpu.memory_space<hbm>>
    %dma_start3A_23 = tpu.memref_squeeze %dma_start3A_22 : memref<1x128xi32, #tpu.memory_space<hbm>> -> memref<128xi32, #tpu.memory_space<hbm>>
    tpu.enqueue_dma source(%dma_start3A_23 : memref<128xi32, #tpu.memory_space<hbm>>) target(%dma_start3A_16 : memref<128xi32, #tpu.memory_space<vmem>>) target_semaphore(%arg13 : memref<!tpu.dma_semaphore, #tpu.memory_space<semaphore_mem>>)
    %dma_start3A_24 = arith.constant 1 : i32
    %dma_start3A_25 = arith.constant 1 : i32
    %dma_start3A_26 = arith.constant 0 : i32
    %dma_start3A_27 = tpu.memref_slice %arg8[%dma_start3A_25, %dma_start3A_26] : memref<4x128xi32, #tpu.memory_space<vmem>> -> memref<1x128xi32, #tpu.memory_space<vmem>>
    %dma_start3A_28 = tpu.memref_squeeze %dma_start3A_27 : memref<1x128xi32, #tpu.memory_space<vmem>> -> memref<128xi32, #tpu.memory_space<vmem>>
    %dma_start3A_29 = arith.constant 0 : i32
    %dma_start3A_30 = arith.constant 0 : i32
    %dma_start3A_31 = tpu.memref_slice %arg4[%add3A, %dma_start3A_29, %dma_start3A_30] : memref<32x80x128xi32, #tpu.memory_space<hbm>> -> memref<1x80x128xi32, #tpu.memory_space<hbm>>
    %dma_start3A_32 = tpu.memref_squeeze %dma_start3A_31 : memref<1x80x128xi32, #tpu.memory_space<hbm>> -> memref<80x128xi32, #tpu.memory_space<hbm>>
    %dma_start3A_33 = arith.constant 0 : i32
    %dma_start3A_34 = tpu.memref_slice %dma_start3A_32[%dma_start3A_24, %dma_start3A_33] : memref<80x128xi32, #tpu.memory_space<hbm>> -> memref<1x128xi32, #tpu.memory_space<hbm>>
    %dma_start3A_35 = tpu.memref_squeeze %dma_start3A_34 : memref<1x128xi32, #tpu.memory_space<hbm>> -> memref<128xi32, #tpu.memory_space<hbm>>
    %dma_start3A_36 = arith.constant 0 : i32
    %dma_start3A_37 = tpu.memref_slice %arg8[%dma_start3A_25, %dma_start3A_36] : memref<4x128xi32, #tpu.memory_space<vmem>> -> memref<1x128xi32, #tpu.memory_space<vmem>>
    %dma_start3A_38 = tpu.memref_squeeze %dma_start3A_37 : memref<1x128xi32, #tpu.memory_space<vmem>> -> memref<128xi32, #tpu.memory_space<vmem>>
    %dma_start3A_39 = arith.constant 0 : i32
    %dma_start3A_40 = arith.constant 0 : i32
    %dma_start3A_41 = tpu.memref_slice %arg4[%add3A, %dma_start3A_39, %dma_start3A_40] : memref<32x80x128xi32, #tpu.memory_space<hbm>> -> memref<1x80x128xi32, #tpu.memory_space<hbm>>
    %dma_start3A_42 = tpu.memref_squeeze %dma_start3A_41 : memref<1x80x128xi32, #tpu.memory_space<hbm>> -> memref<80x128xi32, #tpu.memory_space<hbm>>
    %dma_start3A_43 = arith.constant 0 : i32
    %dma_start3A_44 = tpu.memref_slice %dma_start3A_42[%dma_start3A_24, %dma_start3A_43] : memref<80x128xi32, #tpu.memory_space<hbm>> -> memref<1x128xi32, #tpu.memory_space<hbm>>
    %dma_start3A_45 = tpu.memref_squeeze %dma_start3A_44 : memref<1x128xi32, #tpu.memory_space<hbm>> -> memref<128xi32, #tpu.memory_space<hbm>>
    tpu.enqueue_dma source(%dma_start3A_45 : memref<128xi32, #tpu.memory_space<hbm>>) target(%dma_start3A_38 : memref<128xi32, #tpu.memory_space<vmem>>) target_semaphore(%arg14 : memref<!tpu.dma_semaphore, #tpu.memory_space<semaphore_mem>>)
    %dma_start3A_46 = arith.constant 2 : i32
    %dma_start3A_47 = arith.constant 2 : i32
    %dma_start3A_48 = arith.constant 0 : i32
    %dma_start3A_49 = tpu.memref_slice %arg8[%dma_start3A_47, %dma_start3A_48] : memref<4x128xi32, #tpu.memory_space<vmem>> -> memref<1x128xi32, #tpu.memory_space<vmem>>
    %dma_start3A_50 = tpu.memref_squeeze %dma_start3A_49 : memref<1x128xi32, #tpu.memory_space<vmem>> -> memref<128xi32, #tpu.memory_space<vmem>>
    %dma_start3A_51 = arith.constant 0 : i32
    %dma_start3A_52 = arith.constant 0 : i32
    %dma_start3A_53 = tpu.memref_slice %arg4[%add3A, %dma_start3A_51, %dma_start3A_52] : memref<32x80x128xi32, #tpu.memory_space<hbm>> -> memref<1x80x128xi32, #tpu.memory_space<hbm>>
    %dma_start3A_54 = tpu.memref_squeeze %dma_start3A_53 : memref<1x80x128xi32, #tpu.memory_space<hbm>> -> memref<80x128xi32, #tpu.memory_space<hbm>>
    %dma_start3A_55 = arith.constant 0 : i32
    %dma_start3A_56 = tpu.memref_slice %dma_start3A_54[%dma_start3A_46, %dma_start3A_55] : memref<80x128xi32, #tpu.memory_space<hbm>> -> memref<1x128xi32, #tpu.memory_space<hbm>>
    %dma_start3A_57 = tpu.memref_squeeze %dma_start3A_56 : memref<1x128xi32, #tpu.memory_space<hbm>> -> memref<128xi32, #tpu.memory_space<hbm>>
    %dma_start3A_58 = arith.constant 0 : i32
    %dma_start3A_59 = tpu.memref_slice %arg8[%dma_start3A_47, %dma_start3A_58] : memref<4x128xi32, #tpu.memory_space<vmem>> -> memref<1x128xi32, #tpu.memory_space<vmem>>
    %dma_start3A_60 = tpu.memref_squeeze %dma_start3A_59 : memref<1x128xi32, #tpu.memory_space<vmem>> -> memref<128xi32, #tpu.memory_space<vmem>>
    %dma_start3A_61 = arith.constant 0 : i32
    %dma_start3A_62 = arith.constant 0 : i32
    %dma_start3A_63 = tpu.memref_slice %arg4[%add3A, %dma_start3A_61, %dma_start3A_62] : memref<32x80x128xi32, #tpu.memory_space<hbm>> -> memref<1x80x128xi32, #tpu.memory_space<hbm>>
    %dma_start3A_64 = tpu.memref_squeeze %dma_start3A_63 : memref<1x80x128xi32, #tpu.memory_space<hbm>> -> memref<80x128xi32, #tpu.memory_space<hbm>>
    %dma_start3A_65 = arith.constant 0 : i32
    %dma_start3A_66 = tpu.memref_slice %dma_start3A_64[%dma_start3A_46, %dma_start3A_65] : memref<80x128xi32, #tpu.memory_space<hbm>> -> memref<1x128xi32, #tpu.memory_space<hbm>>
    %dma_start3A_67 = tpu.memref_squeeze %dma_start3A_66 : memref<1x128xi32, #tpu.memory_space<hbm>> -> memref<128xi32, #tpu.memory_space<hbm>>
    tpu.enqueue_dma source(%dma_start3A_67 : memref<128xi32, #tpu.memory_space<hbm>>) target(%dma_start3A_60 : memref<128xi32, #tpu.memory_space<vmem>>) target_semaphore(%arg15 : memref<!tpu.dma_semaphore, #tpu.memory_space<semaphore_mem>>)
    %dma_start3A_68 = arith.constant 3 : i32
    %dma_start3A_69 = arith.constant 3 : i32
    %dma_start3A_70 = arith.constant 0 : i32
    %dma_start3A_71 = tpu.memref_slice %arg8[%dma_start3A_69, %dma_start3A_70] : memref<4x128xi32, #tpu.memory_space<vmem>> -> memref<1x128xi32, #tpu.memory_space<vmem>>
    %dma_start3A_72 = tpu.memref_squeeze %dma_start3A_71 : memref<1x128xi32, #tpu.memory_space<vmem>> -> memref<128xi32, #tpu.memory_space<vmem>>
    %dma_start3A_73 = arith.constant 0 : i32
    %dma_start3A_74 = arith.constant 0 : i32
    %dma_start3A_75 = tpu.memref_slice %arg4[%add3A, %dma_start3A_73, %dma_start3A_74] : memref<32x80x128xi32, #tpu.memory_space<hbm>> -> memref<1x80x128xi32, #tpu.memory_space<hbm>>
    %dma_start3A_76 = tpu.memref_squeeze %dma_start3A_75 : memref<1x80x128xi32, #tpu.memory_space<hbm>> -> memref<80x128xi32, #tpu.memory_space<hbm>>
    %dma_start3A_77 = arith.constant 0 : i32
    %dma_start3A_78 = tpu.memref_slice %dma_start3A_76[%dma_start3A_68, %dma_start3A_77] : memref<80x128xi32, #tpu.memory_space<hbm>> -> memref<1x128xi32, #tpu.memory_space<hbm>>
    %dma_start3A_79 = tpu.memref_squeeze %dma_start3A_78 : memref<1x128xi32, #tpu.memory_space<hbm>> -> memref<128xi32, #tpu.memory_space<hbm>>
    %dma_start3A_80 = arith.constant 0 : i32
    %dma_start3A_81 = tpu.memref_slice %arg8[%dma_start3A_69, %dma_start3A_80] : memref<4x128xi32, #tpu.memory_space<vmem>> -> memref<1x128xi32, #tpu.memory_space<vmem>>
    %dma_start3A_82 = tpu.memref_squeeze %dma_start3A_81 : memref<1x128xi32, #tpu.memory_space<vmem>> -> memref<128xi32, #tpu.memory_space<vmem>>
    %dma_start3A_83 = arith.constant 0 : i32
    %dma_start3A_84 = arith.constant 0 : i32
    %dma_start3A_85 = tpu.memref_slice %arg4[%add3A, %dma_start3A_83, %dma_start3A_84] : memref<32x80x128xi32, #tpu.memory_space<hbm>> -> memref<1x80x128xi32, #tpu.memory_space<hbm>>
    %dma_start3A_86 = tpu.memref_squeeze %dma_start3A_85 : memref<1x80x128xi32, #tpu.memory_space<hbm>> -> memref<80x128xi32, #tpu.memory_space<hbm>>
    %dma_start3A_87 = arith.constant 0 : i32
    %dma_start3A_88 = tpu.memref_slice %dma_start3A_86[%dma_start3A_68, %dma_start3A_87] : memref<80x128xi32, #tpu.memory_space<hbm>> -> memref<1x128xi32, #tpu.memory_space<hbm>>
    %dma_start3A_89 = tpu.memref_squeeze %dma_start3A_88 : memref<1x128xi32, #tpu.memory_space<hbm>> -> memref<128xi32, #tpu.memory_space<hbm>>
    tpu.enqueue_dma source(%dma_start3A_89 : memref<128xi32, #tpu.memory_space<hbm>>) target(%dma_start3A_82 : memref<128xi32, #tpu.memory_space<vmem>>) target_semaphore(%arg16 : memref<!tpu.dma_semaphore, #tpu.memory_space<semaphore_mem>>)
    %dma_start3A_90 = arith.constant 0 : i32
    %dma_start3A_91 = arith.constant 0 : i32
    %dma_start3A_92 = arith.constant 0 : i32
    %dma_start3A_93 = arith.constant 0 : i32
    %dma_start3A_94 = tpu.memref_slice %arg9[%dma_start3A_91, %dma_start3A_92, %dma_start3A_93] : memref<2x128x128xf32, #tpu.memory_space<vmem>> -> memref<1x128x128xf32, #tpu.memory_space<vmem>>
    %dma_start3A_95 = tpu.memref_squeeze %dma_start3A_94 : memref<1x128x128xf32, #tpu.memory_space<vmem>> -> memref<128x128xf32, #tpu.memory_space<vmem>>
    %dma_start3A_96 = arith.constant 0 : i32
    %dma_start3A_97 = tpu.memref_slice %arg7[%dma_start3A_90, %dma_start3A_96] : memref<80x128xi32, #tpu.memory_space<vmem>> -> memref<1x128xi32, #tpu.memory_space<vmem>>
    %dma_start3A_98 = tpu.memref_squeeze %dma_start3A_97 : memref<1x128xi32, #tpu.memory_space<vmem>> -> memref<128xi32, #tpu.memory_space<vmem>>
    %dma_start3A_99 = arith.constant 0 : i32
    %dma_start3A_100 = arith.constant 0 : i32
    %dma_start3A_101 = tpu.memref_slice %arg2[%dma_start3A_99, %dma_start3A_100] : memref<10000x128xf32, #tpu.memory_space<hbm>> -> memref<10000x128xf32, #tpu.memory_space<hbm>>
    tpu.enqueue_indirect_dma source(%dma_start3A_101 : memref<10000x128xf32, #tpu.memory_space<hbm>>) target(%dma_start3A_95 : memref<128x128xf32, #tpu.memory_space<vmem>>) offsets(%dma_start3A_98 : memref<128xi32, #tpu.memory_space<vmem>>) semaphore(%arg11 : memref<!tpu.dma_semaphore, #tpu.memory_space<semaphore_mem>>)
    %dma_start3A_102 = arith.constant 1 : i32
    %dma_start3A_103 = arith.constant 1 : i32
    %dma_start3A_104 = arith.constant 0 : i32
    %dma_start3A_105 = arith.constant 0 : i32
    %dma_start3A_106 = tpu.memref_slice %arg9[%dma_start3A_103, %dma_start3A_104, %dma_start3A_105] : memref<2x128x128xf32, #tpu.memory_space<vmem>> -> memref<1x128x128xf32, #tpu.memory_space<vmem>>
    %dma_start3A_107 = tpu.memref_squeeze %dma_start3A_106 : memref<1x128x128xf32, #tpu.memory_space<vmem>> -> memref<128x128xf32, #tpu.memory_space<vmem>>
    %dma_start3A_108 = arith.constant 0 : i32
    %dma_start3A_109 = tpu.memref_slice %arg7[%dma_start3A_102, %dma_start3A_108] : memref<80x128xi32, #tpu.memory_space<vmem>> -> memref<1x128xi32, #tpu.memory_space<vmem>>
    %dma_start3A_110 = tpu.memref_squeeze %dma_start3A_109 : memref<1x128xi32, #tpu.memory_space<vmem>> -> memref<128xi32, #tpu.memory_space<vmem>>
    %dma_start3A_111 = arith.constant 0 : i32
    %dma_start3A_112 = arith.constant 0 : i32
    %dma_start3A_113 = tpu.memref_slice %arg2[%dma_start3A_111, %dma_start3A_112] : memref<10000x128xf32, #tpu.memory_space<hbm>> -> memref<10000x128xf32, #tpu.memory_space<hbm>>
    tpu.enqueue_indirect_dma source(%dma_start3A_113 : memref<10000x128xf32, #tpu.memory_space<hbm>>) target(%dma_start3A_107 : memref<128x128xf32, #tpu.memory_space<vmem>>) offsets(%dma_start3A_110 : memref<128xi32, #tpu.memory_space<vmem>>) semaphore(%arg12 : memref<!tpu.dma_semaphore, #tpu.memory_space<semaphore_mem>>)
    %barrier3A = arith.constant 0 : index
    tpu.barrier barrier_id(%barrier3A)
    %scan3A = arith.constant 0 : i32
    %scan3A_114 = arith.constant 19 : i32
    %scan3A_115 = arith.addi %scan3A, %scan3A_114 : i32
    %scan3A_116 = arith.constant 1 : i32
    scf.for %scan3A_285 = %scan3A to %scan3A_115 step %scan3A_116  : i32 {
      %mul3A_286 = arith.constant 4 : i32
      %mul3A_287 = arith.muli %scan3A_285, %mul3A_286 : i32
      %add3A_288 = arith.constant 0 : i32
      %add3A_289 = arith.addi %add3A_288, %mul3A_287 : i32
      %add3A_290 = arith.constant 0 : i32
      %add3A_291 = arith.addi %add3A_289, %add3A_290 : i32
      %dma_wait3A_292 = arith.constant 0 : i32
      %dma_wait3A_293 = arith.constant 0 : i32
      %dma_wait3A_294 = arith.constant 0 : i32
      %dma_wait3A_295 = arith.constant 0 : i32
      %dma_wait3A_296 = tpu.memref_slice %arg9[%dma_wait3A_293, %dma_wait3A_294, %dma_wait3A_295] : memref<2x128x128xf32, #tpu.memory_space<vmem>> -> memref<1x128x128xf32, #tpu.memory_space<vmem>>
      %dma_wait3A_297 = tpu.memref_squeeze %dma_wait3A_296 : memref<1x128x128xf32, #tpu.memory_space<vmem>> -> memref<128x128xf32, #tpu.memory_space<vmem>>
      %dma_wait3A_298 = arith.constant 0 : i32
      %dma_wait3A_299 = tpu.memref_slice %arg7[%dma_wait3A_292, %dma_wait3A_298] : memref<80x128xi32, #tpu.memory_space<vmem>> -> memref<1x128xi32, #tpu.memory_space<vmem>>
      %dma_wait3A_300 = tpu.memref_squeeze %dma_wait3A_299 : memref<1x128xi32, #tpu.memory_space<vmem>> -> memref<128xi32, #tpu.memory_space<vmem>>
      %dma_wait3A_301 = arith.constant 0 : i32
      %dma_wait3A_302 = arith.constant 0 : i32
      %dma_wait3A_303 = tpu.memref_slice %arg2[%dma_wait3A_301, %dma_wait3A_302] : memref<10000x128xf32, #tpu.memory_space<hbm>> -> memref<10000x128xf32, #tpu.memory_space<hbm>>
      tpu.wait_indirect_dma semaphore(%arg11 : memref<!tpu.dma_semaphore, #tpu.memory_space<semaphore_mem>>) src(%dma_wait3A_303 : memref<10000x128xf32, #tpu.memory_space<hbm>>) dst(%dma_wait3A_297 : memref<128x128xf32, #tpu.memory_space<vmem>>)
      %dma_wait3A_304 = arith.constant 0 : i32
      %dma_wait3A_305 = arith.constant 0 : i32
      %dma_wait3A_306 = arith.constant 0 : i32
      %dma_wait3A_307 = tpu.memref_slice %arg8[%dma_wait3A_305, %dma_wait3A_306] : memref<4x128xi32, #tpu.memory_space<vmem>> -> memref<1x128xi32, #tpu.memory_space<vmem>>
      %dma_wait3A_308 = tpu.memref_squeeze %dma_wait3A_307 : memref<1x128xi32, #tpu.memory_space<vmem>> -> memref<128xi32, #tpu.memory_space<vmem>>
      %dma_wait3A_309 = arith.constant 0 : i32
      %dma_wait3A_310 = arith.constant 0 : i32
      %dma_wait3A_311 = tpu.memref_slice %arg4[%add3A, %dma_wait3A_309, %dma_wait3A_310] : memref<32x80x128xi32, #tpu.memory_space<hbm>> -> memref<1x80x128xi32, #tpu.memory_space<hbm>>
      %dma_wait3A_312 = tpu.memref_squeeze %dma_wait3A_311 : memref<1x80x128xi32, #tpu.memory_space<hbm>> -> memref<80x128xi32, #tpu.memory_space<hbm>>
      %dma_wait3A_313 = arith.constant 0 : i32
      %dma_wait3A_314 = tpu.memref_slice %dma_wait3A_312[%dma_wait3A_304, %dma_wait3A_313] : memref<80x128xi32, #tpu.memory_space<hbm>> -> memref<1x128xi32, #tpu.memory_space<hbm>>
      %dma_wait3A_315 = tpu.memref_squeeze %dma_wait3A_314 : memref<1x128xi32, #tpu.memory_space<hbm>> -> memref<128xi32, #tpu.memory_space<hbm>>
      %dma_wait3A_316 = arith.constant 0 : i32
      %dma_wait3A_317 = tpu.memref_slice %arg8[%dma_wait3A_305, %dma_wait3A_316] : memref<4x128xi32, #tpu.memory_space<vmem>> -> memref<1x128xi32, #tpu.memory_space<vmem>>
      %dma_wait3A_318 = tpu.memref_squeeze %dma_wait3A_317 : memref<1x128xi32, #tpu.memory_space<vmem>> -> memref<128xi32, #tpu.memory_space<vmem>>
      %dma_wait3A_319 = arith.constant 0 : i32
      %dma_wait3A_320 = arith.constant 0 : i32
      %dma_wait3A_321 = tpu.memref_slice %arg4[%add3A, %dma_wait3A_319, %dma_wait3A_320] : memref<32x80x128xi32, #tpu.memory_space<hbm>> -> memref<1x80x128xi32, #tpu.memory_space<hbm>>
      %dma_wait3A_322 = tpu.memref_squeeze %dma_wait3A_321 : memref<1x80x128xi32, #tpu.memory_space<hbm>> -> memref<80x128xi32, #tpu.memory_space<hbm>>
      %dma_wait3A_323 = arith.constant 0 : i32
      %dma_wait3A_324 = tpu.memref_slice %dma_wait3A_322[%dma_wait3A_304, %dma_wait3A_323] : memref<80x128xi32, #tpu.memory_space<hbm>> -> memref<1x128xi32, #tpu.memory_space<hbm>>
      %dma_wait3A_325 = tpu.memref_squeeze %dma_wait3A_324 : memref<1x128xi32, #tpu.memory_space<hbm>> -> memref<128xi32, #tpu.memory_space<hbm>>
      tpu.wait_dma2 semaphore(%arg13 : memref<!tpu.dma_semaphore, #tpu.memory_space<semaphore_mem>>) src(%dma_wait3A_325 : memref<128xi32, #tpu.memory_space<hbm>>) dst(%dma_wait3A_318 : memref<128xi32, #tpu.memory_space<vmem>>)
      %run_scoped3A_326 = arith.constant 0 : i32
      %run_scoped3A_327 = arith.constant 0 : i32
      "tpu.region"() ({
        %run_scoped3A_586 = tpu.sem_alloc : memref<!tpu.dma_semaphore, #tpu.memory_space<semaphore_mem>>
        %dma_start3A_587 = arith.constant 0 : i32
        %dma_start3A_588 = arith.constant 0 : i32
        %dma_start3A_589 = tpu.memref_slice %arg9[%run_scoped3A_326, %dma_start3A_587, %dma_start3A_588] : memref<2x128x128xf32, #tpu.memory_space<vmem>> -> memref<1x128x128xf32, #tpu.memory_space<vmem>>
        %dma_start3A_590 = tpu.memref_squeeze %dma_start3A_589 : memref<1x128x128xf32, #tpu.memory_space<vmem>> -> memref<128x128xf32, #tpu.memory_space<vmem>>
        %dma_start3A_591 = arith.constant 0 : i32
        %dma_start3A_592 = tpu.memref_slice %arg8[%run_scoped3A_327, %dma_start3A_591] : memref<4x128xi32, #tpu.memory_space<vmem>> -> memref<1x128xi32, #tpu.memory_space<vmem>>
        %dma_start3A_593 = tpu.memref_squeeze %dma_start3A_592 : memref<1x128xi32, #tpu.memory_space<vmem>> -> memref<128xi32, #tpu.memory_space<vmem>>
        %dma_start3A_594 = arith.constant 0 : i32
        %dma_start3A_595 = arith.constant 0 : i32
        %dma_start3A_596 = tpu.memref_slice %arg10[%dma_start3A_594, %dma_start3A_595] : memref<10240x128xf32, #tpu.memory_space<vmem_shared>> -> memref<10240x128xf32, #tpu.memory_space<vmem_shared>>
        tpu.enqueue_indirect_dma source(%dma_start3A_590 : memref<128x128xf32, #tpu.memory_space<vmem>>) target(%dma_start3A_596 : memref<10240x128xf32, #tpu.memory_space<vmem_shared>>) offsets(%dma_start3A_593 : memref<128xi32, #tpu.memory_space<vmem>>) semaphore(%run_scoped3A_586 : memref<!tpu.dma_semaphore, #tpu.memory_space<semaphore_mem>>) {add = true}
        %dma_wait3A_597 = arith.constant 0 : i32
        %dma_wait3A_598 = arith.constant 0 : i32
        %dma_wait3A_599 = tpu.memref_slice %arg9[%run_scoped3A_326, %dma_wait3A_597, %dma_wait3A_598] : memref<2x128x128xf32, #tpu.memory_space<vmem>> -> memref<1x128x128xf32, #tpu.memory_space<vmem>>
        %dma_wait3A_600 = tpu.memref_squeeze %dma_wait3A_599 : memref<1x128x128xf32, #tpu.memory_space<vmem>> -> memref<128x128xf32, #tpu.memory_space<vmem>>
        %dma_wait3A_601 = arith.constant 0 : i32
        %dma_wait3A_602 = tpu.memref_slice %arg8[%run_scoped3A_327, %dma_wait3A_601] : memref<4x128xi32, #tpu.memory_space<vmem>> -> memref<1x128xi32, #tpu.memory_space<vmem>>
        %dma_wait3A_603 = tpu.memref_squeeze %dma_wait3A_602 : memref<1x128xi32, #tpu.memory_space<vmem>> -> memref<128xi32, #tpu.memory_space<vmem>>
        %dma_wait3A_604 = arith.constant 0 : i32
        %dma_wait3A_605 = arith.constant 0 : i32
        %dma_wait3A_606 = tpu.memref_slice %arg10[%dma_wait3A_604, %dma_wait3A_605] : memref<10240x128xf32, #tpu.memory_space<vmem_shared>> -> memref<10240x128xf32, #tpu.memory_space<vmem_shared>>
        tpu.wait_indirect_dma semaphore(%run_scoped3A_586 : memref<!tpu.dma_semaphore, #tpu.memory_space<semaphore_mem>>) src(%dma_wait3A_600 : memref<128x128xf32, #tpu.memory_space<vmem>>) dst(%dma_wait3A_606 : memref<10240x128xf32, #tpu.memory_space<vmem_shared>>)
        tpu.yield
      }) : () -> ()
      %add3A_328 = arith.constant 4 : i32
      %add3A_329 = arith.addi %add3A_291, %add3A_328 : i32
      %dma_start3A_330 = arith.constant 0 : i32
      %dma_start3A_331 = arith.constant 0 : i32
      %dma_start3A_332 = tpu.memref_slice %arg8[%dma_start3A_330, %dma_start3A_331] : memref<4x128xi32, #tpu.memory_space<vmem>> -> memref<1x128xi32, #tpu.memory_space<vmem>>
      %dma_start3A_333 = tpu.memref_squeeze %dma_start3A_332 : memref<1x128xi32, #tpu.memory_space<vmem>> -> memref<128xi32, #tpu.memory_space<vmem>>
      %dma_start3A_334 = arith.constant 0 : i32
      %dma_start3A_335 = arith.constant 0 : i32
      %dma_start3A_336 = tpu.memref_slice %arg4[%add3A, %dma_start3A_334, %dma_start3A_335] : memref<32x80x128xi32, #tpu.memory_space<hbm>> -> memref<1x80x128xi32, #tpu.memory_space<hbm>>
      %dma_start3A_337 = tpu.memref_squeeze %dma_start3A_336 : memref<1x80x128xi32, #tpu.memory_space<hbm>> -> memref<80x128xi32, #tpu.memory_space<hbm>>
      %dma_start3A_338 = arith.constant 0 : i32
      %dma_start3A_339 = tpu.memref_slice %dma_start3A_337[%add3A_329, %dma_start3A_338] : memref<80x128xi32, #tpu.memory_space<hbm>> -> memref<1x128xi32, #tpu.memory_space<hbm>>
      %dma_start3A_340 = tpu.memref_squeeze %dma_start3A_339 : memref<1x128xi32, #tpu.memory_space<hbm>> -> memref<128xi32, #tpu.memory_space<hbm>>
      %dma_start3A_341 = arith.constant 0 : i32
      %dma_start3A_342 = tpu.memref_slice %arg8[%dma_start3A_330, %dma_start3A_341] : memref<4x128xi32, #tpu.memory_space<vmem>> -> memref<1x128xi32, #tpu.memory_space<vmem>>
      %dma_start3A_343 = tpu.memref_squeeze %dma_start3A_342 : memref<1x128xi32, #tpu.memory_space<vmem>> -> memref<128xi32, #tpu.memory_space<vmem>>
      %dma_start3A_344 = arith.constant 0 : i32
      %dma_start3A_345 = arith.constant 0 : i32
      %dma_start3A_346 = tpu.memref_slice %arg4[%add3A, %dma_start3A_344, %dma_start3A_345] : memref<32x80x128xi32, #tpu.memory_space<hbm>> -> memref<1x80x128xi32, #tpu.memory_space<hbm>>
      %dma_start3A_347 = tpu.memref_squeeze %dma_start3A_346 : memref<1x80x128xi32, #tpu.memory_space<hbm>> -> memref<80x128xi32, #tpu.memory_space<hbm>>
      %dma_start3A_348 = arith.constant 0 : i32
      %dma_start3A_349 = tpu.memref_slice %dma_start3A_347[%add3A_329, %dma_start3A_348] : memref<80x128xi32, #tpu.memory_space<hbm>> -> memref<1x128xi32, #tpu.memory_space<hbm>>
      %dma_start3A_350 = tpu.memref_squeeze %dma_start3A_349 : memref<1x128xi32, #tpu.memory_space<hbm>> -> memref<128xi32, #tpu.memory_space<hbm>>
      tpu.enqueue_dma source(%dma_start3A_350 : memref<128xi32, #tpu.memory_space<hbm>>) target(%dma_start3A_343 : memref<128xi32, #tpu.memory_space<vmem>>) target_semaphore(%arg13 : memref<!tpu.dma_semaphore, #tpu.memory_space<semaphore_mem>>)
      %add3A_351 = arith.constant 2 : i32
      %add3A_352 = arith.addi %add3A_291, %add3A_351 : i32
      %dma_start3A_353 = arith.constant 0 : i32
      %dma_start3A_354 = arith.constant 0 : i32
      %dma_start3A_355 = arith.constant 0 : i32
      %dma_start3A_356 = tpu.memref_slice %arg9[%dma_start3A_353, %dma_start3A_354, %dma_start3A_355] : memref<2x128x128xf32, #tpu.memory_space<vmem>> -> memref<1x128x128xf32, #tpu.memory_space<vmem>>
      %dma_start3A_357 = tpu.memref_squeeze %dma_start3A_356 : memref<1x128x128xf32, #tpu.memory_space<vmem>> -> memref<128x128xf32, #tpu.memory_space<vmem>>
      %dma_start3A_358 = arith.constant 0 : i32
      %dma_start3A_359 = tpu.memref_slice %arg7[%add3A_352, %dma_start3A_358] : memref<80x128xi32, #tpu.memory_space<vmem>> -> memref<1x128xi32, #tpu.memory_space<vmem>>
      %dma_start3A_360 = tpu.memref_squeeze %dma_start3A_359 : memref<1x128xi32, #tpu.memory_space<vmem>> -> memref<128xi32, #tpu.memory_space<vmem>>
      %dma_start3A_361 = arith.constant 0 : i32
      %dma_start3A_362 = arith.constant 0 : i32
      %dma_start3A_363 = tpu.memref_slice %arg2[%dma_start3A_361, %dma_start3A_362] : memref<10000x128xf32, #tpu.memory_space<hbm>> -> memref<10000x128xf32, #tpu.memory_space<hbm>>
      tpu.enqueue_indirect_dma source(%dma_start3A_363 : memref<10000x128xf32, #tpu.memory_space<hbm>>) target(%dma_start3A_357 : memref<128x128xf32, #tpu.memory_space<vmem>>) offsets(%dma_start3A_360 : memref<128xi32, #tpu.memory_space<vmem>>) semaphore(%arg11 : memref<!tpu.dma_semaphore, #tpu.memory_space<semaphore_mem>>)
      %add3A_364 = arith.constant 1 : i32
      %add3A_365 = arith.addi %add3A_289, %add3A_364 : i32
      %dma_wait3A_366 = arith.constant 0 : i32
      %dma_wait3A_367 = arith.constant 1 : i32
      %dma_wait3A_368 = arith.constant 0 : i32
      %dma_wait3A_369 = arith.constant 0 : i32
      %dma_wait3A_370 = tpu.memref_slice %arg9[%dma_wait3A_367, %dma_wait3A_368, %dma_wait3A_369] : memref<2x128x128xf32, #tpu.memory_space<vmem>> -> memref<1x128x128xf32, #tpu.memory_space<vmem>>
      %dma_wait3A_371 = tpu.memref_squeeze %dma_wait3A_370 : memref<1x128x128xf32, #tpu.memory_space<vmem>> -> memref<128x128xf32, #tpu.memory_space<vmem>>
      %dma_wait3A_372 = arith.constant 0 : i32
      %dma_wait3A_373 = tpu.memref_slice %arg7[%dma_wait3A_366, %dma_wait3A_372] : memref<80x128xi32, #tpu.memory_space<vmem>> -> memref<1x128xi32, #tpu.memory_space<vmem>>
      %dma_wait3A_374 = tpu.memref_squeeze %dma_wait3A_373 : memref<1x128xi32, #tpu.memory_space<vmem>> -> memref<128xi32, #tpu.memory_space<vmem>>
      %dma_wait3A_375 = arith.constant 0 : i32
      %dma_wait3A_376 = arith.constant 0 : i32
      %dma_wait3A_377 = tpu.memref_slice %arg2[%dma_wait3A_375, %dma_wait3A_376] : memref<10000x128xf32, #tpu.memory_space<hbm>> -> memref<10000x128xf32, #tpu.memory_space<hbm>>
      tpu.wait_indirect_dma semaphore(%arg12 : memref<!tpu.dma_semaphore, #tpu.memory_space<semaphore_mem>>) src(%dma_wait3A_377 : memref<10000x128xf32, #tpu.memory_space<hbm>>) dst(%dma_wait3A_371 : memref<128x128xf32, #tpu.memory_space<vmem>>)
      %dma_wait3A_378 = arith.constant 0 : i32
      %dma_wait3A_379 = arith.constant 1 : i32
      %dma_wait3A_380 = arith.constant 0 : i32
      %dma_wait3A_381 = tpu.memref_slice %arg8[%dma_wait3A_379, %dma_wait3A_380] : memref<4x128xi32, #tpu.memory_space<vmem>> -> memref<1x128xi32, #tpu.memory_space<vmem>>
      %dma_wait3A_382 = tpu.memref_squeeze %dma_wait3A_381 : memref<1x128xi32, #tpu.memory_space<vmem>> -> memref<128xi32, #tpu.memory_space<vmem>>
      %dma_wait3A_383 = arith.constant 0 : i32
      %dma_wait3A_384 = arith.constant 0 : i32
      %dma_wait3A_385 = tpu.memref_slice %arg4[%add3A, %dma_wait3A_383, %dma_wait3A_384] : memref<32x80x128xi32, #tpu.memory_space<hbm>> -> memref<1x80x128xi32, #tpu.memory_space<hbm>>
      %dma_wait3A_386 = tpu.memref_squeeze %dma_wait3A_385 : memref<1x80x128xi32, #tpu.memory_space<hbm>> -> memref<80x128xi32, #tpu.memory_space<hbm>>
      %dma_wait3A_387 = arith.constant 0 : i32
      %dma_wait3A_388 = tpu.memref_slice %dma_wait3A_386[%dma_wait3A_378, %dma_wait3A_387] : memref<80x128xi32, #tpu.memory_space<hbm>> -> memref<1x128xi32, #tpu.memory_space<hbm>>
      %dma_wait3A_389 = tpu.memref_squeeze %dma_wait3A_388 : memref<1x128xi32, #tpu.memory_space<hbm>> -> memref<128xi32, #tpu.memory_space<hbm>>
      %dma_wait3A_390 = arith.constant 0 : i32
      %dma_wait3A_391 = tpu.memref_slice %arg8[%dma_wait3A_379, %dma_wait3A_390] : memref<4x128xi32, #tpu.memory_space<vmem>> -> memref<1x128xi32, #tpu.memory_space<vmem>>
      %dma_wait3A_392 = tpu.memref_squeeze %dma_wait3A_391 : memref<1x128xi32, #tpu.memory_space<vmem>> -> memref<128xi32, #tpu.memory_space<vmem>>
      %dma_wait3A_393 = arith.constant 0 : i32
      %dma_wait3A_394 = arith.constant 0 : i32
      %dma_wait3A_395 = tpu.memref_slice %arg4[%add3A, %dma_wait3A_393, %dma_wait3A_394] : memref<32x80x128xi32, #tpu.memory_space<hbm>> -> memref<1x80x128xi32, #tpu.memory_space<hbm>>
      %dma_wait3A_396 = tpu.memref_squeeze %dma_wait3A_395 : memref<1x80x128xi32, #tpu.memory_space<hbm>> -> memref<80x128xi32, #tpu.memory_space<hbm>>
      %dma_wait3A_397 = arith.constant 0 : i32
      %dma_wait3A_398 = tpu.memref_slice %dma_wait3A_396[%dma_wait3A_378, %dma_wait3A_397] : memref<80x128xi32, #tpu.memory_space<hbm>> -> memref<1x128xi32, #tpu.memory_space<hbm>>
      %dma_wait3A_399 = tpu.memref_squeeze %dma_wait3A_398 : memref<1x128xi32, #tpu.memory_space<hbm>> -> memref<128xi32, #tpu.memory_space<hbm>>
      tpu.wait_dma2 semaphore(%arg14 : memref<!tpu.dma_semaphore, #tpu.memory_space<semaphore_mem>>) src(%dma_wait3A_399 : memref<128xi32, #tpu.memory_space<hbm>>) dst(%dma_wait3A_392 : memref<128xi32, #tpu.memory_space<vmem>>)
      %run_scoped3A_400 = arith.constant 1 : i32
      %run_scoped3A_401 = arith.constant 1 : i32
      "tpu.region"() ({
        %run_scoped3A_586 = tpu.sem_alloc : memref<!tpu.dma_semaphore, #tpu.memory_space<semaphore_mem>>
        %dma_start3A_587 = arith.constant 0 : i32
        %dma_start3A_588 = arith.constant 0 : i32
        %dma_start3A_589 = tpu.memref_slice %arg9[%run_scoped3A_400, %dma_start3A_587, %dma_start3A_588] : memref<2x128x128xf32, #tpu.memory_space<vmem>> -> memref<1x128x128xf32, #tpu.memory_space<vmem>>
        %dma_start3A_590 = tpu.memref_squeeze %dma_start3A_589 : memref<1x128x128xf32, #tpu.memory_space<vmem>> -> memref<128x128xf32, #tpu.memory_space<vmem>>
        %dma_start3A_591 = arith.constant 0 : i32
        %dma_start3A_592 = tpu.memref_slice %arg8[%run_scoped3A_401, %dma_start3A_591] : memref<4x128xi32, #tpu.memory_space<vmem>> -> memref<1x128xi32, #tpu.memory_space<vmem>>
        %dma_start3A_593 = tpu.memref_squeeze %dma_start3A_592 : memref<1x128xi32, #tpu.memory_space<vmem>> -> memref<128xi32, #tpu.memory_space<vmem>>
        %dma_start3A_594 = arith.constant 0 : i32
        %dma_start3A_595 = arith.constant 0 : i32
        %dma_start3A_596 = tpu.memref_slice %arg10[%dma_start3A_594, %dma_start3A_595] : memref<10240x128xf32, #tpu.memory_space<vmem_shared>> -> memref<10240x128xf32, #tpu.memory_space<vmem_shared>>
        tpu.enqueue_indirect_dma source(%dma_start3A_590 : memref<128x128xf32, #tpu.memory_space<vmem>>) target(%dma_start3A_596 : memref<10240x128xf32, #tpu.memory_space<vmem_shared>>) offsets(%dma_start3A_593 : memref<128xi32, #tpu.memory_space<vmem>>) semaphore(%run_scoped3A_586 : memref<!tpu.dma_semaphore, #tpu.memory_space<semaphore_mem>>) {add = true}
        %dma_wait3A_597 = arith.constant 0 : i32
        %dma_wait3A_598 = arith.constant 0 : i32
        %dma_wait3A_599 = tpu.memref_slice %arg9[%run_scoped3A_400, %dma_wait3A_597, %dma_wait3A_598] : memref<2x128x128xf32, #tpu.memory_space<vmem>> -> memref<1x128x128xf32, #tpu.memory_space<vmem>>
        %dma_wait3A_600 = tpu.memref_squeeze %dma_wait3A_599 : memref<1x128x128xf32, #tpu.memory_space<vmem>> -> memref<128x128xf32, #tpu.memory_space<vmem>>
        %dma_wait3A_601 = arith.constant 0 : i32
        %dma_wait3A_602 = tpu.memref_slice %arg8[%run_scoped3A_401, %dma_wait3A_601] : memref<4x128xi32, #tpu.memory_space<vmem>> -> memref<1x128xi32, #tpu.memory_space<vmem>>
        %dma_wait3A_603 = tpu.memref_squeeze %dma_wait3A_602 : memref<1x128xi32, #tpu.memory_space<vmem>> -> memref<128xi32, #tpu.memory_space<vmem>>
        %dma_wait3A_604 = arith.constant 0 : i32
        %dma_wait3A_605 = arith.constant 0 : i32
        %dma_wait3A_606 = tpu.memref_slice %arg10[%dma_wait3A_604, %dma_wait3A_605] : memref<10240x128xf32, #tpu.memory_space<vmem_shared>> -> memref<10240x128xf32, #tpu.memory_space<vmem_shared>>
        tpu.wait_indirect_dma semaphore(%run_scoped3A_586 : memref<!tpu.dma_semaphore, #tpu.memory_space<semaphore_mem>>) src(%dma_wait3A_600 : memref<128x128xf32, #tpu.memory_space<vmem>>) dst(%dma_wait3A_606 : memref<10240x128xf32, #tpu.memory_space<vmem_shared>>)
        tpu.yield
      }) : () -> ()
      %add3A_402 = arith.constant 4 : i32
      %add3A_403 = arith.addi %add3A_365, %add3A_402 : i32
      %dma_start3A_404 = arith.constant 1 : i32
      %dma_start3A_405 = arith.constant 0 : i32
      %dma_start3A_406 = tpu.memref_slice %arg8[%dma_start3A_404, %dma_start3A_405] : memref<4x128xi32, #tpu.memory_space<vmem>> -> memref<1x128xi32, #tpu.memory_space<vmem>>
      %dma_start3A_407 = tpu.memref_squeeze %dma_start3A_406 : memref<1x128xi32, #tpu.memory_space<vmem>> -> memref<128xi32, #tpu.memory_space<vmem>>
      %dma_start3A_408 = arith.constant 0 : i32
      %dma_start3A_409 = arith.constant 0 : i32
      %dma_start3A_410 = tpu.memref_slice %arg4[%add3A, %dma_start3A_408, %dma_start3A_409] : memref<32x80x128xi32, #tpu.memory_space<hbm>> -> memref<1x80x128xi32, #tpu.memory_space<hbm>>
      %dma_start3A_411 = tpu.memref_squeeze %dma_start3A_410 : memref<1x80x128xi32, #tpu.memory_space<hbm>> -> memref<80x128xi32, #tpu.memory_space<hbm>>
      %dma_start3A_412 = arith.constant 0 : i32
      %dma_start3A_413 = tpu.memref_slice %dma_start3A_411[%add3A_403, %dma_start3A_412] : memref<80x128xi32, #tpu.memory_space<hbm>> -> memref<1x128xi32, #tpu.memory_space<hbm>>
      %dma_start3A_414 = tpu.memref_squeeze %dma_start3A_413 : memref<1x128xi32, #tpu.memory_space<hbm>> -> memref<128xi32, #tpu.memory_space<hbm>>
      %dma_start3A_415 = arith.constant 0 : i32
      %dma_start3A_416 = tpu.memref_slice %arg8[%dma_start3A_404, %dma_start3A_415] : memref<4x128xi32, #tpu.memory_space<vmem>> -> memref<1x128xi32, #tpu.memory_space<vmem>>
      %dma_start3A_417 = tpu.memref_squeeze %dma_start3A_416 : memref<1x128xi32, #tpu.memory_space<vmem>> -> memref<128xi32, #tpu.memory_space<vmem>>
      %dma_start3A_418 = arith.constant 0 : i32
      %dma_start3A_419 = arith.constant 0 : i32
      %dma_start3A_420 = tpu.memref_slice %arg4[%add3A, %dma_start3A_418, %dma_start3A_419] : memref<32x80x128xi32, #tpu.memory_space<hbm>> -> memref<1x80x128xi32, #tpu.memory_space<hbm>>
      %dma_start3A_421 = tpu.memref_squeeze %dma_start3A_420 : memref<1x80x128xi32, #tpu.memory_space<hbm>> -> memref<80x128xi32, #tpu.memory_space<hbm>>
      %dma_start3A_422 = arith.constant 0 : i32
      %dma_start3A_423 = tpu.memref_slice %dma_start3A_421[%add3A_403, %dma_start3A_422] : memref<80x128xi32, #tpu.memory_space<hbm>> -> memref<1x128xi32, #tpu.memory_space<hbm>>
      %dma_start3A_424 = tpu.memref_squeeze %dma_start3A_423 : memref<1x128xi32, #tpu.memory_space<hbm>> -> memref<128xi32, #tpu.memory_space<hbm>>
      tpu.enqueue_dma source(%dma_start3A_424 : memref<128xi32, #tpu.memory_space<hbm>>) target(%dma_start3A_417 : memref<128xi32, #tpu.memory_space<vmem>>) target_semaphore(%arg14 : memref<!tpu.dma_semaphore, #tpu.memory_space<semaphore_mem>>)
      %add3A_425 = arith.constant 2 : i32
      %add3A_426 = arith.addi %add3A_365, %add3A_425 : i32
      %dma_start3A_427 = arith.constant 1 : i32
      %dma_start3A_428 = arith.constant 0 : i32
      %dma_start3A_429 = arith.constant 0 : i32
      %dma_start3A_430 = tpu.memref_slice %arg9[%dma_start3A_427, %dma_start3A_428, %dma_start3A_429] : memref<2x128x128xf32, #tpu.memory_space<vmem>> -> memref<1x128x128xf32, #tpu.memory_space<vmem>>
      %dma_start3A_431 = tpu.memref_squeeze %dma_start3A_430 : memref<1x128x128xf32, #tpu.memory_space<vmem>> -> memref<128x128xf32, #tpu.memory_space<vmem>>
      %dma_start3A_432 = arith.constant 0 : i32
      %dma_start3A_433 = tpu.memref_slice %arg7[%add3A_426, %dma_start3A_432] : memref<80x128xi32, #tpu.memory_space<vmem>> -> memref<1x128xi32, #tpu.memory_space<vmem>>
      %dma_start3A_434 = tpu.memref_squeeze %dma_start3A_433 : memref<1x128xi32, #tpu.memory_space<vmem>> -> memref<128xi32, #tpu.memory_space<vmem>>
      %dma_start3A_435 = arith.constant 0 : i32
      %dma_start3A_436 = arith.constant 0 : i32
      %dma_start3A_437 = tpu.memref_slice %arg2[%dma_start3A_435, %dma_start3A_436] : memref<10000x128xf32, #tpu.memory_space<hbm>> -> memref<10000x128xf32, #tpu.memory_space<hbm>>
      tpu.enqueue_indirect_dma source(%dma_start3A_437 : memref<10000x128xf32, #tpu.memory_space<hbm>>) target(%dma_start3A_431 : memref<128x128xf32, #tpu.memory_space<vmem>>) offsets(%dma_start3A_434 : memref<128xi32, #tpu.memory_space<vmem>>) semaphore(%arg12 : memref<!tpu.dma_semaphore, #tpu.memory_space<semaphore_mem>>)
      %add3A_438 = arith.constant 2 : i32
      %add3A_439 = arith.addi %add3A_289, %add3A_438 : i32
      %dma_wait3A_440 = arith.constant 0 : i32
      %dma_wait3A_441 = arith.constant 0 : i32
      %dma_wait3A_442 = arith.constant 0 : i32
      %dma_wait3A_443 = arith.constant 0 : i32
      %dma_wait3A_444 = tpu.memref_slice %arg9[%dma_wait3A_441, %dma_wait3A_442, %dma_wait3A_443] : memref<2x128x128xf32, #tpu.memory_space<vmem>> -> memref<1x128x128xf32, #tpu.memory_space<vmem>>
      %dma_wait3A_445 = tpu.memref_squeeze %dma_wait3A_444 : memref<1x128x128xf32, #tpu.memory_space<vmem>> -> memref<128x128xf32, #tpu.memory_space<vmem>>
      %dma_wait3A_446 = arith.constant 0 : i32
      %dma_wait3A_447 = tpu.memref_slice %arg7[%dma_wait3A_440, %dma_wait3A_446] : memref<80x128xi32, #tpu.memory_space<vmem>> -> memref<1x128xi32, #tpu.memory_space<vmem>>
      %dma_wait3A_448 = tpu.memref_squeeze %dma_wait3A_447 : memref<1x128xi32, #tpu.memory_space<vmem>> -> memref<128xi32, #tpu.memory_space<vmem>>
      %dma_wait3A_449 = arith.constant 0 : i32
      %dma_wait3A_450 = arith.constant 0 : i32
      %dma_wait3A_451 = tpu.memref_slice %arg2[%dma_wait3A_449, %dma_wait3A_450] : memref<10000x128xf32, #tpu.memory_space<hbm>> -> memref<10000x128xf32, #tpu.memory_space<hbm>>
      tpu.wait_indirect_dma semaphore(%arg11 : memref<!tpu.dma_semaphore, #tpu.memory_space<semaphore_mem>>) src(%dma_wait3A_451 : memref<10000x128xf32, #tpu.memory_space<hbm>>) dst(%dma_wait3A_445 : memref<128x128xf32, #tpu.memory_space<vmem>>)
      %dma_wait3A_452 = arith.constant 0 : i32
      %dma_wait3A_453 = arith.constant 2 : i32
      %dma_wait3A_454 = arith.constant 0 : i32
      %dma_wait3A_455 = tpu.memref_slice %arg8[%dma_wait3A_453, %dma_wait3A_454] : memref<4x128xi32, #tpu.memory_space<vmem>> -> memref<1x128xi32, #tpu.memory_space<vmem>>
      %dma_wait3A_456 = tpu.memref_squeeze %dma_wait3A_455 : memref<1x128xi32, #tpu.memory_space<vmem>> -> memref<128xi32, #tpu.memory_space<vmem>>
      %dma_wait3A_457 = arith.constant 0 : i32
      %dma_wait3A_458 = arith.constant 0 : i32
      %dma_wait3A_459 = tpu.memref_slice %arg4[%add3A, %dma_wait3A_457, %dma_wait3A_458] : memref<32x80x128xi32, #tpu.memory_space<hbm>> -> memref<1x80x128xi32, #tpu.memory_space<hbm>>
      %dma_wait3A_460 = tpu.memref_squeeze %dma_wait3A_459 : memref<1x80x128xi32, #tpu.memory_space<hbm>> -> memref<80x128xi32, #tpu.memory_space<hbm>>
      %dma_wait3A_461 = arith.constant 0 : i32
      %dma_wait3A_462 = tpu.memref_slice %dma_wait3A_460[%dma_wait3A_452, %dma_wait3A_461] : memref<80x128xi32, #tpu.memory_space<hbm>> -> memref<1x128xi32, #tpu.memory_space<hbm>>
      %dma_wait3A_463 = tpu.memref_squeeze %dma_wait3A_462 : memref<1x128xi32, #tpu.memory_space<hbm>> -> memref<128xi32, #tpu.memory_space<hbm>>
      %dma_wait3A_464 = arith.constant 0 : i32
      %dma_wait3A_465 = tpu.memref_slice %arg8[%dma_wait3A_453, %dma_wait3A_464] : memref<4x128xi32, #tpu.memory_space<vmem>> -> memref<1x128xi32, #tpu.memory_space<vmem>>
      %dma_wait3A_466 = tpu.memref_squeeze %dma_wait3A_465 : memref<1x128xi32, #tpu.memory_space<vmem>> -> memref<128xi32, #tpu.memory_space<vmem>>
      %dma_wait3A_467 = arith.constant 0 : i32
      %dma_wait3A_468 = arith.constant 0 : i32
      %dma_wait3A_469 = tpu.memref_slice %arg4[%add3A, %dma_wait3A_467, %dma_wait3A_468] : memref<32x80x128xi32, #tpu.memory_space<hbm>> -> memref<1x80x128xi32, #tpu.memory_space<hbm>>
      %dma_wait3A_470 = tpu.memref_squeeze %dma_wait3A_469 : memref<1x80x128xi32, #tpu.memory_space<hbm>> -> memref<80x128xi32, #tpu.memory_space<hbm>>
      %dma_wait3A_471 = arith.constant 0 : i32
      %dma_wait3A_472 = tpu.memref_slice %dma_wait3A_470[%dma_wait3A_452, %dma_wait3A_471] : memref<80x128xi32, #tpu.memory_space<hbm>> -> memref<1x128xi32, #tpu.memory_space<hbm>>
      %dma_wait3A_473 = tpu.memref_squeeze %dma_wait3A_472 : memref<1x128xi32, #tpu.memory_space<hbm>> -> memref<128xi32, #tpu.memory_space<hbm>>
      tpu.wait_dma2 semaphore(%arg15 : memref<!tpu.dma_semaphore, #tpu.memory_space<semaphore_mem>>) src(%dma_wait3A_473 : memref<128xi32, #tpu.memory_space<hbm>>) dst(%dma_wait3A_466 : memref<128xi32, #tpu.memory_space<vmem>>)
      %run_scoped3A_474 = arith.constant 0 : i32
      %run_scoped3A_475 = arith.constant 2 : i32
      "tpu.region"() ({
        %run_scoped3A_586 = tpu.sem_alloc : memref<!tpu.dma_semaphore, #tpu.memory_space<semaphore_mem>>
        %dma_start3A_587 = arith.constant 0 : i32
        %dma_start3A_588 = arith.constant 0 : i32
        %dma_start3A_589 = tpu.memref_slice %arg9[%run_scoped3A_474, %dma_start3A_587, %dma_start3A_588] : memref<2x128x128xf32, #tpu.memory_space<vmem>> -> memref<1x128x128xf32, #tpu.memory_space<vmem>>
        %dma_start3A_590 = tpu.memref_squeeze %dma_start3A_589 : memref<1x128x128xf32, #tpu.memory_space<vmem>> -> memref<128x128xf32, #tpu.memory_space<vmem>>
        %dma_start3A_591 = arith.constant 0 : i32
        %dma_start3A_592 = tpu.memref_slice %arg8[%run_scoped3A_475, %dma_start3A_591] : memref<4x128xi32, #tpu.memory_space<vmem>> -> memref<1x128xi32, #tpu.memory_space<vmem>>
        %dma_start3A_593 = tpu.memref_squeeze %dma_start3A_592 : memref<1x128xi32, #tpu.memory_space<vmem>> -> memref<128xi32, #tpu.memory_space<vmem>>
        %dma_start3A_594 = arith.constant 0 : i32
        %dma_start3A_595 = arith.constant 0 : i32
        %dma_start3A_596 = tpu.memref_slice %arg10[%dma_start3A_594, %dma_start3A_595] : memref<10240x128xf32, #tpu.memory_space<vmem_shared>> -> memref<10240x128xf32, #tpu.memory_space<vmem_shared>>
        tpu.enqueue_indirect_dma source(%dma_start3A_590 : memref<128x128xf32, #tpu.memory_space<vmem>>) target(%dma_start3A_596 : memref<10240x128xf32, #tpu.memory_space<vmem_shared>>) offsets(%dma_start3A_593 : memref<128xi32, #tpu.memory_space<vmem>>) semaphore(%run_scoped3A_586 : memref<!tpu.dma_semaphore, #tpu.memory_space<semaphore_mem>>) {add = true}
        %dma_wait3A_597 = arith.constant 0 : i32
        %dma_wait3A_598 = arith.constant 0 : i32
        %dma_wait3A_599 = tpu.memref_slice %arg9[%run_scoped3A_474, %dma_wait3A_597, %dma_wait3A_598] : memref<2x128x128xf32, #tpu.memory_space<vmem>> -> memref<1x128x128xf32, #tpu.memory_space<vmem>>
        %dma_wait3A_600 = tpu.memref_squeeze %dma_wait3A_599 : memref<1x128x128xf32, #tpu.memory_space<vmem>> -> memref<128x128xf32, #tpu.memory_space<vmem>>
        %dma_wait3A_601 = arith.constant 0 : i32
        %dma_wait3A_602 = tpu.memref_slice %arg8[%run_scoped3A_475, %dma_wait3A_601] : memref<4x128xi32, #tpu.memory_space<vmem>> -> memref<1x128xi32, #tpu.memory_space<vmem>>
        %dma_wait3A_603 = tpu.memref_squeeze %dma_wait3A_602 : memref<1x128xi32, #tpu.memory_space<vmem>> -> memref<128xi32, #tpu.memory_space<vmem>>
        %dma_wait3A_604 = arith.constant 0 : i32
        %dma_wait3A_605 = arith.constant 0 : i32
        %dma_wait3A_606 = tpu.memref_slice %arg10[%dma_wait3A_604, %dma_wait3A_605] : memref<10240x128xf32, #tpu.memory_space<vmem_shared>> -> memref<10240x128xf32, #tpu.memory_space<vmem_shared>>
        tpu.wait_indirect_dma semaphore(%run_scoped3A_586 : memref<!tpu.dma_semaphore, #tpu.memory_space<semaphore_mem>>) src(%dma_wait3A_600 : memref<128x128xf32, #tpu.memory_space<vmem>>) dst(%dma_wait3A_606 : memref<10240x128xf32, #tpu.memory_space<vmem_shared>>)
        tpu.yield
      }) : () -> ()
      %add3A_476 = arith.constant 4 : i32
      %add3A_477 = arith.addi %add3A_439, %add3A_476 : i32
      %dma_start3A_478 = arith.constant 2 : i32
      %dma_start3A_479 = arith.constant 0 : i32
      %dma_start3A_480 = tpu.memref_slice %arg8[%dma_start3A_478, %dma_start3A_479] : memref<4x128xi32, #tpu.memory_space<vmem>> -> memref<1x128xi32, #tpu.memory_space<vmem>>
      %dma_start3A_481 = tpu.memref_squeeze %dma_start3A_480 : memref<1x128xi32, #tpu.memory_space<vmem>> -> memref<128xi32, #tpu.memory_space<vmem>>
      %dma_start3A_482 = arith.constant 0 : i32
      %dma_start3A_483 = arith.constant 0 : i32
      %dma_start3A_484 = tpu.memref_slice %arg4[%add3A, %dma_start3A_482, %dma_start3A_483] : memref<32x80x128xi32, #tpu.memory_space<hbm>> -> memref<1x80x128xi32, #tpu.memory_space<hbm>>
      %dma_start3A_485 = tpu.memref_squeeze %dma_start3A_484 : memref<1x80x128xi32, #tpu.memory_space<hbm>> -> memref<80x128xi32, #tpu.memory_space<hbm>>
      %dma_start3A_486 = arith.constant 0 : i32
      %dma_start3A_487 = tpu.memref_slice %dma_start3A_485[%add3A_477, %dma_start3A_486] : memref<80x128xi32, #tpu.memory_space<hbm>> -> memref<1x128xi32, #tpu.memory_space<hbm>>
      %dma_start3A_488 = tpu.memref_squeeze %dma_start3A_487 : memref<1x128xi32, #tpu.memory_space<hbm>> -> memref<128xi32, #tpu.memory_space<hbm>>
      %dma_start3A_489 = arith.constant 0 : i32
      %dma_start3A_490 = tpu.memref_slice %arg8[%dma_start3A_478, %dma_start3A_489] : memref<4x128xi32, #tpu.memory_space<vmem>> -> memref<1x128xi32, #tpu.memory_space<vmem>>
      %dma_start3A_491 = tpu.memref_squeeze %dma_start3A_490 : memref<1x128xi32, #tpu.memory_space<vmem>> -> memref<128xi32, #tpu.memory_space<vmem>>
      %dma_start3A_492 = arith.constant 0 : i32
      %dma_start3A_493 = arith.constant 0 : i32
      %dma_start3A_494 = tpu.memref_slice %arg4[%add3A, %dma_start3A_492, %dma_start3A_493] : memref<32x80x128xi32, #tpu.memory_space<hbm>> -> memref<1x80x128xi32, #tpu.memory_space<hbm>>
      %dma_start3A_495 = tpu.memref_squeeze %dma_start3A_494 : memref<1x80x128xi32, #tpu.memory_space<hbm>> -> memref<80x128xi32, #tpu.memory_space<hbm>>
      %dma_start3A_496 = arith.constant 0 : i32
      %dma_start3A_497 = tpu.memref_slice %dma_start3A_495[%add3A_477, %dma_start3A_496] : memref<80x128xi32, #tpu.memory_space<hbm>> -> memref<1x128xi32, #tpu.memory_space<hbm>>
      %dma_start3A_498 = tpu.memref_squeeze %dma_start3A_497 : memref<1x128xi32, #tpu.memory_space<hbm>> -> memref<128xi32, #tpu.memory_space<hbm>>
      tpu.enqueue_dma source(%dma_start3A_498 : memref<128xi32, #tpu.memory_space<hbm>>) target(%dma_start3A_491 : memref<128xi32, #tpu.memory_space<vmem>>) target_semaphore(%arg15 : memref<!tpu.dma_semaphore, #tpu.memory_space<semaphore_mem>>)
      %add3A_499 = arith.constant 2 : i32
      %add3A_500 = arith.addi %add3A_439, %add3A_499 : i32
      %dma_start3A_501 = arith.constant 0 : i32
      %dma_start3A_502 = arith.constant 0 : i32
      %dma_start3A_503 = arith.constant 0 : i32
      %dma_start3A_504 = tpu.memref_slice %arg9[%dma_start3A_501, %dma_start3A_502, %dma_start3A_503] : memref<2x128x128xf32, #tpu.memory_space<vmem>> -> memref<1x128x128xf32, #tpu.memory_space<vmem>>
      %dma_start3A_505 = tpu.memref_squeeze %dma_start3A_504 : memref<1x128x128xf32, #tpu.memory_space<vmem>> -> memref<128x128xf32, #tpu.memory_space<vmem>>
      %dma_start3A_506 = arith.constant 0 : i32
      %dma_start3A_507 = tpu.memref_slice %arg7[%add3A_500, %dma_start3A_506] : memref<80x128xi32, #tpu.memory_space<vmem>> -> memref<1x128xi32, #tpu.memory_space<vmem>>
      %dma_start3A_508 = tpu.memref_squeeze %dma_start3A_507 : memref<1x128xi32, #tpu.memory_space<vmem>> -> memref<128xi32, #tpu.memory_space<vmem>>
      %dma_start3A_509 = arith.constant 0 : i32
      %dma_start3A_510 = arith.constant 0 : i32
      %dma_start3A_511 = tpu.memref_slice %arg2[%dma_start3A_509, %dma_start3A_510] : memref<10000x128xf32, #tpu.memory_space<hbm>> -> memref<10000x128xf32, #tpu.memory_space<hbm>>
      tpu.enqueue_indirect_dma source(%dma_start3A_511 : memref<10000x128xf32, #tpu.memory_space<hbm>>) target(%dma_start3A_505 : memref<128x128xf32, #tpu.memory_space<vmem>>) offsets(%dma_start3A_508 : memref<128xi32, #tpu.memory_space<vmem>>) semaphore(%arg11 : memref<!tpu.dma_semaphore, #tpu.memory_space<semaphore_mem>>)
      %add3A_512 = arith.constant 3 : i32
      %add3A_513 = arith.addi %add3A_289, %add3A_512 : i32
      %dma_wait3A_514 = arith.constant 0 : i32
      %dma_wait3A_515 = arith.constant 1 : i32
      %dma_wait3A_516 = arith.constant 0 : i32
      %dma_wait3A_517 = arith.constant 0 : i32
      %dma_wait3A_518 = tpu.memref_slice %arg9[%dma_wait3A_515, %dma_wait3A_516, %dma_wait3A_517] : memref<2x128x128xf32, #tpu.memory_space<vmem>> -> memref<1x128x128xf32, #tpu.memory_space<vmem>>
      %dma_wait3A_519 = tpu.memref_squeeze %dma_wait3A_518 : memref<1x128x128xf32, #tpu.memory_space<vmem>> -> memref<128x128xf32, #tpu.memory_space<vmem>>
      %dma_wait3A_520 = arith.constant 0 : i32
      %dma_wait3A_521 = tpu.memref_slice %arg7[%dma_wait3A_514, %dma_wait3A_520] : memref<80x128xi32, #tpu.memory_space<vmem>> -> memref<1x128xi32, #tpu.memory_space<vmem>>
      %dma_wait3A_522 = tpu.memref_squeeze %dma_wait3A_521 : memref<1x128xi32, #tpu.memory_space<vmem>> -> memref<128xi32, #tpu.memory_space<vmem>>
      %dma_wait3A_523 = arith.constant 0 : i32
      %dma_wait3A_524 = arith.constant 0 : i32
      %dma_wait3A_525 = tpu.memref_slice %arg2[%dma_wait3A_523, %dma_wait3A_524] : memref<10000x128xf32, #tpu.memory_space<hbm>> -> memref<10000x128xf32, #tpu.memory_space<hbm>>
      tpu.wait_indirect_dma semaphore(%arg12 : memref<!tpu.dma_semaphore, #tpu.memory_space<semaphore_mem>>) src(%dma_wait3A_525 : memref<10000x128xf32, #tpu.memory_space<hbm>>) dst(%dma_wait3A_519 : memref<128x128xf32, #tpu.memory_space<vmem>>)
      %dma_wait3A_526 = arith.constant 0 : i32
      %dma_wait3A_527 = arith.constant 3 : i32
      %dma_wait3A_528 = arith.constant 0 : i32
      %dma_wait3A_529 = tpu.memref_slice %arg8[%dma_wait3A_527, %dma_wait3A_528] : memref<4x128xi32, #tpu.memory_space<vmem>> -> memref<1x128xi32, #tpu.memory_space<vmem>>
      %dma_wait3A_530 = tpu.memref_squeeze %dma_wait3A_529 : memref<1x128xi32, #tpu.memory_space<vmem>> -> memref<128xi32, #tpu.memory_space<vmem>>
      %dma_wait3A_531 = arith.constant 0 : i32
      %dma_wait3A_532 = arith.constant 0 : i32
      %dma_wait3A_533 = tpu.memref_slice %arg4[%add3A, %dma_wait3A_531, %dma_wait3A_532] : memref<32x80x128xi32, #tpu.memory_space<hbm>> -> memref<1x80x128xi32, #tpu.memory_space<hbm>>
      %dma_wait3A_534 = tpu.memref_squeeze %dma_wait3A_533 : memref<1x80x128xi32, #tpu.memory_space<hbm>> -> memref<80x128xi32, #tpu.memory_space<hbm>>
      %dma_wait3A_535 = arith.constant 0 : i32
      %dma_wait3A_536 = tpu.memref_slice %dma_wait3A_534[%dma_wait3A_526, %dma_wait3A_535] : memref<80x128xi32, #tpu.memory_space<hbm>> -> memref<1x128xi32, #tpu.memory_space<hbm>>
      %dma_wait3A_537 = tpu.memref_squeeze %dma_wait3A_536 : memref<1x128xi32, #tpu.memory_space<hbm>> -> memref<128xi32, #tpu.memory_space<hbm>>
      %dma_wait3A_538 = arith.constant 0 : i32
      %dma_wait3A_539 = tpu.memref_slice %arg8[%dma_wait3A_527, %dma_wait3A_538] : memref<4x128xi32, #tpu.memory_space<vmem>> -> memref<1x128xi32, #tpu.memory_space<vmem>>
      %dma_wait3A_540 = tpu.memref_squeeze %dma_wait3A_539 : memref<1x128xi32, #tpu.memory_space<vmem>> -> memref<128xi32, #tpu.memory_space<vmem>>
      %dma_wait3A_541 = arith.constant 0 : i32
      %dma_wait3A_542 = arith.constant 0 : i32
      %dma_wait3A_543 = tpu.memref_slice %arg4[%add3A, %dma_wait3A_541, %dma_wait3A_542] : memref<32x80x128xi32, #tpu.memory_space<hbm>> -> memref<1x80x128xi32, #tpu.memory_space<hbm>>
      %dma_wait3A_544 = tpu.memref_squeeze %dma_wait3A_543 : memref<1x80x128xi32, #tpu.memory_space<hbm>> -> memref<80x128xi32, #tpu.memory_space<hbm>>
      %dma_wait3A_545 = arith.constant 0 : i32
      %dma_wait3A_546 = tpu.memref_slice %dma_wait3A_544[%dma_wait3A_526, %dma_wait3A_545] : memref<80x128xi32, #tpu.memory_space<hbm>> -> memref<1x128xi32, #tpu.memory_space<hbm>>
      %dma_wait3A_547 = tpu.memref_squeeze %dma_wait3A_546 : memref<1x128xi32, #tpu.memory_space<hbm>> -> memref<128xi32, #tpu.memory_space<hbm>>
      tpu.wait_dma2 semaphore(%arg16 : memref<!tpu.dma_semaphore, #tpu.memory_space<semaphore_mem>>) src(%dma_wait3A_547 : memref<128xi32, #tpu.memory_space<hbm>>) dst(%dma_wait3A_540 : memref<128xi32, #tpu.memory_space<vmem>>)
      %run_scoped3A_548 = arith.constant 1 : i32
      %run_scoped3A_549 = arith.constant 3 : i32
      "tpu.region"() ({
        %run_scoped3A_586 = tpu.sem_alloc : memref<!tpu.dma_semaphore, #tpu.memory_space<semaphore_mem>>
        %dma_start3A_587 = arith.constant 0 : i32
        %dma_start3A_588 = arith.constant 0 : i32
        %dma_start3A_589 = tpu.memref_slice %arg9[%run_scoped3A_548, %dma_start3A_587, %dma_start3A_588] : memref<2x128x128xf32, #tpu.memory_space<vmem>> -> memref<1x128x128xf32, #tpu.memory_space<vmem>>
        %dma_start3A_590 = tpu.memref_squeeze %dma_start3A_589 : memref<1x128x128xf32, #tpu.memory_space<vmem>> -> memref<128x128xf32, #tpu.memory_space<vmem>>
        %dma_start3A_591 = arith.constant 0 : i32
        %dma_start3A_592 = tpu.memref_slice %arg8[%run_scoped3A_549, %dma_start3A_591] : memref<4x128xi32, #tpu.memory_space<vmem>> -> memref<1x128xi32, #tpu.memory_space<vmem>>
        %dma_start3A_593 = tpu.memref_squeeze %dma_start3A_592 : memref<1x128xi32, #tpu.memory_space<vmem>> -> memref<128xi32, #tpu.memory_space<vmem>>
        %dma_start3A_594 = arith.constant 0 : i32
        %dma_start3A_595 = arith.constant 0 : i32
        %dma_start3A_596 = tpu.memref_slice %arg10[%dma_start3A_594, %dma_start3A_595] : memref<10240x128xf32, #tpu.memory_space<vmem_shared>> -> memref<10240x128xf32, #tpu.memory_space<vmem_shared>>
        tpu.enqueue_indirect_dma source(%dma_start3A_590 : memref<128x128xf32, #tpu.memory_space<vmem>>) target(%dma_start3A_596 : memref<10240x128xf32, #tpu.memory_space<vmem_shared>>) offsets(%dma_start3A_593 : memref<128xi32, #tpu.memory_space<vmem>>) semaphore(%run_scoped3A_586 : memref<!tpu.dma_semaphore, #tpu.memory_space<semaphore_mem>>) {add = true}
        %dma_wait3A_597 = arith.constant 0 : i32
        %dma_wait3A_598 = arith.constant 0 : i32
        %dma_wait3A_599 = tpu.memref_slice %arg9[%run_scoped3A_548, %dma_wait3A_597, %dma_wait3A_598] : memref<2x128x128xf32, #tpu.memory_space<vmem>> -> memref<1x128x128xf32, #tpu.memory_space<vmem>>
        %dma_wait3A_600 = tpu.memref_squeeze %dma_wait3A_599 : memref<1x128x128xf32, #tpu.memory_space<vmem>> -> memref<128x128xf32, #tpu.memory_space<vmem>>
        %dma_wait3A_601 = arith.constant 0 : i32
        %dma_wait3A_602 = tpu.memref_slice %arg8[%run_scoped3A_549, %dma_wait3A_601] : memref<4x128xi32, #tpu.memory_space<vmem>> -> memref<1x128xi32, #tpu.memory_space<vmem>>
        %dma_wait3A_603 = tpu.memref_squeeze %dma_wait3A_602 : memref<1x128xi32, #tpu.memory_space<vmem>> -> memref<128xi32, #tpu.memory_space<vmem>>
        %dma_wait3A_604 = arith.constant 0 : i32
        %dma_wait3A_605 = arith.constant 0 : i32
        %dma_wait3A_606 = tpu.memref_slice %arg10[%dma_wait3A_604, %dma_wait3A_605] : memref<10240x128xf32, #tpu.memory_space<vmem_shared>> -> memref<10240x128xf32, #tpu.memory_space<vmem_shared>>
        tpu.wait_indirect_dma semaphore(%run_scoped3A_586 : memref<!tpu.dma_semaphore, #tpu.memory_space<semaphore_mem>>) src(%dma_wait3A_600 : memref<128x128xf32, #tpu.memory_space<vmem>>) dst(%dma_wait3A_606 : memref<10240x128xf32, #tpu.memory_space<vmem_shared>>)
        tpu.yield
      }) : () -> ()
      %add3A_550 = arith.constant 4 : i32
      %add3A_551 = arith.addi %add3A_513, %add3A_550 : i32
      %dma_start3A_552 = arith.constant 3 : i32
      %dma_start3A_553 = arith.constant 0 : i32
      %dma_start3A_554 = tpu.memref_slice %arg8[%dma_start3A_552, %dma_start3A_553] : memref<4x128xi32, #tpu.memory_space<vmem>> -> memref<1x128xi32, #tpu.memory_space<vmem>>
      %dma_start3A_555 = tpu.memref_squeeze %dma_start3A_554 : memref<1x128xi32, #tpu.memory_space<vmem>> -> memref<128xi32, #tpu.memory_space<vmem>>
      %dma_start3A_556 = arith.constant 0 : i32
      %dma_start3A_557 = arith.constant 0 : i32
      %dma_start3A_558 = tpu.memref_slice %arg4[%add3A, %dma_start3A_556, %dma_start3A_557] : memref<32x80x128xi32, #tpu.memory_space<hbm>> -> memref<1x80x128xi32, #tpu.memory_space<hbm>>
      %dma_start3A_559 = tpu.memref_squeeze %dma_start3A_558 : memref<1x80x128xi32, #tpu.memory_space<hbm>> -> memref<80x128xi32, #tpu.memory_space<hbm>>
      %dma_start3A_560 = arith.constant 0 : i32
      %dma_start3A_561 = tpu.memref_slice %dma_start3A_559[%add3A_551, %dma_start3A_560] : memref<80x128xi32, #tpu.memory_space<hbm>> -> memref<1x128xi32, #tpu.memory_space<hbm>>
      %dma_start3A_562 = tpu.memref_squeeze %dma_start3A_561 : memref<1x128xi32, #tpu.memory_space<hbm>> -> memref<128xi32, #tpu.memory_space<hbm>>
      %dma_start3A_563 = arith.constant 0 : i32
      %dma_start3A_564 = tpu.memref_slice %arg8[%dma_start3A_552, %dma_start3A_563] : memref<4x128xi32, #tpu.memory_space<vmem>> -> memref<1x128xi32, #tpu.memory_space<vmem>>
      %dma_start3A_565 = tpu.memref_squeeze %dma_start3A_564 : memref<1x128xi32, #tpu.memory_space<vmem>> -> memref<128xi32, #tpu.memory_space<vmem>>
      %dma_start3A_566 = arith.constant 0 : i32
      %dma_start3A_567 = arith.constant 0 : i32
      %dma_start3A_568 = tpu.memref_slice %arg4[%add3A, %dma_start3A_566, %dma_start3A_567] : memref<32x80x128xi32, #tpu.memory_space<hbm>> -> memref<1x80x128xi32, #tpu.memory_space<hbm>>
      %dma_start3A_569 = tpu.memref_squeeze %dma_start3A_568 : memref<1x80x128xi32, #tpu.memory_space<hbm>> -> memref<80x128xi32, #tpu.memory_space<hbm>>
      %dma_start3A_570 = arith.constant 0 : i32
      %dma_start3A_571 = tpu.memref_slice %dma_start3A_569[%add3A_551, %dma_start3A_570] : memref<80x128xi32, #tpu.memory_space<hbm>> -> memref<1x128xi32, #tpu.memory_space<hbm>>
      %dma_start3A_572 = tpu.memref_squeeze %dma_start3A_571 : memref<1x128xi32, #tpu.memory_space<hbm>> -> memref<128xi32, #tpu.memory_space<hbm>>
      tpu.enqueue_dma source(%dma_start3A_572 : memref<128xi32, #tpu.memory_space<hbm>>) target(%dma_start3A_565 : memref<128xi32, #tpu.memory_space<vmem>>) target_semaphore(%arg16 : memref<!tpu.dma_semaphore, #tpu.memory_space<semaphore_mem>>)
      %add3A_573 = arith.constant 2 : i32
      %add3A_574 = arith.addi %add3A_513, %add3A_573 : i32
      %dma_start3A_575 = arith.constant 1 : i32
      %dma_start3A_576 = arith.constant 0 : i32
      %dma_start3A_577 = arith.constant 0 : i32
      %dma_start3A_578 = tpu.memref_slice %arg9[%dma_start3A_575, %dma_start3A_576, %dma_start3A_577] : memref<2x128x128xf32, #tpu.memory_space<vmem>> -> memref<1x128x128xf32, #tpu.memory_space<vmem>>
      %dma_start3A_579 = tpu.memref_squeeze %dma_start3A_578 : memref<1x128x128xf32, #tpu.memory_space<vmem>> -> memref<128x128xf32, #tpu.memory_space<vmem>>
      %dma_start3A_580 = arith.constant 0 : i32
      %dma_start3A_581 = tpu.memref_slice %arg7[%add3A_574, %dma_start3A_580] : memref<80x128xi32, #tpu.memory_space<vmem>> -> memref<1x128xi32, #tpu.memory_space<vmem>>
      %dma_start3A_582 = tpu.memref_squeeze %dma_start3A_581 : memref<1x128xi32, #tpu.memory_space<vmem>> -> memref<128xi32, #tpu.memory_space<vmem>>
      %dma_start3A_583 = arith.constant 0 : i32
      %dma_start3A_584 = arith.constant 0 : i32
      %dma_start3A_585 = tpu.memref_slice %arg2[%dma_start3A_583, %dma_start3A_584] : memref<10000x128xf32, #tpu.memory_space<hbm>> -> memref<10000x128xf32, #tpu.memory_space<hbm>>
      tpu.enqueue_indirect_dma source(%dma_start3A_585 : memref<10000x128xf32, #tpu.memory_space<hbm>>) target(%dma_start3A_579 : memref<128x128xf32, #tpu.memory_space<vmem>>) offsets(%dma_start3A_582 : memref<128xi32, #tpu.memory_space<vmem>>) semaphore(%arg12 : memref<!tpu.dma_semaphore, #tpu.memory_space<semaphore_mem>>)
    }
    %scan3A_117 = arith.constant 19 : i32
    %dma_wait3A = arith.constant 0 : i32
    %dma_wait3A_118 = arith.constant 0 : i32
    %dma_wait3A_119 = arith.constant 0 : i32
    %dma_wait3A_120 = arith.constant 0 : i32
    %dma_wait3A_121 = tpu.memref_slice %arg9[%dma_wait3A_118, %dma_wait3A_119, %dma_wait3A_120] : memref<2x128x128xf32, #tpu.memory_space<vmem>> -> memref<1x128x128xf32, #tpu.memory_space<vmem>>
    %dma_wait3A_122 = tpu.memref_squeeze %dma_wait3A_121 : memref<1x128x128xf32, #tpu.memory_space<vmem>> -> memref<128x128xf32, #tpu.memory_space<vmem>>
    %dma_wait3A_123 = arith.constant 0 : i32
    %dma_wait3A_124 = tpu.memref_slice %arg7[%dma_wait3A, %dma_wait3A_123] : memref<80x128xi32, #tpu.memory_space<vmem>> -> memref<1x128xi32, #tpu.memory_space<vmem>>
    %dma_wait3A_125 = tpu.memref_squeeze %dma_wait3A_124 : memref<1x128xi32, #tpu.memory_space<vmem>> -> memref<128xi32, #tpu.memory_space<vmem>>
    %dma_wait3A_126 = arith.constant 0 : i32
    %dma_wait3A_127 = arith.constant 0 : i32
    %dma_wait3A_128 = tpu.memref_slice %arg2[%dma_wait3A_126, %dma_wait3A_127] : memref<10000x128xf32, #tpu.memory_space<hbm>> -> memref<10000x128xf32, #tpu.memory_space<hbm>>
    tpu.wait_indirect_dma semaphore(%arg11 : memref<!tpu.dma_semaphore, #tpu.memory_space<semaphore_mem>>) src(%dma_wait3A_128 : memref<10000x128xf32, #tpu.memory_space<hbm>>) dst(%dma_wait3A_122 : memref<128x128xf32, #tpu.memory_space<vmem>>)
    %dma_wait3A_129 = arith.constant 0 : i32
    %dma_wait3A_130 = arith.constant 0 : i32
    %dma_wait3A_131 = arith.constant 0 : i32
    %dma_wait3A_132 = tpu.memref_slice %arg8[%dma_wait3A_130, %dma_wait3A_131] : memref<4x128xi32, #tpu.memory_space<vmem>> -> memref<1x128xi32, #tpu.memory_space<vmem>>
    %dma_wait3A_133 = tpu.memref_squeeze %dma_wait3A_132 : memref<1x128xi32, #tpu.memory_space<vmem>> -> memref<128xi32, #tpu.memory_space<vmem>>
    %dma_wait3A_134 = arith.constant 0 : i32
    %dma_wait3A_135 = arith.constant 0 : i32
    %dma_wait3A_136 = tpu.memref_slice %arg4[%add3A, %dma_wait3A_134, %dma_wait3A_135] : memref<32x80x128xi32, #tpu.memory_space<hbm>> -> memref<1x80x128xi32, #tpu.memory_space<hbm>>
    %dma_wait3A_137 = tpu.memref_squeeze %dma_wait3A_136 : memref<1x80x128xi32, #tpu.memory_space<hbm>> -> memref<80x128xi32, #tpu.memory_space<hbm>>
    %dma_wait3A_138 = arith.constant 0 : i32
    %dma_wait3A_139 = tpu.memref_slice %dma_wait3A_137[%dma_wait3A_129, %dma_wait3A_138] : memref<80x128xi32, #tpu.memory_space<hbm>> -> memref<1x128xi32, #tpu.memory_space<hbm>>
    %dma_wait3A_140 = tpu.memref_squeeze %dma_wait3A_139 : memref<1x128xi32, #tpu.memory_space<hbm>> -> memref<128xi32, #tpu.memory_space<hbm>>
    %dma_wait3A_141 = arith.constant 0 : i32
    %dma_wait3A_142 = tpu.memref_slice %arg8[%dma_wait3A_130, %dma_wait3A_141] : memref<4x128xi32, #tpu.memory_space<vmem>> -> memref<1x128xi32, #tpu.memory_space<vmem>>
    %dma_wait3A_143 = tpu.memref_squeeze %dma_wait3A_142 : memref<1x128xi32, #tpu.memory_space<vmem>> -> memref<128xi32, #tpu.memory_space<vmem>>
    %dma_wait3A_144 = arith.constant 0 : i32
    %dma_wait3A_145 = arith.constant 0 : i32
    %dma_wait3A_146 = tpu.memref_slice %arg4[%add3A, %dma_wait3A_144, %dma_wait3A_145] : memref<32x80x128xi32, #tpu.memory_space<hbm>> -> memref<1x80x128xi32, #tpu.memory_space<hbm>>
    %dma_wait3A_147 = tpu.memref_squeeze %dma_wait3A_146 : memref<1x80x128xi32, #tpu.memory_space<hbm>> -> memref<80x128xi32, #tpu.memory_space<hbm>>
    %dma_wait3A_148 = arith.constant 0 : i32
    %dma_wait3A_149 = tpu.memref_slice %dma_wait3A_147[%dma_wait3A_129, %dma_wait3A_148] : memref<80x128xi32, #tpu.memory_space<hbm>> -> memref<1x128xi32, #tpu.memory_space<hbm>>
    %dma_wait3A_150 = tpu.memref_squeeze %dma_wait3A_149 : memref<1x128xi32, #tpu.memory_space<hbm>> -> memref<128xi32, #tpu.memory_space<hbm>>
    tpu.wait_dma2 semaphore(%arg13 : memref<!tpu.dma_semaphore, #tpu.memory_space<semaphore_mem>>) src(%dma_wait3A_150 : memref<128xi32, #tpu.memory_space<hbm>>) dst(%dma_wait3A_143 : memref<128xi32, #tpu.memory_space<vmem>>)
    %run_scoped3A = arith.constant 0 : i32
    %run_scoped3A_151 = arith.constant 0 : i32
    "tpu.region"() ({
      %run_scoped3A_285 = tpu.sem_alloc : memref<!tpu.dma_semaphore, #tpu.memory_space<semaphore_mem>>
      %dma_start3A_286 = arith.constant 0 : i32
      %dma_start3A_287 = arith.constant 0 : i32
      %dma_start3A_288 = tpu.memref_slice %arg9[%run_scoped3A, %dma_start3A_286, %dma_start3A_287] : memref<2x128x128xf32, #tpu.memory_space<vmem>> -> memref<1x128x128xf32, #tpu.memory_space<vmem>>
      %dma_start3A_289 = tpu.memref_squeeze %dma_start3A_288 : memref<1x128x128xf32, #tpu.memory_space<vmem>> -> memref<128x128xf32, #tpu.memory_space<vmem>>
      %dma_start3A_290 = arith.constant 0 : i32
      %dma_start3A_291 = tpu.memref_slice %arg8[%run_scoped3A_151, %dma_start3A_290] : memref<4x128xi32, #tpu.memory_space<vmem>> -> memref<1x128xi32, #tpu.memory_space<vmem>>
      %dma_start3A_292 = tpu.memref_squeeze %dma_start3A_291 : memref<1x128xi32, #tpu.memory_space<vmem>> -> memref<128xi32, #tpu.memory_space<vmem>>
      %dma_start3A_293 = arith.constant 0 : i32
      %dma_start3A_294 = arith.constant 0 : i32
      %dma_start3A_295 = tpu.memref_slice %arg10[%dma_start3A_293, %dma_start3A_294] : memref<10240x128xf32, #tpu.memory_space<vmem_shared>> -> memref<10240x128xf32, #tpu.memory_space<vmem_shared>>
      tpu.enqueue_indirect_dma source(%dma_start3A_289 : memref<128x128xf32, #tpu.memory_space<vmem>>) target(%dma_start3A_295 : memref<10240x128xf32, #tpu.memory_space<vmem_shared>>) offsets(%dma_start3A_292 : memref<128xi32, #tpu.memory_space<vmem>>) semaphore(%run_scoped3A_285 : memref<!tpu.dma_semaphore, #tpu.memory_space<semaphore_mem>>) {add = true}
      %dma_wait3A_296 = arith.constant 0 : i32
      %dma_wait3A_297 = arith.constant 0 : i32
      %dma_wait3A_298 = tpu.memref_slice %arg9[%run_scoped3A, %dma_wait3A_296, %dma_wait3A_297] : memref<2x128x128xf32, #tpu.memory_space<vmem>> -> memref<1x128x128xf32, #tpu.memory_space<vmem>>
      %dma_wait3A_299 = tpu.memref_squeeze %dma_wait3A_298 : memref<1x128x128xf32, #tpu.memory_space<vmem>> -> memref<128x128xf32, #tpu.memory_space<vmem>>
      %dma_wait3A_300 = arith.constant 0 : i32
      %dma_wait3A_301 = tpu.memref_slice %arg8[%run_scoped3A_151, %dma_wait3A_300] : memref<4x128xi32, #tpu.memory_space<vmem>> -> memref<1x128xi32, #tpu.memory_space<vmem>>
      %dma_wait3A_302 = tpu.memref_squeeze %dma_wait3A_301 : memref<1x128xi32, #tpu.memory_space<vmem>> -> memref<128xi32, #tpu.memory_space<vmem>>
      %dma_wait3A_303 = arith.constant 0 : i32
      %dma_wait3A_304 = arith.constant 0 : i32
      %dma_wait3A_305 = tpu.memref_slice %arg10[%dma_wait3A_303, %dma_wait3A_304] : memref<10240x128xf32, #tpu.memory_space<vmem_shared>> -> memref<10240x128xf32, #tpu.memory_space<vmem_shared>>
      tpu.wait_indirect_dma semaphore(%run_scoped3A_285 : memref<!tpu.dma_semaphore, #tpu.memory_space<semaphore_mem>>) src(%dma_wait3A_299 : memref<128x128xf32, #tpu.memory_space<vmem>>) dst(%dma_wait3A_305 : memref<10240x128xf32, #tpu.memory_space<vmem_shared>>)
      tpu.yield
    }) : () -> ()
    %dma_start3A_152 = arith.constant 78 : i32
    %dma_start3A_153 = arith.constant 0 : i32
    %dma_start3A_154 = arith.constant 0 : i32
    %dma_start3A_155 = arith.constant 0 : i32
    %dma_start3A_156 = tpu.memref_slice %arg9[%dma_start3A_153, %dma_start3A_154, %dma_start3A_155] : memref<2x128x128xf32, #tpu.memory_space<vmem>> -> memref<1x128x128xf32, #tpu.memory_space<vmem>>
    %dma_start3A_157 = tpu.memref_squeeze %dma_start3A_156 : memref<1x128x128xf32, #tpu.memory_space<vmem>> -> memref<128x128xf32, #tpu.memory_space<vmem>>
    %dma_start3A_158 = arith.constant 0 : i32
    %dma_start3A_159 = tpu.memref_slice %arg7[%dma_start3A_152, %dma_start3A_158] : memref<80x128xi32, #tpu.memory_space<vmem>> -> memref<1x128xi32, #tpu.memory_space<vmem>>
    %dma_start3A_160 = tpu.memref_squeeze %dma_start3A_159 : memref<1x128xi32, #tpu.memory_space<vmem>> -> memref<128xi32, #tpu.memory_space<vmem>>
    %dma_start3A_161 = arith.constant 0 : i32
    %dma_start3A_162 = arith.constant 0 : i32
    %dma_start3A_163 = tpu.memref_slice %arg2[%dma_start3A_161, %dma_start3A_162] : memref<10000x128xf32, #tpu.memory_space<hbm>> -> memref<10000x128xf32, #tpu.memory_space<hbm>>
    tpu.enqueue_indirect_dma source(%dma_start3A_163 : memref<10000x128xf32, #tpu.memory_space<hbm>>) target(%dma_start3A_157 : memref<128x128xf32, #tpu.memory_space<vmem>>) offsets(%dma_start3A_160 : memref<128xi32, #tpu.memory_space<vmem>>) semaphore(%arg11 : memref<!tpu.dma_semaphore, #tpu.memory_space<semaphore_mem>>)
    %dma_wait3A_164 = arith.constant 0 : i32
    %dma_wait3A_165 = arith.constant 1 : i32
    %dma_wait3A_166 = arith.constant 0 : i32
    %dma_wait3A_167 = arith.constant 0 : i32
    %dma_wait3A_168 = tpu.memref_slice %arg9[%dma_wait3A_165, %dma_wait3A_166, %dma_wait3A_167] : memref<2x128x128xf32, #tpu.memory_space<vmem>> -> memref<1x128x128xf32, #tpu.memory_space<vmem>>
    %dma_wait3A_169 = tpu.memref_squeeze %dma_wait3A_168 : memref<1x128x128xf32, #tpu.memory_space<vmem>> -> memref<128x128xf32, #tpu.memory_space<vmem>>
    %dma_wait3A_170 = arith.constant 0 : i32
    %dma_wait3A_171 = tpu.memref_slice %arg7[%dma_wait3A_164, %dma_wait3A_170] : memref<80x128xi32, #tpu.memory_space<vmem>> -> memref<1x128xi32, #tpu.memory_space<vmem>>
    %dma_wait3A_172 = tpu.memref_squeeze %dma_wait3A_171 : memref<1x128xi32, #tpu.memory_space<vmem>> -> memref<128xi32, #tpu.memory_space<vmem>>
    %dma_wait3A_173 = arith.constant 0 : i32
    %dma_wait3A_174 = arith.constant 0 : i32
    %dma_wait3A_175 = tpu.memref_slice %arg2[%dma_wait3A_173, %dma_wait3A_174] : memref<10000x128xf32, #tpu.memory_space<hbm>> -> memref<10000x128xf32, #tpu.memory_space<hbm>>
    tpu.wait_indirect_dma semaphore(%arg12 : memref<!tpu.dma_semaphore, #tpu.memory_space<semaphore_mem>>) src(%dma_wait3A_175 : memref<10000x128xf32, #tpu.memory_space<hbm>>) dst(%dma_wait3A_169 : memref<128x128xf32, #tpu.memory_space<vmem>>)
    %dma_wait3A_176 = arith.constant 0 : i32
    %dma_wait3A_177 = arith.constant 1 : i32
    %dma_wait3A_178 = arith.constant 0 : i32
    %dma_wait3A_179 = tpu.memref_slice %arg8[%dma_wait3A_177, %dma_wait3A_178] : memref<4x128xi32, #tpu.memory_space<vmem>> -> memref<1x128xi32, #tpu.memory_space<vmem>>
    %dma_wait3A_180 = tpu.memref_squeeze %dma_wait3A_179 : memref<1x128xi32, #tpu.memory_space<vmem>> -> memref<128xi32, #tpu.memory_space<vmem>>
    %dma_wait3A_181 = arith.constant 0 : i32
    %dma_wait3A_182 = arith.constant 0 : i32
    %dma_wait3A_183 = tpu.memref_slice %arg4[%add3A, %dma_wait3A_181, %dma_wait3A_182] : memref<32x80x128xi32, #tpu.memory_space<hbm>> -> memref<1x80x128xi32, #tpu.memory_space<hbm>>
    %dma_wait3A_184 = tpu.memref_squeeze %dma_wait3A_183 : memref<1x80x128xi32, #tpu.memory_space<hbm>> -> memref<80x128xi32, #tpu.memory_space<hbm>>
    %dma_wait3A_185 = arith.constant 0 : i32
    %dma_wait3A_186 = tpu.memref_slice %dma_wait3A_184[%dma_wait3A_176, %dma_wait3A_185] : memref<80x128xi32, #tpu.memory_space<hbm>> -> memref<1x128xi32, #tpu.memory_space<hbm>>
    %dma_wait3A_187 = tpu.memref_squeeze %dma_wait3A_186 : memref<1x128xi32, #tpu.memory_space<hbm>> -> memref<128xi32, #tpu.memory_space<hbm>>
    %dma_wait3A_188 = arith.constant 0 : i32
    %dma_wait3A_189 = tpu.memref_slice %arg8[%dma_wait3A_177, %dma_wait3A_188] : memref<4x128xi32, #tpu.memory_space<vmem>> -> memref<1x128xi32, #tpu.memory_space<vmem>>
    %dma_wait3A_190 = tpu.memref_squeeze %dma_wait3A_189 : memref<1x128xi32, #tpu.memory_space<vmem>> -> memref<128xi32, #tpu.memory_space<vmem>>
    %dma_wait3A_191 = arith.constant 0 : i32
    %dma_wait3A_192 = arith.constant 0 : i32
    %dma_wait3A_193 = tpu.memref_slice %arg4[%add3A, %dma_wait3A_191, %dma_wait3A_192] : memref<32x80x128xi32, #tpu.memory_space<hbm>> -> memref<1x80x128xi32, #tpu.memory_space<hbm>>
    %dma_wait3A_194 = tpu.memref_squeeze %dma_wait3A_193 : memref<1x80x128xi32, #tpu.memory_space<hbm>> -> memref<80x128xi32, #tpu.memory_space<hbm>>
    %dma_wait3A_195 = arith.constant 0 : i32
    %dma_wait3A_196 = tpu.memref_slice %dma_wait3A_194[%dma_wait3A_176, %dma_wait3A_195] : memref<80x128xi32, #tpu.memory_space<hbm>> -> memref<1x128xi32, #tpu.memory_space<hbm>>
    %dma_wait3A_197 = tpu.memref_squeeze %dma_wait3A_196 : memref<1x128xi32, #tpu.memory_space<hbm>> -> memref<128xi32, #tpu.memory_space<hbm>>
    tpu.wait_dma2 semaphore(%arg14 : memref<!tpu.dma_semaphore, #tpu.memory_space<semaphore_mem>>) src(%dma_wait3A_197 : memref<128xi32, #tpu.memory_space<hbm>>) dst(%dma_wait3A_190 : memref<128xi32, #tpu.memory_space<vmem>>)
    %run_scoped3A_198 = arith.constant 1 : i32
    %run_scoped3A_199 = arith.constant 1 : i32
    "tpu.region"() ({
      %run_scoped3A_285 = tpu.sem_alloc : memref<!tpu.dma_semaphore, #tpu.memory_space<semaphore_mem>>
      %dma_start3A_286 = arith.constant 0 : i32
      %dma_start3A_287 = arith.constant 0 : i32
      %dma_start3A_288 = tpu.memref_slice %arg9[%run_scoped3A_198, %dma_start3A_286, %dma_start3A_287] : memref<2x128x128xf32, #tpu.memory_space<vmem>> -> memref<1x128x128xf32, #tpu.memory_space<vmem>>
      %dma_start3A_289 = tpu.memref_squeeze %dma_start3A_288 : memref<1x128x128xf32, #tpu.memory_space<vmem>> -> memref<128x128xf32, #tpu.memory_space<vmem>>
      %dma_start3A_290 = arith.constant 0 : i32
      %dma_start3A_291 = tpu.memref_slice %arg8[%run_scoped3A_199, %dma_start3A_290] : memref<4x128xi32, #tpu.memory_space<vmem>> -> memref<1x128xi32, #tpu.memory_space<vmem>>
      %dma_start3A_292 = tpu.memref_squeeze %dma_start3A_291 : memref<1x128xi32, #tpu.memory_space<vmem>> -> memref<128xi32, #tpu.memory_space<vmem>>
      %dma_start3A_293 = arith.constant 0 : i32
      %dma_start3A_294 = arith.constant 0 : i32
      %dma_start3A_295 = tpu.memref_slice %arg10[%dma_start3A_293, %dma_start3A_294] : memref<10240x128xf32, #tpu.memory_space<vmem_shared>> -> memref<10240x128xf32, #tpu.memory_space<vmem_shared>>
      tpu.enqueue_indirect_dma source(%dma_start3A_289 : memref<128x128xf32, #tpu.memory_space<vmem>>) target(%dma_start3A_295 : memref<10240x128xf32, #tpu.memory_space<vmem_shared>>) offsets(%dma_start3A_292 : memref<128xi32, #tpu.memory_space<vmem>>) semaphore(%run_scoped3A_285 : memref<!tpu.dma_semaphore, #tpu.memory_space<semaphore_mem>>) {add = true}
      %dma_wait3A_296 = arith.constant 0 : i32
      %dma_wait3A_297 = arith.constant 0 : i32
      %dma_wait3A_298 = tpu.memref_slice %arg9[%run_scoped3A_198, %dma_wait3A_296, %dma_wait3A_297] : memref<2x128x128xf32, #tpu.memory_space<vmem>> -> memref<1x128x128xf32, #tpu.memory_space<vmem>>
      %dma_wait3A_299 = tpu.memref_squeeze %dma_wait3A_298 : memref<1x128x128xf32, #tpu.memory_space<vmem>> -> memref<128x128xf32, #tpu.memory_space<vmem>>
      %dma_wait3A_300 = arith.constant 0 : i32
      %dma_wait3A_301 = tpu.memref_slice %arg8[%run_scoped3A_199, %dma_wait3A_300] : memref<4x128xi32, #tpu.memory_space<vmem>> -> memref<1x128xi32, #tpu.memory_space<vmem>>
      %dma_wait3A_302 = tpu.memref_squeeze %dma_wait3A_301 : memref<1x128xi32, #tpu.memory_space<vmem>> -> memref<128xi32, #tpu.memory_space<vmem>>
      %dma_wait3A_303 = arith.constant 0 : i32
      %dma_wait3A_304 = arith.constant 0 : i32
      %dma_wait3A_305 = tpu.memref_slice %arg10[%dma_wait3A_303, %dma_wait3A_304] : memref<10240x128xf32, #tpu.memory_space<vmem_shared>> -> memref<10240x128xf32, #tpu.memory_space<vmem_shared>>
      tpu.wait_indirect_dma semaphore(%run_scoped3A_285 : memref<!tpu.dma_semaphore, #tpu.memory_space<semaphore_mem>>) src(%dma_wait3A_299 : memref<128x128xf32, #tpu.memory_space<vmem>>) dst(%dma_wait3A_305 : memref<10240x128xf32, #tpu.memory_space<vmem_shared>>)
      tpu.yield
    }) : () -> ()
    %dma_start3A_200 = arith.constant 79 : i32
    %dma_start3A_201 = arith.constant 1 : i32
    %dma_start3A_202 = arith.constant 0 : i32
    %dma_start3A_203 = arith.constant 0 : i32
    %dma_start3A_204 = tpu.memref_slice %arg9[%dma_start3A_201, %dma_start3A_202, %dma_start3A_203] : memref<2x128x128xf32, #tpu.memory_space<vmem>> -> memref<1x128x128xf32, #tpu.memory_space<vmem>>
    %dma_start3A_205 = tpu.memref_squeeze %dma_start3A_204 : memref<1x128x128xf32, #tpu.memory_space<vmem>> -> memref<128x128xf32, #tpu.memory_space<vmem>>
    %dma_start3A_206 = arith.constant 0 : i32
    %dma_start3A_207 = tpu.memref_slice %arg7[%dma_start3A_200, %dma_start3A_206] : memref<80x128xi32, #tpu.memory_space<vmem>> -> memref<1x128xi32, #tpu.memory_space<vmem>>
    %dma_start3A_208 = tpu.memref_squeeze %dma_start3A_207 : memref<1x128xi32, #tpu.memory_space<vmem>> -> memref<128xi32, #tpu.memory_space<vmem>>
    %dma_start3A_209 = arith.constant 0 : i32
    %dma_start3A_210 = arith.constant 0 : i32
    %dma_start3A_211 = tpu.memref_slice %arg2[%dma_start3A_209, %dma_start3A_210] : memref<10000x128xf32, #tpu.memory_space<hbm>> -> memref<10000x128xf32, #tpu.memory_space<hbm>>
    tpu.enqueue_indirect_dma source(%dma_start3A_211 : memref<10000x128xf32, #tpu.memory_space<hbm>>) target(%dma_start3A_205 : memref<128x128xf32, #tpu.memory_space<vmem>>) offsets(%dma_start3A_208 : memref<128xi32, #tpu.memory_space<vmem>>) semaphore(%arg12 : memref<!tpu.dma_semaphore, #tpu.memory_space<semaphore_mem>>)
    %dma_wait3A_212 = arith.constant 0 : i32
    %dma_wait3A_213 = arith.constant 0 : i32
    %dma_wait3A_214 = arith.constant 0 : i32
    %dma_wait3A_215 = arith.constant 0 : i32
    %dma_wait3A_216 = tpu.memref_slice %arg9[%dma_wait3A_213, %dma_wait3A_214, %dma_wait3A_215] : memref<2x128x128xf32, #tpu.memory_space<vmem>> -> memref<1x128x128xf32, #tpu.memory_space<vmem>>
    %dma_wait3A_217 = tpu.memref_squeeze %dma_wait3A_216 : memref<1x128x128xf32, #tpu.memory_space<vmem>> -> memref<128x128xf32, #tpu.memory_space<vmem>>
    %dma_wait3A_218 = arith.constant 0 : i32
    %dma_wait3A_219 = tpu.memref_slice %arg7[%dma_wait3A_212, %dma_wait3A_218] : memref<80x128xi32, #tpu.memory_space<vmem>> -> memref<1x128xi32, #tpu.memory_space<vmem>>
    %dma_wait3A_220 = tpu.memref_squeeze %dma_wait3A_219 : memref<1x128xi32, #tpu.memory_space<vmem>> -> memref<128xi32, #tpu.memory_space<vmem>>
    %dma_wait3A_221 = arith.constant 0 : i32
    %dma_wait3A_222 = arith.constant 0 : i32
    %dma_wait3A_223 = tpu.memref_slice %arg2[%dma_wait3A_221, %dma_wait3A_222] : memref<10000x128xf32, #tpu.memory_space<hbm>> -> memref<10000x128xf32, #tpu.memory_space<hbm>>
    tpu.wait_indirect_dma semaphore(%arg11 : memref<!tpu.dma_semaphore, #tpu.memory_space<semaphore_mem>>) src(%dma_wait3A_223 : memref<10000x128xf32, #tpu.memory_space<hbm>>) dst(%dma_wait3A_217 : memref<128x128xf32, #tpu.memory_space<vmem>>)
    %dma_wait3A_224 = arith.constant 0 : i32
    %dma_wait3A_225 = arith.constant 2 : i32
    %dma_wait3A_226 = arith.constant 0 : i32
    %dma_wait3A_227 = tpu.memref_slice %arg8[%dma_wait3A_225, %dma_wait3A_226] : memref<4x128xi32, #tpu.memory_space<vmem>> -> memref<1x128xi32, #tpu.memory_space<vmem>>
    %dma_wait3A_228 = tpu.memref_squeeze %dma_wait3A_227 : memref<1x128xi32, #tpu.memory_space<vmem>> -> memref<128xi32, #tpu.memory_space<vmem>>
    %dma_wait3A_229 = arith.constant 0 : i32
    %dma_wait3A_230 = arith.constant 0 : i32
    %dma_wait3A_231 = tpu.memref_slice %arg4[%add3A, %dma_wait3A_229, %dma_wait3A_230] : memref<32x80x128xi32, #tpu.memory_space<hbm>> -> memref<1x80x128xi32, #tpu.memory_space<hbm>>
    %dma_wait3A_232 = tpu.memref_squeeze %dma_wait3A_231 : memref<1x80x128xi32, #tpu.memory_space<hbm>> -> memref<80x128xi32, #tpu.memory_space<hbm>>
    %dma_wait3A_233 = arith.constant 0 : i32
    %dma_wait3A_234 = tpu.memref_slice %dma_wait3A_232[%dma_wait3A_224, %dma_wait3A_233] : memref<80x128xi32, #tpu.memory_space<hbm>> -> memref<1x128xi32, #tpu.memory_space<hbm>>
    %dma_wait3A_235 = tpu.memref_squeeze %dma_wait3A_234 : memref<1x128xi32, #tpu.memory_space<hbm>> -> memref<128xi32, #tpu.memory_space<hbm>>
    %dma_wait3A_236 = arith.constant 0 : i32
    %dma_wait3A_237 = tpu.memref_slice %arg8[%dma_wait3A_225, %dma_wait3A_236] : memref<4x128xi32, #tpu.memory_space<vmem>> -> memref<1x128xi32, #tpu.memory_space<vmem>>
    %dma_wait3A_238 = tpu.memref_squeeze %dma_wait3A_237 : memref<1x128xi32, #tpu.memory_space<vmem>> -> memref<128xi32, #tpu.memory_space<vmem>>
    %dma_wait3A_239 = arith.constant 0 : i32
    %dma_wait3A_240 = arith.constant 0 : i32
    %dma_wait3A_241 = tpu.memref_slice %arg4[%add3A, %dma_wait3A_239, %dma_wait3A_240] : memref<32x80x128xi32, #tpu.memory_space<hbm>> -> memref<1x80x128xi32, #tpu.memory_space<hbm>>
    %dma_wait3A_242 = tpu.memref_squeeze %dma_wait3A_241 : memref<1x80x128xi32, #tpu.memory_space<hbm>> -> memref<80x128xi32, #tpu.memory_space<hbm>>
    %dma_wait3A_243 = arith.constant 0 : i32
    %dma_wait3A_244 = tpu.memref_slice %dma_wait3A_242[%dma_wait3A_224, %dma_wait3A_243] : memref<80x128xi32, #tpu.memory_space<hbm>> -> memref<1x128xi32, #tpu.memory_space<hbm>>
    %dma_wait3A_245 = tpu.memref_squeeze %dma_wait3A_244 : memref<1x128xi32, #tpu.memory_space<hbm>> -> memref<128xi32, #tpu.memory_space<hbm>>
    tpu.wait_dma2 semaphore(%arg15 : memref<!tpu.dma_semaphore, #tpu.memory_space<semaphore_mem>>) src(%dma_wait3A_245 : memref<128xi32, #tpu.memory_space<hbm>>) dst(%dma_wait3A_238 : memref<128xi32, #tpu.memory_space<vmem>>)
    %run_scoped3A_246 = arith.constant 0 : i32
    %run_scoped3A_247 = arith.constant 2 : i32
    "tpu.region"() ({
      %run_scoped3A_285 = tpu.sem_alloc : memref<!tpu.dma_semaphore, #tpu.memory_space<semaphore_mem>>
      %dma_start3A_286 = arith.constant 0 : i32
      %dma_start3A_287 = arith.constant 0 : i32
      %dma_start3A_288 = tpu.memref_slice %arg9[%run_scoped3A_246, %dma_start3A_286, %dma_start3A_287] : memref<2x128x128xf32, #tpu.memory_space<vmem>> -> memref<1x128x128xf32, #tpu.memory_space<vmem>>
      %dma_start3A_289 = tpu.memref_squeeze %dma_start3A_288 : memref<1x128x128xf32, #tpu.memory_space<vmem>> -> memref<128x128xf32, #tpu.memory_space<vmem>>
      %dma_start3A_290 = arith.constant 0 : i32
      %dma_start3A_291 = tpu.memref_slice %arg8[%run_scoped3A_247, %dma_start3A_290] : memref<4x128xi32, #tpu.memory_space<vmem>> -> memref<1x128xi32, #tpu.memory_space<vmem>>
      %dma_start3A_292 = tpu.memref_squeeze %dma_start3A_291 : memref<1x128xi32, #tpu.memory_space<vmem>> -> memref<128xi32, #tpu.memory_space<vmem>>
      %dma_start3A_293 = arith.constant 0 : i32
      %dma_start3A_294 = arith.constant 0 : i32
      %dma_start3A_295 = tpu.memref_slice %arg10[%dma_start3A_293, %dma_start3A_294] : memref<10240x128xf32, #tpu.memory_space<vmem_shared>> -> memref<10240x128xf32, #tpu.memory_space<vmem_shared>>
      tpu.enqueue_indirect_dma source(%dma_start3A_289 : memref<128x128xf32, #tpu.memory_space<vmem>>) target(%dma_start3A_295 : memref<10240x128xf32, #tpu.memory_space<vmem_shared>>) offsets(%dma_start3A_292 : memref<128xi32, #tpu.memory_space<vmem>>) semaphore(%run_scoped3A_285 : memref<!tpu.dma_semaphore, #tpu.memory_space<semaphore_mem>>) {add = true}
      %dma_wait3A_296 = arith.constant 0 : i32
      %dma_wait3A_297 = arith.constant 0 : i32
      %dma_wait3A_298 = tpu.memref_slice %arg9[%run_scoped3A_246, %dma_wait3A_296, %dma_wait3A_297] : memref<2x128x128xf32, #tpu.memory_space<vmem>> -> memref<1x128x128xf32, #tpu.memory_space<vmem>>
      %dma_wait3A_299 = tpu.memref_squeeze %dma_wait3A_298 : memref<1x128x128xf32, #tpu.memory_space<vmem>> -> memref<128x128xf32, #tpu.memory_space<vmem>>
      %dma_wait3A_300 = arith.constant 0 : i32
      %dma_wait3A_301 = tpu.memref_slice %arg8[%run_scoped3A_247, %dma_wait3A_300] : memref<4x128xi32, #tpu.memory_space<vmem>> -> memref<1x128xi32, #tpu.memory_space<vmem>>
      %dma_wait3A_302 = tpu.memref_squeeze %dma_wait3A_301 : memref<1x128xi32, #tpu.memory_space<vmem>> -> memref<128xi32, #tpu.memory_space<vmem>>
      %dma_wait3A_303 = arith.constant 0 : i32
      %dma_wait3A_304 = arith.constant 0 : i32
      %dma_wait3A_305 = tpu.memref_slice %arg10[%dma_wait3A_303, %dma_wait3A_304] : memref<10240x128xf32, #tpu.memory_space<vmem_shared>> -> memref<10240x128xf32, #tpu.memory_space<vmem_shared>>
      tpu.wait_indirect_dma semaphore(%run_scoped3A_285 : memref<!tpu.dma_semaphore, #tpu.memory_space<semaphore_mem>>) src(%dma_wait3A_299 : memref<128x128xf32, #tpu.memory_space<vmem>>) dst(%dma_wait3A_305 : memref<10240x128xf32, #tpu.memory_space<vmem_shared>>)
      tpu.yield
    }) : () -> ()
    %dma_wait3A_248 = arith.constant 0 : i32
    %dma_wait3A_249 = arith.constant 1 : i32
    %dma_wait3A_250 = arith.constant 0 : i32
    %dma_wait3A_251 = arith.constant 0 : i32
    %dma_wait3A_252 = tpu.memref_slice %arg9[%dma_wait3A_249, %dma_wait3A_250, %dma_wait3A_251] : memref<2x128x128xf32, #tpu.memory_space<vmem>> -> memref<1x128x128xf32, #tpu.memory_space<vmem>>
    %dma_wait3A_253 = tpu.memref_squeeze %dma_wait3A_252 : memref<1x128x128xf32, #tpu.memory_space<vmem>> -> memref<128x128xf32, #tpu.memory_space<vmem>>
    %dma_wait3A_254 = arith.constant 0 : i32
    %dma_wait3A_255 = tpu.memref_slice %arg7[%dma_wait3A_248, %dma_wait3A_254] : memref<80x128xi32, #tpu.memory_space<vmem>> -> memref<1x128xi32, #tpu.memory_space<vmem>>
    %dma_wait3A_256 = tpu.memref_squeeze %dma_wait3A_255 : memref<1x128xi32, #tpu.memory_space<vmem>> -> memref<128xi32, #tpu.memory_space<vmem>>
    %dma_wait3A_257 = arith.constant 0 : i32
    %dma_wait3A_258 = arith.constant 0 : i32
    %dma_wait3A_259 = tpu.memref_slice %arg2[%dma_wait3A_257, %dma_wait3A_258] : memref<10000x128xf32, #tpu.memory_space<hbm>> -> memref<10000x128xf32, #tpu.memory_space<hbm>>
    tpu.wait_indirect_dma semaphore(%arg12 : memref<!tpu.dma_semaphore, #tpu.memory_space<semaphore_mem>>) src(%dma_wait3A_259 : memref<10000x128xf32, #tpu.memory_space<hbm>>) dst(%dma_wait3A_253 : memref<128x128xf32, #tpu.memory_space<vmem>>)
    %dma_wait3A_260 = arith.constant 0 : i32
    %dma_wait3A_261 = arith.constant 3 : i32
    %dma_wait3A_262 = arith.constant 0 : i32
    %dma_wait3A_263 = tpu.memref_slice %arg8[%dma_wait3A_261, %dma_wait3A_262] : memref<4x128xi32, #tpu.memory_space<vmem>> -> memref<1x128xi32, #tpu.memory_space<vmem>>
    %dma_wait3A_264 = tpu.memref_squeeze %dma_wait3A_263 : memref<1x128xi32, #tpu.memory_space<vmem>> -> memref<128xi32, #tpu.memory_space<vmem>>
    %dma_wait3A_265 = arith.constant 0 : i32
    %dma_wait3A_266 = arith.constant 0 : i32
    %dma_wait3A_267 = tpu.memref_slice %arg4[%add3A, %dma_wait3A_265, %dma_wait3A_266] : memref<32x80x128xi32, #tpu.memory_space<hbm>> -> memref<1x80x128xi32, #tpu.memory_space<hbm>>
    %dma_wait3A_268 = tpu.memref_squeeze %dma_wait3A_267 : memref<1x80x128xi32, #tpu.memory_space<hbm>> -> memref<80x128xi32, #tpu.memory_space<hbm>>
    %dma_wait3A_269 = arith.constant 0 : i32
    %dma_wait3A_270 = tpu.memref_slice %dma_wait3A_268[%dma_wait3A_260, %dma_wait3A_269] : memref<80x128xi32, #tpu.memory_space<hbm>> -> memref<1x128xi32, #tpu.memory_space<hbm>>
    %dma_wait3A_271 = tpu.memref_squeeze %dma_wait3A_270 : memref<1x128xi32, #tpu.memory_space<hbm>> -> memref<128xi32, #tpu.memory_space<hbm>>
    %dma_wait3A_272 = arith.constant 0 : i32
    %dma_wait3A_273 = tpu.memref_slice %arg8[%dma_wait3A_261, %dma_wait3A_272] : memref<4x128xi32, #tpu.memory_space<vmem>> -> memref<1x128xi32, #tpu.memory_space<vmem>>
    %dma_wait3A_274 = tpu.memref_squeeze %dma_wait3A_273 : memref<1x128xi32, #tpu.memory_space<vmem>> -> memref<128xi32, #tpu.memory_space<vmem>>
    %dma_wait3A_275 = arith.constant 0 : i32
    %dma_wait3A_276 = arith.constant 0 : i32
    %dma_wait3A_277 = tpu.memref_slice %arg4[%add3A, %dma_wait3A_275, %dma_wait3A_276] : memref<32x80x128xi32, #tpu.memory_space<hbm>> -> memref<1x80x128xi32, #tpu.memory_space<hbm>>
    %dma_wait3A_278 = tpu.memref_squeeze %dma_wait3A_277 : memref<1x80x128xi32, #tpu.memory_space<hbm>> -> memref<80x128xi32, #tpu.memory_space<hbm>>
    %dma_wait3A_279 = arith.constant 0 : i32
    %dma_wait3A_280 = tpu.memref_slice %dma_wait3A_278[%dma_wait3A_260, %dma_wait3A_279] : memref<80x128xi32, #tpu.memory_space<hbm>> -> memref<1x128xi32, #tpu.memory_space<hbm>>
    %dma_wait3A_281 = tpu.memref_squeeze %dma_wait3A_280 : memref<1x128xi32, #tpu.memory_space<hbm>> -> memref<128xi32, #tpu.memory_space<hbm>>
    tpu.wait_dma2 semaphore(%arg16 : memref<!tpu.dma_semaphore, #tpu.memory_space<semaphore_mem>>) src(%dma_wait3A_281 : memref<128xi32, #tpu.memory_space<hbm>>) dst(%dma_wait3A_274 : memref<128xi32, #tpu.memory_space<vmem>>)
    %run_scoped3A_282 = arith.constant 1 : i32
    %run_scoped3A_283 = arith.constant 3 : i32
    "tpu.region"() ({
      %run_scoped3A_285 = tpu.sem_alloc : memref<!tpu.dma_semaphore, #tpu.memory_space<semaphore_mem>>
      %dma_start3A_286 = arith.constant 0 : i32
      %dma_start3A_287 = arith.constant 0 : i32
      %dma_start3A_288 = tpu.memref_slice %arg9[%run_scoped3A_282, %dma_start3A_286, %dma_start3A_287] : memref<2x128x128xf32, #tpu.memory_space<vmem>> -> memref<1x128x128xf32, #tpu.memory_space<vmem>>
      %dma_start3A_289 = tpu.memref_squeeze %dma_start3A_288 : memref<1x128x128xf32, #tpu.memory_space<vmem>> -> memref<128x128xf32, #tpu.memory_space<vmem>>
      %dma_start3A_290 = arith.constant 0 : i32
      %dma_start3A_291 = tpu.memref_slice %arg8[%run_scoped3A_283, %dma_start3A_290] : memref<4x128xi32, #tpu.memory_space<vmem>> -> memref<1x128xi32, #tpu.memory_space<vmem>>
      %dma_start3A_292 = tpu.memref_squeeze %dma_start3A_291 : memref<1x128xi32, #tpu.memory_space<vmem>> -> memref<128xi32, #tpu.memory_space<vmem>>
      %dma_start3A_293 = arith.constant 0 : i32
      %dma_start3A_294 = arith.constant 0 : i32
      %dma_start3A_295 = tpu.memref_slice %arg10[%dma_start3A_293, %dma_start3A_294] : memref<10240x128xf32, #tpu.memory_space<vmem_shared>> -> memref<10240x128xf32, #tpu.memory_space<vmem_shared>>
      tpu.enqueue_indirect_dma source(%dma_start3A_289 : memref<128x128xf32, #tpu.memory_space<vmem>>) target(%dma_start3A_295 : memref<10240x128xf32, #tpu.memory_space<vmem_shared>>) offsets(%dma_start3A_292 : memref<128xi32, #tpu.memory_space<vmem>>) semaphore(%run_scoped3A_285 : memref<!tpu.dma_semaphore, #tpu.memory_space<semaphore_mem>>) {add = true}
      %dma_wait3A_296 = arith.constant 0 : i32
      %dma_wait3A_297 = arith.constant 0 : i32
      %dma_wait3A_298 = tpu.memref_slice %arg9[%run_scoped3A_282, %dma_wait3A_296, %dma_wait3A_297] : memref<2x128x128xf32, #tpu.memory_space<vmem>> -> memref<1x128x128xf32, #tpu.memory_space<vmem>>
      %dma_wait3A_299 = tpu.memref_squeeze %dma_wait3A_298 : memref<1x128x128xf32, #tpu.memory_space<vmem>> -> memref<128x128xf32, #tpu.memory_space<vmem>>
      %dma_wait3A_300 = arith.constant 0 : i32
      %dma_wait3A_301 = tpu.memref_slice %arg8[%run_scoped3A_283, %dma_wait3A_300] : memref<4x128xi32, #tpu.memory_space<vmem>> -> memref<1x128xi32, #tpu.memory_space<vmem>>
      %dma_wait3A_302 = tpu.memref_squeeze %dma_wait3A_301 : memref<1x128xi32, #tpu.memory_space<vmem>> -> memref<128xi32, #tpu.memory_space<vmem>>
      %dma_wait3A_303 = arith.constant 0 : i32
      %dma_wait3A_304 = arith.constant 0 : i32
      %dma_wait3A_305 = tpu.memref_slice %arg10[%dma_wait3A_303, %dma_wait3A_304] : memref<10240x128xf32, #tpu.memory_space<vmem_shared>> -> memref<10240x128xf32, #tpu.memory_space<vmem_shared>>
      tpu.wait_indirect_dma semaphore(%run_scoped3A_285 : memref<!tpu.dma_semaphore, #tpu.memory_space<semaphore_mem>>) src(%dma_wait3A_299 : memref<128x128xf32, #tpu.memory_space<vmem>>) dst(%dma_wait3A_305 : memref<10240x128xf32, #tpu.memory_space<vmem_shared>>)
      tpu.yield
    }) : () -> ()
    %barrier3A_284 = arith.constant 0 : index
    tpu.barrier barrier_id(%barrier3A_284)
    "tpu.region"() ({
      %run_scoped3A_285 = tpu.sem_alloc : memref<!tpu.dma_semaphore, #tpu.memory_space<semaphore_mem>>
      %dma_start3A_286 = arith.constant 0 : i32
      %dma_start3A_287 = arith.constant 0 : i32
      %dma_start3A_288 = tpu.memref_slice %arg6[%arg0, %dma_start3A_286, %dma_start3A_287] : memref<2x10240x128xf32, #tpu.memory_space<hbm>> -> memref<1x10240x128xf32, #tpu.memory_space<hbm>>
      %dma_start3A_289 = tpu.memref_squeeze %dma_start3A_288 : memref<1x10240x128xf32, #tpu.memory_space<hbm>> -> memref<10240x128xf32, #tpu.memory_space<hbm>>
      %dma_start3A_290 = arith.constant 0 : i32
      %dma_start3A_291 = tpu.memref_slice %dma_start3A_289[%mul3A_2, %dma_start3A_290] : memref<10240x128xf32, #tpu.memory_space<hbm>> -> memref<640x128xf32, #tpu.memory_space<hbm>>
      %dma_start3A_292 = arith.constant 0 : i32
      %dma_start3A_293 = tpu.memref_slice %arg10[%mul3A_2, %dma_start3A_292] : memref<10240x128xf32, #tpu.memory_space<vmem_shared>> -> memref<640x128xf32, #tpu.memory_space<vmem_shared>>
      tpu.enqueue_dma source(%dma_start3A_293 : memref<640x128xf32, #tpu.memory_space<vmem_shared>>) target(%dma_start3A_291 : memref<640x128xf32, #tpu.memory_space<hbm>>) target_semaphore(%run_scoped3A_285 : memref<!tpu.dma_semaphore, #tpu.memory_space<semaphore_mem>>)
      %dma_wait3A_294 = arith.constant 0 : i32
      %dma_wait3A_295 = arith.constant 0 : i32
      %dma_wait3A_296 = tpu.memref_slice %arg6[%arg0, %dma_wait3A_294, %dma_wait3A_295] : memref<2x10240x128xf32, #tpu.memory_space<hbm>> -> memref<1x10240x128xf32, #tpu.memory_space<hbm>>
      %dma_wait3A_297 = tpu.memref_squeeze %dma_wait3A_296 : memref<1x10240x128xf32, #tpu.memory_space<hbm>> -> memref<10240x128xf32, #tpu.memory_space<hbm>>
      %dma_wait3A_298 = arith.constant 0 : i32
      %dma_wait3A_299 = tpu.memref_slice %dma_wait3A_297[%mul3A_2, %dma_wait3A_298] : memref<10240x128xf32, #tpu.memory_space<hbm>> -> memref<640x128xf32, #tpu.memory_space<hbm>>
      %dma_wait3A_300 = arith.constant 0 : i32
      %dma_wait3A_301 = tpu.memref_slice %arg10[%mul3A_2, %dma_wait3A_300] : memref<10240x128xf32, #tpu.memory_space<vmem_shared>> -> memref<640x128xf32, #tpu.memory_space<vmem_shared>>
      tpu.wait_dma2 semaphore(%run_scoped3A_285 : memref<!tpu.dma_semaphore, #tpu.memory_space<semaphore_mem>>) src(%dma_wait3A_301 : memref<640x128xf32, #tpu.memory_space<vmem_shared>>) dst(%dma_wait3A_299 : memref<640x128xf32, #tpu.memory_space<hbm>>)
      tpu.yield
    }) : () -> ()
    return
  }
}

#map = affine_map<(d0, d1) -> (0, 0)>
#map1 = affine_map<(d0, d1) -> (0, 0, 0)>
module attributes {stable_mosaic.version = 14 : i64} {
  func.func @_sc_segment_sum(%arg0: i32, %arg1: i32, %arg2: memref<10000x128xf32, #tpu.memory_space<hbm>>, %arg3: memref<32x80x128xi32, #tpu.memory_space<hbm>>, %arg4: memref<32x80x128xi32, #tpu.memory_space<hbm>>, %arg5: memref<10240x128xf32, #tpu.memory_space<hbm>>, %arg6: memref<2x10240x128xf32, #tpu.memory_space<hbm>>, %arg7: memref<80x128xi32, #tpu.memory_space<vmem>>, %arg8: memref<4x128xi32, #tpu.memory_space<vmem>>, %arg9: memref<2x128x128xf32, #tpu.memory_space<vmem>>, %arg10: memref<10240x128xf32, #tpu.memory_space<vmem_shared>>, %arg11: memref<!tpu.dma_semaphore, #tpu.memory_space<semaphore_mem>>, %arg12: memref<!tpu.dma_semaphore, #tpu.memory_space<semaphore_mem>>, %arg13: memref<!tpu.dma_semaphore, #tpu.memory_space<semaphore_mem>>, %arg14: memref<!tpu.dma_semaphore, #tpu.memory_space<semaphore_mem>>, %arg15: memref<!tpu.dma_semaphore, #tpu.memory_space<semaphore_mem>>, %arg16: memref<!tpu.dma_semaphore, #tpu.memory_space<semaphore_mem>>) attributes {dimension_semantics = [#tpu.dimension_semantics<core_parallel>, #tpu.dimension_semantics<subcore_parallel>], iteration_bounds = array<i64: 2, 16>, scalar_prefetch = 0 : i64, scratch_operands = 10 : i64, tpu.core_type = #tpu.core_type<sc_vector_subcore>, window_params = [{transform_indices = #map}, {transform_indices = #map1}, {transform_indices = #map1}, {transform_indices = #map}, {transform_indices = #map1}]} {
    %mul3A = arith.constant 16 : i32
    %mul3A_0 = arith.muli %arg0, %mul3A : i32
    %add3A = arith.addi %mul3A_0, %arg1 : i32
    "tpu.region"() ({
      %run_scoped3A_285 = tpu.sem_alloc : memref<!tpu.dma_semaphore, #tpu.memory_space<semaphore_mem>>
      %dma_start3A_286 = arith.constant 0 : i32
      %dma_start3A_287 = arith.constant 0 : i32
      %dma_start3A_288 = tpu.memref_slice %arg3[%add3A, %dma_start3A_286, %dma_start3A_287] : memref<32x80x128xi32, #tpu.memory_space<hbm>> -> memref<1x80x128xi32, #tpu.memory_space<hbm>>
      %dma_start3A_289 = tpu.memref_squeeze %dma_start3A_288 : memref<1x80x128xi32, #tpu.memory_space<hbm>> -> memref<80x128xi32, #tpu.memory_space<hbm>>
      %dma_start3A_290 = arith.constant 0 : i32
      %dma_start3A_291 = arith.constant 0 : i32
      %dma_start3A_292 = tpu.memref_slice %arg3[%add3A, %dma_start3A_290, %dma_start3A_291] : memref<32x80x128xi32, #tpu.memory_space<hbm>> -> memref<1x80x128xi32, #tpu.memory_space<hbm>>
      %dma_start3A_293 = tpu.memref_squeeze %dma_start3A_292 : memref<1x80x128xi32, #tpu.memory_space<hbm>> -> memref<80x128xi32, #tpu.memory_space<hbm>>
      tpu.enqueue_dma source(%dma_start3A_293 : memref<80x128xi32, #tpu.memory_space<hbm>>) target(%arg7 : memref<80x128xi32, #tpu.memory_space<vmem>>) target_semaphore(%run_scoped3A_285 : memref<!tpu.dma_semaphore, #tpu.memory_space<semaphore_mem>>)
      %dma_wait3A_294 = arith.constant 0 : i32
      %dma_wait3A_295 = arith.constant 0 : i32
      %dma_wait3A_296 = tpu.memref_slice %arg3[%add3A, %dma_wait3A_294, %dma_wait3A_295] : memref<32x80x128xi32, #tpu.memory_space<hbm>> -> memref<1x80x128xi32, #tpu.memory_space<hbm>>
      %dma_wait3A_297 = tpu.memref_squeeze %dma_wait3A_296 : memref<1x80x128xi32, #tpu.memory_space<hbm>> -> memref<80x128xi32, #tpu.memory_space<hbm>>
      %dma_wait3A_298 = arith.constant 0 : i32
      %dma_wait3A_299 = arith.constant 0 : i32
      %dma_wait3A_300 = tpu.memref_slice %arg3[%add3A, %dma_wait3A_298, %dma_wait3A_299] : memref<32x80x128xi32, #tpu.memory_space<hbm>> -> memref<1x80x128xi32, #tpu.memory_space<hbm>>
      %dma_wait3A_301 = tpu.memref_squeeze %dma_wait3A_300 : memref<1x80x128xi32, #tpu.memory_space<hbm>> -> memref<80x128xi32, #tpu.memory_space<hbm>>
      tpu.wait_dma2 semaphore(%run_scoped3A_285 : memref<!tpu.dma_semaphore, #tpu.memory_space<semaphore_mem>>) src(%dma_wait3A_301 : memref<80x128xi32, #tpu.memory_space<hbm>>) dst(%arg7 : memref<80x128xi32, #tpu.memory_space<vmem>>)
      tpu.yield
    }) : () -> ()
    %mul3A_1 = arith.constant 640 : i32
    %mul3A_2 = arith.muli %arg1, %mul3A_1 : i32
    "tpu.region"() ({
      %run_scoped3A_285 = tpu.sem_alloc : memref<!tpu.dma_semaphore, #tpu.memory_space<semaphore_mem>>
      %dma_start3A_286 = arith.constant 0 : i32
      %dma_start3A_287 = tpu.memref_slice %arg10[%mul3A_2, %dma_start3A_286] : memref<10240x128xf32, #tpu.memory_space<vmem_shared>> -> memref<640x128xf32, #tpu.memory_space<vmem_shared>>
      %dma_start3A_288 = arith.constant 0 : i32
      %dma_start3A_289 = tpu.memref_slice %arg5[%mul3A_2, %dma_start3A_288] : memref<10240x128xf32, #tpu.memory_space<hbm>> -> memref<640x128xf32, #tpu.memory_space<hbm>>
      tpu.enqueue_dma source(%dma_start3A_289 : memref<640x128xf32, #tpu.memory_space<hbm>>) target(%dma_start3A_287 : memref<640x128xf32, #tpu.memory_space<vmem_shared>>) target_semaphore(%run_scoped3A_285 : memref<!tpu.dma_semaphore, #tpu.memory_space<semaphore_mem>>)
      %dma_wait3A_290 = arith.constant 0 : i32
      %dma_wait3A_291 = tpu.memref_slice %arg10[%mul3A_2, %dma_wait3A_290] : memref<10240x128xf32, #tpu.memory_space<vmem_shared>> -> memref<640x128xf32, #tpu.memory_space<vmem_shared>>
      %dma_wait3A_292 = arith.constant 0 : i32
      %dma_wait3A_293 = tpu.memref_slice %arg5[%mul3A_2, %dma_wait3A_292] : memref<10240x128xf32, #tpu.memory_space<hbm>> -> memref<640x128xf32, #tpu.memory_space<hbm>>
      tpu.wait_dma2 semaphore(%run_scoped3A_285 : memref<!tpu.dma_semaphore, #tpu.memory_space<semaphore_mem>>) src(%dma_wait3A_293 : memref<640x128xf32, #tpu.memory_space<hbm>>) dst(%dma_wait3A_291 : memref<640x128xf32, #tpu.memory_space<vmem_shared>>)
      tpu.yield
    }) : () -> ()
    %dma_start3A = arith.constant 0 : i32
    %dma_start3A_3 = arith.constant 0 : i32
    %dma_start3A_4 = arith.constant 0 : i32
    %dma_start3A_5 = tpu.memref_slice %arg8[%dma_start3A_3, %dma_start3A_4] : memref<4x128xi32, #tpu.memory_space<vmem>> -> memref<1x128xi32, #tpu.memory_space<vmem>>
    %dma_start3A_6 = tpu.memref_squeeze %dma_start3A_5 : memref<1x128xi32, #tpu.memory_space<vmem>> -> memref<128xi32, #tpu.memory_space<vmem>>
    %dma_start3A_7 = arith.constant 0 : i32
    %dma_start3A_8 = arith.constant 0 : i32
    %dma_start3A_9 = tpu.memref_slice %arg4[%add3A, %dma_start3A_7, %dma_start3A_8] : memref<32x80x128xi32, #tpu.memory_space<hbm>> -> memref<1x80x128xi32, #tpu.memory_space<hbm>>
    %dma_start3A_10 = tpu.memref_squeeze %dma_start3A_9 : memref<1x80x128xi32, #tpu.memory_space<hbm>> -> memref<80x128xi32, #tpu.memory_space<hbm>>
    %dma_start3A_11 = arith.constant 0 : i32
    %dma_start3A_12 = tpu.memref_slice %dma_start3A_10[%dma_start3A, %dma_start3A_11] : memref<80x128xi32, #tpu.memory_space<hbm>> -> memref<1x128xi32, #tpu.memory_space<hbm>>
    %dma_start3A_13 = tpu.memref_squeeze %dma_start3A_12 : memref<1x128xi32, #tpu.memory_space<hbm>> -> memref<128xi32, #tpu.memory_space<hbm>>
    %dma_start3A_14 = arith.constant 0 : i32
    %dma_start3A_15 = tpu.memref_slice %arg8[%dma_start3A_3, %dma_start3A_14] : memref<4x128xi32, #tpu.memory_space<vmem>> -> memref<1x128xi32, #tpu.memory_space<vmem>>
    %dma_start3A_16 = tpu.memref_squeeze %dma_start3A_15 : memref<1x128xi32, #tpu.memory_space<vmem>> -> memref<128xi32, #tpu.memory_space<vmem>>
    %dma_start3A_17 = arith.constant 0 : i32
    %dma_start3A_18 = arith.constant 0 : i32
    %dma_start3A_19 = tpu.memref_slice %arg4[%add3A, %dma_start3A_17, %dma_start3A_18] : memref<32x80x128xi32, #tpu.memory_space<hbm>> -> memref<1x80x128xi32, #tpu.memory_space<hbm>>
    %dma_start3A_20 = tpu.memref_squeeze %dma_start3A_19 : memref<1x80x128xi32, #tpu.memory_space<hbm>> -> memref<80x128xi32, #tpu.memory_space<hbm>>
    %dma_start3A_21 = arith.constant 0 : i32
    %dma_start3A_22 = tpu.memref_slice %dma_start3A_20[%dma_start3A, %dma_start3A_21] : memref<80x128xi32, #tpu.memory_space<hbm>> -> memref<1x128xi32, #tpu.memory_space<hbm>>
    %dma_start3A_23 = tpu.memref_squeeze %dma_start3A_22 : memref<1x128xi32, #tpu.memory_space<hbm>> -> memref<128xi32, #tpu.memory_space<hbm>>
    tpu.enqueue_dma source(%dma_start3A_23 : memref<128xi32, #tpu.memory_space<hbm>>) target(%dma_start3A_16 : memref<128xi32, #tpu.memory_space<vmem>>) target_semaphore(%arg13 : memref<!tpu.dma_semaphore, #tpu.memory_space<semaphore_mem>>)
    %dma_start3A_24 = arith.constant 1 : i32
    %dma_start3A_25 = arith.constant 1 : i32
    %dma_start3A_26 = arith.constant 0 : i32
    %dma_start3A_27 = tpu.memref_slice %arg8[%dma_start3A_25, %dma_start3A_26] : memref<4x128xi32, #tpu.memory_space<vmem>> -> memref<1x128xi32, #tpu.memory_space<vmem>>
    %dma_start3A_28 = tpu.memref_squeeze %dma_start3A_27 : memref<1x128xi32, #tpu.memory_space<vmem>> -> memref<128xi32, #tpu.memory_space<vmem>>
    %dma_start3A_29 = arith.constant 0 : i32
    %dma_start3A_30 = arith.constant 0 : i32
    %dma_start3A_31 = tpu.memref_slice %arg4[%add3A, %dma_start3A_29, %dma_start3A_30] : memref<32x80x128xi32, #tpu.memory_space<hbm>> -> memref<1x80x128xi32, #tpu.memory_space<hbm>>
    %dma_start3A_32 = tpu.memref_squeeze %dma_start3A_31 : memref<1x80x128xi32, #tpu.memory_space<hbm>> -> memref<80x128xi32, #tpu.memory_space<hbm>>
    %dma_start3A_33 = arith.constant 0 : i32
    %dma_start3A_34 = tpu.memref_slice %dma_start3A_32[%dma_start3A_24, %dma_start3A_33] : memref<80x128xi32, #tpu.memory_space<hbm>> -> memref<1x128xi32, #tpu.memory_space<hbm>>
    %dma_start3A_35 = tpu.memref_squeeze %dma_start3A_34 : memref<1x128xi32, #tpu.memory_space<hbm>> -> memref<128xi32, #tpu.memory_space<hbm>>
    %dma_start3A_36 = arith.constant 0 : i32
    %dma_start3A_37 = tpu.memref_slice %arg8[%dma_start3A_25, %dma_start3A_36] : memref<4x128xi32, #tpu.memory_space<vmem>> -> memref<1x128xi32, #tpu.memory_space<vmem>>
    %dma_start3A_38 = tpu.memref_squeeze %dma_start3A_37 : memref<1x128xi32, #tpu.memory_space<vmem>> -> memref<128xi32, #tpu.memory_space<vmem>>
    %dma_start3A_39 = arith.constant 0 : i32
    %dma_start3A_40 = arith.constant 0 : i32
    %dma_start3A_41 = tpu.memref_slice %arg4[%add3A, %dma_start3A_39, %dma_start3A_40] : memref<32x80x128xi32, #tpu.memory_space<hbm>> -> memref<1x80x128xi32, #tpu.memory_space<hbm>>
    %dma_start3A_42 = tpu.memref_squeeze %dma_start3A_41 : memref<1x80x128xi32, #tpu.memory_space<hbm>> -> memref<80x128xi32, #tpu.memory_space<hbm>>
    %dma_start3A_43 = arith.constant 0 : i32
    %dma_start3A_44 = tpu.memref_slice %dma_start3A_42[%dma_start3A_24, %dma_start3A_43] : memref<80x128xi32, #tpu.memory_space<hbm>> -> memref<1x128xi32, #tpu.memory_space<hbm>>
    %dma_start3A_45 = tpu.memref_squeeze %dma_start3A_44 : memref<1x128xi32, #tpu.memory_space<hbm>> -> memref<128xi32, #tpu.memory_space<hbm>>
    tpu.enqueue_dma source(%dma_start3A_45 : memref<128xi32, #tpu.memory_space<hbm>>) target(%dma_start3A_38 : memref<128xi32, #tpu.memory_space<vmem>>) target_semaphore(%arg14 : memref<!tpu.dma_semaphore, #tpu.memory_space<semaphore_mem>>)
    %dma_start3A_46 = arith.constant 2 : i32
    %dma_start3A_47 = arith.constant 2 : i32
    %dma_start3A_48 = arith.constant 0 : i32
    %dma_start3A_49 = tpu.memref_slice %arg8[%dma_start3A_47, %dma_start3A_48] : memref<4x128xi32, #tpu.memory_space<vmem>> -> memref<1x128xi32, #tpu.memory_space<vmem>>
    %dma_start3A_50 = tpu.memref_squeeze %dma_start3A_49 : memref<1x128xi32, #tpu.memory_space<vmem>> -> memref<128xi32, #tpu.memory_space<vmem>>
    %dma_start3A_51 = arith.constant 0 : i32
    %dma_start3A_52 = arith.constant 0 : i32
    %dma_start3A_53 = tpu.memref_slice %arg4[%add3A, %dma_start3A_51, %dma_start3A_52] : memref<32x80x128xi32, #tpu.memory_space<hbm>> -> memref<1x80x128xi32, #tpu.memory_space<hbm>>
    %dma_start3A_54 = tpu.memref_squeeze %dma_start3A_53 : memref<1x80x128xi32, #tpu.memory_space<hbm>> -> memref<80x128xi32, #tpu.memory_space<hbm>>
    %dma_start3A_55 = arith.constant 0 : i32
    %dma_start3A_56 = tpu.memref_slice %dma_start3A_54[%dma_start3A_46, %dma_start3A_55] : memref<80x128xi32, #tpu.memory_space<hbm>> -> memref<1x128xi32, #tpu.memory_space<hbm>>
    %dma_start3A_57 = tpu.memref_squeeze %dma_start3A_56 : memref<1x128xi32, #tpu.memory_space<hbm>> -> memref<128xi32, #tpu.memory_space<hbm>>
    %dma_start3A_58 = arith.constant 0 : i32
    %dma_start3A_59 = tpu.memref_slice %arg8[%dma_start3A_47, %dma_start3A_58] : memref<4x128xi32, #tpu.memory_space<vmem>> -> memref<1x128xi32, #tpu.memory_space<vmem>>
    %dma_start3A_60 = tpu.memref_squeeze %dma_start3A_59 : memref<1x128xi32, #tpu.memory_space<vmem>> -> memref<128xi32, #tpu.memory_space<vmem>>
    %dma_start3A_61 = arith.constant 0 : i32
    %dma_start3A_62 = arith.constant 0 : i32
    %dma_start3A_63 = tpu.memref_slice %arg4[%add3A, %dma_start3A_61, %dma_start3A_62] : memref<32x80x128xi32, #tpu.memory_space<hbm>> -> memref<1x80x128xi32, #tpu.memory_space<hbm>>
    %dma_start3A_64 = tpu.memref_squeeze %dma_start3A_63 : memref<1x80x128xi32, #tpu.memory_space<hbm>> -> memref<80x128xi32, #tpu.memory_space<hbm>>
    %dma_start3A_65 = arith.constant 0 : i32
    %dma_start3A_66 = tpu.memref_slice %dma_start3A_64[%dma_start3A_46, %dma_start3A_65] : memref<80x128xi32, #tpu.memory_space<hbm>> -> memref<1x128xi32, #tpu.memory_space<hbm>>
    %dma_start3A_67 = tpu.memref_squeeze %dma_start3A_66 : memref<1x128xi32, #tpu.memory_space<hbm>> -> memref<128xi32, #tpu.memory_space<hbm>>
    tpu.enqueue_dma source(%dma_start3A_67 : memref<128xi32, #tpu.memory_space<hbm>>) target(%dma_start3A_60 : memref<128xi32, #tpu.memory_space<vmem>>) target_semaphore(%arg15 : memref<!tpu.dma_semaphore, #tpu.memory_space<semaphore_mem>>)
    %dma_start3A_68 = arith.constant 3 : i32
    %dma_start3A_69 = arith.constant 3 : i32
    %dma_start3A_70 = arith.constant 0 : i32
    %dma_start3A_71 = tpu.memref_slice %arg8[%dma_start3A_69, %dma_start3A_70] : memref<4x128xi32, #tpu.memory_space<vmem>> -> memref<1x128xi32, #tpu.memory_space<vmem>>
    %dma_start3A_72 = tpu.memref_squeeze %dma_start3A_71 : memref<1x128xi32, #tpu.memory_space<vmem>> -> memref<128xi32, #tpu.memory_space<vmem>>
    %dma_start3A_73 = arith.constant 0 : i32
    %dma_start3A_74 = arith.constant 0 : i32
    %dma_start3A_75 = tpu.memref_slice %arg4[%add3A, %dma_start3A_73, %dma_start3A_74] : memref<32x80x128xi32, #tpu.memory_space<hbm>> -> memref<1x80x128xi32, #tpu.memory_space<hbm>>
    %dma_start3A_76 = tpu.memref_squeeze %dma_start3A_75 : memref<1x80x128xi32, #tpu.memory_space<hbm>> -> memref<80x128xi32, #tpu.memory_space<hbm>>
    %dma_start3A_77 = arith.constant 0 : i32
    %dma_start3A_78 = tpu.memref_slice %dma_start3A_76[%dma_start3A_68, %dma_start3A_77] : memref<80x128xi32, #tpu.memory_space<hbm>> -> memref<1x128xi32, #tpu.memory_space<hbm>>
    %dma_start3A_79 = tpu.memref_squeeze %dma_start3A_78 : memref<1x128xi32, #tpu.memory_space<hbm>> -> memref<128xi32, #tpu.memory_space<hbm>>
    %dma_start3A_80 = arith.constant 0 : i32
    %dma_start3A_81 = tpu.memref_slice %arg8[%dma_start3A_69, %dma_start3A_80] : memref<4x128xi32, #tpu.memory_space<vmem>> -> memref<1x128xi32, #tpu.memory_space<vmem>>
    %dma_start3A_82 = tpu.memref_squeeze %dma_start3A_81 : memref<1x128xi32, #tpu.memory_space<vmem>> -> memref<128xi32, #tpu.memory_space<vmem>>
    %dma_start3A_83 = arith.constant 0 : i32
    %dma_start3A_84 = arith.constant 0 : i32
    %dma_start3A_85 = tpu.memref_slice %arg4[%add3A, %dma_start3A_83, %dma_start3A_84] : memref<32x80x128xi32, #tpu.memory_space<hbm>> -> memref<1x80x128xi32, #tpu.memory_space<hbm>>
    %dma_start3A_86 = tpu.memref_squeeze %dma_start3A_85 : memref<1x80x128xi32, #tpu.memory_space<hbm>> -> memref<80x128xi32, #tpu.memory_space<hbm>>
    %dma_start3A_87 = arith.constant 0 : i32
    %dma_start3A_88 = tpu.memref_slice %dma_start3A_86[%dma_start3A_68, %dma_start3A_87] : memref<80x128xi32, #tpu.memory_space<hbm>> -> memref<1x128xi32, #tpu.memory_space<hbm>>
    %dma_start3A_89 = tpu.memref_squeeze %dma_start3A_88 : memref<1x128xi32, #tpu.memory_space<hbm>> -> memref<128xi32, #tpu.memory_space<hbm>>
    tpu.enqueue_dma source(%dma_start3A_89 : memref<128xi32, #tpu.memory_space<hbm>>) target(%dma_start3A_82 : memref<128xi32, #tpu.memory_space<vmem>>) target_semaphore(%arg16 : memref<!tpu.dma_semaphore, #tpu.memory_space<semaphore_mem>>)
    %dma_start3A_90 = arith.constant 0 : i32
    %dma_start3A_91 = arith.constant 0 : i32
    %dma_start3A_92 = arith.constant 0 : i32
    %dma_start3A_93 = arith.constant 0 : i32
    %dma_start3A_94 = tpu.memref_slice %arg9[%dma_start3A_91, %dma_start3A_92, %dma_start3A_93] : memref<2x128x128xf32, #tpu.memory_space<vmem>> -> memref<1x128x128xf32, #tpu.memory_space<vmem>>
    %dma_start3A_95 = tpu.memref_squeeze %dma_start3A_94 : memref<1x128x128xf32, #tpu.memory_space<vmem>> -> memref<128x128xf32, #tpu.memory_space<vmem>>
    %dma_start3A_96 = arith.constant 0 : i32
    %dma_start3A_97 = tpu.memref_slice %arg7[%dma_start3A_90, %dma_start3A_96] : memref<80x128xi32, #tpu.memory_space<vmem>> -> memref<1x128xi32, #tpu.memory_space<vmem>>
    %dma_start3A_98 = tpu.memref_squeeze %dma_start3A_97 : memref<1x128xi32, #tpu.memory_space<vmem>> -> memref<128xi32, #tpu.memory_space<vmem>>
    %dma_start3A_99 = arith.constant 0 : i32
    %dma_start3A_100 = arith.constant 0 : i32
    %dma_start3A_101 = tpu.memref_slice %arg2[%dma_start3A_99, %dma_start3A_100] : memref<10000x128xf32, #tpu.memory_space<hbm>> -> memref<10000x128xf32, #tpu.memory_space<hbm>>
    tpu.enqueue_indirect_dma source(%dma_start3A_101 : memref<10000x128xf32, #tpu.memory_space<hbm>>) target(%dma_start3A_95 : memref<128x128xf32, #tpu.memory_space<vmem>>) offsets(%dma_start3A_98 : memref<128xi32, #tpu.memory_space<vmem>>) semaphore(%arg11 : memref<!tpu.dma_semaphore, #tpu.memory_space<semaphore_mem>>)
    %dma_start3A_102 = arith.constant 1 : i32
    %dma_start3A_103 = arith.constant 1 : i32
    %dma_start3A_104 = arith.constant 0 : i32
    %dma_start3A_105 = arith.constant 0 : i32
    %dma_start3A_106 = tpu.memref_slice %arg9[%dma_start3A_103, %dma_start3A_104, %dma_start3A_105] : memref<2x128x128xf32, #tpu.memory_space<vmem>> -> memref<1x128x128xf32, #tpu.memory_space<vmem>>
    %dma_start3A_107 = tpu.memref_squeeze %dma_start3A_106 : memref<1x128x128xf32, #tpu.memory_space<vmem>> -> memref<128x128xf32, #tpu.memory_space<vmem>>
    %dma_start3A_108 = arith.constant 0 : i32
    %dma_start3A_109 = tpu.memref_slice %arg7[%dma_start3A_102, %dma_start3A_108] : memref<80x128xi32, #tpu.memory_space<vmem>> -> memref<1x128xi32, #tpu.memory_space<vmem>>
    %dma_start3A_110 = tpu.memref_squeeze %dma_start3A_109 : memref<1x128xi32, #tpu.memory_space<vmem>> -> memref<128xi32, #tpu.memory_space<vmem>>
    %dma_start3A_111 = arith.constant 0 : i32
    %dma_start3A_112 = arith.constant 0 : i32
    %dma_start3A_113 = tpu.memref_slice %arg2[%dma_start3A_111, %dma_start3A_112] : memref<10000x128xf32, #tpu.memory_space<hbm>> -> memref<10000x128xf32, #tpu.memory_space<hbm>>
    tpu.enqueue_indirect_dma source(%dma_start3A_113 : memref<10000x128xf32, #tpu.memory_space<hbm>>) target(%dma_start3A_107 : memref<128x128xf32, #tpu.memory_space<vmem>>) offsets(%dma_start3A_110 : memref<128xi32, #tpu.memory_space<vmem>>) semaphore(%arg12 : memref<!tpu.dma_semaphore, #tpu.memory_space<semaphore_mem>>)
    %barrier3A = arith.constant 0 : index
    tpu.barrier barrier_id(%barrier3A)
    %scan3A = arith.constant 0 : i32
    %scan3A_114 = arith.constant 19 : i32
    %scan3A_115 = arith.addi %scan3A, %scan3A_114 : i32
    %scan3A_116 = arith.constant 1 : i32
    scf.for %scan3A_285 = %scan3A to %scan3A_115 step %scan3A_116  : i32 {
      %mul3A_286 = arith.constant 4 : i32
      %mul3A_287 = arith.muli %scan3A_285, %mul3A_286 : i32
      %add3A_288 = arith.constant 0 : i32
      %add3A_289 = arith.addi %add3A_288, %mul3A_287 : i32
      %add3A_290 = arith.constant 0 : i32
      %add3A_291 = arith.addi %add3A_289, %add3A_290 : i32
      %dma_wait3A_292 = arith.constant 0 : i32
      %dma_wait3A_293 = arith.constant 0 : i32
      %dma_wait3A_294 = arith.constant 0 : i32
      %dma_wait3A_295 = arith.constant 0 : i32
      %dma_wait3A_296 = tpu.memref_slice %arg9[%dma_wait3A_293, %dma_wait3A_294, %dma_wait3A_295] : memref<2x128x128xf32, #tpu.memory_space<vmem>> -> memref<1x128x128xf32, #tpu.memory_space<vmem>>
      %dma_wait3A_297 = tpu.memref_squeeze %dma_wait3A_296 : memref<1x128x128xf32, #tpu.memory_space<vmem>> -> memref<128x128xf32, #tpu.memory_space<vmem>>
      %dma_wait3A_298 = arith.constant 0 : i32
      %dma_wait3A_299 = tpu.memref_slice %arg7[%dma_wait3A_292, %dma_wait3A_298] : memref<80x128xi32, #tpu.memory_space<vmem>> -> memref<1x128xi32, #tpu.memory_space<vmem>>
      %dma_wait3A_300 = tpu.memref_squeeze %dma_wait3A_299 : memref<1x128xi32, #tpu.memory_space<vmem>> -> memref<128xi32, #tpu.memory_space<vmem>>
      %dma_wait3A_301 = arith.constant 0 : i32
      %dma_wait3A_302 = arith.constant 0 : i32
      %dma_wait3A_303 = tpu.memref_slice %arg2[%dma_wait3A_301, %dma_wait3A_302] : memref<10000x128xf32, #tpu.memory_space<hbm>> -> memref<10000x128xf32, #tpu.memory_space<hbm>>
      tpu.wait_indirect_dma semaphore(%arg11 : memref<!tpu.dma_semaphore, #tpu.memory_space<semaphore_mem>>) src(%dma_wait3A_303 : memref<10000x128xf32, #tpu.memory_space<hbm>>) dst(%dma_wait3A_297 : memref<128x128xf32, #tpu.memory_space<vmem>>)
      %dma_wait3A_304 = arith.constant 0 : i32
      %dma_wait3A_305 = arith.constant 0 : i32
      %dma_wait3A_306 = arith.constant 0 : i32
      %dma_wait3A_307 = tpu.memref_slice %arg8[%dma_wait3A_305, %dma_wait3A_306] : memref<4x128xi32, #tpu.memory_space<vmem>> -> memref<1x128xi32, #tpu.memory_space<vmem>>
      %dma_wait3A_308 = tpu.memref_squeeze %dma_wait3A_307 : memref<1x128xi32, #tpu.memory_space<vmem>> -> memref<128xi32, #tpu.memory_space<vmem>>
      %dma_wait3A_309 = arith.constant 0 : i32
      %dma_wait3A_310 = arith.constant 0 : i32
      %dma_wait3A_311 = tpu.memref_slice %arg4[%add3A, %dma_wait3A_309, %dma_wait3A_310] : memref<32x80x128xi32, #tpu.memory_space<hbm>> -> memref<1x80x128xi32, #tpu.memory_space<hbm>>
      %dma_wait3A_312 = tpu.memref_squeeze %dma_wait3A_311 : memref<1x80x128xi32, #tpu.memory_space<hbm>> -> memref<80x128xi32, #tpu.memory_space<hbm>>
      %dma_wait3A_313 = arith.constant 0 : i32
      %dma_wait3A_314 = tpu.memref_slice %dma_wait3A_312[%dma_wait3A_304, %dma_wait3A_313] : memref<80x128xi32, #tpu.memory_space<hbm>> -> memref<1x128xi32, #tpu.memory_space<hbm>>
      %dma_wait3A_315 = tpu.memref_squeeze %dma_wait3A_314 : memref<1x128xi32, #tpu.memory_space<hbm>> -> memref<128xi32, #tpu.memory_space<hbm>>
      %dma_wait3A_316 = arith.constant 0 : i32
      %dma_wait3A_317 = tpu.memref_slice %arg8[%dma_wait3A_305, %dma_wait3A_316] : memref<4x128xi32, #tpu.memory_space<vmem>> -> memref<1x128xi32, #tpu.memory_space<vmem>>
      %dma_wait3A_318 = tpu.memref_squeeze %dma_wait3A_317 : memref<1x128xi32, #tpu.memory_space<vmem>> -> memref<128xi32, #tpu.memory_space<vmem>>
      %dma_wait3A_319 = arith.constant 0 : i32
      %dma_wait3A_320 = arith.constant 0 : i32
      %dma_wait3A_321 = tpu.memref_slice %arg4[%add3A, %dma_wait3A_319, %dma_wait3A_320] : memref<32x80x128xi32, #tpu.memory_space<hbm>> -> memref<1x80x128xi32, #tpu.memory_space<hbm>>
      %dma_wait3A_322 = tpu.memref_squeeze %dma_wait3A_321 : memref<1x80x128xi32, #tpu.memory_space<hbm>> -> memref<80x128xi32, #tpu.memory_space<hbm>>
      %dma_wait3A_323 = arith.constant 0 : i32
      %dma_wait3A_324 = tpu.memref_slice %dma_wait3A_322[%dma_wait3A_304, %dma_wait3A_323] : memref<80x128xi32, #tpu.memory_space<hbm>> -> memref<1x128xi32, #tpu.memory_space<hbm>>
      %dma_wait3A_325 = tpu.memref_squeeze %dma_wait3A_324 : memref<1x128xi32, #tpu.memory_space<hbm>> -> memref<128xi32, #tpu.memory_space<hbm>>
      tpu.wait_dma2 semaphore(%arg13 : memref<!tpu.dma_semaphore, #tpu.memory_space<semaphore_mem>>) src(%dma_wait3A_325 : memref<128xi32, #tpu.memory_space<hbm>>) dst(%dma_wait3A_318 : memref<128xi32, #tpu.memory_space<vmem>>)
      %run_scoped3A_326 = arith.constant 0 : i32
      %run_scoped3A_327 = arith.constant 0 : i32
      "tpu.region"() ({
        %run_scoped3A_586 = tpu.sem_alloc : memref<!tpu.dma_semaphore, #tpu.memory_space<semaphore_mem>>
        %dma_start3A_587 = arith.constant 0 : i32
        %dma_start3A_588 = arith.constant 0 : i32
        %dma_start3A_589 = tpu.memref_slice %arg9[%run_scoped3A_326, %dma_start3A_587, %dma_start3A_588] : memref<2x128x128xf32, #tpu.memory_space<vmem>> -> memref<1x128x128xf32, #tpu.memory_space<vmem>>
        %dma_start3A_590 = tpu.memref_squeeze %dma_start3A_589 : memref<1x128x128xf32, #tpu.memory_space<vmem>> -> memref<128x128xf32, #tpu.memory_space<vmem>>
        %dma_start3A_591 = arith.constant 0 : i32
        %dma_start3A_592 = tpu.memref_slice %arg8[%run_scoped3A_327, %dma_start3A_591] : memref<4x128xi32, #tpu.memory_space<vmem>> -> memref<1x128xi32, #tpu.memory_space<vmem>>
        %dma_start3A_593 = tpu.memref_squeeze %dma_start3A_592 : memref<1x128xi32, #tpu.memory_space<vmem>> -> memref<128xi32, #tpu.memory_space<vmem>>
        %dma_start3A_594 = arith.constant 0 : i32
        %dma_start3A_595 = arith.constant 0 : i32
        %dma_start3A_596 = tpu.memref_slice %arg10[%dma_start3A_594, %dma_start3A_595] : memref<10240x128xf32, #tpu.memory_space<vmem_shared>> -> memref<10240x128xf32, #tpu.memory_space<vmem_shared>>
        tpu.enqueue_indirect_dma source(%dma_start3A_590 : memref<128x128xf32, #tpu.memory_space<vmem>>) target(%dma_start3A_596 : memref<10240x128xf32, #tpu.memory_space<vmem_shared>>) offsets(%dma_start3A_593 : memref<128xi32, #tpu.memory_space<vmem>>) semaphore(%run_scoped3A_586 : memref<!tpu.dma_semaphore, #tpu.memory_space<semaphore_mem>>) {add = true}
        %dma_wait3A_597 = arith.constant 0 : i32
        %dma_wait3A_598 = arith.constant 0 : i32
        %dma_wait3A_599 = tpu.memref_slice %arg9[%run_scoped3A_326, %dma_wait3A_597, %dma_wait3A_598] : memref<2x128x128xf32, #tpu.memory_space<vmem>> -> memref<1x128x128xf32, #tpu.memory_space<vmem>>
        %dma_wait3A_600 = tpu.memref_squeeze %dma_wait3A_599 : memref<1x128x128xf32, #tpu.memory_space<vmem>> -> memref<128x128xf32, #tpu.memory_space<vmem>>
        %dma_wait3A_601 = arith.constant 0 : i32
        %dma_wait3A_602 = tpu.memref_slice %arg8[%run_scoped3A_327, %dma_wait3A_601] : memref<4x128xi32, #tpu.memory_space<vmem>> -> memref<1x128xi32, #tpu.memory_space<vmem>>
        %dma_wait3A_603 = tpu.memref_squeeze %dma_wait3A_602 : memref<1x128xi32, #tpu.memory_space<vmem>> -> memref<128xi32, #tpu.memory_space<vmem>>
        %dma_wait3A_604 = arith.constant 0 : i32
        %dma_wait3A_605 = arith.constant 0 : i32
        %dma_wait3A_606 = tpu.memref_slice %arg10[%dma_wait3A_604, %dma_wait3A_605] : memref<10240x128xf32, #tpu.memory_space<vmem_shared>> -> memref<10240x128xf32, #tpu.memory_space<vmem_shared>>
        tpu.wait_indirect_dma semaphore(%run_scoped3A_586 : memref<!tpu.dma_semaphore, #tpu.memory_space<semaphore_mem>>) src(%dma_wait3A_600 : memref<128x128xf32, #tpu.memory_space<vmem>>) dst(%dma_wait3A_606 : memref<10240x128xf32, #tpu.memory_space<vmem_shared>>)
        tpu.yield
      }) : () -> ()
      %add3A_328 = arith.constant 4 : i32
      %add3A_329 = arith.addi %add3A_291, %add3A_328 : i32
      %dma_start3A_330 = arith.constant 0 : i32
      %dma_start3A_331 = arith.constant 0 : i32
      %dma_start3A_332 = tpu.memref_slice %arg8[%dma_start3A_330, %dma_start3A_331] : memref<4x128xi32, #tpu.memory_space<vmem>> -> memref<1x128xi32, #tpu.memory_space<vmem>>
      %dma_start3A_333 = tpu.memref_squeeze %dma_start3A_332 : memref<1x128xi32, #tpu.memory_space<vmem>> -> memref<128xi32, #tpu.memory_space<vmem>>
      %dma_start3A_334 = arith.constant 0 : i32
      %dma_start3A_335 = arith.constant 0 : i32
      %dma_start3A_336 = tpu.memref_slice %arg4[%add3A, %dma_start3A_334, %dma_start3A_335] : memref<32x80x128xi32, #tpu.memory_space<hbm>> -> memref<1x80x128xi32, #tpu.memory_space<hbm>>
      %dma_start3A_337 = tpu.memref_squeeze %dma_start3A_336 : memref<1x80x128xi32, #tpu.memory_space<hbm>> -> memref<80x128xi32, #tpu.memory_space<hbm>>
      %dma_start3A_338 = arith.constant 0 : i32
      %dma_start3A_339 = tpu.memref_slice %dma_start3A_337[%add3A_329, %dma_start3A_338] : memref<80x128xi32, #tpu.memory_space<hbm>> -> memref<1x128xi32, #tpu.memory_space<hbm>>
      %dma_start3A_340 = tpu.memref_squeeze %dma_start3A_339 : memref<1x128xi32, #tpu.memory_space<hbm>> -> memref<128xi32, #tpu.memory_space<hbm>>
      %dma_start3A_341 = arith.constant 0 : i32
      %dma_start3A_342 = tpu.memref_slice %arg8[%dma_start3A_330, %dma_start3A_341] : memref<4x128xi32, #tpu.memory_space<vmem>> -> memref<1x128xi32, #tpu.memory_space<vmem>>
      %dma_start3A_343 = tpu.memref_squeeze %dma_start3A_342 : memref<1x128xi32, #tpu.memory_space<vmem>> -> memref<128xi32, #tpu.memory_space<vmem>>
      %dma_start3A_344 = arith.constant 0 : i32
      %dma_start3A_345 = arith.constant 0 : i32
      %dma_start3A_346 = tpu.memref_slice %arg4[%add3A, %dma_start3A_344, %dma_start3A_345] : memref<32x80x128xi32, #tpu.memory_space<hbm>> -> memref<1x80x128xi32, #tpu.memory_space<hbm>>
      %dma_start3A_347 = tpu.memref_squeeze %dma_start3A_346 : memref<1x80x128xi32, #tpu.memory_space<hbm>> -> memref<80x128xi32, #tpu.memory_space<hbm>>
      %dma_start3A_348 = arith.constant 0 : i32
      %dma_start3A_349 = tpu.memref_slice %dma_start3A_347[%add3A_329, %dma_start3A_348] : memref<80x128xi32, #tpu.memory_space<hbm>> -> memref<1x128xi32, #tpu.memory_space<hbm>>
      %dma_start3A_350 = tpu.memref_squeeze %dma_start3A_349 : memref<1x128xi32, #tpu.memory_space<hbm>> -> memref<128xi32, #tpu.memory_space<hbm>>
      tpu.enqueue_dma source(%dma_start3A_350 : memref<128xi32, #tpu.memory_space<hbm>>) target(%dma_start3A_343 : memref<128xi32, #tpu.memory_space<vmem>>) target_semaphore(%arg13 : memref<!tpu.dma_semaphore, #tpu.memory_space<semaphore_mem>>)
      %add3A_351 = arith.constant 2 : i32
      %add3A_352 = arith.addi %add3A_291, %add3A_351 : i32
      %dma_start3A_353 = arith.constant 0 : i32
      %dma_start3A_354 = arith.constant 0 : i32
      %dma_start3A_355 = arith.constant 0 : i32
      %dma_start3A_356 = tpu.memref_slice %arg9[%dma_start3A_353, %dma_start3A_354, %dma_start3A_355] : memref<2x128x128xf32, #tpu.memory_space<vmem>> -> memref<1x128x128xf32, #tpu.memory_space<vmem>>
      %dma_start3A_357 = tpu.memref_squeeze %dma_start3A_356 : memref<1x128x128xf32, #tpu.memory_space<vmem>> -> memref<128x128xf32, #tpu.memory_space<vmem>>
      %dma_start3A_358 = arith.constant 0 : i32
      %dma_start3A_359 = tpu.memref_slice %arg7[%add3A_352, %dma_start3A_358] : memref<80x128xi32, #tpu.memory_space<vmem>> -> memref<1x128xi32, #tpu.memory_space<vmem>>
      %dma_start3A_360 = tpu.memref_squeeze %dma_start3A_359 : memref<1x128xi32, #tpu.memory_space<vmem>> -> memref<128xi32, #tpu.memory_space<vmem>>
      %dma_start3A_361 = arith.constant 0 : i32
      %dma_start3A_362 = arith.constant 0 : i32
      %dma_start3A_363 = tpu.memref_slice %arg2[%dma_start3A_361, %dma_start3A_362] : memref<10000x128xf32, #tpu.memory_space<hbm>> -> memref<10000x128xf32, #tpu.memory_space<hbm>>
      tpu.enqueue_indirect_dma source(%dma_start3A_363 : memref<10000x128xf32, #tpu.memory_space<hbm>>) target(%dma_start3A_357 : memref<128x128xf32, #tpu.memory_space<vmem>>) offsets(%dma_start3A_360 : memref<128xi32, #tpu.memory_space<vmem>>) semaphore(%arg11 : memref<!tpu.dma_semaphore, #tpu.memory_space<semaphore_mem>>)
      %add3A_364 = arith.constant 1 : i32
      %add3A_365 = arith.addi %add3A_289, %add3A_364 : i32
      %dma_wait3A_366 = arith.constant 0 : i32
      %dma_wait3A_367 = arith.constant 1 : i32
      %dma_wait3A_368 = arith.constant 0 : i32
      %dma_wait3A_369 = arith.constant 0 : i32
      %dma_wait3A_370 = tpu.memref_slice %arg9[%dma_wait3A_367, %dma_wait3A_368, %dma_wait3A_369] : memref<2x128x128xf32, #tpu.memory_space<vmem>> -> memref<1x128x128xf32, #tpu.memory_space<vmem>>
      %dma_wait3A_371 = tpu.memref_squeeze %dma_wait3A_370 : memref<1x128x128xf32, #tpu.memory_space<vmem>> -> memref<128x128xf32, #tpu.memory_space<vmem>>
      %dma_wait3A_372 = arith.constant 0 : i32
      %dma_wait3A_373 = tpu.memref_slice %arg7[%dma_wait3A_366, %dma_wait3A_372] : memref<80x128xi32, #tpu.memory_space<vmem>> -> memref<1x128xi32, #tpu.memory_space<vmem>>
      %dma_wait3A_374 = tpu.memref_squeeze %dma_wait3A_373 : memref<1x128xi32, #tpu.memory_space<vmem>> -> memref<128xi32, #tpu.memory_space<vmem>>
      %dma_wait3A_375 = arith.constant 0 : i32
      %dma_wait3A_376 = arith.constant 0 : i32
      %dma_wait3A_377 = tpu.memref_slice %arg2[%dma_wait3A_375, %dma_wait3A_376] : memref<10000x128xf32, #tpu.memory_space<hbm>> -> memref<10000x128xf32, #tpu.memory_space<hbm>>
      tpu.wait_indirect_dma semaphore(%arg12 : memref<!tpu.dma_semaphore, #tpu.memory_space<semaphore_mem>>) src(%dma_wait3A_377 : memref<10000x128xf32, #tpu.memory_space<hbm>>) dst(%dma_wait3A_371 : memref<128x128xf32, #tpu.memory_space<vmem>>)
      %dma_wait3A_378 = arith.constant 0 : i32
      %dma_wait3A_379 = arith.constant 1 : i32
      %dma_wait3A_380 = arith.constant 0 : i32
      %dma_wait3A_381 = tpu.memref_slice %arg8[%dma_wait3A_379, %dma_wait3A_380] : memref<4x128xi32, #tpu.memory_space<vmem>> -> memref<1x128xi32, #tpu.memory_space<vmem>>
      %dma_wait3A_382 = tpu.memref_squeeze %dma_wait3A_381 : memref<1x128xi32, #tpu.memory_space<vmem>> -> memref<128xi32, #tpu.memory_space<vmem>>
      %dma_wait3A_383 = arith.constant 0 : i32
      %dma_wait3A_384 = arith.constant 0 : i32
      %dma_wait3A_385 = tpu.memref_slice %arg4[%add3A, %dma_wait3A_383, %dma_wait3A_384] : memref<32x80x128xi32, #tpu.memory_space<hbm>> -> memref<1x80x128xi32, #tpu.memory_space<hbm>>
      %dma_wait3A_386 = tpu.memref_squeeze %dma_wait3A_385 : memref<1x80x128xi32, #tpu.memory_space<hbm>> -> memref<80x128xi32, #tpu.memory_space<hbm>>
      %dma_wait3A_387 = arith.constant 0 : i32
      %dma_wait3A_388 = tpu.memref_slice %dma_wait3A_386[%dma_wait3A_378, %dma_wait3A_387] : memref<80x128xi32, #tpu.memory_space<hbm>> -> memref<1x128xi32, #tpu.memory_space<hbm>>
      %dma_wait3A_389 = tpu.memref_squeeze %dma_wait3A_388 : memref<1x128xi32, #tpu.memory_space<hbm>> -> memref<128xi32, #tpu.memory_space<hbm>>
      %dma_wait3A_390 = arith.constant 0 : i32
      %dma_wait3A_391 = tpu.memref_slice %arg8[%dma_wait3A_379, %dma_wait3A_390] : memref<4x128xi32, #tpu.memory_space<vmem>> -> memref<1x128xi32, #tpu.memory_space<vmem>>
      %dma_wait3A_392 = tpu.memref_squeeze %dma_wait3A_391 : memref<1x128xi32, #tpu.memory_space<vmem>> -> memref<128xi32, #tpu.memory_space<vmem>>
      %dma_wait3A_393 = arith.constant 0 : i32
      %dma_wait3A_394 = arith.constant 0 : i32
      %dma_wait3A_395 = tpu.memref_slice %arg4[%add3A, %dma_wait3A_393, %dma_wait3A_394] : memref<32x80x128xi32, #tpu.memory_space<hbm>> -> memref<1x80x128xi32, #tpu.memory_space<hbm>>
      %dma_wait3A_396 = tpu.memref_squeeze %dma_wait3A_395 : memref<1x80x128xi32, #tpu.memory_space<hbm>> -> memref<80x128xi32, #tpu.memory_space<hbm>>
      %dma_wait3A_397 = arith.constant 0 : i32
      %dma_wait3A_398 = tpu.memref_slice %dma_wait3A_396[%dma_wait3A_378, %dma_wait3A_397] : memref<80x128xi32, #tpu.memory_space<hbm>> -> memref<1x128xi32, #tpu.memory_space<hbm>>
      %dma_wait3A_399 = tpu.memref_squeeze %dma_wait3A_398 : memref<1x128xi32, #tpu.memory_space<hbm>> -> memref<128xi32, #tpu.memory_space<hbm>>
      tpu.wait_dma2 semaphore(%arg14 : memref<!tpu.dma_semaphore, #tpu.memory_space<semaphore_mem>>) src(%dma_wait3A_399 : memref<128xi32, #tpu.memory_space<hbm>>) dst(%dma_wait3A_392 : memref<128xi32, #tpu.memory_space<vmem>>)
      %run_scoped3A_400 = arith.constant 1 : i32
      %run_scoped3A_401 = arith.constant 1 : i32
      "tpu.region"() ({
        %run_scoped3A_586 = tpu.sem_alloc : memref<!tpu.dma_semaphore, #tpu.memory_space<semaphore_mem>>
        %dma_start3A_587 = arith.constant 0 : i32
        %dma_start3A_588 = arith.constant 0 : i32
        %dma_start3A_589 = tpu.memref_slice %arg9[%run_scoped3A_400, %dma_start3A_587, %dma_start3A_588] : memref<2x128x128xf32, #tpu.memory_space<vmem>> -> memref<1x128x128xf32, #tpu.memory_space<vmem>>
        %dma_start3A_590 = tpu.memref_squeeze %dma_start3A_589 : memref<1x128x128xf32, #tpu.memory_space<vmem>> -> memref<128x128xf32, #tpu.memory_space<vmem>>
        %dma_start3A_591 = arith.constant 0 : i32
        %dma_start3A_592 = tpu.memref_slice %arg8[%run_scoped3A_401, %dma_start3A_591] : memref<4x128xi32, #tpu.memory_space<vmem>> -> memref<1x128xi32, #tpu.memory_space<vmem>>
        %dma_start3A_593 = tpu.memref_squeeze %dma_start3A_592 : memref<1x128xi32, #tpu.memory_space<vmem>> -> memref<128xi32, #tpu.memory_space<vmem>>
        %dma_start3A_594 = arith.constant 0 : i32
        %dma_start3A_595 = arith.constant 0 : i32
        %dma_start3A_596 = tpu.memref_slice %arg10[%dma_start3A_594, %dma_start3A_595] : memref<10240x128xf32, #tpu.memory_space<vmem_shared>> -> memref<10240x128xf32, #tpu.memory_space<vmem_shared>>
        tpu.enqueue_indirect_dma source(%dma_start3A_590 : memref<128x128xf32, #tpu.memory_space<vmem>>) target(%dma_start3A_596 : memref<10240x128xf32, #tpu.memory_space<vmem_shared>>) offsets(%dma_start3A_593 : memref<128xi32, #tpu.memory_space<vmem>>) semaphore(%run_scoped3A_586 : memref<!tpu.dma_semaphore, #tpu.memory_space<semaphore_mem>>) {add = true}
        %dma_wait3A_597 = arith.constant 0 : i32
        %dma_wait3A_598 = arith.constant 0 : i32
        %dma_wait3A_599 = tpu.memref_slice %arg9[%run_scoped3A_400, %dma_wait3A_597, %dma_wait3A_598] : memref<2x128x128xf32, #tpu.memory_space<vmem>> -> memref<1x128x128xf32, #tpu.memory_space<vmem>>
        %dma_wait3A_600 = tpu.memref_squeeze %dma_wait3A_599 : memref<1x128x128xf32, #tpu.memory_space<vmem>> -> memref<128x128xf32, #tpu.memory_space<vmem>>
        %dma_wait3A_601 = arith.constant 0 : i32
        %dma_wait3A_602 = tpu.memref_slice %arg8[%run_scoped3A_401, %dma_wait3A_601] : memref<4x128xi32, #tpu.memory_space<vmem>> -> memref<1x128xi32, #tpu.memory_space<vmem>>
        %dma_wait3A_603 = tpu.memref_squeeze %dma_wait3A_602 : memref<1x128xi32, #tpu.memory_space<vmem>> -> memref<128xi32, #tpu.memory_space<vmem>>
        %dma_wait3A_604 = arith.constant 0 : i32
        %dma_wait3A_605 = arith.constant 0 : i32
        %dma_wait3A_606 = tpu.memref_slice %arg10[%dma_wait3A_604, %dma_wait3A_605] : memref<10240x128xf32, #tpu.memory_space<vmem_shared>> -> memref<10240x128xf32, #tpu.memory_space<vmem_shared>>
        tpu.wait_indirect_dma semaphore(%run_scoped3A_586 : memref<!tpu.dma_semaphore, #tpu.memory_space<semaphore_mem>>) src(%dma_wait3A_600 : memref<128x128xf32, #tpu.memory_space<vmem>>) dst(%dma_wait3A_606 : memref<10240x128xf32, #tpu.memory_space<vmem_shared>>)
        tpu.yield
      }) : () -> ()
      %add3A_402 = arith.constant 4 : i32
      %add3A_403 = arith.addi %add3A_365, %add3A_402 : i32
      %dma_start3A_404 = arith.constant 1 : i32
      %dma_start3A_405 = arith.constant 0 : i32
      %dma_start3A_406 = tpu.memref_slice %arg8[%dma_start3A_404, %dma_start3A_405] : memref<4x128xi32, #tpu.memory_space<vmem>> -> memref<1x128xi32, #tpu.memory_space<vmem>>
      %dma_start3A_407 = tpu.memref_squeeze %dma_start3A_406 : memref<1x128xi32, #tpu.memory_space<vmem>> -> memref<128xi32, #tpu.memory_space<vmem>>
      %dma_start3A_408 = arith.constant 0 : i32
      %dma_start3A_409 = arith.constant 0 : i32
      %dma_start3A_410 = tpu.memref_slice %arg4[%add3A, %dma_start3A_408, %dma_start3A_409] : memref<32x80x128xi32, #tpu.memory_space<hbm>> -> memref<1x80x128xi32, #tpu.memory_space<hbm>>
      %dma_start3A_411 = tpu.memref_squeeze %dma_start3A_410 : memref<1x80x128xi32, #tpu.memory_space<hbm>> -> memref<80x128xi32, #tpu.memory_space<hbm>>
      %dma_start3A_412 = arith.constant 0 : i32
      %dma_start3A_413 = tpu.memref_slice %dma_start3A_411[%add3A_403, %dma_start3A_412] : memref<80x128xi32, #tpu.memory_space<hbm>> -> memref<1x128xi32, #tpu.memory_space<hbm>>
      %dma_start3A_414 = tpu.memref_squeeze %dma_start3A_413 : memref<1x128xi32, #tpu.memory_space<hbm>> -> memref<128xi32, #tpu.memory_space<hbm>>
      %dma_start3A_415 = arith.constant 0 : i32
      %dma_start3A_416 = tpu.memref_slice %arg8[%dma_start3A_404, %dma_start3A_415] : memref<4x128xi32, #tpu.memory_space<vmem>> -> memref<1x128xi32, #tpu.memory_space<vmem>>
      %dma_start3A_417 = tpu.memref_squeeze %dma_start3A_416 : memref<1x128xi32, #tpu.memory_space<vmem>> -> memref<128xi32, #tpu.memory_space<vmem>>
      %dma_start3A_418 = arith.constant 0 : i32
      %dma_start3A_419 = arith.constant 0 : i32
      %dma_start3A_420 = tpu.memref_slice %arg4[%add3A, %dma_start3A_418, %dma_start3A_419] : memref<32x80x128xi32, #tpu.memory_space<hbm>> -> memref<1x80x128xi32, #tpu.memory_space<hbm>>
      %dma_start3A_421 = tpu.memref_squeeze %dma_start3A_420 : memref<1x80x128xi32, #tpu.memory_space<hbm>> -> memref<80x128xi32, #tpu.memory_space<hbm>>
      %dma_start3A_422 = arith.constant 0 : i32
      %dma_start3A_423 = tpu.memref_slice %dma_start3A_421[%add3A_403, %dma_start3A_422] : memref<80x128xi32, #tpu.memory_space<hbm>> -> memref<1x128xi32, #tpu.memory_space<hbm>>
      %dma_start3A_424 = tpu.memref_squeeze %dma_start3A_423 : memref<1x128xi32, #tpu.memory_space<hbm>> -> memref<128xi32, #tpu.memory_space<hbm>>
      tpu.enqueue_dma source(%dma_start3A_424 : memref<128xi32, #tpu.memory_space<hbm>>) target(%dma_start3A_417 : memref<128xi32, #tpu.memory_space<vmem>>) target_semaphore(%arg14 : memref<!tpu.dma_semaphore, #tpu.memory_space<semaphore_mem>>)
      %add3A_425 = arith.constant 2 : i32
      %add3A_426 = arith.addi %add3A_365, %add3A_425 : i32
      %dma_start3A_427 = arith.constant 1 : i32
      %dma_start3A_428 = arith.constant 0 : i32
      %dma_start3A_429 = arith.constant 0 : i32
      %dma_start3A_430 = tpu.memref_slice %arg9[%dma_start3A_427, %dma_start3A_428, %dma_start3A_429] : memref<2x128x128xf32, #tpu.memory_space<vmem>> -> memref<1x128x128xf32, #tpu.memory_space<vmem>>
      %dma_start3A_431 = tpu.memref_squeeze %dma_start3A_430 : memref<1x128x128xf32, #tpu.memory_space<vmem>> -> memref<128x128xf32, #tpu.memory_space<vmem>>
      %dma_start3A_432 = arith.constant 0 : i32
      %dma_start3A_433 = tpu.memref_slice %arg7[%add3A_426, %dma_start3A_432] : memref<80x128xi32, #tpu.memory_space<vmem>> -> memref<1x128xi32, #tpu.memory_space<vmem>>
      %dma_start3A_434 = tpu.memref_squeeze %dma_start3A_433 : memref<1x128xi32, #tpu.memory_space<vmem>> -> memref<128xi32, #tpu.memory_space<vmem>>
      %dma_start3A_435 = arith.constant 0 : i32
      %dma_start3A_436 = arith.constant 0 : i32
      %dma_start3A_437 = tpu.memref_slice %arg2[%dma_start3A_435, %dma_start3A_436] : memref<10000x128xf32, #tpu.memory_space<hbm>> -> memref<10000x128xf32, #tpu.memory_space<hbm>>
      tpu.enqueue_indirect_dma source(%dma_start3A_437 : memref<10000x128xf32, #tpu.memory_space<hbm>>) target(%dma_start3A_431 : memref<128x128xf32, #tpu.memory_space<vmem>>) offsets(%dma_start3A_434 : memref<128xi32, #tpu.memory_space<vmem>>) semaphore(%arg12 : memref<!tpu.dma_semaphore, #tpu.memory_space<semaphore_mem>>)
      %add3A_438 = arith.constant 2 : i32
      %add3A_439 = arith.addi %add3A_289, %add3A_438 : i32
      %dma_wait3A_440 = arith.constant 0 : i32
      %dma_wait3A_441 = arith.constant 0 : i32
      %dma_wait3A_442 = arith.constant 0 : i32
      %dma_wait3A_443 = arith.constant 0 : i32
      %dma_wait3A_444 = tpu.memref_slice %arg9[%dma_wait3A_441, %dma_wait3A_442, %dma_wait3A_443] : memref<2x128x128xf32, #tpu.memory_space<vmem>> -> memref<1x128x128xf32, #tpu.memory_space<vmem>>
      %dma_wait3A_445 = tpu.memref_squeeze %dma_wait3A_444 : memref<1x128x128xf32, #tpu.memory_space<vmem>> -> memref<128x128xf32, #tpu.memory_space<vmem>>
      %dma_wait3A_446 = arith.constant 0 : i32
      %dma_wait3A_447 = tpu.memref_slice %arg7[%dma_wait3A_440, %dma_wait3A_446] : memref<80x128xi32, #tpu.memory_space<vmem>> -> memref<1x128xi32, #tpu.memory_space<vmem>>
      %dma_wait3A_448 = tpu.memref_squeeze %dma_wait3A_447 : memref<1x128xi32, #tpu.memory_space<vmem>> -> memref<128xi32, #tpu.memory_space<vmem>>
      %dma_wait3A_449 = arith.constant 0 : i32
      %dma_wait3A_450 = arith.constant 0 : i32
      %dma_wait3A_451 = tpu.memref_slice %arg2[%dma_wait3A_449, %dma_wait3A_450] : memref<10000x128xf32, #tpu.memory_space<hbm>> -> memref<10000x128xf32, #tpu.memory_space<hbm>>
      tpu.wait_indirect_dma semaphore(%arg11 : memref<!tpu.dma_semaphore, #tpu.memory_space<semaphore_mem>>) src(%dma_wait3A_451 : memref<10000x128xf32, #tpu.memory_space<hbm>>) dst(%dma_wait3A_445 : memref<128x128xf32, #tpu.memory_space<vmem>>)
      %dma_wait3A_452 = arith.constant 0 : i32
      %dma_wait3A_453 = arith.constant 2 : i32
      %dma_wait3A_454 = arith.constant 0 : i32
      %dma_wait3A_455 = tpu.memref_slice %arg8[%dma_wait3A_453, %dma_wait3A_454] : memref<4x128xi32, #tpu.memory_space<vmem>> -> memref<1x128xi32, #tpu.memory_space<vmem>>
      %dma_wait3A_456 = tpu.memref_squeeze %dma_wait3A_455 : memref<1x128xi32, #tpu.memory_space<vmem>> -> memref<128xi32, #tpu.memory_space<vmem>>
      %dma_wait3A_457 = arith.constant 0 : i32
      %dma_wait3A_458 = arith.constant 0 : i32
      %dma_wait3A_459 = tpu.memref_slice %arg4[%add3A, %dma_wait3A_457, %dma_wait3A_458] : memref<32x80x128xi32, #tpu.memory_space<hbm>> -> memref<1x80x128xi32, #tpu.memory_space<hbm>>
      %dma_wait3A_460 = tpu.memref_squeeze %dma_wait3A_459 : memref<1x80x128xi32, #tpu.memory_space<hbm>> -> memref<80x128xi32, #tpu.memory_space<hbm>>
      %dma_wait3A_461 = arith.constant 0 : i32
      %dma_wait3A_462 = tpu.memref_slice %dma_wait3A_460[%dma_wait3A_452, %dma_wait3A_461] : memref<80x128xi32, #tpu.memory_space<hbm>> -> memref<1x128xi32, #tpu.memory_space<hbm>>
      %dma_wait3A_463 = tpu.memref_squeeze %dma_wait3A_462 : memref<1x128xi32, #tpu.memory_space<hbm>> -> memref<128xi32, #tpu.memory_space<hbm>>
      %dma_wait3A_464 = arith.constant 0 : i32
      %dma_wait3A_465 = tpu.memref_slice %arg8[%dma_wait3A_453, %dma_wait3A_464] : memref<4x128xi32, #tpu.memory_space<vmem>> -> memref<1x128xi32, #tpu.memory_space<vmem>>
      %dma_wait3A_466 = tpu.memref_squeeze %dma_wait3A_465 : memref<1x128xi32, #tpu.memory_space<vmem>> -> memref<128xi32, #tpu.memory_space<vmem>>
      %dma_wait3A_467 = arith.constant 0 : i32
      %dma_wait3A_468 = arith.constant 0 : i32
      %dma_wait3A_469 = tpu.memref_slice %arg4[%add3A, %dma_wait3A_467, %dma_wait3A_468] : memref<32x80x128xi32, #tpu.memory_space<hbm>> -> memref<1x80x128xi32, #tpu.memory_space<hbm>>
      %dma_wait3A_470 = tpu.memref_squeeze %dma_wait3A_469 : memref<1x80x128xi32, #tpu.memory_space<hbm>> -> memref<80x128xi32, #tpu.memory_space<hbm>>
      %dma_wait3A_471 = arith.constant 0 : i32
      %dma_wait3A_472 = tpu.memref_slice %dma_wait3A_470[%dma_wait3A_452, %dma_wait3A_471] : memref<80x128xi32, #tpu.memory_space<hbm>> -> memref<1x128xi32, #tpu.memory_space<hbm>>
      %dma_wait3A_473 = tpu.memref_squeeze %dma_wait3A_472 : memref<1x128xi32, #tpu.memory_space<hbm>> -> memref<128xi32, #tpu.memory_space<hbm>>
      tpu.wait_dma2 semaphore(%arg15 : memref<!tpu.dma_semaphore, #tpu.memory_space<semaphore_mem>>) src(%dma_wait3A_473 : memref<128xi32, #tpu.memory_space<hbm>>) dst(%dma_wait3A_466 : memref<128xi32, #tpu.memory_space<vmem>>)
      %run_scoped3A_474 = arith.constant 0 : i32
      %run_scoped3A_475 = arith.constant 2 : i32
      "tpu.region"() ({
        %run_scoped3A_586 = tpu.sem_alloc : memref<!tpu.dma_semaphore, #tpu.memory_space<semaphore_mem>>
        %dma_start3A_587 = arith.constant 0 : i32
        %dma_start3A_588 = arith.constant 0 : i32
        %dma_start3A_589 = tpu.memref_slice %arg9[%run_scoped3A_474, %dma_start3A_587, %dma_start3A_588] : memref<2x128x128xf32, #tpu.memory_space<vmem>> -> memref<1x128x128xf32, #tpu.memory_space<vmem>>
        %dma_start3A_590 = tpu.memref_squeeze %dma_start3A_589 : memref<1x128x128xf32, #tpu.memory_space<vmem>> -> memref<128x128xf32, #tpu.memory_space<vmem>>
        %dma_start3A_591 = arith.constant 0 : i32
        %dma_start3A_592 = tpu.memref_slice %arg8[%run_scoped3A_475, %dma_start3A_591] : memref<4x128xi32, #tpu.memory_space<vmem>> -> memref<1x128xi32, #tpu.memory_space<vmem>>
        %dma_start3A_593 = tpu.memref_squeeze %dma_start3A_592 : memref<1x128xi32, #tpu.memory_space<vmem>> -> memref<128xi32, #tpu.memory_space<vmem>>
        %dma_start3A_594 = arith.constant 0 : i32
        %dma_start3A_595 = arith.constant 0 : i32
        %dma_start3A_596 = tpu.memref_slice %arg10[%dma_start3A_594, %dma_start3A_595] : memref<10240x128xf32, #tpu.memory_space<vmem_shared>> -> memref<10240x128xf32, #tpu.memory_space<vmem_shared>>
        tpu.enqueue_indirect_dma source(%dma_start3A_590 : memref<128x128xf32, #tpu.memory_space<vmem>>) target(%dma_start3A_596 : memref<10240x128xf32, #tpu.memory_space<vmem_shared>>) offsets(%dma_start3A_593 : memref<128xi32, #tpu.memory_space<vmem>>) semaphore(%run_scoped3A_586 : memref<!tpu.dma_semaphore, #tpu.memory_space<semaphore_mem>>) {add = true}
        %dma_wait3A_597 = arith.constant 0 : i32
        %dma_wait3A_598 = arith.constant 0 : i32
        %dma_wait3A_599 = tpu.memref_slice %arg9[%run_scoped3A_474, %dma_wait3A_597, %dma_wait3A_598] : memref<2x128x128xf32, #tpu.memory_space<vmem>> -> memref<1x128x128xf32, #tpu.memory_space<vmem>>
        %dma_wait3A_600 = tpu.memref_squeeze %dma_wait3A_599 : memref<1x128x128xf32, #tpu.memory_space<vmem>> -> memref<128x128xf32, #tpu.memory_space<vmem>>
        %dma_wait3A_601 = arith.constant 0 : i32
        %dma_wait3A_602 = tpu.memref_slice %arg8[%run_scoped3A_475, %dma_wait3A_601] : memref<4x128xi32, #tpu.memory_space<vmem>> -> memref<1x128xi32, #tpu.memory_space<vmem>>
        %dma_wait3A_603 = tpu.memref_squeeze %dma_wait3A_602 : memref<1x128xi32, #tpu.memory_space<vmem>> -> memref<128xi32, #tpu.memory_space<vmem>>
        %dma_wait3A_604 = arith.constant 0 : i32
        %dma_wait3A_605 = arith.constant 0 : i32
        %dma_wait3A_606 = tpu.memref_slice %arg10[%dma_wait3A_604, %dma_wait3A_605] : memref<10240x128xf32, #tpu.memory_space<vmem_shared>> -> memref<10240x128xf32, #tpu.memory_space<vmem_shared>>
        tpu.wait_indirect_dma semaphore(%run_scoped3A_586 : memref<!tpu.dma_semaphore, #tpu.memory_space<semaphore_mem>>) src(%dma_wait3A_600 : memref<128x128xf32, #tpu.memory_space<vmem>>) dst(%dma_wait3A_606 : memref<10240x128xf32, #tpu.memory_space<vmem_shared>>)
        tpu.yield
      }) : () -> ()
      %add3A_476 = arith.constant 4 : i32
      %add3A_477 = arith.addi %add3A_439, %add3A_476 : i32
      %dma_start3A_478 = arith.constant 2 : i32
      %dma_start3A_479 = arith.constant 0 : i32
      %dma_start3A_480 = tpu.memref_slice %arg8[%dma_start3A_478, %dma_start3A_479] : memref<4x128xi32, #tpu.memory_space<vmem>> -> memref<1x128xi32, #tpu.memory_space<vmem>>
      %dma_start3A_481 = tpu.memref_squeeze %dma_start3A_480 : memref<1x128xi32, #tpu.memory_space<vmem>> -> memref<128xi32, #tpu.memory_space<vmem>>
      %dma_start3A_482 = arith.constant 0 : i32
      %dma_start3A_483 = arith.constant 0 : i32
      %dma_start3A_484 = tpu.memref_slice %arg4[%add3A, %dma_start3A_482, %dma_start3A_483] : memref<32x80x128xi32, #tpu.memory_space<hbm>> -> memref<1x80x128xi32, #tpu.memory_space<hbm>>
      %dma_start3A_485 = tpu.memref_squeeze %dma_start3A_484 : memref<1x80x128xi32, #tpu.memory_space<hbm>> -> memref<80x128xi32, #tpu.memory_space<hbm>>
      %dma_start3A_486 = arith.constant 0 : i32
      %dma_start3A_487 = tpu.memref_slice %dma_start3A_485[%add3A_477, %dma_start3A_486] : memref<80x128xi32, #tpu.memory_space<hbm>> -> memref<1x128xi32, #tpu.memory_space<hbm>>
      %dma_start3A_488 = tpu.memref_squeeze %dma_start3A_487 : memref<1x128xi32, #tpu.memory_space<hbm>> -> memref<128xi32, #tpu.memory_space<hbm>>
      %dma_start3A_489 = arith.constant 0 : i32
      %dma_start3A_490 = tpu.memref_slice %arg8[%dma_start3A_478, %dma_start3A_489] : memref<4x128xi32, #tpu.memory_space<vmem>> -> memref<1x128xi32, #tpu.memory_space<vmem>>
      %dma_start3A_491 = tpu.memref_squeeze %dma_start3A_490 : memref<1x128xi32, #tpu.memory_space<vmem>> -> memref<128xi32, #tpu.memory_space<vmem>>
      %dma_start3A_492 = arith.constant 0 : i32
      %dma_start3A_493 = arith.constant 0 : i32
      %dma_start3A_494 = tpu.memref_slice %arg4[%add3A, %dma_start3A_492, %dma_start3A_493] : memref<32x80x128xi32, #tpu.memory_space<hbm>> -> memref<1x80x128xi32, #tpu.memory_space<hbm>>
      %dma_start3A_495 = tpu.memref_squeeze %dma_start3A_494 : memref<1x80x128xi32, #tpu.memory_space<hbm>> -> memref<80x128xi32, #tpu.memory_space<hbm>>
      %dma_start3A_496 = arith.constant 0 : i32
      %dma_start3A_497 = tpu.memref_slice %dma_start3A_495[%add3A_477, %dma_start3A_496] : memref<80x128xi32, #tpu.memory_space<hbm>> -> memref<1x128xi32, #tpu.memory_space<hbm>>
      %dma_start3A_498 = tpu.memref_squeeze %dma_start3A_497 : memref<1x128xi32, #tpu.memory_space<hbm>> -> memref<128xi32, #tpu.memory_space<hbm>>
      tpu.enqueue_dma source(%dma_start3A_498 : memref<128xi32, #tpu.memory_space<hbm>>) target(%dma_start3A_491 : memref<128xi32, #tpu.memory_space<vmem>>) target_semaphore(%arg15 : memref<!tpu.dma_semaphore, #tpu.memory_space<semaphore_mem>>)
      %add3A_499 = arith.constant 2 : i32
      %add3A_500 = arith.addi %add3A_439, %add3A_499 : i32
      %dma_start3A_501 = arith.constant 0 : i32
      %dma_start3A_502 = arith.constant 0 : i32
      %dma_start3A_503 = arith.constant 0 : i32
      %dma_start3A_504 = tpu.memref_slice %arg9[%dma_start3A_501, %dma_start3A_502, %dma_start3A_503] : memref<2x128x128xf32, #tpu.memory_space<vmem>> -> memref<1x128x128xf32, #tpu.memory_space<vmem>>
      %dma_start3A_505 = tpu.memref_squeeze %dma_start3A_504 : memref<1x128x128xf32, #tpu.memory_space<vmem>> -> memref<128x128xf32, #tpu.memory_space<vmem>>
      %dma_start3A_506 = arith.constant 0 : i32
      %dma_start3A_507 = tpu.memref_slice %arg7[%add3A_500, %dma_start3A_506] : memref<80x128xi32, #tpu.memory_space<vmem>> -> memref<1x128xi32, #tpu.memory_space<vmem>>
      %dma_start3A_508 = tpu.memref_squeeze %dma_start3A_507 : memref<1x128xi32, #tpu.memory_space<vmem>> -> memref<128xi32, #tpu.memory_space<vmem>>
      %dma_start3A_509 = arith.constant 0 : i32
      %dma_start3A_510 = arith.constant 0 : i32
      %dma_start3A_511 = tpu.memref_slice %arg2[%dma_start3A_509, %dma_start3A_510] : memref<10000x128xf32, #tpu.memory_space<hbm>> -> memref<10000x128xf32, #tpu.memory_space<hbm>>
      tpu.enqueue_indirect_dma source(%dma_start3A_511 : memref<10000x128xf32, #tpu.memory_space<hbm>>) target(%dma_start3A_505 : memref<128x128xf32, #tpu.memory_space<vmem>>) offsets(%dma_start3A_508 : memref<128xi32, #tpu.memory_space<vmem>>) semaphore(%arg11 : memref<!tpu.dma_semaphore, #tpu.memory_space<semaphore_mem>>)
      %add3A_512 = arith.constant 3 : i32
      %add3A_513 = arith.addi %add3A_289, %add3A_512 : i32
      %dma_wait3A_514 = arith.constant 0 : i32
      %dma_wait3A_515 = arith.constant 1 : i32
      %dma_wait3A_516 = arith.constant 0 : i32
      %dma_wait3A_517 = arith.constant 0 : i32
      %dma_wait3A_518 = tpu.memref_slice %arg9[%dma_wait3A_515, %dma_wait3A_516, %dma_wait3A_517] : memref<2x128x128xf32, #tpu.memory_space<vmem>> -> memref<1x128x128xf32, #tpu.memory_space<vmem>>
      %dma_wait3A_519 = tpu.memref_squeeze %dma_wait3A_518 : memref<1x128x128xf32, #tpu.memory_space<vmem>> -> memref<128x128xf32, #tpu.memory_space<vmem>>
      %dma_wait3A_520 = arith.constant 0 : i32
      %dma_wait3A_521 = tpu.memref_slice %arg7[%dma_wait3A_514, %dma_wait3A_520] : memref<80x128xi32, #tpu.memory_space<vmem>> -> memref<1x128xi32, #tpu.memory_space<vmem>>
      %dma_wait3A_522 = tpu.memref_squeeze %dma_wait3A_521 : memref<1x128xi32, #tpu.memory_space<vmem>> -> memref<128xi32, #tpu.memory_space<vmem>>
      %dma_wait3A_523 = arith.constant 0 : i32
      %dma_wait3A_524 = arith.constant 0 : i32
      %dma_wait3A_525 = tpu.memref_slice %arg2[%dma_wait3A_523, %dma_wait3A_524] : memref<10000x128xf32, #tpu.memory_space<hbm>> -> memref<10000x128xf32, #tpu.memory_space<hbm>>
      tpu.wait_indirect_dma semaphore(%arg12 : memref<!tpu.dma_semaphore, #tpu.memory_space<semaphore_mem>>) src(%dma_wait3A_525 : memref<10000x128xf32, #tpu.memory_space<hbm>>) dst(%dma_wait3A_519 : memref<128x128xf32, #tpu.memory_space<vmem>>)
      %dma_wait3A_526 = arith.constant 0 : i32
      %dma_wait3A_527 = arith.constant 3 : i32
      %dma_wait3A_528 = arith.constant 0 : i32
      %dma_wait3A_529 = tpu.memref_slice %arg8[%dma_wait3A_527, %dma_wait3A_528] : memref<4x128xi32, #tpu.memory_space<vmem>> -> memref<1x128xi32, #tpu.memory_space<vmem>>
      %dma_wait3A_530 = tpu.memref_squeeze %dma_wait3A_529 : memref<1x128xi32, #tpu.memory_space<vmem>> -> memref<128xi32, #tpu.memory_space<vmem>>
      %dma_wait3A_531 = arith.constant 0 : i32
      %dma_wait3A_532 = arith.constant 0 : i32
      %dma_wait3A_533 = tpu.memref_slice %arg4[%add3A, %dma_wait3A_531, %dma_wait3A_532] : memref<32x80x128xi32, #tpu.memory_space<hbm>> -> memref<1x80x128xi32, #tpu.memory_space<hbm>>
      %dma_wait3A_534 = tpu.memref_squeeze %dma_wait3A_533 : memref<1x80x128xi32, #tpu.memory_space<hbm>> -> memref<80x128xi32, #tpu.memory_space<hbm>>
      %dma_wait3A_535 = arith.constant 0 : i32
      %dma_wait3A_536 = tpu.memref_slice %dma_wait3A_534[%dma_wait3A_526, %dma_wait3A_535] : memref<80x128xi32, #tpu.memory_space<hbm>> -> memref<1x128xi32, #tpu.memory_space<hbm>>
      %dma_wait3A_537 = tpu.memref_squeeze %dma_wait3A_536 : memref<1x128xi32, #tpu.memory_space<hbm>> -> memref<128xi32, #tpu.memory_space<hbm>>
      %dma_wait3A_538 = arith.constant 0 : i32
      %dma_wait3A_539 = tpu.memref_slice %arg8[%dma_wait3A_527, %dma_wait3A_538] : memref<4x128xi32, #tpu.memory_space<vmem>> -> memref<1x128xi32, #tpu.memory_space<vmem>>
      %dma_wait3A_540 = tpu.memref_squeeze %dma_wait3A_539 : memref<1x128xi32, #tpu.memory_space<vmem>> -> memref<128xi32, #tpu.memory_space<vmem>>
      %dma_wait3A_541 = arith.constant 0 : i32
      %dma_wait3A_542 = arith.constant 0 : i32
      %dma_wait3A_543 = tpu.memref_slice %arg4[%add3A, %dma_wait3A_541, %dma_wait3A_542] : memref<32x80x128xi32, #tpu.memory_space<hbm>> -> memref<1x80x128xi32, #tpu.memory_space<hbm>>
      %dma_wait3A_544 = tpu.memref_squeeze %dma_wait3A_543 : memref<1x80x128xi32, #tpu.memory_space<hbm>> -> memref<80x128xi32, #tpu.memory_space<hbm>>
      %dma_wait3A_545 = arith.constant 0 : i32
      %dma_wait3A_546 = tpu.memref_slice %dma_wait3A_544[%dma_wait3A_526, %dma_wait3A_545] : memref<80x128xi32, #tpu.memory_space<hbm>> -> memref<1x128xi32, #tpu.memory_space<hbm>>
      %dma_wait3A_547 = tpu.memref_squeeze %dma_wait3A_546 : memref<1x128xi32, #tpu.memory_space<hbm>> -> memref<128xi32, #tpu.memory_space<hbm>>
      tpu.wait_dma2 semaphore(%arg16 : memref<!tpu.dma_semaphore, #tpu.memory_space<semaphore_mem>>) src(%dma_wait3A_547 : memref<128xi32, #tpu.memory_space<hbm>>) dst(%dma_wait3A_540 : memref<128xi32, #tpu.memory_space<vmem>>)
      %run_scoped3A_548 = arith.constant 1 : i32
      %run_scoped3A_549 = arith.constant 3 : i32
      "tpu.region"() ({
        %run_scoped3A_586 = tpu.sem_alloc : memref<!tpu.dma_semaphore, #tpu.memory_space<semaphore_mem>>
        %dma_start3A_587 = arith.constant 0 : i32
        %dma_start3A_588 = arith.constant 0 : i32
        %dma_start3A_589 = tpu.memref_slice %arg9[%run_scoped3A_548, %dma_start3A_587, %dma_start3A_588] : memref<2x128x128xf32, #tpu.memory_space<vmem>> -> memref<1x128x128xf32, #tpu.memory_space<vmem>>
        %dma_start3A_590 = tpu.memref_squeeze %dma_start3A_589 : memref<1x128x128xf32, #tpu.memory_space<vmem>> -> memref<128x128xf32, #tpu.memory_space<vmem>>
        %dma_start3A_591 = arith.constant 0 : i32
        %dma_start3A_592 = tpu.memref_slice %arg8[%run_scoped3A_549, %dma_start3A_591] : memref<4x128xi32, #tpu.memory_space<vmem>> -> memref<1x128xi32, #tpu.memory_space<vmem>>
        %dma_start3A_593 = tpu.memref_squeeze %dma_start3A_592 : memref<1x128xi32, #tpu.memory_space<vmem>> -> memref<128xi32, #tpu.memory_space<vmem>>
        %dma_start3A_594 = arith.constant 0 : i32
        %dma_start3A_595 = arith.constant 0 : i32
        %dma_start3A_596 = tpu.memref_slice %arg10[%dma_start3A_594, %dma_start3A_595] : memref<10240x128xf32, #tpu.memory_space<vmem_shared>> -> memref<10240x128xf32, #tpu.memory_space<vmem_shared>>
        tpu.enqueue_indirect_dma source(%dma_start3A_590 : memref<128x128xf32, #tpu.memory_space<vmem>>) target(%dma_start3A_596 : memref<10240x128xf32, #tpu.memory_space<vmem_shared>>) offsets(%dma_start3A_593 : memref<128xi32, #tpu.memory_space<vmem>>) semaphore(%run_scoped3A_586 : memref<!tpu.dma_semaphore, #tpu.memory_space<semaphore_mem>>) {add = true}
        %dma_wait3A_597 = arith.constant 0 : i32
        %dma_wait3A_598 = arith.constant 0 : i32
        %dma_wait3A_599 = tpu.memref_slice %arg9[%run_scoped3A_548, %dma_wait3A_597, %dma_wait3A_598] : memref<2x128x128xf32, #tpu.memory_space<vmem>> -> memref<1x128x128xf32, #tpu.memory_space<vmem>>
        %dma_wait3A_600 = tpu.memref_squeeze %dma_wait3A_599 : memref<1x128x128xf32, #tpu.memory_space<vmem>> -> memref<128x128xf32, #tpu.memory_space<vmem>>
        %dma_wait3A_601 = arith.constant 0 : i32
        %dma_wait3A_602 = tpu.memref_slice %arg8[%run_scoped3A_549, %dma_wait3A_601] : memref<4x128xi32, #tpu.memory_space<vmem>> -> memref<1x128xi32, #tpu.memory_space<vmem>>
        %dma_wait3A_603 = tpu.memref_squeeze %dma_wait3A_602 : memref<1x128xi32, #tpu.memory_space<vmem>> -> memref<128xi32, #tpu.memory_space<vmem>>
        %dma_wait3A_604 = arith.constant 0 : i32
        %dma_wait3A_605 = arith.constant 0 : i32
        %dma_wait3A_606 = tpu.memref_slice %arg10[%dma_wait3A_604, %dma_wait3A_605] : memref<10240x128xf32, #tpu.memory_space<vmem_shared>> -> memref<10240x128xf32, #tpu.memory_space<vmem_shared>>
        tpu.wait_indirect_dma semaphore(%run_scoped3A_586 : memref<!tpu.dma_semaphore, #tpu.memory_space<semaphore_mem>>) src(%dma_wait3A_600 : memref<128x128xf32, #tpu.memory_space<vmem>>) dst(%dma_wait3A_606 : memref<10240x128xf32, #tpu.memory_space<vmem_shared>>)
        tpu.yield
      }) : () -> ()
      %add3A_550 = arith.constant 4 : i32
      %add3A_551 = arith.addi %add3A_513, %add3A_550 : i32
      %dma_start3A_552 = arith.constant 3 : i32
      %dma_start3A_553 = arith.constant 0 : i32
      %dma_start3A_554 = tpu.memref_slice %arg8[%dma_start3A_552, %dma_start3A_553] : memref<4x128xi32, #tpu.memory_space<vmem>> -> memref<1x128xi32, #tpu.memory_space<vmem>>
      %dma_start3A_555 = tpu.memref_squeeze %dma_start3A_554 : memref<1x128xi32, #tpu.memory_space<vmem>> -> memref<128xi32, #tpu.memory_space<vmem>>
      %dma_start3A_556 = arith.constant 0 : i32
      %dma_start3A_557 = arith.constant 0 : i32
      %dma_start3A_558 = tpu.memref_slice %arg4[%add3A, %dma_start3A_556, %dma_start3A_557] : memref<32x80x128xi32, #tpu.memory_space<hbm>> -> memref<1x80x128xi32, #tpu.memory_space<hbm>>
      %dma_start3A_559 = tpu.memref_squeeze %dma_start3A_558 : memref<1x80x128xi32, #tpu.memory_space<hbm>> -> memref<80x128xi32, #tpu.memory_space<hbm>>
      %dma_start3A_560 = arith.constant 0 : i32
      %dma_start3A_561 = tpu.memref_slice %dma_start3A_559[%add3A_551, %dma_start3A_560] : memref<80x128xi32, #tpu.memory_space<hbm>> -> memref<1x128xi32, #tpu.memory_space<hbm>>
      %dma_start3A_562 = tpu.memref_squeeze %dma_start3A_561 : memref<1x128xi32, #tpu.memory_space<hbm>> -> memref<128xi32, #tpu.memory_space<hbm>>
      %dma_start3A_563 = arith.constant 0 : i32
      %dma_start3A_564 = tpu.memref_slice %arg8[%dma_start3A_552, %dma_start3A_563] : memref<4x128xi32, #tpu.memory_space<vmem>> -> memref<1x128xi32, #tpu.memory_space<vmem>>
      %dma_start3A_565 = tpu.memref_squeeze %dma_start3A_564 : memref<1x128xi32, #tpu.memory_space<vmem>> -> memref<128xi32, #tpu.memory_space<vmem>>
      %dma_start3A_566 = arith.constant 0 : i32
      %dma_start3A_567 = arith.constant 0 : i32
      %dma_start3A_568 = tpu.memref_slice %arg4[%add3A, %dma_start3A_566, %dma_start3A_567] : memref<32x80x128xi32, #tpu.memory_space<hbm>> -> memref<1x80x128xi32, #tpu.memory_space<hbm>>
      %dma_start3A_569 = tpu.memref_squeeze %dma_start3A_568 : memref<1x80x128xi32, #tpu.memory_space<hbm>> -> memref<80x128xi32, #tpu.memory_space<hbm>>
      %dma_start3A_570 = arith.constant 0 : i32
      %dma_start3A_571 = tpu.memref_slice %dma_start3A_569[%add3A_551, %dma_start3A_570] : memref<80x128xi32, #tpu.memory_space<hbm>> -> memref<1x128xi32, #tpu.memory_space<hbm>>
      %dma_start3A_572 = tpu.memref_squeeze %dma_start3A_571 : memref<1x128xi32, #tpu.memory_space<hbm>> -> memref<128xi32, #tpu.memory_space<hbm>>
      tpu.enqueue_dma source(%dma_start3A_572 : memref<128xi32, #tpu.memory_space<hbm>>) target(%dma_start3A_565 : memref<128xi32, #tpu.memory_space<vmem>>) target_semaphore(%arg16 : memref<!tpu.dma_semaphore, #tpu.memory_space<semaphore_mem>>)
      %add3A_573 = arith.constant 2 : i32
      %add3A_574 = arith.addi %add3A_513, %add3A_573 : i32
      %dma_start3A_575 = arith.constant 1 : i32
      %dma_start3A_576 = arith.constant 0 : i32
      %dma_start3A_577 = arith.constant 0 : i32
      %dma_start3A_578 = tpu.memref_slice %arg9[%dma_start3A_575, %dma_start3A_576, %dma_start3A_577] : memref<2x128x128xf32, #tpu.memory_space<vmem>> -> memref<1x128x128xf32, #tpu.memory_space<vmem>>
      %dma_start3A_579 = tpu.memref_squeeze %dma_start3A_578 : memref<1x128x128xf32, #tpu.memory_space<vmem>> -> memref<128x128xf32, #tpu.memory_space<vmem>>
      %dma_start3A_580 = arith.constant 0 : i32
      %dma_start3A_581 = tpu.memref_slice %arg7[%add3A_574, %dma_start3A_580] : memref<80x128xi32, #tpu.memory_space<vmem>> -> memref<1x128xi32, #tpu.memory_space<vmem>>
      %dma_start3A_582 = tpu.memref_squeeze %dma_start3A_581 : memref<1x128xi32, #tpu.memory_space<vmem>> -> memref<128xi32, #tpu.memory_space<vmem>>
      %dma_start3A_583 = arith.constant 0 : i32
      %dma_start3A_584 = arith.constant 0 : i32
      %dma_start3A_585 = tpu.memref_slice %arg2[%dma_start3A_583, %dma_start3A_584] : memref<10000x128xf32, #tpu.memory_space<hbm>> -> memref<10000x128xf32, #tpu.memory_space<hbm>>
      tpu.enqueue_indirect_dma source(%dma_start3A_585 : memref<10000x128xf32, #tpu.memory_space<hbm>>) target(%dma_start3A_579 : memref<128x128xf32, #tpu.memory_space<vmem>>) offsets(%dma_start3A_582 : memref<128xi32, #tpu.memory_space<vmem>>) semaphore(%arg12 : memref<!tpu.dma_semaphore, #tpu.memory_space<semaphore_mem>>)
    }
    %scan3A_117 = arith.constant 19 : i32
    %dma_wait3A = arith.constant 0 : i32
    %dma_wait3A_118 = arith.constant 0 : i32
    %dma_wait3A_119 = arith.constant 0 : i32
    %dma_wait3A_120 = arith.constant 0 : i32
    %dma_wait3A_121 = tpu.memref_slice %arg9[%dma_wait3A_118, %dma_wait3A_119, %dma_wait3A_120] : memref<2x128x128xf32, #tpu.memory_space<vmem>> -> memref<1x128x128xf32, #tpu.memory_space<vmem>>
    %dma_wait3A_122 = tpu.memref_squeeze %dma_wait3A_121 : memref<1x128x128xf32, #tpu.memory_space<vmem>> -> memref<128x128xf32, #tpu.memory_space<vmem>>
    %dma_wait3A_123 = arith.constant 0 : i32
    %dma_wait3A_124 = tpu.memref_slice %arg7[%dma_wait3A, %dma_wait3A_123] : memref<80x128xi32, #tpu.memory_space<vmem>> -> memref<1x128xi32, #tpu.memory_space<vmem>>
    %dma_wait3A_125 = tpu.memref_squeeze %dma_wait3A_124 : memref<1x128xi32, #tpu.memory_space<vmem>> -> memref<128xi32, #tpu.memory_space<vmem>>
    %dma_wait3A_126 = arith.constant 0 : i32
    %dma_wait3A_127 = arith.constant 0 : i32
    %dma_wait3A_128 = tpu.memref_slice %arg2[%dma_wait3A_126, %dma_wait3A_127] : memref<10000x128xf32, #tpu.memory_space<hbm>> -> memref<10000x128xf32, #tpu.memory_space<hbm>>
    tpu.wait_indirect_dma semaphore(%arg11 : memref<!tpu.dma_semaphore, #tpu.memory_space<semaphore_mem>>) src(%dma_wait3A_128 : memref<10000x128xf32, #tpu.memory_space<hbm>>) dst(%dma_wait3A_122 : memref<128x128xf32, #tpu.memory_space<vmem>>)
    %dma_wait3A_129 = arith.constant 0 : i32
    %dma_wait3A_130 = arith.constant 0 : i32
    %dma_wait3A_131 = arith.constant 0 : i32
    %dma_wait3A_132 = tpu.memref_slice %arg8[%dma_wait3A_130, %dma_wait3A_131] : memref<4x128xi32, #tpu.memory_space<vmem>> -> memref<1x128xi32, #tpu.memory_space<vmem>>
    %dma_wait3A_133 = tpu.memref_squeeze %dma_wait3A_132 : memref<1x128xi32, #tpu.memory_space<vmem>> -> memref<128xi32, #tpu.memory_space<vmem>>
    %dma_wait3A_134 = arith.constant 0 : i32
    %dma_wait3A_135 = arith.constant 0 : i32
    %dma_wait3A_136 = tpu.memref_slice %arg4[%add3A, %dma_wait3A_134, %dma_wait3A_135] : memref<32x80x128xi32, #tpu.memory_space<hbm>> -> memref<1x80x128xi32, #tpu.memory_space<hbm>>
    %dma_wait3A_137 = tpu.memref_squeeze %dma_wait3A_136 : memref<1x80x128xi32, #tpu.memory_space<hbm>> -> memref<80x128xi32, #tpu.memory_space<hbm>>
    %dma_wait3A_138 = arith.constant 0 : i32
    %dma_wait3A_139 = tpu.memref_slice %dma_wait3A_137[%dma_wait3A_129, %dma_wait3A_138] : memref<80x128xi32, #tpu.memory_space<hbm>> -> memref<1x128xi32, #tpu.memory_space<hbm>>
    %dma_wait3A_140 = tpu.memref_squeeze %dma_wait3A_139 : memref<1x128xi32, #tpu.memory_space<hbm>> -> memref<128xi32, #tpu.memory_space<hbm>>
    %dma_wait3A_141 = arith.constant 0 : i32
    %dma_wait3A_142 = tpu.memref_slice %arg8[%dma_wait3A_130, %dma_wait3A_141] : memref<4x128xi32, #tpu.memory_space<vmem>> -> memref<1x128xi32, #tpu.memory_space<vmem>>
    %dma_wait3A_143 = tpu.memref_squeeze %dma_wait3A_142 : memref<1x128xi32, #tpu.memory_space<vmem>> -> memref<128xi32, #tpu.memory_space<vmem>>
    %dma_wait3A_144 = arith.constant 0 : i32
    %dma_wait3A_145 = arith.constant 0 : i32
    %dma_wait3A_146 = tpu.memref_slice %arg4[%add3A, %dma_wait3A_144, %dma_wait3A_145] : memref<32x80x128xi32, #tpu.memory_space<hbm>> -> memref<1x80x128xi32, #tpu.memory_space<hbm>>
    %dma_wait3A_147 = tpu.memref_squeeze %dma_wait3A_146 : memref<1x80x128xi32, #tpu.memory_space<hbm>> -> memref<80x128xi32, #tpu.memory_space<hbm>>
    %dma_wait3A_148 = arith.constant 0 : i32
    %dma_wait3A_149 = tpu.memref_slice %dma_wait3A_147[%dma_wait3A_129, %dma_wait3A_148] : memref<80x128xi32, #tpu.memory_space<hbm>> -> memref<1x128xi32, #tpu.memory_space<hbm>>
    %dma_wait3A_150 = tpu.memref_squeeze %dma_wait3A_149 : memref<1x128xi32, #tpu.memory_space<hbm>> -> memref<128xi32, #tpu.memory_space<hbm>>
    tpu.wait_dma2 semaphore(%arg13 : memref<!tpu.dma_semaphore, #tpu.memory_space<semaphore_mem>>) src(%dma_wait3A_150 : memref<128xi32, #tpu.memory_space<hbm>>) dst(%dma_wait3A_143 : memref<128xi32, #tpu.memory_space<vmem>>)
    %run_scoped3A = arith.constant 0 : i32
    %run_scoped3A_151 = arith.constant 0 : i32
    "tpu.region"() ({
      %run_scoped3A_285 = tpu.sem_alloc : memref<!tpu.dma_semaphore, #tpu.memory_space<semaphore_mem>>
      %dma_start3A_286 = arith.constant 0 : i32
      %dma_start3A_287 = arith.constant 0 : i32
      %dma_start3A_288 = tpu.memref_slice %arg9[%run_scoped3A, %dma_start3A_286, %dma_start3A_287] : memref<2x128x128xf32, #tpu.memory_space<vmem>> -> memref<1x128x128xf32, #tpu.memory_space<vmem>>
      %dma_start3A_289 = tpu.memref_squeeze %dma_start3A_288 : memref<1x128x128xf32, #tpu.memory_space<vmem>> -> memref<128x128xf32, #tpu.memory_space<vmem>>
      %dma_start3A_290 = arith.constant 0 : i32
      %dma_start3A_291 = tpu.memref_slice %arg8[%run_scoped3A_151, %dma_start3A_290] : memref<4x128xi32, #tpu.memory_space<vmem>> -> memref<1x128xi32, #tpu.memory_space<vmem>>
      %dma_start3A_292 = tpu.memref_squeeze %dma_start3A_291 : memref<1x128xi32, #tpu.memory_space<vmem>> -> memref<128xi32, #tpu.memory_space<vmem>>
      %dma_start3A_293 = arith.constant 0 : i32
      %dma_start3A_294 = arith.constant 0 : i32
      %dma_start3A_295 = tpu.memref_slice %arg10[%dma_start3A_293, %dma_start3A_294] : memref<10240x128xf32, #tpu.memory_space<vmem_shared>> -> memref<10240x128xf32, #tpu.memory_space<vmem_shared>>
      tpu.enqueue_indirect_dma source(%dma_start3A_289 : memref<128x128xf32, #tpu.memory_space<vmem>>) target(%dma_start3A_295 : memref<10240x128xf32, #tpu.memory_space<vmem_shared>>) offsets(%dma_start3A_292 : memref<128xi32, #tpu.memory_space<vmem>>) semaphore(%run_scoped3A_285 : memref<!tpu.dma_semaphore, #tpu.memory_space<semaphore_mem>>) {add = true}
      %dma_wait3A_296 = arith.constant 0 : i32
      %dma_wait3A_297 = arith.constant 0 : i32
      %dma_wait3A_298 = tpu.memref_slice %arg9[%run_scoped3A, %dma_wait3A_296, %dma_wait3A_297] : memref<2x128x128xf32, #tpu.memory_space<vmem>> -> memref<1x128x128xf32, #tpu.memory_space<vmem>>
      %dma_wait3A_299 = tpu.memref_squeeze %dma_wait3A_298 : memref<1x128x128xf32, #tpu.memory_space<vmem>> -> memref<128x128xf32, #tpu.memory_space<vmem>>
      %dma_wait3A_300 = arith.constant 0 : i32
      %dma_wait3A_301 = tpu.memref_slice %arg8[%run_scoped3A_151, %dma_wait3A_300] : memref<4x128xi32, #tpu.memory_space<vmem>> -> memref<1x128xi32, #tpu.memory_space<vmem>>
      %dma_wait3A_302 = tpu.memref_squeeze %dma_wait3A_301 : memref<1x128xi32, #tpu.memory_space<vmem>> -> memref<128xi32, #tpu.memory_space<vmem>>
      %dma_wait3A_303 = arith.constant 0 : i32
      %dma_wait3A_304 = arith.constant 0 : i32
      %dma_wait3A_305 = tpu.memref_slice %arg10[%dma_wait3A_303, %dma_wait3A_304] : memref<10240x128xf32, #tpu.memory_space<vmem_shared>> -> memref<10240x128xf32, #tpu.memory_space<vmem_shared>>
      tpu.wait_indirect_dma semaphore(%run_scoped3A_285 : memref<!tpu.dma_semaphore, #tpu.memory_space<semaphore_mem>>) src(%dma_wait3A_299 : memref<128x128xf32, #tpu.memory_space<vmem>>) dst(%dma_wait3A_305 : memref<10240x128xf32, #tpu.memory_space<vmem_shared>>)
      tpu.yield
    }) : () -> ()
    %dma_start3A_152 = arith.constant 78 : i32
    %dma_start3A_153 = arith.constant 0 : i32
    %dma_start3A_154 = arith.constant 0 : i32
    %dma_start3A_155 = arith.constant 0 : i32
    %dma_start3A_156 = tpu.memref_slice %arg9[%dma_start3A_153, %dma_start3A_154, %dma_start3A_155] : memref<2x128x128xf32, #tpu.memory_space<vmem>> -> memref<1x128x128xf32, #tpu.memory_space<vmem>>
    %dma_start3A_157 = tpu.memref_squeeze %dma_start3A_156 : memref<1x128x128xf32, #tpu.memory_space<vmem>> -> memref<128x128xf32, #tpu.memory_space<vmem>>
    %dma_start3A_158 = arith.constant 0 : i32
    %dma_start3A_159 = tpu.memref_slice %arg7[%dma_start3A_152, %dma_start3A_158] : memref<80x128xi32, #tpu.memory_space<vmem>> -> memref<1x128xi32, #tpu.memory_space<vmem>>
    %dma_start3A_160 = tpu.memref_squeeze %dma_start3A_159 : memref<1x128xi32, #tpu.memory_space<vmem>> -> memref<128xi32, #tpu.memory_space<vmem>>
    %dma_start3A_161 = arith.constant 0 : i32
    %dma_start3A_162 = arith.constant 0 : i32
    %dma_start3A_163 = tpu.memref_slice %arg2[%dma_start3A_161, %dma_start3A_162] : memref<10000x128xf32, #tpu.memory_space<hbm>> -> memref<10000x128xf32, #tpu.memory_space<hbm>>
    tpu.enqueue_indirect_dma source(%dma_start3A_163 : memref<10000x128xf32, #tpu.memory_space<hbm>>) target(%dma_start3A_157 : memref<128x128xf32, #tpu.memory_space<vmem>>) offsets(%dma_start3A_160 : memref<128xi32, #tpu.memory_space<vmem>>) semaphore(%arg11 : memref<!tpu.dma_semaphore, #tpu.memory_space<semaphore_mem>>)
    %dma_wait3A_164 = arith.constant 0 : i32
    %dma_wait3A_165 = arith.constant 1 : i32
    %dma_wait3A_166 = arith.constant 0 : i32
    %dma_wait3A_167 = arith.constant 0 : i32
    %dma_wait3A_168 = tpu.memref_slice %arg9[%dma_wait3A_165, %dma_wait3A_166, %dma_wait3A_167] : memref<2x128x128xf32, #tpu.memory_space<vmem>> -> memref<1x128x128xf32, #tpu.memory_space<vmem>>
    %dma_wait3A_169 = tpu.memref_squeeze %dma_wait3A_168 : memref<1x128x128xf32, #tpu.memory_space<vmem>> -> memref<128x128xf32, #tpu.memory_space<vmem>>
    %dma_wait3A_170 = arith.constant 0 : i32
    %dma_wait3A_171 = tpu.memref_slice %arg7[%dma_wait3A_164, %dma_wait3A_170] : memref<80x128xi32, #tpu.memory_space<vmem>> -> memref<1x128xi32, #tpu.memory_space<vmem>>
    %dma_wait3A_172 = tpu.memref_squeeze %dma_wait3A_171 : memref<1x128xi32, #tpu.memory_space<vmem>> -> memref<128xi32, #tpu.memory_space<vmem>>
    %dma_wait3A_173 = arith.constant 0 : i32
    %dma_wait3A_174 = arith.constant 0 : i32
    %dma_wait3A_175 = tpu.memref_slice %arg2[%dma_wait3A_173, %dma_wait3A_174] : memref<10000x128xf32, #tpu.memory_space<hbm>> -> memref<10000x128xf32, #tpu.memory_space<hbm>>
    tpu.wait_indirect_dma semaphore(%arg12 : memref<!tpu.dma_semaphore, #tpu.memory_space<semaphore_mem>>) src(%dma_wait3A_175 : memref<10000x128xf32, #tpu.memory_space<hbm>>) dst(%dma_wait3A_169 : memref<128x128xf32, #tpu.memory_space<vmem>>)
    %dma_wait3A_176 = arith.constant 0 : i32
    %dma_wait3A_177 = arith.constant 1 : i32
    %dma_wait3A_178 = arith.constant 0 : i32
    %dma_wait3A_179 = tpu.memref_slice %arg8[%dma_wait3A_177, %dma_wait3A_178] : memref<4x128xi32, #tpu.memory_space<vmem>> -> memref<1x128xi32, #tpu.memory_space<vmem>>
    %dma_wait3A_180 = tpu.memref_squeeze %dma_wait3A_179 : memref<1x128xi32, #tpu.memory_space<vmem>> -> memref<128xi32, #tpu.memory_space<vmem>>
    %dma_wait3A_181 = arith.constant 0 : i32
    %dma_wait3A_182 = arith.constant 0 : i32
    %dma_wait3A_183 = tpu.memref_slice %arg4[%add3A, %dma_wait3A_181, %dma_wait3A_182] : memref<32x80x128xi32, #tpu.memory_space<hbm>> -> memref<1x80x128xi32, #tpu.memory_space<hbm>>
    %dma_wait3A_184 = tpu.memref_squeeze %dma_wait3A_183 : memref<1x80x128xi32, #tpu.memory_space<hbm>> -> memref<80x128xi32, #tpu.memory_space<hbm>>
    %dma_wait3A_185 = arith.constant 0 : i32
    %dma_wait3A_186 = tpu.memref_slice %dma_wait3A_184[%dma_wait3A_176, %dma_wait3A_185] : memref<80x128xi32, #tpu.memory_space<hbm>> -> memref<1x128xi32, #tpu.memory_space<hbm>>
    %dma_wait3A_187 = tpu.memref_squeeze %dma_wait3A_186 : memref<1x128xi32, #tpu.memory_space<hbm>> -> memref<128xi32, #tpu.memory_space<hbm>>
    %dma_wait3A_188 = arith.constant 0 : i32
    %dma_wait3A_189 = tpu.memref_slice %arg8[%dma_wait3A_177, %dma_wait3A_188] : memref<4x128xi32, #tpu.memory_space<vmem>> -> memref<1x128xi32, #tpu.memory_space<vmem>>
    %dma_wait3A_190 = tpu.memref_squeeze %dma_wait3A_189 : memref<1x128xi32, #tpu.memory_space<vmem>> -> memref<128xi32, #tpu.memory_space<vmem>>
    %dma_wait3A_191 = arith.constant 0 : i32
    %dma_wait3A_192 = arith.constant 0 : i32
    %dma_wait3A_193 = tpu.memref_slice %arg4[%add3A, %dma_wait3A_191, %dma_wait3A_192] : memref<32x80x128xi32, #tpu.memory_space<hbm>> -> memref<1x80x128xi32, #tpu.memory_space<hbm>>
    %dma_wait3A_194 = tpu.memref_squeeze %dma_wait3A_193 : memref<1x80x128xi32, #tpu.memory_space<hbm>> -> memref<80x128xi32, #tpu.memory_space<hbm>>
    %dma_wait3A_195 = arith.constant 0 : i32
    %dma_wait3A_196 = tpu.memref_slice %dma_wait3A_194[%dma_wait3A_176, %dma_wait3A_195] : memref<80x128xi32, #tpu.memory_space<hbm>> -> memref<1x128xi32, #tpu.memory_space<hbm>>
    %dma_wait3A_197 = tpu.memref_squeeze %dma_wait3A_196 : memref<1x128xi32, #tpu.memory_space<hbm>> -> memref<128xi32, #tpu.memory_space<hbm>>
    tpu.wait_dma2 semaphore(%arg14 : memref<!tpu.dma_semaphore, #tpu.memory_space<semaphore_mem>>) src(%dma_wait3A_197 : memref<128xi32, #tpu.memory_space<hbm>>) dst(%dma_wait3A_190 : memref<128xi32, #tpu.memory_space<vmem>>)
    %run_scoped3A_198 = arith.constant 1 : i32
    %run_scoped3A_199 = arith.constant 1 : i32
    "tpu.region"() ({
      %run_scoped3A_285 = tpu.sem_alloc : memref<!tpu.dma_semaphore, #tpu.memory_space<semaphore_mem>>
      %dma_start3A_286 = arith.constant 0 : i32
      %dma_start3A_287 = arith.constant 0 : i32
      %dma_start3A_288 = tpu.memref_slice %arg9[%run_scoped3A_198, %dma_start3A_286, %dma_start3A_287] : memref<2x128x128xf32, #tpu.memory_space<vmem>> -> memref<1x128x128xf32, #tpu.memory_space<vmem>>
      %dma_start3A_289 = tpu.memref_squeeze %dma_start3A_288 : memref<1x128x128xf32, #tpu.memory_space<vmem>> -> memref<128x128xf32, #tpu.memory_space<vmem>>
      %dma_start3A_290 = arith.constant 0 : i32
      %dma_start3A_291 = tpu.memref_slice %arg8[%run_scoped3A_199, %dma_start3A_290] : memref<4x128xi32, #tpu.memory_space<vmem>> -> memref<1x128xi32, #tpu.memory_space<vmem>>
      %dma_start3A_292 = tpu.memref_squeeze %dma_start3A_291 : memref<1x128xi32, #tpu.memory_space<vmem>> -> memref<128xi32, #tpu.memory_space<vmem>>
      %dma_start3A_293 = arith.constant 0 : i32
      %dma_start3A_294 = arith.constant 0 : i32
      %dma_start3A_295 = tpu.memref_slice %arg10[%dma_start3A_293, %dma_start3A_294] : memref<10240x128xf32, #tpu.memory_space<vmem_shared>> -> memref<10240x128xf32, #tpu.memory_space<vmem_shared>>
      tpu.enqueue_indirect_dma source(%dma_start3A_289 : memref<128x128xf32, #tpu.memory_space<vmem>>) target(%dma_start3A_295 : memref<10240x128xf32, #tpu.memory_space<vmem_shared>>) offsets(%dma_start3A_292 : memref<128xi32, #tpu.memory_space<vmem>>) semaphore(%run_scoped3A_285 : memref<!tpu.dma_semaphore, #tpu.memory_space<semaphore_mem>>) {add = true}
      %dma_wait3A_296 = arith.constant 0 : i32
      %dma_wait3A_297 = arith.constant 0 : i32
      %dma_wait3A_298 = tpu.memref_slice %arg9[%run_scoped3A_198, %dma_wait3A_296, %dma_wait3A_297] : memref<2x128x128xf32, #tpu.memory_space<vmem>> -> memref<1x128x128xf32, #tpu.memory_space<vmem>>
      %dma_wait3A_299 = tpu.memref_squeeze %dma_wait3A_298 : memref<1x128x128xf32, #tpu.memory_space<vmem>> -> memref<128x128xf32, #tpu.memory_space<vmem>>
      %dma_wait3A_300 = arith.constant 0 : i32
      %dma_wait3A_301 = tpu.memref_slice %arg8[%run_scoped3A_199, %dma_wait3A_300] : memref<4x128xi32, #tpu.memory_space<vmem>> -> memref<1x128xi32, #tpu.memory_space<vmem>>
      %dma_wait3A_302 = tpu.memref_squeeze %dma_wait3A_301 : memref<1x128xi32, #tpu.memory_space<vmem>> -> memref<128xi32, #tpu.memory_space<vmem>>
      %dma_wait3A_303 = arith.constant 0 : i32
      %dma_wait3A_304 = arith.constant 0 : i32
      %dma_wait3A_305 = tpu.memref_slice %arg10[%dma_wait3A_303, %dma_wait3A_304] : memref<10240x128xf32, #tpu.memory_space<vmem_shared>> -> memref<10240x128xf32, #tpu.memory_space<vmem_shared>>
      tpu.wait_indirect_dma semaphore(%run_scoped3A_285 : memref<!tpu.dma_semaphore, #tpu.memory_space<semaphore_mem>>) src(%dma_wait3A_299 : memref<128x128xf32, #tpu.memory_space<vmem>>) dst(%dma_wait3A_305 : memref<10240x128xf32, #tpu.memory_space<vmem_shared>>)
      tpu.yield
    }) : () -> ()
    %dma_start3A_200 = arith.constant 79 : i32
    %dma_start3A_201 = arith.constant 1 : i32
    %dma_start3A_202 = arith.constant 0 : i32
    %dma_start3A_203 = arith.constant 0 : i32
    %dma_start3A_204 = tpu.memref_slice %arg9[%dma_start3A_201, %dma_start3A_202, %dma_start3A_203] : memref<2x128x128xf32, #tpu.memory_space<vmem>> -> memref<1x128x128xf32, #tpu.memory_space<vmem>>
    %dma_start3A_205 = tpu.memref_squeeze %dma_start3A_204 : memref<1x128x128xf32, #tpu.memory_space<vmem>> -> memref<128x128xf32, #tpu.memory_space<vmem>>
    %dma_start3A_206 = arith.constant 0 : i32
    %dma_start3A_207 = tpu.memref_slice %arg7[%dma_start3A_200, %dma_start3A_206] : memref<80x128xi32, #tpu.memory_space<vmem>> -> memref<1x128xi32, #tpu.memory_space<vmem>>
    %dma_start3A_208 = tpu.memref_squeeze %dma_start3A_207 : memref<1x128xi32, #tpu.memory_space<vmem>> -> memref<128xi32, #tpu.memory_space<vmem>>
    %dma_start3A_209 = arith.constant 0 : i32
    %dma_start3A_210 = arith.constant 0 : i32
    %dma_start3A_211 = tpu.memref_slice %arg2[%dma_start3A_209, %dma_start3A_210] : memref<10000x128xf32, #tpu.memory_space<hbm>> -> memref<10000x128xf32, #tpu.memory_space<hbm>>
    tpu.enqueue_indirect_dma source(%dma_start3A_211 : memref<10000x128xf32, #tpu.memory_space<hbm>>) target(%dma_start3A_205 : memref<128x128xf32, #tpu.memory_space<vmem>>) offsets(%dma_start3A_208 : memref<128xi32, #tpu.memory_space<vmem>>) semaphore(%arg12 : memref<!tpu.dma_semaphore, #tpu.memory_space<semaphore_mem>>)
    %dma_wait3A_212 = arith.constant 0 : i32
    %dma_wait3A_213 = arith.constant 0 : i32
    %dma_wait3A_214 = arith.constant 0 : i32
    %dma_wait3A_215 = arith.constant 0 : i32
    %dma_wait3A_216 = tpu.memref_slice %arg9[%dma_wait3A_213, %dma_wait3A_214, %dma_wait3A_215] : memref<2x128x128xf32, #tpu.memory_space<vmem>> -> memref<1x128x128xf32, #tpu.memory_space<vmem>>
    %dma_wait3A_217 = tpu.memref_squeeze %dma_wait3A_216 : memref<1x128x128xf32, #tpu.memory_space<vmem>> -> memref<128x128xf32, #tpu.memory_space<vmem>>
    %dma_wait3A_218 = arith.constant 0 : i32
    %dma_wait3A_219 = tpu.memref_slice %arg7[%dma_wait3A_212, %dma_wait3A_218] : memref<80x128xi32, #tpu.memory_space<vmem>> -> memref<1x128xi32, #tpu.memory_space<vmem>>
    %dma_wait3A_220 = tpu.memref_squeeze %dma_wait3A_219 : memref<1x128xi32, #tpu.memory_space<vmem>> -> memref<128xi32, #tpu.memory_space<vmem>>
    %dma_wait3A_221 = arith.constant 0 : i32
    %dma_wait3A_222 = arith.constant 0 : i32
    %dma_wait3A_223 = tpu.memref_slice %arg2[%dma_wait3A_221, %dma_wait3A_222] : memref<10000x128xf32, #tpu.memory_space<hbm>> -> memref<10000x128xf32, #tpu.memory_space<hbm>>
    tpu.wait_indirect_dma semaphore(%arg11 : memref<!tpu.dma_semaphore, #tpu.memory_space<semaphore_mem>>) src(%dma_wait3A_223 : memref<10000x128xf32, #tpu.memory_space<hbm>>) dst(%dma_wait3A_217 : memref<128x128xf32, #tpu.memory_space<vmem>>)
    %dma_wait3A_224 = arith.constant 0 : i32
    %dma_wait3A_225 = arith.constant 2 : i32
    %dma_wait3A_226 = arith.constant 0 : i32
    %dma_wait3A_227 = tpu.memref_slice %arg8[%dma_wait3A_225, %dma_wait3A_226] : memref<4x128xi32, #tpu.memory_space<vmem>> -> memref<1x128xi32, #tpu.memory_space<vmem>>
    %dma_wait3A_228 = tpu.memref_squeeze %dma_wait3A_227 : memref<1x128xi32, #tpu.memory_space<vmem>> -> memref<128xi32, #tpu.memory_space<vmem>>
    %dma_wait3A_229 = arith.constant 0 : i32
    %dma_wait3A_230 = arith.constant 0 : i32
    %dma_wait3A_231 = tpu.memref_slice %arg4[%add3A, %dma_wait3A_229, %dma_wait3A_230] : memref<32x80x128xi32, #tpu.memory_space<hbm>> -> memref<1x80x128xi32, #tpu.memory_space<hbm>>
    %dma_wait3A_232 = tpu.memref_squeeze %dma_wait3A_231 : memref<1x80x128xi32, #tpu.memory_space<hbm>> -> memref<80x128xi32, #tpu.memory_space<hbm>>
    %dma_wait3A_233 = arith.constant 0 : i32
    %dma_wait3A_234 = tpu.memref_slice %dma_wait3A_232[%dma_wait3A_224, %dma_wait3A_233] : memref<80x128xi32, #tpu.memory_space<hbm>> -> memref<1x128xi32, #tpu.memory_space<hbm>>
    %dma_wait3A_235 = tpu.memref_squeeze %dma_wait3A_234 : memref<1x128xi32, #tpu.memory_space<hbm>> -> memref<128xi32, #tpu.memory_space<hbm>>
    %dma_wait3A_236 = arith.constant 0 : i32
    %dma_wait3A_237 = tpu.memref_slice %arg8[%dma_wait3A_225, %dma_wait3A_236] : memref<4x128xi32, #tpu.memory_space<vmem>> -> memref<1x128xi32, #tpu.memory_space<vmem>>
    %dma_wait3A_238 = tpu.memref_squeeze %dma_wait3A_237 : memref<1x128xi32, #tpu.memory_space<vmem>> -> memref<128xi32, #tpu.memory_space<vmem>>
    %dma_wait3A_239 = arith.constant 0 : i32
    %dma_wait3A_240 = arith.constant 0 : i32
    %dma_wait3A_241 = tpu.memref_slice %arg4[%add3A, %dma_wait3A_239, %dma_wait3A_240] : memref<32x80x128xi32, #tpu.memory_space<hbm>> -> memref<1x80x128xi32, #tpu.memory_space<hbm>>
    %dma_wait3A_242 = tpu.memref_squeeze %dma_wait3A_241 : memref<1x80x128xi32, #tpu.memory_space<hbm>> -> memref<80x128xi32, #tpu.memory_space<hbm>>
    %dma_wait3A_243 = arith.constant 0 : i32
    %dma_wait3A_244 = tpu.memref_slice %dma_wait3A_242[%dma_wait3A_224, %dma_wait3A_243] : memref<80x128xi32, #tpu.memory_space<hbm>> -> memref<1x128xi32, #tpu.memory_space<hbm>>
    %dma_wait3A_245 = tpu.memref_squeeze %dma_wait3A_244 : memref<1x128xi32, #tpu.memory_space<hbm>> -> memref<128xi32, #tpu.memory_space<hbm>>
    tpu.wait_dma2 semaphore(%arg15 : memref<!tpu.dma_semaphore, #tpu.memory_space<semaphore_mem>>) src(%dma_wait3A_245 : memref<128xi32, #tpu.memory_space<hbm>>) dst(%dma_wait3A_238 : memref<128xi32, #tpu.memory_space<vmem>>)
    %run_scoped3A_246 = arith.constant 0 : i32
    %run_scoped3A_247 = arith.constant 2 : i32
    "tpu.region"() ({
      %run_scoped3A_285 = tpu.sem_alloc : memref<!tpu.dma_semaphore, #tpu.memory_space<semaphore_mem>>
      %dma_start3A_286 = arith.constant 0 : i32
      %dma_start3A_287 = arith.constant 0 : i32
      %dma_start3A_288 = tpu.memref_slice %arg9[%run_scoped3A_246, %dma_start3A_286, %dma_start3A_287] : memref<2x128x128xf32, #tpu.memory_space<vmem>> -> memref<1x128x128xf32, #tpu.memory_space<vmem>>
      %dma_start3A_289 = tpu.memref_squeeze %dma_start3A_288 : memref<1x128x128xf32, #tpu.memory_space<vmem>> -> memref<128x128xf32, #tpu.memory_space<vmem>>
      %dma_start3A_290 = arith.constant 0 : i32
      %dma_start3A_291 = tpu.memref_slice %arg8[%run_scoped3A_247, %dma_start3A_290] : memref<4x128xi32, #tpu.memory_space<vmem>> -> memref<1x128xi32, #tpu.memory_space<vmem>>
      %dma_start3A_292 = tpu.memref_squeeze %dma_start3A_291 : memref<1x128xi32, #tpu.memory_space<vmem>> -> memref<128xi32, #tpu.memory_space<vmem>>
      %dma_start3A_293 = arith.constant 0 : i32
      %dma_start3A_294 = arith.constant 0 : i32
      %dma_start3A_295 = tpu.memref_slice %arg10[%dma_start3A_293, %dma_start3A_294] : memref<10240x128xf32, #tpu.memory_space<vmem_shared>> -> memref<10240x128xf32, #tpu.memory_space<vmem_shared>>
      tpu.enqueue_indirect_dma source(%dma_start3A_289 : memref<128x128xf32, #tpu.memory_space<vmem>>) target(%dma_start3A_295 : memref<10240x128xf32, #tpu.memory_space<vmem_shared>>) offsets(%dma_start3A_292 : memref<128xi32, #tpu.memory_space<vmem>>) semaphore(%run_scoped3A_285 : memref<!tpu.dma_semaphore, #tpu.memory_space<semaphore_mem>>) {add = true}
      %dma_wait3A_296 = arith.constant 0 : i32
      %dma_wait3A_297 = arith.constant 0 : i32
      %dma_wait3A_298 = tpu.memref_slice %arg9[%run_scoped3A_246, %dma_wait3A_296, %dma_wait3A_297] : memref<2x128x128xf32, #tpu.memory_space<vmem>> -> memref<1x128x128xf32, #tpu.memory_space<vmem>>
      %dma_wait3A_299 = tpu.memref_squeeze %dma_wait3A_298 : memref<1x128x128xf32, #tpu.memory_space<vmem>> -> memref<128x128xf32, #tpu.memory_space<vmem>>
      %dma_wait3A_300 = arith.constant 0 : i32
      %dma_wait3A_301 = tpu.memref_slice %arg8[%run_scoped3A_247, %dma_wait3A_300] : memref<4x128xi32, #tpu.memory_space<vmem>> -> memref<1x128xi32, #tpu.memory_space<vmem>>
      %dma_wait3A_302 = tpu.memref_squeeze %dma_wait3A_301 : memref<1x128xi32, #tpu.memory_space<vmem>> -> memref<128xi32, #tpu.memory_space<vmem>>
      %dma_wait3A_303 = arith.constant 0 : i32
      %dma_wait3A_304 = arith.constant 0 : i32
      %dma_wait3A_305 = tpu.memref_slice %arg10[%dma_wait3A_303, %dma_wait3A_304] : memref<10240x128xf32, #tpu.memory_space<vmem_shared>> -> memref<10240x128xf32, #tpu.memory_space<vmem_shared>>
      tpu.wait_indirect_dma semaphore(%run_scoped3A_285 : memref<!tpu.dma_semaphore, #tpu.memory_space<semaphore_mem>>) src(%dma_wait3A_299 : memref<128x128xf32, #tpu.memory_space<vmem>>) dst(%dma_wait3A_305 : memref<10240x128xf32, #tpu.memory_space<vmem_shared>>)
      tpu.yield
    }) : () -> ()
    %dma_wait3A_248 = arith.constant 0 : i32
    %dma_wait3A_249 = arith.constant 1 : i32
    %dma_wait3A_250 = arith.constant 0 : i32
    %dma_wait3A_251 = arith.constant 0 : i32
    %dma_wait3A_252 = tpu.memref_slice %arg9[%dma_wait3A_249, %dma_wait3A_250, %dma_wait3A_251] : memref<2x128x128xf32, #tpu.memory_space<vmem>> -> memref<1x128x128xf32, #tpu.memory_space<vmem>>
    %dma_wait3A_253 = tpu.memref_squeeze %dma_wait3A_252 : memref<1x128x128xf32, #tpu.memory_space<vmem>> -> memref<128x128xf32, #tpu.memory_space<vmem>>
    %dma_wait3A_254 = arith.constant 0 : i32
    %dma_wait3A_255 = tpu.memref_slice %arg7[%dma_wait3A_248, %dma_wait3A_254] : memref<80x128xi32, #tpu.memory_space<vmem>> -> memref<1x128xi32, #tpu.memory_space<vmem>>
    %dma_wait3A_256 = tpu.memref_squeeze %dma_wait3A_255 : memref<1x128xi32, #tpu.memory_space<vmem>> -> memref<128xi32, #tpu.memory_space<vmem>>
    %dma_wait3A_257 = arith.constant 0 : i32
    %dma_wait3A_258 = arith.constant 0 : i32
    %dma_wait3A_259 = tpu.memref_slice %arg2[%dma_wait3A_257, %dma_wait3A_258] : memref<10000x128xf32, #tpu.memory_space<hbm>> -> memref<10000x128xf32, #tpu.memory_space<hbm>>
    tpu.wait_indirect_dma semaphore(%arg12 : memref<!tpu.dma_semaphore, #tpu.memory_space<semaphore_mem>>) src(%dma_wait3A_259 : memref<10000x128xf32, #tpu.memory_space<hbm>>) dst(%dma_wait3A_253 : memref<128x128xf32, #tpu.memory_space<vmem>>)
    %dma_wait3A_260 = arith.constant 0 : i32
    %dma_wait3A_261 = arith.constant 3 : i32
    %dma_wait3A_262 = arith.constant 0 : i32
    %dma_wait3A_263 = tpu.memref_slice %arg8[%dma_wait3A_261, %dma_wait3A_262] : memref<4x128xi32, #tpu.memory_space<vmem>> -> memref<1x128xi32, #tpu.memory_space<vmem>>
    %dma_wait3A_264 = tpu.memref_squeeze %dma_wait3A_263 : memref<1x128xi32, #tpu.memory_space<vmem>> -> memref<128xi32, #tpu.memory_space<vmem>>
    %dma_wait3A_265 = arith.constant 0 : i32
    %dma_wait3A_266 = arith.constant 0 : i32
    %dma_wait3A_267 = tpu.memref_slice %arg4[%add3A, %dma_wait3A_265, %dma_wait3A_266] : memref<32x80x128xi32, #tpu.memory_space<hbm>> -> memref<1x80x128xi32, #tpu.memory_space<hbm>>
    %dma_wait3A_268 = tpu.memref_squeeze %dma_wait3A_267 : memref<1x80x128xi32, #tpu.memory_space<hbm>> -> memref<80x128xi32, #tpu.memory_space<hbm>>
    %dma_wait3A_269 = arith.constant 0 : i32
    %dma_wait3A_270 = tpu.memref_slice %dma_wait3A_268[%dma_wait3A_260, %dma_wait3A_269] : memref<80x128xi32, #tpu.memory_space<hbm>> -> memref<1x128xi32, #tpu.memory_space<hbm>>
    %dma_wait3A_271 = tpu.memref_squeeze %dma_wait3A_270 : memref<1x128xi32, #tpu.memory_space<hbm>> -> memref<128xi32, #tpu.memory_space<hbm>>
    %dma_wait3A_272 = arith.constant 0 : i32
    %dma_wait3A_273 = tpu.memref_slice %arg8[%dma_wait3A_261, %dma_wait3A_272] : memref<4x128xi32, #tpu.memory_space<vmem>> -> memref<1x128xi32, #tpu.memory_space<vmem>>
    %dma_wait3A_274 = tpu.memref_squeeze %dma_wait3A_273 : memref<1x128xi32, #tpu.memory_space<vmem>> -> memref<128xi32, #tpu.memory_space<vmem>>
    %dma_wait3A_275 = arith.constant 0 : i32
    %dma_wait3A_276 = arith.constant 0 : i32
    %dma_wait3A_277 = tpu.memref_slice %arg4[%add3A, %dma_wait3A_275, %dma_wait3A_276] : memref<32x80x128xi32, #tpu.memory_space<hbm>> -> memref<1x80x128xi32, #tpu.memory_space<hbm>>
    %dma_wait3A_278 = tpu.memref_squeeze %dma_wait3A_277 : memref<1x80x128xi32, #tpu.memory_space<hbm>> -> memref<80x128xi32, #tpu.memory_space<hbm>>
    %dma_wait3A_279 = arith.constant 0 : i32
    %dma_wait3A_280 = tpu.memref_slice %dma_wait3A_278[%dma_wait3A_260, %dma_wait3A_279] : memref<80x128xi32, #tpu.memory_space<hbm>> -> memref<1x128xi32, #tpu.memory_space<hbm>>
    %dma_wait3A_281 = tpu.memref_squeeze %dma_wait3A_280 : memref<1x128xi32, #tpu.memory_space<hbm>> -> memref<128xi32, #tpu.memory_space<hbm>>
    tpu.wait_dma2 semaphore(%arg16 : memref<!tpu.dma_semaphore, #tpu.memory_space<semaphore_mem>>) src(%dma_wait3A_281 : memref<128xi32, #tpu.memory_space<hbm>>) dst(%dma_wait3A_274 : memref<128xi32, #tpu.memory_space<vmem>>)
    %run_scoped3A_282 = arith.constant 1 : i32
    %run_scoped3A_283 = arith.constant 3 : i32
    "tpu.region"() ({
      %run_scoped3A_285 = tpu.sem_alloc : memref<!tpu.dma_semaphore, #tpu.memory_space<semaphore_mem>>
      %dma_start3A_286 = arith.constant 0 : i32
      %dma_start3A_287 = arith.constant 0 : i32
      %dma_start3A_288 = tpu.memref_slice %arg9[%run_scoped3A_282, %dma_start3A_286, %dma_start3A_287] : memref<2x128x128xf32, #tpu.memory_space<vmem>> -> memref<1x128x128xf32, #tpu.memory_space<vmem>>
      %dma_start3A_289 = tpu.memref_squeeze %dma_start3A_288 : memref<1x128x128xf32, #tpu.memory_space<vmem>> -> memref<128x128xf32, #tpu.memory_space<vmem>>
      %dma_start3A_290 = arith.constant 0 : i32
      %dma_start3A_291 = tpu.memref_slice %arg8[%run_scoped3A_283, %dma_start3A_290] : memref<4x128xi32, #tpu.memory_space<vmem>> -> memref<1x128xi32, #tpu.memory_space<vmem>>
      %dma_start3A_292 = tpu.memref_squeeze %dma_start3A_291 : memref<1x128xi32, #tpu.memory_space<vmem>> -> memref<128xi32, #tpu.memory_space<vmem>>
      %dma_start3A_293 = arith.constant 0 : i32
      %dma_start3A_294 = arith.constant 0 : i32
      %dma_start3A_295 = tpu.memref_slice %arg10[%dma_start3A_293, %dma_start3A_294] : memref<10240x128xf32, #tpu.memory_space<vmem_shared>> -> memref<10240x128xf32, #tpu.memory_space<vmem_shared>>
      tpu.enqueue_indirect_dma source(%dma_start3A_289 : memref<128x128xf32, #tpu.memory_space<vmem>>) target(%dma_start3A_295 : memref<10240x128xf32, #tpu.memory_space<vmem_shared>>) offsets(%dma_start3A_292 : memref<128xi32, #tpu.memory_space<vmem>>) semaphore(%run_scoped3A_285 : memref<!tpu.dma_semaphore, #tpu.memory_space<semaphore_mem>>) {add = true}
      %dma_wait3A_296 = arith.constant 0 : i32
      %dma_wait3A_297 = arith.constant 0 : i32
      %dma_wait3A_298 = tpu.memref_slice %arg9[%run_scoped3A_282, %dma_wait3A_296, %dma_wait3A_297] : memref<2x128x128xf32, #tpu.memory_space<vmem>> -> memref<1x128x128xf32, #tpu.memory_space<vmem>>
      %dma_wait3A_299 = tpu.memref_squeeze %dma_wait3A_298 : memref<1x128x128xf32, #tpu.memory_space<vmem>> -> memref<128x128xf32, #tpu.memory_space<vmem>>
      %dma_wait3A_300 = arith.constant 0 : i32
      %dma_wait3A_301 = tpu.memref_slice %arg8[%run_scoped3A_283, %dma_wait3A_300] : memref<4x128xi32, #tpu.memory_space<vmem>> -> memref<1x128xi32, #tpu.memory_space<vmem>>
      %dma_wait3A_302 = tpu.memref_squeeze %dma_wait3A_301 : memref<1x128xi32, #tpu.memory_space<vmem>> -> memref<128xi32, #tpu.memory_space<vmem>>
      %dma_wait3A_303 = arith.constant 0 : i32
      %dma_wait3A_304 = arith.constant 0 : i32
      %dma_wait3A_305 = tpu.memref_slice %arg10[%dma_wait3A_303, %dma_wait3A_304] : memref<10240x128xf32, #tpu.memory_space<vmem_shared>> -> memref<10240x128xf32, #tpu.memory_space<vmem_shared>>
      tpu.wait_indirect_dma semaphore(%run_scoped3A_285 : memref<!tpu.dma_semaphore, #tpu.memory_space<semaphore_mem>>) src(%dma_wait3A_299 : memref<128x128xf32, #tpu.memory_space<vmem>>) dst(%dma_wait3A_305 : memref<10240x128xf32, #tpu.memory_space<vmem_shared>>)
      tpu.yield
    }) : () -> ()
    %barrier3A_284 = arith.constant 0 : index
    tpu.barrier barrier_id(%barrier3A_284)
    "tpu.region"() ({
      %run_scoped3A_285 = tpu.sem_alloc : memref<!tpu.dma_semaphore, #tpu.memory_space<semaphore_mem>>
      %dma_start3A_286 = arith.constant 0 : i32
      %dma_start3A_287 = arith.constant 0 : i32
      %dma_start3A_288 = tpu.memref_slice %arg6[%arg0, %dma_start3A_286, %dma_start3A_287] : memref<2x10240x128xf32, #tpu.memory_space<hbm>> -> memref<1x10240x128xf32, #tpu.memory_space<hbm>>
      %dma_start3A_289 = tpu.memref_squeeze %dma_start3A_288 : memref<1x10240x128xf32, #tpu.memory_space<hbm>> -> memref<10240x128xf32, #tpu.memory_space<hbm>>
      %dma_start3A_290 = arith.constant 0 : i32
      %dma_start3A_291 = tpu.memref_slice %dma_start3A_289[%mul3A_2, %dma_start3A_290] : memref<10240x128xf32, #tpu.memory_space<hbm>> -> memref<640x128xf32, #tpu.memory_space<hbm>>
      %dma_start3A_292 = arith.constant 0 : i32
      %dma_start3A_293 = tpu.memref_slice %arg10[%mul3A_2, %dma_start3A_292] : memref<10240x128xf32, #tpu.memory_space<vmem_shared>> -> memref<640x128xf32, #tpu.memory_space<vmem_shared>>
      tpu.enqueue_dma source(%dma_start3A_293 : memref<640x128xf32, #tpu.memory_space<vmem_shared>>) target(%dma_start3A_291 : memref<640x128xf32, #tpu.memory_space<hbm>>) target_semaphore(%run_scoped3A_285 : memref<!tpu.dma_semaphore, #tpu.memory_space<semaphore_mem>>)
      %dma_wait3A_294 = arith.constant 0 : i32
      %dma_wait3A_295 = arith.constant 0 : i32
      %dma_wait3A_296 = tpu.memref_slice %arg6[%arg0, %dma_wait3A_294, %dma_wait3A_295] : memref<2x10240x128xf32, #tpu.memory_space<hbm>> -> memref<1x10240x128xf32, #tpu.memory_space<hbm>>
      %dma_wait3A_297 = tpu.memref_squeeze %dma_wait3A_296 : memref<1x10240x128xf32, #tpu.memory_space<hbm>> -> memref<10240x128xf32, #tpu.memory_space<hbm>>
      %dma_wait3A_298 = arith.constant 0 : i32
      %dma_wait3A_299 = tpu.memref_slice %dma_wait3A_297[%mul3A_2, %dma_wait3A_298] : memref<10240x128xf32, #tpu.memory_space<hbm>> -> memref<640x128xf32, #tpu.memory_space<hbm>>
      %dma_wait3A_300 = arith.constant 0 : i32
      %dma_wait3A_301 = tpu.memref_slice %arg10[%mul3A_2, %dma_wait3A_300] : memref<10240x128xf32, #tpu.memory_space<vmem_shared>> -> memref<640x128xf32, #tpu.memory_space<vmem_shared>>
      tpu.wait_dma2 semaphore(%run_scoped3A_285 : memref<!tpu.dma_semaphore, #tpu.memory_space<semaphore_mem>>) src(%dma_wait3A_301 : memref<640x128xf32, #tpu.memory_space<vmem_shared>>) dst(%dma_wait3A_299 : memref<640x128xf32, #tpu.memory_space<hbm>>)
      tpu.yield
    }) : () -> ()
    return
  }
}

module attributes {stable_mosaic.version = 14 : i64} {
  func.func @_embed_body(%arg0: memref<10000x1xi32, #tpu.memory_space<vmem>>, %arg1: memref<32x128xf32, #tpu.memory_space<vmem>>, %arg2: memref<10000x128xf32, #tpu.memory_space<vmem>>, %arg3: memref<10000x128xf32, #tpu.memory_space<vmem>>) attributes {dimension_semantics = [], scalar_prefetch = 0 : i64, scratch_operands = 0 : i64, tpu.core_type = #tpu.core_type<tc>} {
    %get3A = arith.constant 0 : index
    %get3A_0 = arith.constant 0 : index
    %get3A_1 = vector.load %arg0[%get3A, %get3A_0] : memref<10000x1xi32, #tpu.memory_space<vmem>>, vector<10000x1xi32>
    %iota3A = tpu.iota {dimensions = array<i32: 1>} : vector<10000x32xi32>
    %eq3A = vector.broadcast %get3A_1 : vector<10000x1xi32> to vector<10000x32xi32>
    %eq3A_2 = arith.cmpi eq, %eq3A, %iota3A : vector<10000x32xi32>
    %convert_element_type3A = arith.extui %eq3A_2 : vector<10000x32xi1> to vector<10000x32xi32>
    %convert_element_type3A_3 = arith.sitofp %convert_element_type3A : vector<10000x32xi32> to vector<10000x32xf32>
    %get3A_4 = arith.constant 0 : index
    %get3A_5 = arith.constant 0 : index
    %get3A_6 = vector.load %arg1[%get3A_4, %get3A_5] : memref<32x128xf32, #tpu.memory_space<vmem>>, vector<32x128xf32>
    %dot_general3A = arith.constant dense<0.000000e+00> : vector<10000x128xf32>
    %dot_general3A_7 = tpu.matmul %convert_element_type3A_3, %get3A_6, %dot_general3A {dimension_numbers = #tpu.dot_dimension_numbers<[1], [0], [0], [1], [0, 0, 1, 1], [], []>, precision = #tpu.contract_precision<fp32>, transpose_lhs_hint = false} : vector<10000x32xf32>, vector<32x128xf32>, vector<10000x128xf32> -> vector<10000x128xf32>
    %swap3A = arith.constant 0 : index
    %swap3A_8 = arith.constant 0 : index
    %swap3A_9 = vector.load %arg2[%swap3A, %swap3A_8] : memref<10000x128xf32, #tpu.memory_space<vmem>>, vector<10000x128xf32>
    tpu.vector_store %arg2[%swap3A, %swap3A_8], %dot_general3A_7 {strides = array<i32>} : memref<10000x128xf32, #tpu.memory_space<vmem>>, vector<10000x128xf32>,
    %max3A = arith.constant 0.000000e+00 : f32
    %max3A_10 = vector.broadcast %max3A : f32 to vector<10000x128xf32>
    %max3A_11 = arith.maximumf %dot_general3A_7, %max3A_10 : vector<10000x128xf32>
    %swap3A_12 = arith.constant 0 : index
    %swap3A_13 = arith.constant 0 : index
    %swap3A_14 = vector.load %arg3[%swap3A_12, %swap3A_13] : memref<10000x128xf32, #tpu.memory_space<vmem>>, vector<10000x128xf32>
    tpu.vector_store %arg3[%swap3A_12, %swap3A_13], %max3A_11 {strides = array<i32>} : memref<10000x128xf32, #tpu.memory_space<vmem>>, vector<10000x128xf32>,
    return
  }
}

module attributes {stable_mosaic.version = 14 : i64} {
  func.func @_mlp_body(%arg0: memref<10000x128xf32, #tpu.memory_space<vmem>>, %arg1: memref<10240x128xf32, #tpu.memory_space<vmem>>, %arg2: memref<10240x128xf32, #tpu.memory_space<vmem>>, %arg3: memref<1x128xf32, #tpu.memory_space<vmem>>, %arg4: memref<128x256xf32, #tpu.memory_space<vmem>>, %arg5: memref<1x256xf32, #tpu.memory_space<vmem>>, %arg6: memref<1x256xf32, #tpu.memory_space<vmem>>, %arg7: memref<1x256xf32, #tpu.memory_space<vmem>>, %arg8: memref<256x128xf32, #tpu.memory_space<vmem>>, %arg9: memref<1x128xf32, #tpu.memory_space<vmem>>, %arg10: memref<128xf32, #tpu.memory_space<vmem>>, %arg11: memref<1x128xf32, #tpu.memory_space<vmem>>, %arg12: memref<10000x128xf32, #tpu.memory_space<vmem>>) attributes {dimension_semantics = [], scalar_prefetch = 0 : i64, scratch_operands = 0 : i64, tpu.core_type = #tpu.core_type<tc>} {
    %get3A = arith.constant 0 : index
    %get3A_0 = arith.constant 0 : index
    %get3A_1 = vector.load %arg0[%get3A, %get3A_0] : memref<10000x128xf32, #tpu.memory_space<vmem>>, vector<10000x128xf32>
    %get3A_2 = arith.constant 0 : index
    %get3A_3 = arith.constant 0 : index
    %get3A_4 = vector.load %arg3[%get3A_2, %get3A_3] : memref<1x128xf32, #tpu.memory_space<vmem>>, vector<1x128xf32>
    %mul3A = vector.broadcast %get3A_4 : vector<1x128xf32> to vector<10000x128xf32>
    %mul3A_5 = arith.mulf %get3A_1, %mul3A : vector<10000x128xf32>
    %get3A_6 = arith.constant 0 : index
    %get3A_7 = arith.constant 0 : index
    %get3A_8 = vector.load %arg1[%get3A_6, %get3A_7] : memref<10240x128xf32, #tpu.memory_space<vmem>>, vector<10000x128xf32>
    %add3A = arith.addf %mul3A_5, %get3A_8 : vector<10000x128xf32>
    %get3A_9 = arith.constant 0 : index
    %get3A_10 = arith.constant 0 : index
    %get3A_11 = vector.load %arg2[%get3A_9, %get3A_10] : memref<10240x128xf32, #tpu.memory_space<vmem>>, vector<10000x128xf32>
    %add3A_12 = arith.addf %add3A, %get3A_11 : vector<10000x128xf32>
    %get3A_13 = arith.constant 0 : index
    %get3A_14 = arith.constant 0 : index
    %get3A_15 = vector.load %arg4[%get3A_13, %get3A_14] : memref<128x256xf32, #tpu.memory_space<vmem>>, vector<128x256xf32>
    %dot_general3A = arith.constant dense<0.000000e+00> : vector<10000x256xf32>
    %dot_general3A_16 = tpu.matmul %add3A_12, %get3A_15, %dot_general3A {dimension_numbers = #tpu.dot_dimension_numbers<[1], [0], [0], [1], [0, 0, 1, 1], [], []>, transpose_lhs_hint = false} : vector<10000x128xf32>, vector<128x256xf32>, vector<10000x256xf32> -> vector<10000x256xf32>
    %get3A_17 = arith.constant 0 : index
    %get3A_18 = arith.constant 0 : index
    %get3A_19 = vector.load %arg5[%get3A_17, %get3A_18] : memref<1x256xf32, #tpu.memory_space<vmem>>, vector<1x256xf32>
    %add3A_20 = vector.broadcast %get3A_19 : vector<1x256xf32> to vector<10000x256xf32>
    %add3A_21 = arith.addf %dot_general3A_16, %add3A_20 : vector<10000x256xf32>
    %reduce_sum3A = arith.constant dense<0.000000e+00> : vector<256xf32>
    %reduce_sum3A_22 = vector.multi_reduction <add>, %add3A_21, %reduce_sum3A [0] : vector<10000x256xf32> to vector<256xf32>
    %broadcast_in_dim3A = vector.shape_cast %reduce_sum3A_22 : vector<256xf32> to vector<1x256xf32>
    %div3A = arith.constant 1.000000e+04 : f32
    %div3A_23 = vector.broadcast %div3A : f32 to vector<1x256xf32>
    %div3A_24 = arith.divf %broadcast_in_dim3A, %div3A_23 : vector<1x256xf32>
    %sub3A = vector.broadcast %div3A_24 : vector<1x256xf32> to vector<10000x256xf32>
    %sub3A_25 = arith.subf %add3A_21, %sub3A : vector<10000x256xf32>
    %mul3A_26 = arith.mulf %sub3A_25, %sub3A_25 : vector<10000x256xf32>
    %reduce_sum3A_27 = arith.constant dense<0.000000e+00> : vector<256xf32>
    %reduce_sum3A_28 = vector.multi_reduction <add>, %mul3A_26, %reduce_sum3A_27 [0] : vector<10000x256xf32> to vector<256xf32>
    %broadcast_in_dim3A_29 = vector.shape_cast %reduce_sum3A_28 : vector<256xf32> to vector<1x256xf32>
    %div3A_30 = arith.constant 1.000000e+04 : f32
    %div3A_31 = vector.broadcast %div3A_30 : f32 to vector<1x256xf32>
    %div3A_32 = arith.divf %broadcast_in_dim3A_29, %div3A_31 : vector<1x256xf32>
    %add3A_33 = arith.constant 9.99999974E-6 : f32
    %add3A_34 = vector.broadcast %add3A_33 : f32 to vector<1x256xf32>
    %add3A_35 = arith.addf %div3A_32, %add3A_34 : vector<1x256xf32>
    %sqrt3A = math.sqrt %add3A_35 : vector<1x256xf32>
    %div3A_36 = vector.broadcast %sqrt3A : vector<1x256xf32> to vector<10000x256xf32>
    %div3A_37 = arith.divf %sub3A_25, %div3A_36 : vector<10000x256xf32>
    %get3A_38 = arith.constant 0 : index
    %get3A_39 = arith.constant 0 : index
    %get3A_40 = vector.load %arg6[%get3A_38, %get3A_39] : memref<1x256xf32, #tpu.memory_space<vmem>>, vector<1x256xf32>
    %mul3A_41 = vector.broadcast %get3A_40 : vector<1x256xf32> to vector<10000x256xf32>
    %mul3A_42 = arith.mulf %div3A_37, %mul3A_41 : vector<10000x256xf32>
    %get3A_43 = arith.constant 0 : index
    %get3A_44 = arith.constant 0 : index
    %get3A_45 = vector.load %arg7[%get3A_43, %get3A_44] : memref<1x256xf32, #tpu.memory_space<vmem>>, vector<1x256xf32>
    %add3A_46 = vector.broadcast %get3A_45 : vector<1x256xf32> to vector<10000x256xf32>
    %add3A_47 = arith.addf %mul3A_42, %add3A_46 : vector<10000x256xf32>
    %max3A = arith.constant 0.000000e+00 : f32
    %max3A_48 = vector.broadcast %max3A : f32 to vector<10000x256xf32>
    %max3A_49 = arith.maximumf %add3A_47, %max3A_48 : vector<10000x256xf32>
    %get3A_50 = arith.constant 0 : index
    %get3A_51 = arith.constant 0 : index
    %get3A_52 = vector.load %arg8[%get3A_50, %get3A_51] : memref<256x128xf32, #tpu.memory_space<vmem>>, vector<256x128xf32>
    %dot_general3A_53 = arith.constant dense<0.000000e+00> : vector<10000x128xf32>
    %dot_general3A_54 = tpu.matmul %max3A_49, %get3A_52, %dot_general3A_53 {dimension_numbers = #tpu.dot_dimension_numbers<[1], [0], [0], [1], [0, 0, 1, 1], [], []>, transpose_lhs_hint = false} : vector<10000x256xf32>, vector<256x128xf32>, vector<10000x128xf32> -> vector<10000x128xf32>
    %get3A_55 = arith.constant 0 : index
    %get3A_56 = arith.constant 0 : index
    %get3A_57 = vector.load %arg9[%get3A_55, %get3A_56] : memref<1x128xf32, #tpu.memory_space<vmem>>, vector<1x128xf32>
    %add3A_58 = vector.broadcast %get3A_57 : vector<1x128xf32> to vector<10000x128xf32>
    %add3A_59 = arith.addf %dot_general3A_54, %add3A_58 : vector<10000x128xf32>
    %reduce_sum3A_60 = arith.constant dense<0.000000e+00> : vector<128xf32>
    %reduce_sum3A_61 = vector.multi_reduction <add>, %add3A_59, %reduce_sum3A_60 [0] : vector<10000x128xf32> to vector<128xf32>
    %broadcast_in_dim3A_62 = vector.shape_cast %reduce_sum3A_61 : vector<128xf32> to vector<1x128xf32>
    %div3A_63 = arith.constant 1.000000e+04 : f32
    %div3A_64 = vector.broadcast %div3A_63 : f32 to vector<1x128xf32>
    %div3A_65 = arith.divf %broadcast_in_dim3A_62, %div3A_64 : vector<1x128xf32>
    %sub3A_66 = vector.broadcast %div3A_65 : vector<1x128xf32> to vector<10000x128xf32>
    %sub3A_67 = arith.subf %add3A_59, %sub3A_66 : vector<10000x128xf32>
    %mul3A_68 = arith.mulf %sub3A_67, %sub3A_67 : vector<10000x128xf32>
    %reduce_sum3A_69 = arith.constant dense<0.000000e+00> : vector<128xf32>
    %reduce_sum3A_70 = vector.multi_reduction <add>, %mul3A_68, %reduce_sum3A_69 [0] : vector<10000x128xf32> to vector<128xf32>
    %broadcast_in_dim3A_71 = vector.shape_cast %reduce_sum3A_70 : vector<128xf32> to vector<1x128xf32>
    %div3A_72 = arith.constant 1.000000e+04 : f32
    %div3A_73 = vector.broadcast %div3A_72 : f32 to vector<1x128xf32>
    %div3A_74 = arith.divf %broadcast_in_dim3A_71, %div3A_73 : vector<1x128xf32>
    %add3A_75 = arith.constant 9.99999974E-6 : f32
    %add3A_76 = vector.broadcast %add3A_75 : f32 to vector<1x128xf32>
    %add3A_77 = arith.addf %div3A_74, %add3A_76 : vector<1x128xf32>
    %sqrt3A_78 = math.sqrt %add3A_77 : vector<1x128xf32>
    %div3A_79 = vector.broadcast %sqrt3A_78 : vector<1x128xf32> to vector<10000x128xf32>
    %div3A_80 = arith.divf %sub3A_67, %div3A_79 : vector<10000x128xf32>
    %get3A_81 = arith.constant 0 : index
    %get3A_82 = vector.load %arg10[%get3A_81] : memref<128xf32, #tpu.memory_space<vmem>>, vector<128xf32>
    %broadcast_in_dim3A_83 = vector.shape_cast %get3A_82 : vector<128xf32> to vector<1x128xf32>
    %mul3A_84 = vector.broadcast %broadcast_in_dim3A_83 : vector<1x128xf32> to vector<10000x128xf32>
    %mul3A_85 = arith.mulf %div3A_80, %mul3A_84 : vector<10000x128xf32>
    %get3A_86 = arith.constant 0 : index
    %get3A_87 = arith.constant 0 : index
    %get3A_88 = vector.load %arg11[%get3A_86, %get3A_87] : memref<1x128xf32, #tpu.memory_space<vmem>>, vector<1x128xf32>
    %add3A_89 = vector.broadcast %get3A_88 : vector<1x128xf32> to vector<10000x128xf32>
    %add3A_90 = arith.addf %mul3A_85, %add3A_89 : vector<10000x128xf32>
    %max3A_91 = arith.constant 0.000000e+00 : f32
    %max3A_92 = vector.broadcast %max3A_91 : f32 to vector<10000x128xf32>
    %max3A_93 = arith.maximumf %add3A_90, %max3A_92 : vector<10000x128xf32>
    %swap3A = arith.constant 0 : index
    %swap3A_94 = arith.constant 0 : index
    %swap3A_95 = vector.load %arg12[%swap3A, %swap3A_94] : memref<10000x128xf32, #tpu.memory_space<vmem>>, vector<10000x128xf32>
    tpu.vector_store %arg12[%swap3A, %swap3A_94], %max3A_93 {strides = array<i32>} : memref<10000x128xf32, #tpu.memory_space<vmem>>, vector<10000x128xf32>,
    return
  }
}

module attributes {stable_mosaic.version = 14 : i64} {
  func.func @_mlp_body(%arg0: memref<10000x128xf32, #tpu.memory_space<vmem>>, %arg1: memref<10240x128xf32, #tpu.memory_space<vmem>>, %arg2: memref<10240x128xf32, #tpu.memory_space<vmem>>, %arg3: memref<1x128xf32, #tpu.memory_space<vmem>>, %arg4: memref<128x256xf32, #tpu.memory_space<vmem>>, %arg5: memref<1x256xf32, #tpu.memory_space<vmem>>, %arg6: memref<1x256xf32, #tpu.memory_space<vmem>>, %arg7: memref<1x256xf32, #tpu.memory_space<vmem>>, %arg8: memref<256x128xf32, #tpu.memory_space<vmem>>, %arg9: memref<1x128xf32, #tpu.memory_space<vmem>>, %arg10: memref<128xf32, #tpu.memory_space<vmem>>, %arg11: memref<1x128xf32, #tpu.memory_space<vmem>>, %arg12: memref<10000x128xf32, #tpu.memory_space<vmem>>) attributes {dimension_semantics = [], scalar_prefetch = 0 : i64, scratch_operands = 0 : i64, tpu.core_type = #tpu.core_type<tc>} {
    %get3A = arith.constant 0 : index
    %get3A_0 = arith.constant 0 : index
    %get3A_1 = vector.load %arg0[%get3A, %get3A_0] : memref<10000x128xf32, #tpu.memory_space<vmem>>, vector<10000x128xf32>
    %get3A_2 = arith.constant 0 : index
    %get3A_3 = arith.constant 0 : index
    %get3A_4 = vector.load %arg3[%get3A_2, %get3A_3] : memref<1x128xf32, #tpu.memory_space<vmem>>, vector<1x128xf32>
    %mul3A = vector.broadcast %get3A_4 : vector<1x128xf32> to vector<10000x128xf32>
    %mul3A_5 = arith.mulf %get3A_1, %mul3A : vector<10000x128xf32>
    %get3A_6 = arith.constant 0 : index
    %get3A_7 = arith.constant 0 : index
    %get3A_8 = vector.load %arg1[%get3A_6, %get3A_7] : memref<10240x128xf32, #tpu.memory_space<vmem>>, vector<10000x128xf32>
    %add3A = arith.addf %mul3A_5, %get3A_8 : vector<10000x128xf32>
    %get3A_9 = arith.constant 0 : index
    %get3A_10 = arith.constant 0 : index
    %get3A_11 = vector.load %arg2[%get3A_9, %get3A_10] : memref<10240x128xf32, #tpu.memory_space<vmem>>, vector<10000x128xf32>
    %add3A_12 = arith.addf %add3A, %get3A_11 : vector<10000x128xf32>
    %get3A_13 = arith.constant 0 : index
    %get3A_14 = arith.constant 0 : index
    %get3A_15 = vector.load %arg4[%get3A_13, %get3A_14] : memref<128x256xf32, #tpu.memory_space<vmem>>, vector<128x256xf32>
    %dot_general3A = arith.constant dense<0.000000e+00> : vector<10000x256xf32>
    %dot_general3A_16 = tpu.matmul %add3A_12, %get3A_15, %dot_general3A {dimension_numbers = #tpu.dot_dimension_numbers<[1], [0], [0], [1], [0, 0, 1, 1], [], []>, transpose_lhs_hint = false} : vector<10000x128xf32>, vector<128x256xf32>, vector<10000x256xf32> -> vector<10000x256xf32>
    %get3A_17 = arith.constant 0 : index
    %get3A_18 = arith.constant 0 : index
    %get3A_19 = vector.load %arg5[%get3A_17, %get3A_18] : memref<1x256xf32, #tpu.memory_space<vmem>>, vector<1x256xf32>
    %add3A_20 = vector.broadcast %get3A_19 : vector<1x256xf32> to vector<10000x256xf32>
    %add3A_21 = arith.addf %dot_general3A_16, %add3A_20 : vector<10000x256xf32>
    %reduce_sum3A = arith.constant dense<0.000000e+00> : vector<256xf32>
    %reduce_sum3A_22 = vector.multi_reduction <add>, %add3A_21, %reduce_sum3A [0] : vector<10000x256xf32> to vector<256xf32>
    %broadcast_in_dim3A = vector.shape_cast %reduce_sum3A_22 : vector<256xf32> to vector<1x256xf32>
    %div3A = arith.constant 1.000000e+04 : f32
    %div3A_23 = vector.broadcast %div3A : f32 to vector<1x256xf32>
    %div3A_24 = arith.divf %broadcast_in_dim3A, %div3A_23 : vector<1x256xf32>
    %sub3A = vector.broadcast %div3A_24 : vector<1x256xf32> to vector<10000x256xf32>
    %sub3A_25 = arith.subf %add3A_21, %sub3A : vector<10000x256xf32>
    %mul3A_26 = arith.mulf %sub3A_25, %sub3A_25 : vector<10000x256xf32>
    %reduce_sum3A_27 = arith.constant dense<0.000000e+00> : vector<256xf32>
    %reduce_sum3A_28 = vector.multi_reduction <add>, %mul3A_26, %reduce_sum3A_27 [0] : vector<10000x256xf32> to vector<256xf32>
    %broadcast_in_dim3A_29 = vector.shape_cast %reduce_sum3A_28 : vector<256xf32> to vector<1x256xf32>
    %div3A_30 = arith.constant 1.000000e+04 : f32
    %div3A_31 = vector.broadcast %div3A_30 : f32 to vector<1x256xf32>
    %div3A_32 = arith.divf %broadcast_in_dim3A_29, %div3A_31 : vector<1x256xf32>
    %add3A_33 = arith.constant 9.99999974E-6 : f32
    %add3A_34 = vector.broadcast %add3A_33 : f32 to vector<1x256xf32>
    %add3A_35 = arith.addf %div3A_32, %add3A_34 : vector<1x256xf32>
    %sqrt3A = math.sqrt %add3A_35 : vector<1x256xf32>
    %div3A_36 = vector.broadcast %sqrt3A : vector<1x256xf32> to vector<10000x256xf32>
    %div3A_37 = arith.divf %sub3A_25, %div3A_36 : vector<10000x256xf32>
    %get3A_38 = arith.constant 0 : index
    %get3A_39 = arith.constant 0 : index
    %get3A_40 = vector.load %arg6[%get3A_38, %get3A_39] : memref<1x256xf32, #tpu.memory_space<vmem>>, vector<1x256xf32>
    %mul3A_41 = vector.broadcast %get3A_40 : vector<1x256xf32> to vector<10000x256xf32>
    %mul3A_42 = arith.mulf %div3A_37, %mul3A_41 : vector<10000x256xf32>
    %get3A_43 = arith.constant 0 : index
    %get3A_44 = arith.constant 0 : index
    %get3A_45 = vector.load %arg7[%get3A_43, %get3A_44] : memref<1x256xf32, #tpu.memory_space<vmem>>, vector<1x256xf32>
    %add3A_46 = vector.broadcast %get3A_45 : vector<1x256xf32> to vector<10000x256xf32>
    %add3A_47 = arith.addf %mul3A_42, %add3A_46 : vector<10000x256xf32>
    %max3A = arith.constant 0.000000e+00 : f32
    %max3A_48 = vector.broadcast %max3A : f32 to vector<10000x256xf32>
    %max3A_49 = arith.maximumf %add3A_47, %max3A_48 : vector<10000x256xf32>
    %get3A_50 = arith.constant 0 : index
    %get3A_51 = arith.constant 0 : index
    %get3A_52 = vector.load %arg8[%get3A_50, %get3A_51] : memref<256x128xf32, #tpu.memory_space<vmem>>, vector<256x128xf32>
    %dot_general3A_53 = arith.constant dense<0.000000e+00> : vector<10000x128xf32>
    %dot_general3A_54 = tpu.matmul %max3A_49, %get3A_52, %dot_general3A_53 {dimension_numbers = #tpu.dot_dimension_numbers<[1], [0], [0], [1], [0, 0, 1, 1], [], []>, transpose_lhs_hint = false} : vector<10000x256xf32>, vector<256x128xf32>, vector<10000x128xf32> -> vector<10000x128xf32>
    %get3A_55 = arith.constant 0 : index
    %get3A_56 = arith.constant 0 : index
    %get3A_57 = vector.load %arg9[%get3A_55, %get3A_56] : memref<1x128xf32, #tpu.memory_space<vmem>>, vector<1x128xf32>
    %add3A_58 = vector.broadcast %get3A_57 : vector<1x128xf32> to vector<10000x128xf32>
    %add3A_59 = arith.addf %dot_general3A_54, %add3A_58 : vector<10000x128xf32>
    %reduce_sum3A_60 = arith.constant dense<0.000000e+00> : vector<128xf32>
    %reduce_sum3A_61 = vector.multi_reduction <add>, %add3A_59, %reduce_sum3A_60 [0] : vector<10000x128xf32> to vector<128xf32>
    %broadcast_in_dim3A_62 = vector.shape_cast %reduce_sum3A_61 : vector<128xf32> to vector<1x128xf32>
    %div3A_63 = arith.constant 1.000000e+04 : f32
    %div3A_64 = vector.broadcast %div3A_63 : f32 to vector<1x128xf32>
    %div3A_65 = arith.divf %broadcast_in_dim3A_62, %div3A_64 : vector<1x128xf32>
    %sub3A_66 = vector.broadcast %div3A_65 : vector<1x128xf32> to vector<10000x128xf32>
    %sub3A_67 = arith.subf %add3A_59, %sub3A_66 : vector<10000x128xf32>
    %mul3A_68 = arith.mulf %sub3A_67, %sub3A_67 : vector<10000x128xf32>
    %reduce_sum3A_69 = arith.constant dense<0.000000e+00> : vector<128xf32>
    %reduce_sum3A_70 = vector.multi_reduction <add>, %mul3A_68, %reduce_sum3A_69 [0] : vector<10000x128xf32> to vector<128xf32>
    %broadcast_in_dim3A_71 = vector.shape_cast %reduce_sum3A_70 : vector<128xf32> to vector<1x128xf32>
    %div3A_72 = arith.constant 1.000000e+04 : f32
    %div3A_73 = vector.broadcast %div3A_72 : f32 to vector<1x128xf32>
    %div3A_74 = arith.divf %broadcast_in_dim3A_71, %div3A_73 : vector<1x128xf32>
    %add3A_75 = arith.constant 9.99999974E-6 : f32
    %add3A_76 = vector.broadcast %add3A_75 : f32 to vector<1x128xf32>
    %add3A_77 = arith.addf %div3A_74, %add3A_76 : vector<1x128xf32>
    %sqrt3A_78 = math.sqrt %add3A_77 : vector<1x128xf32>
    %div3A_79 = vector.broadcast %sqrt3A_78 : vector<1x128xf32> to vector<10000x128xf32>
    %div3A_80 = arith.divf %sub3A_67, %div3A_79 : vector<10000x128xf32>
    %get3A_81 = arith.constant 0 : index
    %get3A_82 = vector.load %arg10[%get3A_81] : memref<128xf32, #tpu.memory_space<vmem>>, vector<128xf32>
    %broadcast_in_dim3A_83 = vector.shape_cast %get3A_82 : vector<128xf32> to vector<1x128xf32>
    %mul3A_84 = vector.broadcast %broadcast_in_dim3A_83 : vector<1x128xf32> to vector<10000x128xf32>
    %mul3A_85 = arith.mulf %div3A_80, %mul3A_84 : vector<10000x128xf32>
    %get3A_86 = arith.constant 0 : index
    %get3A_87 = arith.constant 0 : index
    %get3A_88 = vector.load %arg11[%get3A_86, %get3A_87] : memref<1x128xf32, #tpu.memory_space<vmem>>, vector<1x128xf32>
    %add3A_89 = vector.broadcast %get3A_88 : vector<1x128xf32> to vector<10000x128xf32>
    %add3A_90 = arith.addf %mul3A_85, %add3A_89 : vector<10000x128xf32>
    %swap3A = arith.constant 0 : index
    %swap3A_91 = arith.constant 0 : index
    %swap3A_92 = vector.load %arg12[%swap3A, %swap3A_91] : memref<10000x128xf32, #tpu.memory_space<vmem>>, vector<10000x128xf32>
    tpu.vector_store %arg12[%swap3A, %swap3A_91], %add3A_90 {strides = array<i32>} : memref<10000x128xf32, #tpu.memory_space<vmem>>, vector<10000x128xf32>,
    return
  }
}

</mosaic_0001>

<sc_bundles>
// kernel: kernel.12.cloned.1.call-start
scs
__scs_entry_jumppad:
0x0: {  	(pc) =	sbr.rel $0x88, $3  }
0x1: {  	(tag) =	ssettag $0x0;
	lr =	simm.s32 $0x1  }
0x2: {  	[smem:$0x3F95] =	sst lr;
	_ =	strace $0xD0000000  }
0x3: {  	_ = 	snop  }
0x4: {  	_ = 	snop  }
0x5: {  	_ = 	snop  }
0x6: {  	_ = 	snop  }
0x7: {  	_ = 	snop  }
__scs_overlays_trampoline_lowered:
0x8: {  	[smem:$0x3FA4] =	sst s0  }
0x9: {  	[smem:$0x3FA5] =	sst s1  }
0xa: {  	[smem:$0x3FA6] =	sst s2  }
0xb: {  	[smem:$0x3FA7] =	sst s3  }
0xc: {  	[smem:$0x3FA8] =	sst s4  }
0xd: {  	[smem:$0x3FA9] =	sst s5  }
0xe: {  	[smem:$0x3FAA] =	sst s6  }
0xf: {  	[smem:$0x3FAB] =	sst s7  }
0x10: {  	[smem:$0x3FAC] =	sst s8  }
0x11: {  	[smem:$0x3FAD] =	sst s9;
	s0 =	simm.s32 @!p0 $0x0  }
0x12: {  	s1 =	sld [smem:$0x3F93];
	s0 =	simm.s32 @p0 $0x1  }
0x13: {  	[smem:$0x3FAE] =	sst s0;
	s0 =	simm.s32 @!p1 $0x0  }
0x14: {  	s2 =	sld [smem:$0x3F92];
	s0 =	simm.s32 @p1 $0x1  }
0x15: {  	[smem:$0x3FAF] =	sst s0;
	s0 =	simm.s32 @!p2 $0x0  }
0x16: {  	s3 =	sld [smem:$0x3FDB];
	s0 =	simm.s32 @p2 $0x1  }
0x17: {  	s4 =	simm.s32 $0x1BF5;
	[smem:$0x3FB1] =	sst s0  }
0x18: {  	s0 =	sld [smem:$0x3F94];
	_ =	swait.ge [sflag:s4], $0x0  }
0x19: {  	s7 =	sld [smem:$0x3F95]  }
0x1a: {  	s8 =	sadd.s32 $0xFFFFE003, lr  }
0x1b: {  	s9 =	sadd.s32 $0xFFFFFEF7, lr;
	s5 =	simm.s32 $0xFFFFFFFF;
	p2 =	slt.u32 s8, $0xFFFFF086  }
0x1c: {  	p1 =	slt.u32 s9, $0xF7A;
	s5 =	simm.s32 @!p2 $0x0  }
0x1d: {  	s5 =	simm.s32 @p1 $0x1;
	p0 =	seq.s32 s7, s2  }
0x1e: {  	s7 =	smul.u32 @!p0 $0xF7A, s2;
	p2 =	seq.s32 @!p0 s5, $0x0  }
0x1f: {  	s9 =	smul.u32 $0xF7A, s1;
	s8 =	simm.s32 @!p0 $0x1BF5;
	p2 =	por !p2, p0  }
0x20: {  	[sflag:s8] =	ssyncset.s32 @!p0 $0xFFFFF086;
	s6 =	sadd.s32 @!p0 s3, s7;
	s7 =	simm.s32 @!p0 $0x108  }
0x21: {  	s3 =	sadd.s32 s3, s9;
	s6 =	sadd.s32 @!p0 $0x88, s6;
	s7 =	simm.s32 @p2 $0x1082  }
0x22: {  	[simem:s7], [sflag:s8] =	dma.local @!p0 [hbm:s6], $0xF7A  }
0x23: {  	s9 =	sor.u32 $0xD0000000, s2;
	s6 =	simm.s32 $0x108;
	_ =	swait.ge @!p0 [sflag:s8], $0x0  }
0x24: {  	s3 =	sadd.s32 $0x88, s3;
	s6 =	simm.s32 @!p1 $0x1082;
	[sflag:s4] =	ssyncset.s32 $0xFFFFF086  }
0x25: {  	[simem:s6], [sflag:s4] =	dma.local [hbm:s3], $0xF7A  }
0x26: {  	[smem:$0x3F95] =	sst s1;
	(tag) =	ssettag s2;
	_ =	strace s9  }
0x27: {  	s1 =	sld [smem:$0x3FA5]  }
0x28: {  	s2 =	sld [smem:$0x3FA6]  }
0x29: {  	s4 =	sld [smem:$0x3FA8]  }
0x2a: {  	p0 =	seq.s32 s5, $0x0;
	s5 =	sld [smem:$0x3FA9]  }
0x2b: {  	s6 =	sld [smem:$0x3FAA]  }
0x2c: {  	s7 =	sld [smem:$0x3FAB]  }
0x2d: {  	s3 =	simm.s32 $0x108;
	s8 =	sld [smem:$0x3FAC]  }
0x2e: {  	s3 =	simm.s32 @!p0 $0x1082;
	s9 =	sld [smem:$0x3FAD]  }
0x2f: {  	lr =	sadd.s32 s0, s3;
	s0 =	sld [smem:$0x3FA4]  }
0x30: {  	s3 =	sld [smem:$0x3FA7]  }
0x31: {  	[smem:$0x3FB0] =	sst s10  }
0x32: {  	s10 =	sld [smem:$0x3FAE];
	_ =	sdelay $0x3  }
0x33: {  	p0 =	seq.s32 s10, $0x1;
	s10 =	sld [smem:$0x3FB0];
	_ =	sdelay $0x3  }
0x34: {  	[smem:$0x3FB0] =	sst s10  }
0x35: {  	s10 =	sld [smem:$0x3FAF];
	_ =	sdelay $0x3  }
0x36: {  	p1 =	seq.s32 s10, $0x1;
	s10 =	sld [smem:$0x3FB0];
	_ =	sdelay $0x3  }
0x37: {  	[smem:$0x3FB0] =	sst s10  }
0x38: {  	s10 =	sld [smem:$0x3FB1]  }
0x39: {  	_ = 	snop;
	(pc) =	sbr.ind lr, $3  }
0x3a: {  	_ = 	snop  }
0x3b: {  	_ = 	snop  }
0x3c: {  	p2 =	seq.s32 s10, $0x1;
	s10 =	sld [smem:$0x3FB0]  }
0x3d: {  	_ =	shalt  }
0x3e: {  	_ =	shalt  }
0x3f: {  	_ =	shalt  }
0x40: {  	_ =	shalt  }
0x41: {  	_ =	shalt  }
0x42: {  	_ =	shalt  }
0x43: {  	_ =	shalt  }
0x44: {  	_ =	shalt  }
0x45: {  	_ =	shalt  }
0x46: {  	_ =	shalt  }
0x47: {  	_ =	shalt  }
0x48: {  	_ =	shalt  }
0x49: {  	_ =	shalt  }
0x4a: {  	_ =	shalt  }
0x4b: {  	_ =	shalt  }
0x4c: {  	_ =	shalt  }
0x4d: {  	_ =	shalt  }
0x4e: {  	_ =	shalt  }
0x4f: {  	_ =	shalt  }
0x50: {  	_ =	shalt  }
0x51: {  	_ =	shalt  }
0x52: {  	_ =	shalt  }
0x53: {  	_ =	shalt  }
0x54: {  	_ =	shalt  }
0x55: {  	_ =	shalt  }
0x56: {  	_ =	shalt  }
0x57: {  	_ =	shalt  }
0x58: {  	_ =	shalt  }
0x59: {  	_ =	shalt  }
0x5a: {  	_ =	shalt  }
0x5b: {  	_ =	shalt  }
0x5c: {  	_ =	shalt  }
0x5d: {  	_ =	shalt  }
0x5e: {  	_ =	shalt  }
0x5f: {  	_ =	shalt  }
0x60: {  	_ =	shalt  }
0x61: {  	_ =	shalt  }
0x62: {  	_ =	shalt  }
0x63: {  	_ =	shalt  }
0x64: {  	_ =	shalt  }
0x65: {  	_ =	shalt  }
0x66: {  	_ =	shalt  }
0x67: {  	_ =	shalt  }
0x68: {  	_ =	shalt  }
0x69: {  	_ =	shalt  }
0x6a: {  	_ =	shalt  }
0x6b: {  	_ =	shalt  }
0x6c: {  	_ =	shalt  }
0x6d: {  	_ =	shalt  }
0x6e: {  	_ =	shalt  }
0x6f: {  	_ =	shalt  }
0x70: {  	_ =	shalt  }
0x71: {  	_ =	shalt  }
0x72: {  	_ =	shalt  }
0x73: {  	_ =	shalt  }
0x74: {  	_ =	shalt  }
0x75: {  	_ =	shalt  }
0x76: {  	_ =	shalt  }
0x77: {  	_ =	shalt  }
0x78: {  	_ =	shalt  }
0x79: {  	_ =	shalt  }
0x7a: {  	_ =	shalt  }
0x7b: {  	_ =	shalt  }
0x7c: {  	_ =	shalt  }
0x7d: {  	_ =	shalt  }
0x7e: {  	_ =	shalt  }
0x7f: {  	_ =	shalt  }
0x80: {  	_ =	shalt  }
0x81: {  	_ =	shalt  }
0x82: {  	_ =	shalt  }
0x83: {  	_ =	shalt  }
0x84: {  	_ =	shalt  }
0x85: {  	_ =	shalt  }
0x86: {  	_ =	shalt  }
0x87: {  	_ =	shalt  }
.Lfunc_end0:
.L_simem_size_0:
called_computation.1_lowered:
.L_overlay_start_0:
0x88: {  	s2 =	sld [smem:$0x3FD9]  }
0x89: {  	s3 =	sld [smem:$0x3FFE];
	_ =	sdelay $0x1  }
0x8a: {  	s1 =	srdreg.scid  }
0x8b: {  	s0 =	sand.u32 $0x1, s1  }
0x8c: {  	s17 =	sshll.u32 s0, $0xA;
	s2 =	sadd.s32 s3, s2  }
0x8d: {  	s2 =	sadd.s32 s2, s17  }
0x8e: {  	[smem:$0x3FBC] =	sst s2  }
0x8f: {  	_ = 	snop  }
0x90: {  	s2 =	sld [smem:$0x3FD0];
	(tm) =	ssettm $0x1  }
0x91: {  	s18 =	sld [smem:$0x3FFB];
	_ =	sdelay $0x3  }
0x92: {  	_ =	strace s18  }
0x93: {  	s3 =	sld [smem:$0x3FFC];
	_ =	sdelay $0x3  }
0x94: {  	_ =	strace s3  }
0x95: {  	s3 =	sld [smem:$0x3FFD];
	_ =	sdelay $0x3  }
0x96: {  	_ =	strace s3  }
0x97: {  	_ =	strace $0x8FFFFFFF  }
0x98: {  	s19 =	sld [smem:$0x3FDB];
	_ =	sdelay $0x1  }
0x99: {  	s4 =	simm.s32 $_scs_section_size  }
0x9a: {  	s5 =	simm.s32 $_size__tile_overlayer_lowered;
	s6 =	simm.s32 $_tile_overlayer_lowered  }
0x9b: {  	s22 =	simm.s32 $0x1BFF;
	s21 =	sshll.u32 s6, $0x1;
	s3 =	sadd.s32 s4, s19  }
0x9c: {  	s7 =	simm.s32 $0x0;
	s20 =	sshll.u32 s5, $0x1;
	s5 =	sadd.s32 s21, s3  }
0x9d: {  	[timem:s7], [sflag:s22] =	dma.local [hbm:s5], s20  }
0x9e: {  	_ =	swait.ge [sflag:s22], s20  }
0x9f: {  	s4 =	ssub.s32 $0x0, s20;
	[sflag:s22] =	ssyncset.done $0x0  }
0xa0: {  	[sflag:s22] =	ssyncadd.s32 s4;
	_ =	sdelay $0x1  }
0xa1: {  	s23 =	simm.s32 $0x1B8B  }
0xa2: {  	_ =	swait.ge [sflag:s23], $0x1  }
0xa3: {  	[sflag:s23] =	ssyncset.done $0x0  }
0xa4: {  	s25 =	simm.s32 $0x1B8E;
	s24 =	sld [smem:$0x3FFE];
	[sflag:s23] =	ssyncadd.s32 $0xFFFFFFFF  }
0xa5: {  	s26 =	simm.s32 $execute0_lowered;
	[smem:$0x3FD2] =	sst s25  }
0xa6: {  	s5 =	sshll.u32 s26, $0x1;
	_ =	strace $0x80000049;
	[dreg:$0x1] =	wrdreg $0xFFFFFFFF  }
0xa7: {  	s28 =	simm.s32 $_size_execute0_lowered;
	s3 =	sadd.s32 s3, s5;
	[dreg:$0x0] =	wrdreg $0x0  }
0xa8: {  	s5 =	sshll.u32 s28, $0x1;
	[dreg:$0x2] =	wrdreg s3  }
0xa9: {  	[dreg:$0x3] =	wrdreg s5  }
0xaa: {  	[dreg:$0x4] =	wrdreg $0xC0  }
0xab: {  	_ =	task [dreg:s7], $0x5FFFF  }
0xac: {  	[dreg:$0x1] =	wrdreg $0xFFFFFFFF  }
0xad: {  	[dreg:$0x0] =	wrdreg $0x60  }
0xae: {  	[dreg:$0x2] =	wrdreg s2  }
0xaf: {  	[dreg:$0x3] =	wrdreg s24  }
0xb0: {  	[dreg:$0x4] =	wrdreg $0xAA000  }
0xb1: {  	[dreg:$0x5] =	wrdreg $0x9  }
0xb2: {  	_ =	task.clear_ibuf [dreg:s7], $0x6FFFF;
	_ =	strace $0x90000049  }
0xb3: {  	s29 =	simm.s32 $0x9;
	_ =	strace $0x8000004B  }
0xb4: {  	_ =	swait.ge [sflag:s29], $0x1  }
0xb5: {  	[sflag:s29] =	ssyncadd.s32 $0xFFFFFFFF  }
0xb6: {  	_ =	strace $0x9000004B  }
0xb7: {  	_ =	sfence  }
0xb8: {  	s30 =	sld [smem:$0x0];
	_ =	sdelay $0x2  }
0xb9: {  	s31 =	sshll.u32 s1, $0xD;
	s1 =	sshrl.u32 s1, $0x2  }
0xba: {  	s3 =	sand.u32 $0x4000, s31;
	s1 =	sadd.s32 s1, s30  }
0xbb: {  	s0 =	sor.u32 s3, s0;
	s1 =	sshll.u32 s1, $0x11  }
0xbc: {  	s0 =	sor.u32 s1, s0  }
0xbd: {  	s0 =	sadd.s32 $0x8F2B, s0  }
0xbe: {  	[sflag:s0] =	ssyncadd.remote.s32 $0x1  }
0xbf: {  	_ =	sfence.sel $0xFFFF  }
0xc0: {  	[dreg:$0x0] =	wrdreg $0xFFFFFFFF;
	(pc) =	sbr.abs _section_cstart, $3  }
0xc1: {  	[dreg:$0x1] =	wrdreg $0xFFFFFFFF  }
0xc2: {  	_ =	task.clear_ibuf [dreg:s7], $0x2FFFF;
	_ =	strace $0x9FFFFFFF  }
0xc3: {  	(tm) =	ssettm $0x7FFFFFFF  }
tec
execute0_lowered:
.L_overlay_start_1:
0x0: {  	(tag) =	ssettag $0x1  }
0x1: {  	s1 =	rddreg [dreg:$0x0]  }
0x2: {  	s0 =	srdreg.scid;
	s5 =	rddreg [dreg:$0x1]  }
0x3: {  	s12 =	stileid.u32;
	s3 =	rddreg [dreg:$0x2];
	s4 =	simm.s32 $0x0  }
0x4: {  	s14 =	simm.s32 $0x2880;
	s16 =	simm.s32 $0x2900;
	s18 =	simm.s32 $0x2980  }
0x5: {  	s19 =	simm.s32 $0x80;
	s20 =	simm.s32 $0x2A00;
	s21 =	simm.s32 $0x6A00  }
0x6: {  	s22 =	simm.s32 $0x1;
	s23 =	simm.s32 $0x3;
	s28 =	simm.s32 $0x5  }
0x7: {  	s29 =	simm.s32 $0x6;
	s0 =	sand.u32 $0x1, s0;
	s24 =	smul.u32 $0x2800, s12  }
0x8: {  	[smem:$0x7FF] =	sst s4;
	s7 =	smul.u32 $0x50000, s12;
	s31 =	sshll.u32 s12, $0x6  }
0x9: {  	s2 =	sshll.u32 s0, $0x4;
	s6 =	smul.u32 $0x28000, s0;
	_ =	strace $0x8000004A  }
0xa: {  	s0 =	ssub.s32 $0x2, s0;
	s2 =	sor.u32 s12, s2;
	s8 =	sadd.s32 s24, s5  }
0xb: {  	s9 =	sshrl.u32 s0, $0x1;
	s25 =	sshrl.u32 s7, $0x2;
	s12 =	simm.s32 $0x2800  }
0xc: {  	s2 =	smul.u32 $0x500, s2;
	s10 =	sadd.s32 s6, s5;
	s0 =	ssub.s32 s0, s9  }
0xd: {  	s11 =	sadd.s32 s25, s3;
	s6 =	sadd.s32 $0x18400, s8;
	s9 =	simm.s32 $0x7  }
0xe: {  	s25 =	simm.s32 $0x2;
	s30 =	sadd.s32 $0x40400, s10;
	s8 =	smax.u32 s0, $0x1  }
0xf: {  	s10 =	sor.u32 $0x1C07, s31;
	s11 =	sshrl.u32 s11, $0x3;
	s2 =	sadd.s32 s2, s5  }
0x10: {  	s24 =	sadd.s32 s24, s30;
	s26 =	sadd.s32 $0x4400, s2;
	s7 =	sadd.s32 $0xE400, s2  }
0x11: {  	s2 =	simm.s32 $0x0;
	[dreg:$0x4] =	wrdreg s26;
	s13 =	sadd.s32 $0x10, s7  }
0x12: {  	s15 =	sadd.s32 $0x20, s7;
	s17 =	sadd.s32 $0x30, s7;
	s26 =	simm.s32 $0x4  }
.LBB2_1:
0x13: {  	s0 =	rddreg [dreg:$0x4]  }
0x14: {  	[tilespmem:s4], [sflag:$0x7] =	stream.linear.gather [hbm4b:s0+s4], $0x2800, $0x38;
	[tilespmem:$0x1EA00] =	vst v63  }
0x15: {  	_ =	swait.ge [sflag:s9], $0x2800  }
0x16: {  	[sflag:s9] =	ssyncset.done $0x0  }
0x17: {  	[sflag:s9] =	ssyncadd.s32 $0xFFFFD800  }
0x18: {  	[spmem:s11], [sflag:s10] =	dma.local [hbm:s6], $0x2800  }
0x19: {  	_ =	swait.ge [sflag:s9], $0x2800  }
0x1a: {  	[sflag:s9] =	ssyncset.done $0x0  }
0x1b: {  	[sflag:s9] =	ssyncadd.s32 $0xFFFFD800  }
0x1c: {  	[tilespmem:s12], [sflag:$0x3] =	stream.linear.gather [hbm4b:s7+s4], $0x80, $0x38;
	[tilespmem:$0x1EA00] =	vst v63  }
0x1d: {  	_ = 	snop  }
0x1e: {  	[tilespmem:s14], [sflag:$0x4] =	stream.linear.gather [hbm4b:s13+s4], $0x80, $0x38;
	[tilespmem:$0x1EA00] =	vst v63  }
0x1f: {  	_ = 	snop  }
0x20: {  	[tilespmem:s16], [sflag:$0x5] =	stream.linear.gather [hbm4b:s15+s4], $0x80, $0x38;
	[tilespmem:$0x1EA00] =	vst v63  }
0x21: {  	_ = 	snop  }
0x22: {  	[tilespmem:s18], [sflag:$0x6] =	stream.linear.gather [hbm4b:s17+s4], $0x80, $0x38;
	[tilespmem:$0x1EA00] =	vst v63  }
0x23: {  	_ = 	snop  }
0x24: {  	[tilespmem:s20], [sflag:$0x1] =	stream.indirect.gather [hbm4b:s1+s19], $0x80, s4, s19, $0xb8;
	[tilespmem:$0x1EA00] =	vst v63  }
0x25: {  	_ = 	snop  }
0x26: {  	[tilespmem:s21], [sflag:$0x2] =	stream.indirect.gather [hbm4b:s1+s19], $0x80, s19, s19, $0xb8;
	[tilespmem:$0x1EA00] =	vst v63  }
0x27: {  	[bflag:$0x0] =	sbarrier.arrive $0xFFFF  }
0x28: {  	_ =	swait.ge [sflag:s22], $0x4000  }
0x29: {  	[sflag:s22] =	ssyncset.done $0x0  }
0x2a: {  	[sflag:s22] =	ssyncadd.s32 $0xFFFFC000  }
0x2b: {  	_ =	swait.ge [sflag:s23], $0x80  }
0x2c: {  	[sflag:s23] =	ssyncset.done $0x0  }
0x2d: {  	[sflag:s23] =	ssyncadd.s32 $0xFFFFFF80  }
0x2e: {  	[spmem:s3] =	stream.indirect.scatter.add.f32 [tilespmem:s20], [sflag:$0x7], $0x80, s12, s19, $0xb8;
	[tilespmem:$0x1EA00] =	vst v63  }
0x2f: {  	_ =	swait.ge [sflag:s9], $0x4000  }
0x30: {  	s5 =	sadd.s32 $0x0, s7;
	[sflag:s9] =	ssyncset.done $0x0  }
0x31: {  	s30 =	sadd.s32 $0x40, s5;
	[sflag:s9] =	ssyncadd.s32 $0xFFFFC000  }
0x32: {  	[tilespmem:s12], [sflag:$0x3] =	stream.linear.gather [hbm4b:s30+s4], $0x80, $0x38;
	[tilespmem:$0x1EA00] =	vst v63  }
0x33: {  	s30 =	simm.s32 $0x100  }
0x34: {  	[tilespmem:s20], [sflag:$0x1] =	stream.indirect.gather [hbm4b:s1+s19], $0x80, s30, s19, $0xb8;
	[tilespmem:$0x1EA00] =	vst v63  }
0x35: {  	_ =	swait.ge [sflag:s25], $0x4000  }
0x36: {  	[sflag:s25] =	ssyncset.done $0x0  }
0x37: {  	[sflag:s25] =	ssyncadd.s32 $0xFFFFC000  }
0x38: {  	_ =	swait.ge [sflag:s26], $0x80  }
0x39: {  	[sflag:s26] =	ssyncset.done $0x0  }
0x3a: {  	[sflag:s26] =	ssyncadd.s32 $0xFFFFFF80  }
0x3b: {  	[spmem:s3] =	stream.indirect.scatter.add.f32 [tilespmem:s21], [sflag:$0x7], $0x80, s14, s19, $0xb8;
	[tilespmem:$0x1EA00] =	vst v63  }
0x3c: {  	_ =	swait.ge [sflag:s9], $0x4000  }
0x3d: {  	[sflag:s9] =	ssyncset.done $0x0  }
0x3e: {  	s30 =	sadd.s32 $0x50, s5;
	[sflag:s9] =	ssyncadd.s32 $0xFFFFC000  }
0x3f: {  	[tilespmem:s14], [sflag:$0x4] =	stream.linear.gather [hbm4b:s30+s4], $0x80, $0x38;
	[tilespmem:$0x1EA00] =	vst v63  }
0x40: {  	s30 =	simm.s32 $0x180  }
0x41: {  	[tilespmem:s21], [sflag:$0x2] =	stream.indirect.gather [hbm4b:s1+s19], $0x80, s30, s19, $0xb8;
	[tilespmem:$0x1EA00] =	vst v63  }
0x42: {  	_ =	swait.ge [sflag:s22], $0x4000  }
0x43: {  	[sflag:s22] =	ssyncset.done $0x0  }
0x44: {  	[sflag:s22] =	ssyncadd.s32 $0xFFFFC000  }
0x45: {  	_ =	swait.ge [sflag:s28], $0x80  }
0x46: {  	[sflag:s28] =	ssyncset.done $0x0  }
0x47: {  	[sflag:s28] =	ssyncadd.s32 $0xFFFFFF80  }
0x48: {  	[spmem:s3] =	stream.indirect.scatter.add.f32 [tilespmem:s20], [sflag:$0x7], $0x80, s16, s19, $0xb8;
	[tilespmem:$0x1EA00] =	vst v63  }
0x49: {  	_ =	swait.ge [sflag:s9], $0x4000  }
0x4a: {  	[sflag:s9] =	ssyncset.done $0x0  }
0x4b: {  	s30 =	sadd.s32 $0x60, s5;
	[sflag:s9] =	ssyncadd.s32 $0xFFFFC000  }
0x4c: {  	[tilespmem:s16], [sflag:$0x5] =	stream.linear.gather [hbm4b:s30+s4], $0x80, $0x38;
	[tilespmem:$0x1EA00] =	vst v63  }
0x4d: {  	s30 =	simm.s32 $0x200  }
0x4e: {  	[tilespmem:s20], [sflag:$0x1] =	stream.indirect.gather [hbm4b:s1+s19], $0x80, s30, s19, $0xb8;
	[tilespmem:$0x1EA00] =	vst v63  }
0x4f: {  	_ =	swait.ge [sflag:s25], $0x4000  }
0x50: {  	[sflag:s25] =	ssyncset.done $0x0  }
0x51: {  	[sflag:s25] =	ssyncadd.s32 $0xFFFFC000  }
0x52: {  	_ =	swait.ge [sflag:s29], $0x80  }
0x53: {  	[sflag:s29] =	ssyncset.done $0x0  }
0x54: {  	[sflag:s29] =	ssyncadd.s32 $0xFFFFFF80  }
0x55: {  	[spmem:s3] =	stream.indirect.scatter.add.f32 [tilespmem:s21], [sflag:$0x7], $0x80, s18, s19, $0xb8;
	[tilespmem:$0x1EA00] =	vst v63  }
0x56: {  	_ =	swait.ge [sflag:s9], $0x4000  }
0x57: {  	[sflag:s9] =	ssyncset.done $0x0  }
0x58: {  	s0 =	sadd.s32 $0x70, s5;
	[sflag:s9] =	ssyncadd.s32 $0xFFFFC000  }
0x59: {  	[tilespmem:s18], [sflag:$0x6] =	stream.linear.gather [hbm4b:s0+s4], $0x80, $0x38;
	[tilespmem:$0x1EA00] =	vst v63  }
0x5a: {  	s31 =	simm.s32 $0x280;
	s30 =	simm.s32 $0x380;
	s0 =	simm.s32 $0x40  }
.LBB2_2:
0x5b: {  	[tilespmem:s21], [sflag:$0x2] =	stream.indirect.gather [hbm4b:s1+s19], $0x80, s31, s19, $0xb8;
	[tilespmem:$0x1EA00] =	vst v63  }
0x5c: {  	s31 =	smov.u32 s0  }
0x5d: {  	p0 =	sne.s32 s0, $0x480;
	s0 =	sadd.s32 $0x40, s0;
	_ =	swait.ge [sflag:s22], $0x4000  }
0x5e: {  	[sflag:s22] =	ssyncset.done $0x0  }
0x5f: {  	[sflag:s22] =	ssyncadd.s32 $0xFFFFC000  }
0x60: {  	_ =	swait.ge [sflag:s23], $0x80  }
0x61: {  	[sflag:s23] =	ssyncset.done $0x0  }
0x62: {  	[sflag:s23] =	ssyncadd.s32 $0xFFFFFF80  }
0x63: {  	[spmem:s3] =	stream.indirect.scatter.add.f32 [tilespmem:s20], [sflag:$0x7], $0x80, s12, s19, $0xb8;
	[tilespmem:$0x1EA00] =	vst v63  }
0x64: {  	_ =	swait.ge [sflag:s9], $0x4000  }
0x65: {  	s31 =	sadd.s32 s31, s7;
	[sflag:s9] =	ssyncset.done $0x0  }
0x66: {  	s5 =	sadd.s32 $0x40, s31;
	[sflag:s9] =	ssyncadd.s32 $0xFFFFC000  }
0x67: {  	[tilespmem:s12], [sflag:$0x3] =	stream.linear.gather [hbm4b:s5+s4], $0x80, $0x38;
	[tilespmem:$0x1EA00] =	vst v63  }
0x68: {  	s5 =	sadd.s32 $0xFFFFFF80, s30  }
0x69: {  	[tilespmem:s20], [sflag:$0x1] =	stream.indirect.gather [hbm4b:s1+s19], $0x80, s5, s19, $0xb8;
	[tilespmem:$0x1EA00] =	vst v63  }
0x6a: {  	_ =	swait.ge [sflag:s25], $0x4000  }
0x6b: {  	[sflag:s25] =	ssyncset.done $0x0  }
0x6c: {  	[sflag:s25] =	ssyncadd.s32 $0xFFFFC000  }
0x6d: {  	_ =	swait.ge [sflag:s26], $0x80  }
0x6e: {  	[sflag:s26] =	ssyncset.done $0x0  }
0x6f: {  	[sflag:s26] =	ssyncadd.s32 $0xFFFFFF80  }
0x70: {  	[spmem:s3] =	stream.indirect.scatter.add.f32 [tilespmem:s21], [sflag:$0x7], $0x80, s14, s19, $0xb8;
	[tilespmem:$0x1EA00] =	vst v63  }
0x71: {  	_ =	swait.ge [sflag:s9], $0x4000  }
0x72: {  	[sflag:s9] =	ssyncset.done $0x0  }
0x73: {  	s5 =	sadd.s32 $0x50, s31;
	[sflag:s9] =	ssyncadd.s32 $0xFFFFC000  }
0x74: {  	[tilespmem:s14], [sflag:$0x4] =	stream.linear.gather [hbm4b:s5+s4], $0x80, $0x38;
	[tilespmem:$0x1EA00] =	vst v63  }
0x75: {  	_ = 	snop  }
0x76: {  	[tilespmem:s21], [sflag:$0x2] =	stream.indirect.gather [hbm4b:s1+s19], $0x80, s30, s19, $0xb8;
	[tilespmem:$0x1EA00] =	vst v63  }
0x77: {  	_ =	swait.ge [sflag:s22], $0x4000  }
0x78: {  	[sflag:s22] =	ssyncset.done $0x0  }
0x79: {  	[sflag:s22] =	ssyncadd.s32 $0xFFFFC000  }
0x7a: {  	_ =	swait.ge [sflag:s28], $0x80  }
0x7b: {  	[sflag:s28] =	ssyncset.done $0x0  }
0x7c: {  	[sflag:s28] =	ssyncadd.s32 $0xFFFFFF80  }
0x7d: {  	[spmem:s3] =	stream.indirect.scatter.add.f32 [tilespmem:s20], [sflag:$0x7], $0x80, s16, s19, $0xb8;
	[tilespmem:$0x1EA00] =	vst v63  }
0x7e: {  	_ =	swait.ge [sflag:s9], $0x4000  }
0x7f: {  	[sflag:s9] =	ssyncset.done $0x0  }
0x80: {  	s5 =	sadd.s32 $0x60, s31;
	[sflag:s9] =	ssyncadd.s32 $0xFFFFC000  }
0x81: {  	[tilespmem:s16], [sflag:$0x5] =	stream.linear.gather [hbm4b:s5+s4], $0x80, $0x38;
	[tilespmem:$0x1EA00] =	vst v63  }
0x82: {  	s5 =	sadd.s32 $0x80, s30  }
0x83: {  	[tilespmem:s20], [sflag:$0x1] =	stream.indirect.gather [hbm4b:s1+s19], $0x80, s5, s19, $0xb8;
	[tilespmem:$0x1EA00] =	vst v63  }
0x84: {  	_ =	swait.ge [sflag:s25], $0x4000  }
0x85: {  	[sflag:s25] =	ssyncset.done $0x0  }
0x86: {  	[sflag:s25] =	ssyncadd.s32 $0xFFFFC000  }
0x87: {  	_ =	swait.ge [sflag:s29], $0x80  }
0x88: {  	[sflag:s29] =	ssyncset.done $0x0  }
0x89: {  	[sflag:s29] =	ssyncadd.s32 $0xFFFFFF80  }
0x8a: {  	[spmem:s3] =	stream.indirect.scatter.add.f32 [tilespmem:s21], [sflag:$0x7], $0x80, s18, s19, $0xb8;
	[tilespmem:$0x1EA00] =	vst v63  }
.Ltmp0:
0x8b: {  	_ =	swait.ge [sflag:s9], $0x4000;
	(pc) =	sbr.rel @p0 .LBB2_2-.Ltmp0, $4  }
0x8c: {  	[sflag:s9] =	ssyncset.done $0x0  }
0x8d: {  	s5 =	sadd.s32 $0x70, s31;
	[sflag:s9] =	ssyncadd.s32 $0xFFFFC000  }
0x8e: {  	[tilespmem:s18], [sflag:$0x6] =	stream.linear.gather [hbm4b:s5+s4], $0x80, $0x38;
	[tilespmem:$0x1EA00] =	vst v63  }
0x8f: {  	s31 =	sadd.s32 $0x100, s30;
	s30 =	sadd.s32 $0x200, s30  }
0x90: {  	[tilespmem:s21], [sflag:$0x2] =	stream.indirect.gather [hbm4b:s1+s19], $0x80, s31, s19, $0xb8;
	[tilespmem:$0x1EA00] =	vst v63  }
0x91: {  	_ =	swait.ge [sflag:s22], $0x4000  }
0x92: {  	[sflag:s22] =	ssyncset.done $0x0  }
0x93: {  	[sflag:s22] =	ssyncadd.s32 $0xFFFFC000  }
0x94: {  	_ =	swait.ge [sflag:s23], $0x80  }
0x95: {  	[sflag:s23] =	ssyncset.done $0x0  }
0x96: {  	[sflag:s23] =	ssyncadd.s32 $0xFFFFFF80  }
0x97: {  	[spmem:s3] =	stream.indirect.scatter.add.f32 [tilespmem:s20], [sflag:$0x7], $0x80, s12, s19, $0xb8;
	[tilespmem:$0x1EA00] =	vst v63  }
0x98: {  	_ =	swait.ge [sflag:s9], $0x4000  }
0x99: {  	[sflag:s9] =	ssyncset.done $0x0  }
0x9a: {  	s0 =	simm.s32 $0x2700;
	[sflag:s9] =	ssyncadd.s32 $0xFFFFC000  }
0x9b: {  	[tilespmem:s20], [sflag:$0x1] =	stream.indirect.gather [hbm4b:s1+s19], $0x80, s0, s19, $0xb8;
	[tilespmem:$0x1EA00] =	vst v63  }
0x9c: {  	_ =	swait.ge [sflag:s25], $0x4000  }
0x9d: {  	[sflag:s25] =	ssyncset.done $0x0  }
0x9e: {  	[sflag:s25] =	ssyncadd.s32 $0xFFFFC000  }
0x9f: {  	_ =	swait.ge [sflag:s26], $0x80  }
0xa0: {  	[sflag:s26] =	ssyncset.done $0x0  }
0xa1: {  	[sflag:s26] =	ssyncadd.s32 $0xFFFFFF80  }
0xa2: {  	[spmem:s3] =	stream.indirect.scatter.add.f32 [tilespmem:s21], [sflag:$0x7], $0x80, s14, s19, $0xb8;
	[tilespmem:$0x1EA00] =	vst v63  }
0xa3: {  	_ =	swait.ge [sflag:s9], $0x4000  }
0xa4: {  	[sflag:s9] =	ssyncset.done $0x0  }
0xa5: {  	s31 =	simm.s32 $0x2780;
	[sflag:s9] =	ssyncadd.s32 $0xFFFFC000  }
0xa6: {  	[tilespmem:s21], [sflag:$0x2] =	stream.indirect.gather [hbm4b:s1+s19], $0x80, s31, s19, $0xb8;
	[tilespmem:$0x1EA00] =	vst v63  }
0xa7: {  	_ =	swait.ge [sflag:s22], $0x4000  }
0xa8: {  	[sflag:s22] =	ssyncset.done $0x0  }
0xa9: {  	[sflag:s22] =	ssyncadd.s32 $0xFFFFC000  }
0xaa: {  	_ =	swait.ge [sflag:s28], $0x80  }
0xab: {  	[sflag:s28] =	ssyncset.done $0x0  }
0xac: {  	[sflag:s28] =	ssyncadd.s32 $0xFFFFFF80  }
0xad: {  	[spmem:s3] =	stream.indirect.scatter.add.f32 [tilespmem:s20], [sflag:$0x7], $0x80, s16, s19, $0xb8;
	[tilespmem:$0x1EA00] =	vst v63  }
0xae: {  	_ =	swait.ge [sflag:s9], $0x4000  }
0xaf: {  	[sflag:s9] =	ssyncset.done $0x0  }
0xb0: {  	[sflag:s9] =	ssyncadd.s32 $0xFFFFC000  }
0xb1: {  	_ =	swait.ge [sflag:s25], $0x4000  }
0xb2: {  	[sflag:s25] =	ssyncset.done $0x0  }
0xb3: {  	[sflag:s25] =	ssyncadd.s32 $0xFFFFC000  }
0xb4: {  	_ =	swait.ge [sflag:s29], $0x80  }
0xb5: {  	[sflag:s29] =	ssyncset.done $0x0  }
0xb6: {  	[sflag:s29] =	ssyncadd.s32 $0xFFFFFF80  }
0xb7: {  	[spmem:s3] =	stream.indirect.scatter.add.f32 [tilespmem:s21], [sflag:$0x7], $0x80, s18, s19, $0xb8;
	[tilespmem:$0x1EA00] =	vst v63  }
0xb8: {  	_ =	swait.ge [sflag:s9], $0x4000  }
0xb9: {  	s2 =	sadd.s32 $0x1, s2;
	[sflag:s9] =	ssyncset.done $0x0  }
0xba: {  	p0 =	sne.s32 s2, s8;
	[sflag:s9] =	ssyncadd.s32 $0xFFFFC000  }
.Ltmp1:
0xbb: {  	[bflag:$0x0] =	sbarrier.arrive $0xFFFF;
	(pc) =	sbr.rel @p0 .LBB2_1-.Ltmp1, $4  }
0xbc: {  	[hbm:s24], [sflag:s10] =	dma.local [spmem:s11], $0x2800  }
0xbd: {  	_ =	swait.ge [sflag:s9], $0x2800  }
0xbe: {  	[sflag:s9] =	ssyncset.done $0x0  }
0xbf: {  	[sflag:s9] =	ssyncadd.s32 $0xFFFFD800  }
0xc0: {  	_ =	sfence.sel $0x180000  }
0xc1: {  	[bflag:$0x0] =	sbarrier.arrive $0xFFFF  }
0xc2: {  	_ =	strace $0x9000004A  }
0xc3: {  	s0 =	stileid.u32;
	[bflag:$0x2] =	sbarrier.arrive $0xFFFF  }
0xc4: {  	p0 =	sne.s32 s0, $0x0;
	s0 =	rddreg [dreg:$0x3]  }
0xc5: {  	s0 =	sadd.s32 @!p0 $0x100000, s0  }
0xc6: {  	[sflag:s0] =	ssyncadd.tile.s32 @!p0 $0x1;
	_ =	shalt  }
.Lfunc_end2:
_tile_overlayer_lowered:
.L_overlay_start_2:
0xc7: {  	(tag) =	ssettag $0x2  }
0xc8: {  	s0 =	rddreg [dreg:$0x0];
	s2 =	stileid.u32  }
0xc9: {  	s1 =	rddreg [dreg:$0x1];
	p0 =	sne.s32 s2, $0x0  }
0xca: {  	s3 =	rddreg [dreg:$0x2];
	[bflag:$0x3] =	sbarrier.arrive $0xFFFF;
	s2 =	simm.s32 @!p0 $0x1C07  }
0xcb: {  	[timem:s3], [sflag:s2] =	dma.local @!p0 [hbm:s0], s1  }
0xcc: {  	s0 =	simm.s32 @!p0 $0x7  }
0xcd: {  	_ =	swait.ge @!p0 [sflag:s0], s1  }
0xce: {  	s1 =	ssub.s32 @!p0 $0x0, s1;
	[sflag:s0] =	ssyncset.done @!p0 $0x0  }
0xcf: {  	[sflag:s0] =	ssyncadd.s32 @!p0 s1  }
0xd0: {  	[bflag:$0x3] =	sbarrier.arrive $0xFFFF  }
0xd1: {  	_ =	shalt  }

// kernel: kernel.15.cloned.1.call-start
scs
__scs_entry_jumppad:
0x0: {  	(pc) =	sbr.rel $0x88, $3  }
0x1: {  	(tag) =	ssettag $0x0;
	lr =	simm.s32 $0x1  }
0x2: {  	[smem:$0x3F95] =	sst lr;
	_ =	strace $0xD0000000  }
0x3: {  	_ = 	snop  }
0x4: {  	_ = 	snop  }
0x5: {  	_ = 	snop  }
0x6: {  	_ = 	snop  }
0x7: {  	_ = 	snop  }
__scs_overlays_trampoline_lowered:
0x8: {  	[smem:$0x3FA4] =	sst s0  }
0x9: {  	[smem:$0x3FA5] =	sst s1  }
0xa: {  	[smem:$0x3FA6] =	sst s2  }
0xb: {  	[smem:$0x3FA7] =	sst s3  }
0xc: {  	[smem:$0x3FA8] =	sst s4  }
0xd: {  	[smem:$0x3FA9] =	sst s5  }
0xe: {  	[smem:$0x3FAA] =	sst s6  }
0xf: {  	[smem:$0x3FAB] =	sst s7  }
0x10: {  	[smem:$0x3FAC] =	sst s8  }
0x11: {  	[smem:$0x3FAD] =	sst s9;
	s0 =	simm.s32 @!p0 $0x0  }
0x12: {  	s1 =	sld [smem:$0x3F93];
	s0 =	simm.s32 @p0 $0x1  }
0x13: {  	[smem:$0x3FAE] =	sst s0;
	s0 =	simm.s32 @!p1 $0x0  }
0x14: {  	s2 =	sld [smem:$0x3F92];
	s0 =	simm.s32 @p1 $0x1  }
0x15: {  	[smem:$0x3FAF] =	sst s0;
	s0 =	simm.s32 @!p2 $0x0  }
0x16: {  	s3 =	sld [smem:$0x3FDB];
	s0 =	simm.s32 @p2 $0x1  }
0x17: {  	s4 =	simm.s32 $0x1BF5;
	[smem:$0x3FB1] =	sst s0  }
0x18: {  	s0 =	sld [smem:$0x3F94];
	_ =	swait.ge [sflag:s4], $0x0  }
0x19: {  	s7 =	sld [smem:$0x3F95]  }
0x1a: {  	s8 =	sadd.s32 $0xFFFFE003, lr  }
0x1b: {  	s9 =	sadd.s32 $0xFFFFFEF7, lr;
	s5 =	simm.s32 $0xFFFFFFFF;
	p2 =	slt.u32 s8, $0xFFFFF086  }
0x1c: {  	p1 =	slt.u32 s9, $0xF7A;
	s5 =	simm.s32 @!p2 $0x0  }
0x1d: {  	s5 =	simm.s32 @p1 $0x1;
	p0 =	seq.s32 s7, s2  }
0x1e: {  	s7 =	smul.u32 @!p0 $0xF7A, s2;
	p2 =	seq.s32 @!p0 s5, $0x0  }
0x1f: {  	s9 =	smul.u32 $0xF7A, s1;
	s8 =	simm.s32 @!p0 $0x1BF5;
	p2 =	por !p2, p0  }
0x20: {  	[sflag:s8] =	ssyncset.s32 @!p0 $0xFFFFF086;
	s6 =	sadd.s32 @!p0 s3, s7;
	s7 =	simm.s32 @!p0 $0x108  }
0x21: {  	s3 =	sadd.s32 s3, s9;
	s6 =	sadd.s32 @!p0 $0x88, s6;
	s7 =	simm.s32 @p2 $0x1082  }
0x22: {  	[simem:s7], [sflag:s8] =	dma.local @!p0 [hbm:s6], $0xF7A  }
0x23: {  	s9 =	sor.u32 $0xD0000000, s2;
	s6 =	simm.s32 $0x108;
	_ =	swait.ge @!p0 [sflag:s8], $0x0  }
0x24: {  	s3 =	sadd.s32 $0x88, s3;
	s6 =	simm.s32 @!p1 $0x1082;
	[sflag:s4] =	ssyncset.s32 $0xFFFFF086  }
0x25: {  	[simem:s6], [sflag:s4] =	dma.local [hbm:s3], $0xF7A  }
0x26: {  	[smem:$0x3F95] =	sst s1;
	(tag) =	ssettag s2;
	_ =	strace s9  }
0x27: {  	s1 =	sld [smem:$0x3FA5]  }
0x28: {  	s2 =	sld [smem:$0x3FA6]  }
0x29: {  	s4 =	sld [smem:$0x3FA8]  }
0x2a: {  	p0 =	seq.s32 s5, $0x0;
	s5 =	sld [smem:$0x3FA9]  }
0x2b: {  	s6 =	sld [smem:$0x3FAA]  }
0x2c: {  	s7 =	sld [smem:$0x3FAB]  }
0x2d: {  	s3 =	simm.s32 $0x108;
	s8 =	sld [smem:$0x3FAC]  }
0x2e: {  	s3 =	simm.s32 @!p0 $0x1082;
	s9 =	sld [smem:$0x3FAD]  }
0x2f: {  	lr =	sadd.s32 s0, s3;
	s0 =	sld [smem:$0x3FA4]  }
0x30: {  	s3 =	sld [smem:$0x3FA7]  }
0x31: {  	[smem:$0x3FB0] =	sst s10  }
0x32: {  	s10 =	sld [smem:$0x3FAE];
	_ =	sdelay $0x3  }
0x33: {  	p0 =	seq.s32 s10, $0x1;
	s10 =	sld [smem:$0x3FB0];
	_ =	sdelay $0x3  }
0x34: {  	[smem:$0x3FB0] =	sst s10  }
0x35: {  	s10 =	sld [smem:$0x3FAF];
	_ =	sdelay $0x3  }
0x36: {  	p1 =	seq.s32 s10, $0x1;
	s10 =	sld [smem:$0x3FB0];
	_ =	sdelay $0x3  }
0x37: {  	[smem:$0x3FB0] =	sst s10  }
0x38: {  	s10 =	sld [smem:$0x3FB1]  }
0x39: {  	_ = 	snop;
	(pc) =	sbr.ind lr, $3  }
0x3a: {  	_ = 	snop  }
0x3b: {  	_ = 	snop  }
0x3c: {  	p2 =	seq.s32 s10, $0x1;
	s10 =	sld [smem:$0x3FB0]  }
0x3d: {  	_ =	shalt  }
0x3e: {  	_ =	shalt  }
0x3f: {  	_ =	shalt  }
0x40: {  	_ =	shalt  }
0x41: {  	_ =	shalt  }
0x42: {  	_ =	shalt  }
0x43: {  	_ =	shalt  }
0x44: {  	_ =	shalt  }
0x45: {  	_ =	shalt  }
0x46: {  	_ =	shalt  }
0x47: {  	_ =	shalt  }
0x48: {  	_ =	shalt  }
0x49: {  	_ =	shalt  }
0x4a: {  	_ =	shalt  }
0x4b: {  	_ =	shalt  }
0x4c: {  	_ =	shalt  }
0x4d: {  	_ =	shalt  }
0x4e: {  	_ =	shalt  }
0x4f: {  	_ =	shalt  }
0x50: {  	_ =	shalt  }
0x51: {  	_ =	shalt  }
0x52: {  	_ =	shalt  }
0x53: {  	_ =	shalt  }
0x54: {  	_ =	shalt  }
0x55: {  	_ =	shalt  }
0x56: {  	_ =	shalt  }
0x57: {  	_ =	shalt  }
0x58: {  	_ =	shalt  }
0x59: {  	_ =	shalt  }
0x5a: {  	_ =	shalt  }
0x5b: {  	_ =	shalt  }
0x5c: {  	_ =	shalt  }
0x5d: {  	_ =	shalt  }
0x5e: {  	_ =	shalt  }
0x5f: {  	_ =	shalt  }
0x60: {  	_ =	shalt  }
0x61: {  	_ =	shalt  }
0x62: {  	_ =	shalt  }
0x63: {  	_ =	shalt  }
0x64: {  	_ =	shalt  }
0x65: {  	_ =	shalt  }
0x66: {  	_ =	shalt  }
0x67: {  	_ =	shalt  }
0x68: {  	_ =	shalt  }
0x69: {  	_ =	shalt  }
0x6a: {  	_ =	shalt  }
0x6b: {  	_ =	shalt  }
0x6c: {  	_ =	shalt  }
0x6d: {  	_ =	shalt  }
0x6e: {  	_ =	shalt  }
0x6f: {  	_ =	shalt  }
0x70: {  	_ =	shalt  }
0x71: {  	_ =	shalt  }
0x72: {  	_ =	shalt  }
0x73: {  	_ =	shalt  }
0x74: {  	_ =	shalt  }
0x75: {  	_ =	shalt  }
0x76: {  	_ =	shalt  }
0x77: {  	_ =	shalt  }
0x78: {  	_ =	shalt  }
0x79: {  	_ =	shalt  }
0x7a: {  	_ =	shalt  }
0x7b: {  	_ =	shalt  }
0x7c: {  	_ =	shalt  }
0x7d: {  	_ =	shalt  }
0x7e: {  	_ =	shalt  }
0x7f: {  	_ =	shalt  }
0x80: {  	_ =	shalt  }
0x81: {  	_ =	shalt  }
0x82: {  	_ =	shalt  }
0x83: {  	_ =	shalt  }
0x84: {  	_ =	shalt  }
0x85: {  	_ =	shalt  }
0x86: {  	_ =	shalt  }
0x87: {  	_ =	shalt  }
.Lfunc_end0:
.L_simem_size_0:
called_computation.2_lowered:
.L_overlay_start_0:
0x88: {  	s2 =	sld [smem:$0x3FD9]  }
0x89: {  	s3 =	sld [smem:$0x3FFE];
	_ =	sdelay $0x1  }
0x8a: {  	s1 =	srdreg.scid  }
0x8b: {  	s0 =	sand.u32 $0x1, s1  }
0x8c: {  	s17 =	sshll.u32 s0, $0xA;
	s2 =	sadd.s32 s3, s2  }
0x8d: {  	s2 =	sadd.s32 s2, s17  }
0x8e: {  	[smem:$0x3FBC] =	sst s2  }
0x8f: {  	_ = 	snop  }
0x90: {  	s2 =	sld [smem:$0x3FD0];
	(tm) =	ssettm $0x1  }
0x91: {  	s18 =	sld [smem:$0x3FFB];
	_ =	sdelay $0x3  }
0x92: {  	_ =	strace s18  }
0x93: {  	s3 =	sld [smem:$0x3FFC];
	_ =	sdelay $0x3  }
0x94: {  	_ =	strace s3  }
0x95: {  	s3 =	sld [smem:$0x3FFD];
	_ =	sdelay $0x3  }
0x96: {  	_ =	strace s3  }
0x97: {  	_ =	strace $0x8FFFFFFF  }
0x98: {  	s19 =	sld [smem:$0x3FDB];
	_ =	sdelay $0x1  }
0x99: {  	s4 =	simm.s32 $_scs_section_size  }
0x9a: {  	s5 =	simm.s32 $_size__tile_overlayer_lowered;
	s6 =	simm.s32 $_tile_overlayer_lowered  }
0x9b: {  	s22 =	simm.s32 $0x1BFF;
	s21 =	sshll.u32 s6, $0x1;
	s3 =	sadd.s32 s4, s19  }
0x9c: {  	s7 =	simm.s32 $0x0;
	s20 =	sshll.u32 s5, $0x1;
	s5 =	sadd.s32 s21, s3  }
0x9d: {  	[timem:s7], [sflag:s22] =	dma.local [hbm:s5], s20  }
0x9e: {  	_ =	swait.ge [sflag:s22], s20  }
0x9f: {  	s4 =	ssub.s32 $0x0, s20;
	[sflag:s22] =	ssyncset.done $0x0  }
0xa0: {  	[sflag:s22] =	ssyncadd.s32 s4;
	_ =	sdelay $0x1  }
0xa1: {  	s23 =	simm.s32 $0x1B8B  }
0xa2: {  	_ =	swait.ge [sflag:s23], $0x1  }
0xa3: {  	[sflag:s23] =	ssyncset.done $0x0  }
0xa4: {  	s25 =	simm.s32 $0x1B8E;
	s24 =	sld [smem:$0x3FFE];
	[sflag:s23] =	ssyncadd.s32 $0xFFFFFFFF  }
0xa5: {  	s26 =	simm.s32 $execute0_lowered;
	[smem:$0x3FD2] =	sst s25  }
0xa6: {  	s5 =	sshll.u32 s26, $0x1;
	_ =	strace $0x8000004C;
	[dreg:$0x1] =	wrdreg $0xFFFFFFFF  }
0xa7: {  	s28 =	simm.s32 $_size_execute0_lowered;
	s3 =	sadd.s32 s3, s5;
	[dreg:$0x0] =	wrdreg $0x0  }
0xa8: {  	s5 =	sshll.u32 s28, $0x1;
	[dreg:$0x2] =	wrdreg s3  }
0xa9: {  	[dreg:$0x3] =	wrdreg s5  }
0xaa: {  	[dreg:$0x4] =	wrdreg $0xC0  }
0xab: {  	_ =	task [dreg:s7], $0x5FFFF  }
0xac: {  	[dreg:$0x1] =	wrdreg $0xFFFFFFFF  }
0xad: {  	[dreg:$0x0] =	wrdreg $0x60  }
0xae: {  	[dreg:$0x2] =	wrdreg s2  }
0xaf: {  	[dreg:$0x3] =	wrdreg s24  }
0xb0: {  	[dreg:$0x4] =	wrdreg $0xAA000  }
0xb1: {  	[dreg:$0x5] =	wrdreg $0x9  }
0xb2: {  	_ =	task.clear_ibuf [dreg:s7], $0x6FFFF;
	_ =	strace $0x9000004C  }
0xb3: {  	s29 =	simm.s32 $0x9;
	_ =	strace $0x8000004E  }
0xb4: {  	_ =	swait.ge [sflag:s29], $0x1  }
0xb5: {  	[sflag:s29] =	ssyncadd.s32 $0xFFFFFFFF  }
0xb6: {  	_ =	strace $0x9000004E  }
0xb7: {  	_ =	sfence  }
0xb8: {  	s30 =	sld [smem:$0x0];
	_ =	sdelay $0x2  }
0xb9: {  	s31 =	sshll.u32 s1, $0xD;
	s1 =	sshrl.u32 s1, $0x2  }
0xba: {  	s3 =	sand.u32 $0x4000, s31;
	s1 =	sadd.s32 s1, s30  }
0xbb: {  	s0 =	sor.u32 s3, s0;
	s1 =	sshll.u32 s1, $0x11  }
0xbc: {  	s0 =	sor.u32 s1, s0  }
0xbd: {  	s0 =	sadd.s32 $0x8F2B, s0  }
0xbe: {  	[sflag:s0] =	ssyncadd.remote.s32 $0x1  }
0xbf: {  	_ =	sfence.sel $0xFFFF  }
0xc0: {  	[dreg:$0x0] =	wrdreg $0xFFFFFFFF;
	(pc) =	sbr.abs _section_cstart, $3  }
0xc1: {  	[dreg:$0x1] =	wrdreg $0xFFFFFFFF  }
0xc2: {  	_ =	task.clear_ibuf [dreg:s7], $0x2FFFF;
	_ =	strace $0x9FFFFFFF  }
0xc3: {  	(tm) =	ssettm $0x7FFFFFFF  }
tec
execute0_lowered:
.L_overlay_start_1:
0x0: {  	(tag) =	ssettag $0x1  }
0x1: {  	s1 =	rddreg [dreg:$0x0]  }
0x2: {  	s0 =	srdreg.scid;
	s5 =	rddreg [dreg:$0x1]  }
0x3: {  	s12 =	stileid.u32;
	s3 =	rddreg [dreg:$0x2];
	s4 =	simm.s32 $0x0  }
0x4: {  	s14 =	simm.s32 $0x2880;
	s16 =	simm.s32 $0x2900;
	s18 =	simm.s32 $0x2980  }
0x5: {  	s19 =	simm.s32 $0x80;
	s20 =	simm.s32 $0x2A00;
	s21 =	simm.s32 $0x6A00  }
0x6: {  	s22 =	simm.s32 $0x1;
	s23 =	simm.s32 $0x3;
	s28 =	simm.s32 $0x5  }
0x7: {  	s29 =	simm.s32 $0x6;
	s0 =	sand.u32 $0x1, s0;
	s24 =	smul.u32 $0x2800, s12  }
0x8: {  	[smem:$0x7FF] =	sst s4;
	s7 =	smul.u32 $0x50000, s12;
	s31 =	sshll.u32 s12, $0x6  }
0x9: {  	s2 =	sshll.u32 s0, $0x4;
	s6 =	smul.u32 $0x28000, s0;
	_ =	strace $0x8000004D  }
0xa: {  	s0 =	ssub.s32 $0x2, s0;
	s2 =	sor.u32 s12, s2;
	s8 =	sadd.s32 s24, s5  }
0xb: {  	s9 =	sshrl.u32 s0, $0x1;
	s25 =	sshrl.u32 s7, $0x2;
	s12 =	simm.s32 $0x2800  }
0xc: {  	s2 =	smul.u32 $0x500, s2;
	s10 =	sadd.s32 s6, s5;
	s0 =	ssub.s32 s0, s9  }
0xd: {  	s11 =	sadd.s32 s25, s3;
	s6 =	sadd.s32 $0x18400, s8;
	s9 =	simm.s32 $0x7  }
0xe: {  	s25 =	simm.s32 $0x2;
	s30 =	sadd.s32 $0x40400, s10;
	s8 =	smax.u32 s0, $0x1  }
0xf: {  	s10 =	sor.u32 $0x1C07, s31;
	s11 =	sshrl.u32 s11, $0x3;
	s2 =	sadd.s32 s2, s5  }
0x10: {  	s24 =	sadd.s32 s24, s30;
	s26 =	sadd.s32 $0x4400, s2;
	s7 =	sadd.s32 $0xE400, s2  }
0x11: {  	s2 =	simm.s32 $0x0;
	[dreg:$0x4] =	wrdreg s26;
	s13 =	sadd.s32 $0x10, s7  }
0x12: {  	s15 =	sadd.s32 $0x20, s7;
	s17 =	sadd.s32 $0x30, s7;
	s26 =	simm.s32 $0x4  }
.LBB2_1:
0x13: {  	s0 =	rddreg [dreg:$0x4]  }
0x14: {  	[tilespmem:s4], [sflag:$0x7] =	stream.linear.gather [hbm4b:s0+s4], $0x2800, $0x38;
	[tilespmem:$0x1EA00] =	vst v63  }
0x15: {  	_ =	swait.ge [sflag:s9], $0x2800  }
0x16: {  	[sflag:s9] =	ssyncset.done $0x0  }
0x17: {  	[sflag:s9] =	ssyncadd.s32 $0xFFFFD800  }
0x18: {  	[spmem:s11], [sflag:s10] =	dma.local [hbm:s6], $0x2800  }
0x19: {  	_ =	swait.ge [sflag:s9], $0x2800  }
0x1a: {  	[sflag:s9] =	ssyncset.done $0x0  }
0x1b: {  	[sflag:s9] =	ssyncadd.s32 $0xFFFFD800  }
0x1c: {  	[tilespmem:s12], [sflag:$0x3] =	stream.linear.gather [hbm4b:s7+s4], $0x80, $0x38;
	[tilespmem:$0x1EA00] =	vst v63  }
0x1d: {  	_ = 	snop  }
0x1e: {  	[tilespmem:s14], [sflag:$0x4] =	stream.linear.gather [hbm4b:s13+s4], $0x80, $0x38;
	[tilespmem:$0x1EA00] =	vst v63  }
0x1f: {  	_ = 	snop  }
0x20: {  	[tilespmem:s16], [sflag:$0x5] =	stream.linear.gather [hbm4b:s15+s4], $0x80, $0x38;
	[tilespmem:$0x1EA00] =	vst v63  }
0x21: {  	_ = 	snop  }
0x22: {  	[tilespmem:s18], [sflag:$0x6] =	stream.linear.gather [hbm4b:s17+s4], $0x80, $0x38;
	[tilespmem:$0x1EA00] =	vst v63  }
0x23: {  	_ = 	snop  }
0x24: {  	[tilespmem:s20], [sflag:$0x1] =	stream.indirect.gather [hbm4b:s1+s19], $0x80, s4, s19, $0xb8;
	[tilespmem:$0x1EA00] =	vst v63  }
0x25: {  	_ = 	snop  }
0x26: {  	[tilespmem:s21], [sflag:$0x2] =	stream.indirect.gather [hbm4b:s1+s19], $0x80, s19, s19, $0xb8;
	[tilespmem:$0x1EA00] =	vst v63  }
0x27: {  	[bflag:$0x0] =	sbarrier.arrive $0xFFFF  }
0x28: {  	_ =	swait.ge [sflag:s22], $0x4000  }
0x29: {  	[sflag:s22] =	ssyncset.done $0x0  }
0x2a: {  	[sflag:s22] =	ssyncadd.s32 $0xFFFFC000  }
0x2b: {  	_ =	swait.ge [sflag:s23], $0x80  }
0x2c: {  	[sflag:s23] =	ssyncset.done $0x0  }
0x2d: {  	[sflag:s23] =	ssyncadd.s32 $0xFFFFFF80  }
0x2e: {  	[spmem:s3] =	stream.indirect.scatter.add.f32 [tilespmem:s20], [sflag:$0x7], $0x80, s12, s19, $0xb8;
	[tilespmem:$0x1EA00] =	vst v63  }
0x2f: {  	_ =	swait.ge [sflag:s9], $0x4000  }
0x30: {  	s5 =	sadd.s32 $0x0, s7;
	[sflag:s9] =	ssyncset.done $0x0  }
0x31: {  	s30 =	sadd.s32 $0x40, s5;
	[sflag:s9] =	ssyncadd.s32 $0xFFFFC000  }
0x32: {  	[tilespmem:s12], [sflag:$0x3] =	stream.linear.gather [hbm4b:s30+s4], $0x80, $0x38;
	[tilespmem:$0x1EA00] =	vst v63  }
0x33: {  	s30 =	simm.s32 $0x100  }
0x34: {  	[tilespmem:s20], [sflag:$0x1] =	stream.indirect.gather [hbm4b:s1+s19], $0x80, s30, s19, $0xb8;
	[tilespmem:$0x1EA00] =	vst v63  }
0x35: {  	_ =	swait.ge [sflag:s25], $0x4000  }
0x36: {  	[sflag:s25] =	ssyncset.done $0x0  }
0x37: {  	[sflag:s25] =	ssyncadd.s32 $0xFFFFC000  }
0x38: {  	_ =	swait.ge [sflag:s26], $0x80  }
0x39: {  	[sflag:s26] =	ssyncset.done $0x0  }
0x3a: {  	[sflag:s26] =	ssyncadd.s32 $0xFFFFFF80  }
0x3b: {  	[spmem:s3] =	stream.indirect.scatter.add.f32 [tilespmem:s21], [sflag:$0x7], $0x80, s14, s19, $0xb8;
	[tilespmem:$0x1EA00] =	vst v63  }
0x3c: {  	_ =	swait.ge [sflag:s9], $0x4000  }
0x3d: {  	[sflag:s9] =	ssyncset.done $0x0  }
0x3e: {  	s30 =	sadd.s32 $0x50, s5;
	[sflag:s9] =	ssyncadd.s32 $0xFFFFC000  }
0x3f: {  	[tilespmem:s14], [sflag:$0x4] =	stream.linear.gather [hbm4b:s30+s4], $0x80, $0x38;
	[tilespmem:$0x1EA00] =	vst v63  }
0x40: {  	s30 =	simm.s32 $0x180  }
0x41: {  	[tilespmem:s21], [sflag:$0x2] =	stream.indirect.gather [hbm4b:s1+s19], $0x80, s30, s19, $0xb8;
	[tilespmem:$0x1EA00] =	vst v63  }
0x42: {  	_ =	swait.ge [sflag:s22], $0x4000  }
0x43: {  	[sflag:s22] =	ssyncset.done $0x0  }
0x44: {  	[sflag:s22] =	ssyncadd.s32 $0xFFFFC000  }
0x45: {  	_ =	swait.ge [sflag:s28], $0x80  }
0x46: {  	[sflag:s28] =	ssyncset.done $0x0  }
0x47: {  	[sflag:s28] =	ssyncadd.s32 $0xFFFFFF80  }
0x48: {  	[spmem:s3] =	stream.indirect.scatter.add.f32 [tilespmem:s20], [sflag:$0x7], $0x80, s16, s19, $0xb8;
	[tilespmem:$0x1EA00] =	vst v63  }
0x49: {  	_ =	swait.ge [sflag:s9], $0x4000  }
0x4a: {  	[sflag:s9] =	ssyncset.done $0x0  }
0x4b: {  	s30 =	sadd.s32 $0x60, s5;
	[sflag:s9] =	ssyncadd.s32 $0xFFFFC000  }
0x4c: {  	[tilespmem:s16], [sflag:$0x5] =	stream.linear.gather [hbm4b:s30+s4], $0x80, $0x38;
	[tilespmem:$0x1EA00] =	vst v63  }
0x4d: {  	s30 =	simm.s32 $0x200  }
0x4e: {  	[tilespmem:s20], [sflag:$0x1] =	stream.indirect.gather [hbm4b:s1+s19], $0x80, s30, s19, $0xb8;
	[tilespmem:$0x1EA00] =	vst v63  }
0x4f: {  	_ =	swait.ge [sflag:s25], $0x4000  }
0x50: {  	[sflag:s25] =	ssyncset.done $0x0  }
0x51: {  	[sflag:s25] =	ssyncadd.s32 $0xFFFFC000  }
0x52: {  	_ =	swait.ge [sflag:s29], $0x80  }
0x53: {  	[sflag:s29] =	ssyncset.done $0x0  }
0x54: {  	[sflag:s29] =	ssyncadd.s32 $0xFFFFFF80  }
0x55: {  	[spmem:s3] =	stream.indirect.scatter.add.f32 [tilespmem:s21], [sflag:$0x7], $0x80, s18, s19, $0xb8;
	[tilespmem:$0x1EA00] =	vst v63  }
0x56: {  	_ =	swait.ge [sflag:s9], $0x4000  }
0x57: {  	[sflag:s9] =	ssyncset.done $0x0  }
0x58: {  	s0 =	sadd.s32 $0x70, s5;
	[sflag:s9] =	ssyncadd.s32 $0xFFFFC000  }
0x59: {  	[tilespmem:s18], [sflag:$0x6] =	stream.linear.gather [hbm4b:s0+s4], $0x80, $0x38;
	[tilespmem:$0x1EA00] =	vst v63  }
0x5a: {  	s31 =	simm.s32 $0x280;
	s30 =	simm.s32 $0x380;
	s0 =	simm.s32 $0x40  }
.LBB2_2:
0x5b: {  	[tilespmem:s21], [sflag:$0x2] =	stream.indirect.gather [hbm4b:s1+s19], $0x80, s31, s19, $0xb8;
	[tilespmem:$0x1EA00] =	vst v63  }
0x5c: {  	s31 =	smov.u32 s0  }
0x5d: {  	p0 =	sne.s32 s0, $0x480;
	s0 =	sadd.s32 $0x40, s0;
	_ =	swait.ge [sflag:s22], $0x4000  }
0x5e: {  	[sflag:s22] =	ssyncset.done $0x0  }
0x5f: {  	[sflag:s22] =	ssyncadd.s32 $0xFFFFC000  }
0x60: {  	_ =	swait.ge [sflag:s23], $0x80  }
0x61: {  	[sflag:s23] =	ssyncset.done $0x0  }
0x62: {  	[sflag:s23] =	ssyncadd.s32 $0xFFFFFF80  }
0x63: {  	[spmem:s3] =	stream.indirect.scatter.add.f32 [tilespmem:s20], [sflag:$0x7], $0x80, s12, s19, $0xb8;
	[tilespmem:$0x1EA00] =	vst v63  }
0x64: {  	_ =	swait.ge [sflag:s9], $0x4000  }
0x65: {  	s31 =	sadd.s32 s31, s7;
	[sflag:s9] =	ssyncset.done $0x0  }
0x66: {  	s5 =	sadd.s32 $0x40, s31;
	[sflag:s9] =	ssyncadd.s32 $0xFFFFC000  }
0x67: {  	[tilespmem:s12], [sflag:$0x3] =	stream.linear.gather [hbm4b:s5+s4], $0x80, $0x38;
	[tilespmem:$0x1EA00] =	vst v63  }
0x68: {  	s5 =	sadd.s32 $0xFFFFFF80, s30  }
0x69: {  	[tilespmem:s20], [sflag:$0x1] =	stream.indirect.gather [hbm4b:s1+s19], $0x80, s5, s19, $0xb8;
	[tilespmem:$0x1EA00] =	vst v63  }
0x6a: {  	_ =	swait.ge [sflag:s25], $0x4000  }
0x6b: {  	[sflag:s25] =	ssyncset.done $0x0  }
0x6c: {  	[sflag:s25] =	ssyncadd.s32 $0xFFFFC000  }
0x6d: {  	_ =	swait.ge [sflag:s26], $0x80  }
0x6e: {  	[sflag:s26] =	ssyncset.done $0x0  }
0x6f: {  	[sflag:s26] =	ssyncadd.s32 $0xFFFFFF80  }
0x70: {  	[spmem:s3] =	stream.indirect.scatter.add.f32 [tilespmem:s21], [sflag:$0x7], $0x80, s14, s19, $0xb8;
	[tilespmem:$0x1EA00] =	vst v63  }
0x71: {  	_ =	swait.ge [sflag:s9], $0x4000  }
0x72: {  	[sflag:s9] =	ssyncset.done $0x0  }
0x73: {  	s5 =	sadd.s32 $0x50, s31;
	[sflag:s9] =	ssyncadd.s32 $0xFFFFC000  }
0x74: {  	[tilespmem:s14], [sflag:$0x4] =	stream.linear.gather [hbm4b:s5+s4], $0x80, $0x38;
	[tilespmem:$0x1EA00] =	vst v63  }
0x75: {  	_ = 	snop  }
0x76: {  	[tilespmem:s21], [sflag:$0x2] =	stream.indirect.gather [hbm4b:s1+s19], $0x80, s30, s19, $0xb8;
	[tilespmem:$0x1EA00] =	vst v63  }
0x77: {  	_ =	swait.ge [sflag:s22], $0x4000  }
0x78: {  	[sflag:s22] =	ssyncset.done $0x0  }
0x79: {  	[sflag:s22] =	ssyncadd.s32 $0xFFFFC000  }
0x7a: {  	_ =	swait.ge [sflag:s28], $0x80  }
0x7b: {  	[sflag:s28] =	ssyncset.done $0x0  }
0x7c: {  	[sflag:s28] =	ssyncadd.s32 $0xFFFFFF80  }
0x7d: {  	[spmem:s3] =	stream.indirect.scatter.add.f32 [tilespmem:s20], [sflag:$0x7], $0x80, s16, s19, $0xb8;
	[tilespmem:$0x1EA00] =	vst v63  }
0x7e: {  	_ =	swait.ge [sflag:s9], $0x4000  }
0x7f: {  	[sflag:s9] =	ssyncset.done $0x0  }
0x80: {  	s5 =	sadd.s32 $0x60, s31;
	[sflag:s9] =	ssyncadd.s32 $0xFFFFC000  }
0x81: {  	[tilespmem:s16], [sflag:$0x5] =	stream.linear.gather [hbm4b:s5+s4], $0x80, $0x38;
	[tilespmem:$0x1EA00] =	vst v63  }
0x82: {  	s5 =	sadd.s32 $0x80, s30  }
0x83: {  	[tilespmem:s20], [sflag:$0x1] =	stream.indirect.gather [hbm4b:s1+s19], $0x80, s5, s19, $0xb8;
	[tilespmem:$0x1EA00] =	vst v63  }
0x84: {  	_ =	swait.ge [sflag:s25], $0x4000  }
0x85: {  	[sflag:s25] =	ssyncset.done $0x0  }
0x86: {  	[sflag:s25] =	ssyncadd.s32 $0xFFFFC000  }
0x87: {  	_ =	swait.ge [sflag:s29], $0x80  }
0x88: {  	[sflag:s29] =	ssyncset.done $0x0  }
0x89: {  	[sflag:s29] =	ssyncadd.s32 $0xFFFFFF80  }
0x8a: {  	[spmem:s3] =	stream.indirect.scatter.add.f32 [tilespmem:s21], [sflag:$0x7], $0x80, s18, s19, $0xb8;
	[tilespmem:$0x1EA00] =	vst v63  }
.Ltmp0:
0x8b: {  	_ =	swait.ge [sflag:s9], $0x4000;
	(pc) =	sbr.rel @p0 .LBB2_2-.Ltmp0, $4  }
0x8c: {  	[sflag:s9] =	ssyncset.done $0x0  }
0x8d: {  	s5 =	sadd.s32 $0x70, s31;
	[sflag:s9] =	ssyncadd.s32 $0xFFFFC000  }
0x8e: {  	[tilespmem:s18], [sflag:$0x6] =	stream.linear.gather [hbm4b:s5+s4], $0x80, $0x38;
	[tilespmem:$0x1EA00] =	vst v63  }
0x8f: {  	s31 =	sadd.s32 $0x100, s30;
	s30 =	sadd.s32 $0x200, s30  }
0x90: {  	[tilespmem:s21], [sflag:$0x2] =	stream.indirect.gather [hbm4b:s1+s19], $0x80, s31, s19, $0xb8;
	[tilespmem:$0x1EA00] =	vst v63  }
0x91: {  	_ =	swait.ge [sflag:s22], $0x4000  }
0x92: {  	[sflag:s22] =	ssyncset.done $0x0  }
0x93: {  	[sflag:s22] =	ssyncadd.s32 $0xFFFFC000  }
0x94: {  	_ =	swait.ge [sflag:s23], $0x80  }
0x95: {  	[sflag:s23] =	ssyncset.done $0x0  }
0x96: {  	[sflag:s23] =	ssyncadd.s32 $0xFFFFFF80  }
0x97: {  	[spmem:s3] =	stream.indirect.scatter.add.f32 [tilespmem:s20], [sflag:$0x7], $0x80, s12, s19, $0xb8;
	[tilespmem:$0x1EA00] =	vst v63  }
0x98: {  	_ =	swait.ge [sflag:s9], $0x4000  }
0x99: {  	[sflag:s9] =	ssyncset.done $0x0  }
0x9a: {  	s0 =	simm.s32 $0x2700;
	[sflag:s9] =	ssyncadd.s32 $0xFFFFC000  }
0x9b: {  	[tilespmem:s20], [sflag:$0x1] =	stream.indirect.gather [hbm4b:s1+s19], $0x80, s0, s19, $0xb8;
	[tilespmem:$0x1EA00] =	vst v63  }
0x9c: {  	_ =	swait.ge [sflag:s25], $0x4000  }
0x9d: {  	[sflag:s25] =	ssyncset.done $0x0  }
0x9e: {  	[sflag:s25] =	ssyncadd.s32 $0xFFFFC000  }
0x9f: {  	_ =	swait.ge [sflag:s26], $0x80  }
0xa0: {  	[sflag:s26] =	ssyncset.done $0x0  }
0xa1: {  	[sflag:s26] =	ssyncadd.s32 $0xFFFFFF80  }
0xa2: {  	[spmem:s3] =	stream.indirect.scatter.add.f32 [tilespmem:s21], [sflag:$0x7], $0x80, s14, s19, $0xb8;
	[tilespmem:$0x1EA00] =	vst v63  }
0xa3: {  	_ =	swait.ge [sflag:s9], $0x4000  }
0xa4: {  	[sflag:s9] =	ssyncset.done $0x0  }
0xa5: {  	s31 =	simm.s32 $0x2780;
	[sflag:s9] =	ssyncadd.s32 $0xFFFFC000  }
0xa6: {  	[tilespmem:s21], [sflag:$0x2] =	stream.indirect.gather [hbm4b:s1+s19], $0x80, s31, s19, $0xb8;
	[tilespmem:$0x1EA00] =	vst v63  }
0xa7: {  	_ =	swait.ge [sflag:s22], $0x4000  }
0xa8: {  	[sflag:s22] =	ssyncset.done $0x0  }
0xa9: {  	[sflag:s22] =	ssyncadd.s32 $0xFFFFC000  }
0xaa: {  	_ =	swait.ge [sflag:s28], $0x80  }
0xab: {  	[sflag:s28] =	ssyncset.done $0x0  }
0xac: {  	[sflag:s28] =	ssyncadd.s32 $0xFFFFFF80  }
0xad: {  	[spmem:s3] =	stream.indirect.scatter.add.f32 [tilespmem:s20], [sflag:$0x7], $0x80, s16, s19, $0xb8;
	[tilespmem:$0x1EA00] =	vst v63  }
0xae: {  	_ =	swait.ge [sflag:s9], $0x4000  }
0xaf: {  	[sflag:s9] =	ssyncset.done $0x0  }
0xb0: {  	[sflag:s9] =	ssyncadd.s32 $0xFFFFC000  }
0xb1: {  	_ =	swait.ge [sflag:s25], $0x4000  }
0xb2: {  	[sflag:s25] =	ssyncset.done $0x0  }
0xb3: {  	[sflag:s25] =	ssyncadd.s32 $0xFFFFC000  }
0xb4: {  	_ =	swait.ge [sflag:s29], $0x80  }
0xb5: {  	[sflag:s29] =	ssyncset.done $0x0  }
0xb6: {  	[sflag:s29] =	ssyncadd.s32 $0xFFFFFF80  }
0xb7: {  	[spmem:s3] =	stream.indirect.scatter.add.f32 [tilespmem:s21], [sflag:$0x7], $0x80, s18, s19, $0xb8;
	[tilespmem:$0x1EA00] =	vst v63  }
0xb8: {  	_ =	swait.ge [sflag:s9], $0x4000  }
0xb9: {  	s2 =	sadd.s32 $0x1, s2;
	[sflag:s9] =	ssyncset.done $0x0  }
0xba: {  	p0 =	sne.s32 s2, s8;
	[sflag:s9] =	ssyncadd.s32 $0xFFFFC000  }
.Ltmp1:
0xbb: {  	[bflag:$0x0] =	sbarrier.arrive $0xFFFF;
	(pc) =	sbr.rel @p0 .LBB2_1-.Ltmp1, $4  }
0xbc: {  	[hbm:s24], [sflag:s10] =	dma.local [spmem:s11], $0x2800  }
0xbd: {  	_ =	swait.ge [sflag:s9], $0x2800  }
0xbe: {  	[sflag:s9] =	ssyncset.done $0x0  }
0xbf: {  	[sflag:s9] =	ssyncadd.s32 $0xFFFFD800  }
0xc0: {  	_ =	sfence.sel $0x180000  }
0xc1: {  	[bflag:$0x0] =	sbarrier.arrive $0xFFFF  }
0xc2: {  	_ =	strace $0x9000004D  }
0xc3: {  	s0 =	stileid.u32;
	[bflag:$0x2] =	sbarrier.arrive $0xFFFF  }
0xc4: {  	p0 =	sne.s32 s0, $0x0;
	s0 =	rddreg [dreg:$0x3]  }
0xc5: {  	s0 =	sadd.s32 @!p0 $0x100000, s0  }
0xc6: {  	[sflag:s0] =	ssyncadd.tile.s32 @!p0 $0x1;
	_ =	shalt  }
.Lfunc_end2:
_tile_overlayer_lowered:
.L_overlay_start_2:
0xc7: {  	(tag) =	ssettag $0x2  }
0xc8: {  	s0 =	rddreg [dreg:$0x0];
	s2 =	stileid.u32  }
0xc9: {  	s1 =	rddreg [dreg:$0x1];
	p0 =	sne.s32 s2, $0x0  }
0xca: {  	s3 =	rddreg [dreg:$0x2];
	[bflag:$0x3] =	sbarrier.arrive $0xFFFF;
	s2 =	simm.s32 @!p0 $0x1C07  }
0xcb: {  	[timem:s3], [sflag:s2] =	dma.local @!p0 [hbm:s0], s1  }
0xcc: {  	s0 =	simm.s32 @!p0 $0x7  }
0xcd: {  	_ =	swait.ge @!p0 [sflag:s0], s1  }
0xce: {  	s1 =	ssub.s32 @!p0 $0x0, s1;
	[sflag:s0] =	ssyncset.done @!p0 $0x0  }
0xcf: {  	[sflag:s0] =	ssyncadd.s32 @!p0 s1  }
0xd0: {  	[bflag:$0x3] =	sbarrier.arrive $0xFFFF  }
0xd1: {  	_ =	shalt  }

// kernel: kernel.9.cloned.1.call-start
scs
__scs_entry_jumppad:
0x0: {  	(pc) =	sbr.rel $0x88, $3  }
0x1: {  	(tag) =	ssettag $0x0;
	lr =	simm.s32 $0x1  }
0x2: {  	[smem:$0x3F95] =	sst lr;
	_ =	strace $0xD0000000  }
0x3: {  	_ = 	snop  }
0x4: {  	_ = 	snop  }
0x5: {  	_ = 	snop  }
0x6: {  	_ = 	snop  }
0x7: {  	_ = 	snop  }
__scs_overlays_trampoline_lowered:
0x8: {  	[smem:$0x3FA4] =	sst s0  }
0x9: {  	[smem:$0x3FA5] =	sst s1  }
0xa: {  	[smem:$0x3FA6] =	sst s2  }
0xb: {  	[smem:$0x3FA7] =	sst s3  }
0xc: {  	[smem:$0x3FA8] =	sst s4  }
0xd: {  	[smem:$0x3FA9] =	sst s5  }
0xe: {  	[smem:$0x3FAA] =	sst s6  }
0xf: {  	[smem:$0x3FAB] =	sst s7  }
0x10: {  	[smem:$0x3FAC] =	sst s8  }
0x11: {  	[smem:$0x3FAD] =	sst s9;
	s0 =	simm.s32 @!p0 $0x0  }
0x12: {  	s1 =	sld [smem:$0x3F93];
	s0 =	simm.s32 @p0 $0x1  }
0x13: {  	[smem:$0x3FAE] =	sst s0;
	s0 =	simm.s32 @!p1 $0x0  }
0x14: {  	s2 =	sld [smem:$0x3F92];
	s0 =	simm.s32 @p1 $0x1  }
0x15: {  	[smem:$0x3FAF] =	sst s0;
	s0 =	simm.s32 @!p2 $0x0  }
0x16: {  	s3 =	sld [smem:$0x3FDB];
	s0 =	simm.s32 @p2 $0x1  }
0x17: {  	s4 =	simm.s32 $0x1BF5;
	[smem:$0x3FB1] =	sst s0  }
0x18: {  	s0 =	sld [smem:$0x3F94];
	_ =	swait.ge [sflag:s4], $0x0  }
0x19: {  	s7 =	sld [smem:$0x3F95]  }
0x1a: {  	s8 =	sadd.s32 $0xFFFFE003, lr  }
0x1b: {  	s9 =	sadd.s32 $0xFFFFFEF7, lr;
	s5 =	simm.s32 $0xFFFFFFFF;
	p2 =	slt.u32 s8, $0xFFFFF086  }
0x1c: {  	p1 =	slt.u32 s9, $0xF7A;
	s5 =	simm.s32 @!p2 $0x0  }
0x1d: {  	s5 =	simm.s32 @p1 $0x1;
	p0 =	seq.s32 s7, s2  }
0x1e: {  	s7 =	smul.u32 @!p0 $0xF7A, s2;
	p2 =	seq.s32 @!p0 s5, $0x0  }
0x1f: {  	s9 =	smul.u32 $0xF7A, s1;
	s8 =	simm.s32 @!p0 $0x1BF5;
	p2 =	por !p2, p0  }
0x20: {  	[sflag:s8] =	ssyncset.s32 @!p0 $0xFFFFF086;
	s6 =	sadd.s32 @!p0 s3, s7;
	s7 =	simm.s32 @!p0 $0x108  }
0x21: {  	s3 =	sadd.s32 s3, s9;
	s6 =	sadd.s32 @!p0 $0x88, s6;
	s7 =	simm.s32 @p2 $0x1082  }
0x22: {  	[simem:s7], [sflag:s8] =	dma.local @!p0 [hbm:s6], $0xF7A  }
0x23: {  	s9 =	sor.u32 $0xD0000000, s2;
	s6 =	simm.s32 $0x108;
	_ =	swait.ge @!p0 [sflag:s8], $0x0  }
0x24: {  	s3 =	sadd.s32 $0x88, s3;
	s6 =	simm.s32 @!p1 $0x1082;
	[sflag:s4] =	ssyncset.s32 $0xFFFFF086  }
0x25: {  	[simem:s6], [sflag:s4] =	dma.local [hbm:s3], $0xF7A  }
0x26: {  	[smem:$0x3F95] =	sst s1;
	(tag) =	ssettag s2;
	_ =	strace s9  }
0x27: {  	s1 =	sld [smem:$0x3FA5]  }
0x28: {  	s2 =	sld [smem:$0x3FA6]  }
0x29: {  	s4 =	sld [smem:$0x3FA8]  }
0x2a: {  	p0 =	seq.s32 s5, $0x0;
	s5 =	sld [smem:$0x3FA9]  }
0x2b: {  	s6 =	sld [smem:$0x3FAA]  }
0x2c: {  	s7 =	sld [smem:$0x3FAB]  }
0x2d: {  	s3 =	simm.s32 $0x108;
	s8 =	sld [smem:$0x3FAC]  }
0x2e: {  	s3 =	simm.s32 @!p0 $0x1082;
	s9 =	sld [smem:$0x3FAD]  }
0x2f: {  	lr =	sadd.s32 s0, s3;
	s0 =	sld [smem:$0x3FA4]  }
0x30: {  	s3 =	sld [smem:$0x3FA7]  }
0x31: {  	[smem:$0x3FB0] =	sst s10  }
0x32: {  	s10 =	sld [smem:$0x3FAE];
	_ =	sdelay $0x3  }
0x33: {  	p0 =	seq.s32 s10, $0x1;
	s10 =	sld [smem:$0x3FB0];
	_ =	sdelay $0x3  }
0x34: {  	[smem:$0x3FB0] =	sst s10  }
0x35: {  	s10 =	sld [smem:$0x3FAF];
	_ =	sdelay $0x3  }
0x36: {  	p1 =	seq.s32 s10, $0x1;
	s10 =	sld [smem:$0x3FB0];
	_ =	sdelay $0x3  }
0x37: {  	[smem:$0x3FB0] =	sst s10  }
0x38: {  	s10 =	sld [smem:$0x3FB1]  }
0x39: {  	_ = 	snop;
	(pc) =	sbr.ind lr, $3  }
0x3a: {  	_ = 	snop  }
0x3b: {  	_ = 	snop  }
0x3c: {  	p2 =	seq.s32 s10, $0x1;
	s10 =	sld [smem:$0x3FB0]  }
0x3d: {  	_ =	shalt  }
0x3e: {  	_ =	shalt  }
0x3f: {  	_ =	shalt  }
0x40: {  	_ =	shalt  }
0x41: {  	_ =	shalt  }
0x42: {  	_ =	shalt  }
0x43: {  	_ =	shalt  }
0x44: {  	_ =	shalt  }
0x45: {  	_ =	shalt  }
0x46: {  	_ =	shalt  }
0x47: {  	_ =	shalt  }
0x48: {  	_ =	shalt  }
0x49: {  	_ =	shalt  }
0x4a: {  	_ =	shalt  }
0x4b: {  	_ =	shalt  }
0x4c: {  	_ =	shalt  }
0x4d: {  	_ =	shalt  }
0x4e: {  	_ =	shalt  }
0x4f: {  	_ =	shalt  }
0x50: {  	_ =	shalt  }
0x51: {  	_ =	shalt  }
0x52: {  	_ =	shalt  }
0x53: {  	_ =	shalt  }
0x54: {  	_ =	shalt  }
0x55: {  	_ =	shalt  }
0x56: {  	_ =	shalt  }
0x57: {  	_ =	shalt  }
0x58: {  	_ =	shalt  }
0x59: {  	_ =	shalt  }
0x5a: {  	_ =	shalt  }
0x5b: {  	_ =	shalt  }
0x5c: {  	_ =	shalt  }
0x5d: {  	_ =	shalt  }
0x5e: {  	_ =	shalt  }
0x5f: {  	_ =	shalt  }
0x60: {  	_ =	shalt  }
0x61: {  	_ =	shalt  }
0x62: {  	_ =	shalt  }
0x63: {  	_ =	shalt  }
0x64: {  	_ =	shalt  }
0x65: {  	_ =	shalt  }
0x66: {  	_ =	shalt  }
0x67: {  	_ =	shalt  }
0x68: {  	_ =	shalt  }
0x69: {  	_ =	shalt  }
0x6a: {  	_ =	shalt  }
0x6b: {  	_ =	shalt  }
0x6c: {  	_ =	shalt  }
0x6d: {  	_ =	shalt  }
0x6e: {  	_ =	shalt  }
0x6f: {  	_ =	shalt  }
0x70: {  	_ =	shalt  }
0x71: {  	_ =	shalt  }
0x72: {  	_ =	shalt  }
0x73: {  	_ =	shalt  }
0x74: {  	_ =	shalt  }
0x75: {  	_ =	shalt  }
0x76: {  	_ =	shalt  }
0x77: {  	_ =	shalt  }
0x78: {  	_ =	shalt  }
0x79: {  	_ =	shalt  }
0x7a: {  	_ =	shalt  }
0x7b: {  	_ =	shalt  }
0x7c: {  	_ =	shalt  }
0x7d: {  	_ =	shalt  }
0x7e: {  	_ =	shalt  }
0x7f: {  	_ =	shalt  }
0x80: {  	_ =	shalt  }
0x81: {  	_ =	shalt  }
0x82: {  	_ =	shalt  }
0x83: {  	_ =	shalt  }
0x84: {  	_ =	shalt  }
0x85: {  	_ =	shalt  }
0x86: {  	_ =	shalt  }
0x87: {  	_ =	shalt  }
.Lfunc_end0:
.L_simem_size_0:
called_computation_lowered:
.L_overlay_start_0:
0x88: {  	s2 =	sld [smem:$0x3FD9]  }
0x89: {  	s3 =	sld [smem:$0x3FFE];
	_ =	sdelay $0x1  }
0x8a: {  	s1 =	srdreg.scid  }
0x8b: {  	s0 =	sand.u32 $0x1, s1  }
0x8c: {  	s17 =	sshll.u32 s0, $0xA;
	s2 =	sadd.s32 s3, s2  }
0x8d: {  	s2 =	sadd.s32 s2, s17  }
0x8e: {  	[smem:$0x3FBC] =	sst s2  }
0x8f: {  	_ = 	snop  }
0x90: {  	s2 =	sld [smem:$0x3FD0];
	(tm) =	ssettm $0x1  }
0x91: {  	s18 =	sld [smem:$0x3FFB];
	_ =	sdelay $0x3  }
0x92: {  	_ =	strace s18  }
0x93: {  	s3 =	sld [smem:$0x3FFC];
	_ =	sdelay $0x3  }
0x94: {  	_ =	strace s3  }
0x95: {  	s3 =	sld [smem:$0x3FFD];
	_ =	sdelay $0x3  }
0x96: {  	_ =	strace s3  }
0x97: {  	_ =	strace $0x8FFFFFFF  }
0x98: {  	s19 =	sld [smem:$0x3FDB];
	_ =	sdelay $0x1  }
0x99: {  	s4 =	simm.s32 $_scs_section_size  }
0x9a: {  	s5 =	simm.s32 $_size__tile_overlayer_lowered;
	s6 =	simm.s32 $_tile_overlayer_lowered  }
0x9b: {  	s22 =	simm.s32 $0x1BFF;
	s21 =	sshll.u32 s6, $0x1;
	s3 =	sadd.s32 s4, s19  }
0x9c: {  	s7 =	simm.s32 $0x0;
	s20 =	sshll.u32 s5, $0x1;
	s5 =	sadd.s32 s21, s3  }
0x9d: {  	[timem:s7], [sflag:s22] =	dma.local [hbm:s5], s20  }
0x9e: {  	_ =	swait.ge [sflag:s22], s20  }
0x9f: {  	s4 =	ssub.s32 $0x0, s20;
	[sflag:s22] =	ssyncset.done $0x0  }
0xa0: {  	[sflag:s22] =	ssyncadd.s32 s4;
	_ =	sdelay $0x1  }
0xa1: {  	s23 =	simm.s32 $0x1B8B  }
0xa2: {  	_ =	swait.ge [sflag:s23], $0x1  }
0xa3: {  	[sflag:s23] =	ssyncset.done $0x0  }
0xa4: {  	s25 =	simm.s32 $0x1B8E;
	s24 =	sld [smem:$0x3FFE];
	[sflag:s23] =	ssyncadd.s32 $0xFFFFFFFF  }
0xa5: {  	s26 =	simm.s32 $execute0_lowered;
	[smem:$0x3FD2] =	sst s25  }
0xa6: {  	s5 =	sshll.u32 s26, $0x1;
	_ =	strace $0x80000046;
	[dreg:$0x1] =	wrdreg $0xFFFFFFFF  }
0xa7: {  	s28 =	simm.s32 $_size_execute0_lowered;
	s3 =	sadd.s32 s3, s5;
	[dreg:$0x0] =	wrdreg $0x0  }
0xa8: {  	s5 =	sshll.u32 s28, $0x1;
	[dreg:$0x2] =	wrdreg s3  }
0xa9: {  	[dreg:$0x3] =	wrdreg s5  }
0xaa: {  	[dreg:$0x4] =	wrdreg $0xC0  }
0xab: {  	_ =	task [dreg:s7], $0x5FFFF  }
0xac: {  	[dreg:$0x1] =	wrdreg $0xFFFFFFFF  }
0xad: {  	[dreg:$0x0] =	wrdreg $0x60  }
0xae: {  	[dreg:$0x2] =	wrdreg s2  }
0xaf: {  	[dreg:$0x3] =	wrdreg s24  }
0xb0: {  	[dreg:$0x4] =	wrdreg $0xAA000  }
0xb1: {  	[dreg:$0x5] =	wrdreg $0x9  }
0xb2: {  	_ =	task.clear_ibuf [dreg:s7], $0x6FFFF;
	_ =	strace $0x90000046  }
0xb3: {  	s29 =	simm.s32 $0x9;
	_ =	strace $0x80000048  }
0xb4: {  	_ =	swait.ge [sflag:s29], $0x1  }
0xb5: {  	[sflag:s29] =	ssyncadd.s32 $0xFFFFFFFF  }
0xb6: {  	_ =	strace $0x90000048  }
0xb7: {  	_ =	sfence  }
0xb8: {  	s30 =	sld [smem:$0x0];
	_ =	sdelay $0x2  }
0xb9: {  	s31 =	sshll.u32 s1, $0xD;
	s1 =	sshrl.u32 s1, $0x2  }
0xba: {  	s3 =	sand.u32 $0x4000, s31;
	s1 =	sadd.s32 s1, s30  }
0xbb: {  	s0 =	sor.u32 s3, s0;
	s1 =	sshll.u32 s1, $0x11  }
0xbc: {  	s0 =	sor.u32 s1, s0  }
0xbd: {  	s0 =	sadd.s32 $0x8F2B, s0  }
0xbe: {  	[sflag:s0] =	ssyncadd.remote.s32 $0x1  }
0xbf: {  	_ =	sfence.sel $0xFFFF  }
0xc0: {  	[dreg:$0x0] =	wrdreg $0xFFFFFFFF;
	(pc) =	sbr.abs _section_cstart, $3  }
0xc1: {  	[dreg:$0x1] =	wrdreg $0xFFFFFFFF  }
0xc2: {  	_ =	task.clear_ibuf [dreg:s7], $0x2FFFF;
	_ =	strace $0x9FFFFFFF  }
0xc3: {  	(tm) =	ssettm $0x7FFFFFFF  }
tec
execute0_lowered:
.L_overlay_start_1:
0x0: {  	(tag) =	ssettag $0x1  }
0x1: {  	s1 =	rddreg [dreg:$0x0]  }
0x2: {  	s0 =	srdreg.scid;
	s5 =	rddreg [dreg:$0x1]  }
0x3: {  	s12 =	stileid.u32;
	s3 =	rddreg [dreg:$0x2];
	s4 =	simm.s32 $0x0  }
0x4: {  	s14 =	simm.s32 $0x2880;
	s16 =	simm.s32 $0x2900;
	s18 =	simm.s32 $0x2980  }
0x5: {  	s19 =	simm.s32 $0x80;
	s20 =	simm.s32 $0x2A00;
	s21 =	simm.s32 $0x6A00  }
0x6: {  	s22 =	simm.s32 $0x1;
	s23 =	simm.s32 $0x3;
	s28 =	simm.s32 $0x5  }
0x7: {  	s29 =	simm.s32 $0x6;
	s0 =	sand.u32 $0x1, s0;
	s24 =	smul.u32 $0x2800, s12  }
0x8: {  	[smem:$0x7FF] =	sst s4;
	s7 =	smul.u32 $0x50000, s12;
	s31 =	sshll.u32 s12, $0x6  }
0x9: {  	s2 =	sshll.u32 s0, $0x4;
	s6 =	smul.u32 $0x28000, s0;
	_ =	strace $0x80000047  }
0xa: {  	s0 =	ssub.s32 $0x2, s0;
	s2 =	sor.u32 s12, s2;
	s8 =	sadd.s32 s24, s5  }
0xb: {  	s9 =	sshrl.u32 s0, $0x1;
	s25 =	sshrl.u32 s7, $0x2;
	s12 =	simm.s32 $0x2800  }
0xc: {  	s2 =	smul.u32 $0x500, s2;
	s10 =	sadd.s32 s6, s5;
	s0 =	ssub.s32 s0, s9  }
0xd: {  	s11 =	sadd.s32 s25, s3;
	s6 =	sadd.s32 $0x18400, s8;
	s9 =	simm.s32 $0x7  }
0xe: {  	s25 =	simm.s32 $0x2;
	s30 =	sadd.s32 $0x40400, s10;
	s8 =	smax.u32 s0, $0x1  }
0xf: {  	s10 =	sor.u32 $0x1C07, s31;
	s11 =	sshrl.u32 s11, $0x3;
	s2 =	sadd.s32 s2, s5  }
0x10: {  	s24 =	sadd.s32 s24, s30;
	s26 =	sadd.s32 $0x4400, s2;
	s7 =	sadd.s32 $0xE400, s2  }
0x11: {  	s2 =	simm.s32 $0x0;
	[dreg:$0x4] =	wrdreg s26;
	s13 =	sadd.s32 $0x10, s7  }
0x12: {  	s15 =	sadd.s32 $0x20, s7;
	s17 =	sadd.s32 $0x30, s7;
	s26 =	simm.s32 $0x4  }
.LBB2_1:
0x13: {  	s0 =	rddreg [dreg:$0x4]  }
0x14: {  	[tilespmem:s4], [sflag:$0x7] =	stream.linear.gather [hbm4b:s0+s4], $0x2800, $0x38;
	[tilespmem:$0x1EA00] =	vst v63  }
0x15: {  	_ =	swait.ge [sflag:s9], $0x2800  }
0x16: {  	[sflag:s9] =	ssyncset.done $0x0  }
0x17: {  	[sflag:s9] =	ssyncadd.s32 $0xFFFFD800  }
0x18: {  	[spmem:s11], [sflag:s10] =	dma.local [hbm:s6], $0x2800  }
0x19: {  	_ =	swait.ge [sflag:s9], $0x2800  }
0x1a: {  	[sflag:s9] =	ssyncset.done $0x0  }
0x1b: {  	[sflag:s9] =	ssyncadd.s32 $0xFFFFD800  }
0x1c: {  	[tilespmem:s12], [sflag:$0x3] =	stream.linear.gather [hbm4b:s7+s4], $0x80, $0x38;
	[tilespmem:$0x1EA00] =	vst v63  }
0x1d: {  	_ = 	snop  }
0x1e: {  	[tilespmem:s14], [sflag:$0x4] =	stream.linear.gather [hbm4b:s13+s4], $0x80, $0x38;
	[tilespmem:$0x1EA00] =	vst v63  }
0x1f: {  	_ = 	snop  }
0x20: {  	[tilespmem:s16], [sflag:$0x5] =	stream.linear.gather [hbm4b:s15+s4], $0x80, $0x38;
	[tilespmem:$0x1EA00] =	vst v63  }
0x21: {  	_ = 	snop  }
0x22: {  	[tilespmem:s18], [sflag:$0x6] =	stream.linear.gather [hbm4b:s17+s4], $0x80, $0x38;
	[tilespmem:$0x1EA00] =	vst v63  }
0x23: {  	_ = 	snop  }
0x24: {  	[tilespmem:s20], [sflag:$0x1] =	stream.indirect.gather [hbm4b:s1+s19], $0x80, s4, s19, $0xb8;
	[tilespmem:$0x1EA00] =	vst v63  }
0x25: {  	_ = 	snop  }
0x26: {  	[tilespmem:s21], [sflag:$0x2] =	stream.indirect.gather [hbm4b:s1+s19], $0x80, s19, s19, $0xb8;
	[tilespmem:$0x1EA00] =	vst v63  }
0x27: {  	[bflag:$0x0] =	sbarrier.arrive $0xFFFF  }
0x28: {  	_ =	swait.ge [sflag:s22], $0x4000  }
0x29: {  	[sflag:s22] =	ssyncset.done $0x0  }
0x2a: {  	[sflag:s22] =	ssyncadd.s32 $0xFFFFC000  }
0x2b: {  	_ =	swait.ge [sflag:s23], $0x80  }
0x2c: {  	[sflag:s23] =	ssyncset.done $0x0  }
0x2d: {  	[sflag:s23] =	ssyncadd.s32 $0xFFFFFF80  }
0x2e: {  	[spmem:s3] =	stream.indirect.scatter.add.f32 [tilespmem:s20], [sflag:$0x7], $0x80, s12, s19, $0xb8;
	[tilespmem:$0x1EA00] =	vst v63  }
0x2f: {  	_ =	swait.ge [sflag:s9], $0x4000  }
0x30: {  	s5 =	sadd.s32 $0x0, s7;
	[sflag:s9] =	ssyncset.done $0x0  }
0x31: {  	s30 =	sadd.s32 $0x40, s5;
	[sflag:s9] =	ssyncadd.s32 $0xFFFFC000  }
0x32: {  	[tilespmem:s12], [sflag:$0x3] =	stream.linear.gather [hbm4b:s30+s4], $0x80, $0x38;
	[tilespmem:$0x1EA00] =	vst v63  }
0x33: {  	s30 =	simm.s32 $0x100  }
0x34: {  	[tilespmem:s20], [sflag:$0x1] =	stream.indirect.gather [hbm4b:s1+s19], $0x80, s30, s19, $0xb8;
	[tilespmem:$0x1EA00] =	vst v63  }
0x35: {  	_ =	swait.ge [sflag:s25], $0x4000  }
0x36: {  	[sflag:s25] =	ssyncset.done $0x0  }
0x37: {  	[sflag:s25] =	ssyncadd.s32 $0xFFFFC000  }
0x38: {  	_ =	swait.ge [sflag:s26], $0x80  }
0x39: {  	[sflag:s26] =	ssyncset.done $0x0  }
0x3a: {  	[sflag:s26] =	ssyncadd.s32 $0xFFFFFF80  }
0x3b: {  	[spmem:s3] =	stream.indirect.scatter.add.f32 [tilespmem:s21], [sflag:$0x7], $0x80, s14, s19, $0xb8;
	[tilespmem:$0x1EA00] =	vst v63  }
0x3c: {  	_ =	swait.ge [sflag:s9], $0x4000  }
0x3d: {  	[sflag:s9] =	ssyncset.done $0x0  }
0x3e: {  	s30 =	sadd.s32 $0x50, s5;
	[sflag:s9] =	ssyncadd.s32 $0xFFFFC000  }
0x3f: {  	[tilespmem:s14], [sflag:$0x4] =	stream.linear.gather [hbm4b:s30+s4], $0x80, $0x38;
	[tilespmem:$0x1EA00] =	vst v63  }
0x40: {  	s30 =	simm.s32 $0x180  }
0x41: {  	[tilespmem:s21], [sflag:$0x2] =	stream.indirect.gather [hbm4b:s1+s19], $0x80, s30, s19, $0xb8;
	[tilespmem:$0x1EA00] =	vst v63  }
0x42: {  	_ =	swait.ge [sflag:s22], $0x4000  }
0x43: {  	[sflag:s22] =	ssyncset.done $0x0  }
0x44: {  	[sflag:s22] =	ssyncadd.s32 $0xFFFFC000  }
0x45: {  	_ =	swait.ge [sflag:s28], $0x80  }
0x46: {  	[sflag:s28] =	ssyncset.done $0x0  }
0x47: {  	[sflag:s28] =	ssyncadd.s32 $0xFFFFFF80  }
0x48: {  	[spmem:s3] =	stream.indirect.scatter.add.f32 [tilespmem:s20], [sflag:$0x7], $0x80, s16, s19, $0xb8;
	[tilespmem:$0x1EA00] =	vst v63  }
0x49: {  	_ =	swait.ge [sflag:s9], $0x4000  }
0x4a: {  	[sflag:s9] =	ssyncset.done $0x0  }
0x4b: {  	s30 =	sadd.s32 $0x60, s5;
	[sflag:s9] =	ssyncadd.s32 $0xFFFFC000  }
0x4c: {  	[tilespmem:s16], [sflag:$0x5] =	stream.linear.gather [hbm4b:s30+s4], $0x80, $0x38;
	[tilespmem:$0x1EA00] =	vst v63  }
0x4d: {  	s30 =	simm.s32 $0x200  }
0x4e: {  	[tilespmem:s20], [sflag:$0x1] =	stream.indirect.gather [hbm4b:s1+s19], $0x80, s30, s19, $0xb8;
	[tilespmem:$0x1EA00] =	vst v63  }
0x4f: {  	_ =	swait.ge [sflag:s25], $0x4000  }
0x50: {  	[sflag:s25] =	ssyncset.done $0x0  }
0x51: {  	[sflag:s25] =	ssyncadd.s32 $0xFFFFC000  }
0x52: {  	_ =	swait.ge [sflag:s29], $0x80  }
0x53: {  	[sflag:s29] =	ssyncset.done $0x0  }
0x54: {  	[sflag:s29] =	ssyncadd.s32 $0xFFFFFF80  }
0x55: {  	[spmem:s3] =	stream.indirect.scatter.add.f32 [tilespmem:s21], [sflag:$0x7], $0x80, s18, s19, $0xb8;
	[tilespmem:$0x1EA00] =	vst v63  }
0x56: {  	_ =	swait.ge [sflag:s9], $0x4000  }
0x57: {  	[sflag:s9] =	ssyncset.done $0x0  }
0x58: {  	s0 =	sadd.s32 $0x70, s5;
	[sflag:s9] =	ssyncadd.s32 $0xFFFFC000  }
0x59: {  	[tilespmem:s18], [sflag:$0x6] =	stream.linear.gather [hbm4b:s0+s4], $0x80, $0x38;
	[tilespmem:$0x1EA00] =	vst v63  }
0x5a: {  	s31 =	simm.s32 $0x280;
	s30 =	simm.s32 $0x380;
	s0 =	simm.s32 $0x40  }
.LBB2_2:
0x5b: {  	[tilespmem:s21], [sflag:$0x2] =	stream.indirect.gather [hbm4b:s1+s19], $0x80, s31, s19, $0xb8;
	[tilespmem:$0x1EA00] =	vst v63  }
0x5c: {  	s31 =	smov.u32 s0  }
0x5d: {  	p0 =	sne.s32 s0, $0x480;
	s0 =	sadd.s32 $0x40, s0;
	_ =	swait.ge [sflag:s22], $0x4000  }
0x5e: {  	[sflag:s22] =	ssyncset.done $0x0  }
0x5f: {  	[sflag:s22] =	ssyncadd.s32 $0xFFFFC000  }
0x60: {  	_ =	swait.ge [sflag:s23], $0x80  }
0x61: {  	[sflag:s23] =	ssyncset.done $0x0  }
0x62: {  	[sflag:s23] =	ssyncadd.s32 $0xFFFFFF80  }
0x63: {  	[spmem:s3] =	stream.indirect.scatter.add.f32 [tilespmem:s20], [sflag:$0x7], $0x80, s12, s19, $0xb8;
	[tilespmem:$0x1EA00] =	vst v63  }
0x64: {  	_ =	swait.ge [sflag:s9], $0x4000  }
0x65: {  	s31 =	sadd.s32 s31, s7;
	[sflag:s9] =	ssyncset.done $0x0  }
0x66: {  	s5 =	sadd.s32 $0x40, s31;
	[sflag:s9] =	ssyncadd.s32 $0xFFFFC000  }
0x67: {  	[tilespmem:s12], [sflag:$0x3] =	stream.linear.gather [hbm4b:s5+s4], $0x80, $0x38;
	[tilespmem:$0x1EA00] =	vst v63  }
0x68: {  	s5 =	sadd.s32 $0xFFFFFF80, s30  }
0x69: {  	[tilespmem:s20], [sflag:$0x1] =	stream.indirect.gather [hbm4b:s1+s19], $0x80, s5, s19, $0xb8;
	[tilespmem:$0x1EA00] =	vst v63  }
0x6a: {  	_ =	swait.ge [sflag:s25], $0x4000  }
0x6b: {  	[sflag:s25] =	ssyncset.done $0x0  }
0x6c: {  	[sflag:s25] =	ssyncadd.s32 $0xFFFFC000  }
0x6d: {  	_ =	swait.ge [sflag:s26], $0x80  }
0x6e: {  	[sflag:s26] =	ssyncset.done $0x0  }
0x6f: {  	[sflag:s26] =	ssyncadd.s32 $0xFFFFFF80  }
0x70: {  	[spmem:s3] =	stream.indirect.scatter.add.f32 [tilespmem:s21], [sflag:$0x7], $0x80, s14, s19, $0xb8;
	[tilespmem:$0x1EA00] =	vst v63  }
0x71: {  	_ =	swait.ge [sflag:s9], $0x4000  }
0x72: {  	[sflag:s9] =	ssyncset.done $0x0  }
0x73: {  	s5 =	sadd.s32 $0x50, s31;
	[sflag:s9] =	ssyncadd.s32 $0xFFFFC000  }
0x74: {  	[tilespmem:s14], [sflag:$0x4] =	stream.linear.gather [hbm4b:s5+s4], $0x80, $0x38;
	[tilespmem:$0x1EA00] =	vst v63  }
0x75: {  	_ = 	snop  }
0x76: {  	[tilespmem:s21], [sflag:$0x2] =	stream.indirect.gather [hbm4b:s1+s19], $0x80, s30, s19, $0xb8;
	[tilespmem:$0x1EA00] =	vst v63  }
0x77: {  	_ =	swait.ge [sflag:s22], $0x4000  }
0x78: {  	[sflag:s22] =	ssyncset.done $0x0  }
0x79: {  	[sflag:s22] =	ssyncadd.s32 $0xFFFFC000  }
0x7a: {  	_ =	swait.ge [sflag:s28], $0x80  }
0x7b: {  	[sflag:s28] =	ssyncset.done $0x0  }
0x7c: {  	[sflag:s28] =	ssyncadd.s32 $0xFFFFFF80  }
0x7d: {  	[spmem:s3] =	stream.indirect.scatter.add.f32 [tilespmem:s20], [sflag:$0x7], $0x80, s16, s19, $0xb8;
	[tilespmem:$0x1EA00] =	vst v63  }
0x7e: {  	_ =	swait.ge [sflag:s9], $0x4000  }
0x7f: {  	[sflag:s9] =	ssyncset.done $0x0  }
0x80: {  	s5 =	sadd.s32 $0x60, s31;
	[sflag:s9] =	ssyncadd.s32 $0xFFFFC000  }
0x81: {  	[tilespmem:s16], [sflag:$0x5] =	stream.linear.gather [hbm4b:s5+s4], $0x80, $0x38;
	[tilespmem:$0x1EA00] =	vst v63  }
0x82: {  	s5 =	sadd.s32 $0x80, s30  }
0x83: {  	[tilespmem:s20], [sflag:$0x1] =	stream.indirect.gather [hbm4b:s1+s19], $0x80, s5, s19, $0xb8;
	[tilespmem:$0x1EA00] =	vst v63  }
0x84: {  	_ =	swait.ge [sflag:s25], $0x4000  }
0x85: {  	[sflag:s25] =	ssyncset.done $0x0  }
0x86: {  	[sflag:s25] =	ssyncadd.s32 $0xFFFFC000  }
0x87: {  	_ =	swait.ge [sflag:s29], $0x80  }
0x88: {  	[sflag:s29] =	ssyncset.done $0x0  }
0x89: {  	[sflag:s29] =	ssyncadd.s32 $0xFFFFFF80  }
0x8a: {  	[spmem:s3] =	stream.indirect.scatter.add.f32 [tilespmem:s21], [sflag:$0x7], $0x80, s18, s19, $0xb8;
	[tilespmem:$0x1EA00] =	vst v63  }
.Ltmp0:
0x8b: {  	_ =	swait.ge [sflag:s9], $0x4000;
	(pc) =	sbr.rel @p0 .LBB2_2-.Ltmp0, $4  }
0x8c: {  	[sflag:s9] =	ssyncset.done $0x0  }
0x8d: {  	s5 =	sadd.s32 $0x70, s31;
	[sflag:s9] =	ssyncadd.s32 $0xFFFFC000  }
0x8e: {  	[tilespmem:s18], [sflag:$0x6] =	stream.linear.gather [hbm4b:s5+s4], $0x80, $0x38;
	[tilespmem:$0x1EA00] =	vst v63  }
0x8f: {  	s31 =	sadd.s32 $0x100, s30;
	s30 =	sadd.s32 $0x200, s30  }
0x90: {  	[tilespmem:s21], [sflag:$0x2] =	stream.indirect.gather [hbm4b:s1+s19], $0x80, s31, s19, $0xb8;
	[tilespmem:$0x1EA00] =	vst v63  }
0x91: {  	_ =	swait.ge [sflag:s22], $0x4000  }
0x92: {  	[sflag:s22] =	ssyncset.done $0x0  }
0x93: {  	[sflag:s22] =	ssyncadd.s32 $0xFFFFC000  }
0x94: {  	_ =	swait.ge [sflag:s23], $0x80  }
0x95: {  	[sflag:s23] =	ssyncset.done $0x0  }
0x96: {  	[sflag:s23] =	ssyncadd.s32 $0xFFFFFF80  }
0x97: {  	[spmem:s3] =	stream.indirect.scatter.add.f32 [tilespmem:s20], [sflag:$0x7], $0x80, s12, s19, $0xb8;
	[tilespmem:$0x1EA00] =	vst v63  }
0x98: {  	_ =	swait.ge [sflag:s9], $0x4000  }
0x99: {  	[sflag:s9] =	ssyncset.done $0x0  }
0x9a: {  	s0 =	simm.s32 $0x2700;
	[sflag:s9] =	ssyncadd.s32 $0xFFFFC000  }
0x9b: {  	[tilespmem:s20], [sflag:$0x1] =	stream.indirect.gather [hbm4b:s1+s19], $0x80, s0, s19, $0xb8;
	[tilespmem:$0x1EA00] =	vst v63  }
0x9c: {  	_ =	swait.ge [sflag:s25], $0x4000  }
0x9d: {  	[sflag:s25] =	ssyncset.done $0x0  }
0x9e: {  	[sflag:s25] =	ssyncadd.s32 $0xFFFFC000  }
0x9f: {  	_ =	swait.ge [sflag:s26], $0x80  }
0xa0: {  	[sflag:s26] =	ssyncset.done $0x0  }
0xa1: {  	[sflag:s26] =	ssyncadd.s32 $0xFFFFFF80  }
0xa2: {  	[spmem:s3] =	stream.indirect.scatter.add.f32 [tilespmem:s21], [sflag:$0x7], $0x80, s14, s19, $0xb8;
	[tilespmem:$0x1EA00] =	vst v63  }
0xa3: {  	_ =	swait.ge [sflag:s9], $0x4000  }
0xa4: {  	[sflag:s9] =	ssyncset.done $0x0  }
0xa5: {  	s31 =	simm.s32 $0x2780;
	[sflag:s9] =	ssyncadd.s32 $0xFFFFC000  }
0xa6: {  	[tilespmem:s21], [sflag:$0x2] =	stream.indirect.gather [hbm4b:s1+s19], $0x80, s31, s19, $0xb8;
	[tilespmem:$0x1EA00] =	vst v63  }
0xa7: {  	_ =	swait.ge [sflag:s22], $0x4000  }
0xa8: {  	[sflag:s22] =	ssyncset.done $0x0  }
0xa9: {  	[sflag:s22] =	ssyncadd.s32 $0xFFFFC000  }
0xaa: {  	_ =	swait.ge [sflag:s28], $0x80  }
0xab: {  	[sflag:s28] =	ssyncset.done $0x0  }
0xac: {  	[sflag:s28] =	ssyncadd.s32 $0xFFFFFF80  }
0xad: {  	[spmem:s3] =	stream.indirect.scatter.add.f32 [tilespmem:s20], [sflag:$0x7], $0x80, s16, s19, $0xb8;
	[tilespmem:$0x1EA00] =	vst v63  }
0xae: {  	_ =	swait.ge [sflag:s9], $0x4000  }
0xaf: {  	[sflag:s9] =	ssyncset.done $0x0  }
0xb0: {  	[sflag:s9] =	ssyncadd.s32 $0xFFFFC000  }
0xb1: {  	_ =	swait.ge [sflag:s25], $0x4000  }
0xb2: {  	[sflag:s25] =	ssyncset.done $0x0  }
0xb3: {  	[sflag:s25] =	ssyncadd.s32 $0xFFFFC000  }
0xb4: {  	_ =	swait.ge [sflag:s29], $0x80  }
0xb5: {  	[sflag:s29] =	ssyncset.done $0x0  }
0xb6: {  	[sflag:s29] =	ssyncadd.s32 $0xFFFFFF80  }
0xb7: {  	[spmem:s3] =	stream.indirect.scatter.add.f32 [tilespmem:s21], [sflag:$0x7], $0x80, s18, s19, $0xb8;
	[tilespmem:$0x1EA00] =	vst v63  }
0xb8: {  	_ =	swait.ge [sflag:s9], $0x4000  }
0xb9: {  	s2 =	sadd.s32 $0x1, s2;
	[sflag:s9] =	ssyncset.done $0x0  }
0xba: {  	p0 =	sne.s32 s2, s8;
	[sflag:s9] =	ssyncadd.s32 $0xFFFFC000  }
.Ltmp1:
0xbb: {  	[bflag:$0x0] =	sbarrier.arrive $0xFFFF;
	(pc) =	sbr.rel @p0 .LBB2_1-.Ltmp1, $4  }
0xbc: {  	[hbm:s24], [sflag:s10] =	dma.local [spmem:s11], $0x2800  }
0xbd: {  	_ =	swait.ge [sflag:s9], $0x2800  }
0xbe: {  	[sflag:s9] =	ssyncset.done $0x0  }
0xbf: {  	[sflag:s9] =	ssyncadd.s32 $0xFFFFD800  }
0xc0: {  	_ =	sfence.sel $0x180000  }
0xc1: {  	[bflag:$0x0] =	sbarrier.arrive $0xFFFF  }
0xc2: {  	_ =	strace $0x90000047  }
0xc3: {  	s0 =	stileid.u32;
	[bflag:$0x2] =	sbarrier.arrive $0xFFFF  }
0xc4: {  	p0 =	sne.s32 s0, $0x0;
	s0 =	rddreg [dreg:$0x3]  }
0xc5: {  	s0 =	sadd.s32 @!p0 $0x100000, s0  }
0xc6: {  	[sflag:s0] =	ssyncadd.tile.s32 @!p0 $0x1;
	_ =	shalt  }
.Lfunc_end2:
_tile_overlayer_lowered:
.L_overlay_start_2:
0xc7: {  	(tag) =	ssettag $0x2  }
0xc8: {  	s0 =	rddreg [dreg:$0x0];
	s2 =	stileid.u32  }
0xc9: {  	s1 =	rddreg [dreg:$0x1];
	p0 =	sne.s32 s2, $0x0  }
0xca: {  	s3 =	rddreg [dreg:$0x2];
	[bflag:$0x3] =	sbarrier.arrive $0xFFFF;
	s2 =	simm.s32 @!p0 $0x1C07  }
0xcb: {  	[timem:s3], [sflag:s2] =	dma.local @!p0 [hbm:s0], s1  }
0xcc: {  	s0 =	simm.s32 @!p0 $0x7  }
0xcd: {  	_ =	swait.ge @!p0 [sflag:s0], s1  }
0xce: {  	s1 =	ssub.s32 @!p0 $0x0, s1;
	[sflag:s0] =	ssyncset.done @!p0 $0x0  }
0xcf: {  	[sflag:s0] =	ssyncadd.s32 @!p0 s1  }
0xd0: {  	[bflag:$0x3] =	sbarrier.arrive $0xFFFF  }
0xd1: {  	_ =	shalt  }

</sc_bundles>
